<compile_context>
chip_gen: v7x
topology: tpu7x:2x2x1
jax: 0.10.2.dev20260603
libtpu: 0.0.44.dev20260713+nightly
codegen_flags: <defaults>
</compile_context>

<pallas_src>
import functools
import jax
import jax.numpy as jnp
from jax import lax
from jax.experimental import pallas as pl
from jax.experimental.pallas import tpu as pltpu
from jax.experimental.pallas import tpu_sc as plsc

BUCKET_SIZE = 64
N_HASHES = 4
TOKEN_SELF_ATTN_VALUE = -50000.0
NEG_MAX = -3.4028234663852886e38

CB = 32
NC = 2
NS = 16
NW = NC * NS


def _attn_body(qkv_ref, qkvp_ref, stq_ref, stk_ref, stkp_ref,
               sbq_ref, sbk_ref, sbkp_ref, o_ref):
    scale = 0.125
    qs, vs, kns = [], [], []
    for c in range(-1, CB):
        x = qkvp_ref[0, 0] if c == -1 else qkv_ref[0, c]
        k = x[:, :64]
        vv = x[:, 64:]
        nrm2 = jnp.sum(k * k, axis=1, keepdims=True)
        kn = k * lax.rsqrt(jnp.maximum(nrm2, 1e-24))
        qs.append(k)
        vs.append(vv)
        kns.append(kn)
    dn = (((1,), (1,)), ((), ()))
    for c in range(CB):
        q = qs[c + 1]
        kcat = jnp.concatenate([kns[c + 1], kns[c]], axis=0)
        vcat = jnp.concatenate([vs[c + 1], vs[c]], axis=0)
        dots = lax.dot_general(q, kcat, dn,
                               preferred_element_type=jnp.float32) * scale
        st_q = stq_ref[0, c]
        sb_q = sbq_ref[0, c]
        if c == 0:
            st_kp = stkp_ref[0, 0]
            sb_kp = sbkp_ref[0, 0]
        else:
            st_kp = stk_ref[0, c - 1]
            sb_kp = sbk_ref[0, c - 1]
        st_k = jnp.concatenate([stk_ref[0, c], st_kp], axis=1)
        sb_k = jnp.concatenate([sbk_ref[0, c], sb_kp], axis=1)
        dots = jnp.where(sb_q != sb_k, NEG_MAX,
                         jnp.where(st_q == st_k, TOKEN_SELF_ATTN_VALUE, dots))
        rmax = jnp.max(dots, axis=1, keepdims=True)
        e = jnp.exp(dots - rmax)
        ssum = jnp.sum(e, axis=1, keepdims=True)
        o = lax.dot_general(e, vcat, (((1,), (0,)), ((), ())),
                            preferred_element_type=jnp.float32)
        o_ref[0, c, :, :64] = o
        o_ref[0, c, :, 64:65] = rmax
        o_ref[0, c, :, 65:66] = ssum


def _combine_body(x_ref, out_ref):
    xs = [x_ref[0, h] for h in range(N_HASHES)]
    rs = [x[:, 64:65] for x in xs]
    ss = [x[:, 65:66] for x in xs]
    m = rs[0]
    for h in range(1, N_HASHES):
        m = jnp.maximum(m, rs[h])
    ws = [jnp.exp(r - m) for r in rs]
    den = ws[0] * ss[0]
    for h in range(1, N_HASHES):
        den = den + ws[h] * ss[h]
    acc = ws[0] * xs[0][:, :64]
    for h in range(1, N_HASHES):
        acc = acc + ws[h] * xs[h][:, :64]
    out_ref[0] = acc / den


def _sc_gather_body(tab_hbm, idx_hbm, out_hbm, idx_v, rows_v, sem):
    wid = lax.axis_index("s") * NC + lax.axis_index("c")
    n_idx_rows = idx_hbm.shape[0]
    rows_per_w = n_idx_rows // NW
    idx_base = wid * rows_per_w
    pltpu.sync_copy(idx_hbm.at[pl.ds(idx_base, rows_per_w)], idx_v)

    GROUP = 4

    def group_body(g, _):
        handles = []
        for j in range(GROUP):
            idx_row = idx_v.at[g * GROUP + j]
            handles.append(pltpu.async_copy(
                tab_hbm.at[idx_row], rows_v.at[pl.ds(j * 128, 128)], sem))
        for h in handles:
            h.wait()
        out_base = (idx_base + g * GROUP) * 128
        pltpu.sync_copy(rows_v, out_hbm.at[pl.ds(out_base, GROUP * 128)])
        return ()

    lax.fori_loop(0, rows_per_w // GROUP, group_body, ())


def _sc_scatter_body(src_hbm, idx_hbm, out_hbm, idx_v, rows_v, sem):
    wid = lax.axis_index("s") * NC + lax.axis_index("c")
    n_idx_rows = idx_hbm.shape[0]
    rows_per_w = n_idx_rows // NW
    idx_base = wid * rows_per_w
    pltpu.sync_copy(idx_hbm.at[pl.ds(idx_base, rows_per_w)], idx_v)

    GROUP = 4

    def group_body(g, _):
        src_base = (idx_base + g * GROUP) * 128
        pltpu.sync_copy(src_hbm.at[pl.ds(src_base, GROUP * 128)], rows_v)
        handles = []
        for j in range(GROUP):
            idx_row = idx_v.at[g * GROUP + j]
            handles.append(pltpu.async_copy(
                rows_v.at[pl.ds(j * 128, 128)], out_hbm.at[idx_row], sem))
        for h in handles:
            h.wait()
        return ()

    lax.fori_loop(0, rows_per_w // GROUP, group_body, ())


def _sc_scatter(src, idx_flat):
    total, dd = idx_flat.shape[0], src.shape[1]
    idx2d = idx_flat.reshape(total // 128, 128)
    mesh = plsc.VectorSubcoreMesh(core_axis_name="c", subcore_axis_name="s")
    fn = pl.kernel(
        _sc_scatter_body,
        mesh=mesh,
        out_type=jax.ShapeDtypeStruct((total, dd), jnp.float32),
        scratch_types=[
            pltpu.VMEM((total // 128 // NW, 128), jnp.int32),
            pltpu.VMEM((512, dd), jnp.float32),
            pltpu.SemaphoreType.DMA,
        ],
    )
    return fn(src, idx2d)


def _sc_gather(tab, idx_flat):
    total, dd = idx_flat.shape[0], tab.shape[1]
    idx2d = idx_flat.reshape(total // 128, 128)
    mesh = plsc.VectorSubcoreMesh(core_axis_name="c", subcore_axis_name="s")
    fn = pl.kernel(
        _sc_gather_body,
        mesh=mesh,
        out_type=jax.ShapeDtypeStruct((total, dd), jnp.float32),
        scratch_types=[
            pltpu.VMEM((total // 128 // NW, 128), jnp.int32),
            pltpu.VMEM((512, dd), jnp.float32),
            pltpu.SemaphoreType.DMA,
        ],
    )
    return fn(tab, idx2d)


def kernel(qk, v, random_rotations):
    b, s, d = qk.shape
    n_buckets = s // BUCKET_SIZE
    nh = N_HASHES
    nchunk = nh * n_buckets
    cw = (nh * s) // nchunk

    rotated = jnp.einsum('btf,fhi->bhti', qk, random_rotations[0])
    rotated = jnp.concatenate([rotated, -rotated], axis=-1)
    buckets = jnp.argmax(rotated, axis=-1).astype(jnp.int32)
    offsets = (jnp.arange(nh, dtype=jnp.int32) * n_buckets).reshape(1, nh, 1)
    buckets = (buckets + offsets).reshape(b, nh * s)

    ticker = jnp.arange(nh * s, dtype=jnp.int32)[None, :]
    buckets_and_t = s * buckets + (ticker % s)
    sidx = jnp.argsort(buckets_and_t, axis=-1).astype(jnp.int32)
    sbuckets = jnp.take_along_axis(buckets, sidx, axis=-1)
    st = sidx % s

    st_glob = st + (jnp.arange(b, dtype=jnp.int32) * s)[:, None]
    qkv_tab = jnp.concatenate([qk, v], axis=-1).reshape(b * s, 2 * d)
    sqkv_f = _sc_gather(qkv_tab, st_glob.reshape(-1))
    sqkv = sqkv_f.reshape(b, nchunk, cw, 2 * d)

    st_c = st.reshape(b, nchunk, cw)
    sb_c = sbuckets.reshape(b, nchunk, cw)

    st_col = st_c[:, :, :, None]
    sb_col = sb_c[:, :, :, None]
    st_rowm = st_c[:, :, None, :]
    sb_rowm = sb_c[:, :, None, :]

    nb = nchunk // CB
    grid = (b, nb)
    attn = pl.pallas_call(
        _attn_body,
        grid=grid,
        in_specs=[
            pl.BlockSpec((1, CB, cw, 2 * d), lambda bi, ci: (bi, ci, 0, 0)),
            pl.BlockSpec((1, 1, cw, 2 * d),
                         lambda bi, ci: (bi, (ci * CB - 1) % nchunk, 0, 0)),
            pl.BlockSpec((1, CB, cw, 1), lambda bi, ci: (bi, ci, 0, 0)),
            pl.BlockSpec((1, CB, 1, cw), lambda bi, ci: (bi, ci, 0, 0)),
            pl.BlockSpec((1, 1, 1, cw),
                         lambda bi, ci: (bi, (ci * CB - 1) % nchunk, 0, 0)),
            pl.BlockSpec((1, CB, cw, 1), lambda bi, ci: (bi, ci, 0, 0)),
            pl.BlockSpec((1, CB, 1, cw), lambda bi, ci: (bi, ci, 0, 0)),
            pl.BlockSpec((1, 1, 1, cw),
                         lambda bi, ci: (bi, (ci * CB - 1) % nchunk, 0, 0)),
        ],
        out_specs=[
            pl.BlockSpec((1, CB, cw, 2 * d), lambda bi, ci: (bi, ci, 0, 0)),
        ],
        out_shape=[
            jax.ShapeDtypeStruct((b, nchunk, cw, 2 * d), jnp.float32),
        ],
    )
    (so2,) = attn(sqkv, sqkv, st_col, st_rowm, st_rowm,
                  sb_col, sb_rowm, sb_rowm)

    total = b * nh * s
    dest = (jnp.arange(total, dtype=jnp.int32) // s) * s + st.reshape(-1)
    o_u2 = _sc_scatter(so2.reshape(total, 2 * d), dest)
    o_u2 = o_u2.reshape(b, nh, s, 2 * d)

    SB = 512
    comb = pl.pallas_call(
        _combine_body,
        grid=(b, s // SB),
        in_specs=[
            pl.BlockSpec((1, nh, SB, 2 * d), lambda bi, si: (bi, 0, si, 0)),
        ],
        out_specs=pl.BlockSpec((1, SB, d), lambda bi, si: (bi, si, 0)),
        out_shape=jax.ShapeDtypeStruct((b, s, d), jnp.float32),
    )
    return comb(o_u2)

# --- scband reference (transcript-rebuilt; emitter-appended) ---
"""Pipeline reference for scband-lshattention-51041391346303 (READ-ONLY COPY).

The authoritative reference and input builder live on the scoring server;
editing this copy changes nothing except your own understanding.
"""

import jax, jax.numpy as jnp
import numpy as np

BUCKET_SIZE = 64
N_HASHES = 4
TOKEN_SELF_ATTN_VALUE = -50000.0


def setup_inputs(seed: int = 0) -> dict:
    key = jax.random.key(seed)
    k1, k2, k3 = jax.random.split(key, 3)
    b, s, d = 16, 4096, 64
    n_buckets = s // BUCKET_SIZE
    qk = jax.random.normal(k1, (b, s, d), dtype=jnp.float32)
    v = jax.random.normal(k2, (b, s, d), dtype=jnp.float32)
    # random rotations used by the LSH hash (generated inside forward in torch;
    # materialized here for determinism). shape (1, dim, n_hashes, n_buckets//2)
    random_rotations = jax.random.normal(k3, (1, d, N_HASHES, n_buckets // 2), dtype=jnp.float32)
    return {"qk": qk, "v": v, "random_rotations": random_rotations}


def _batched_index_select(values, indices):
    # values: [b, n, d], indices: [b, m] -> [b, m, d]
    return jax.vmap(lambda x, i: x[i])(values, indices)


def reference(qk, v, random_rotations):
    b, s, d = qk.shape
    n_buckets = s // BUCKET_SIZE
    nh = N_HASHES

    # ---- hash_vectors ----
    rotated = jnp.einsum('btf,fhi->bhti', qk, random_rotations[0])
    rotated = jnp.concatenate([rotated, -rotated], axis=-1)
    buckets = jnp.argmax(rotated, axis=-1)  # [b, nh, s]
    offsets = (jnp.arange(nh) * n_buckets).reshape(1, nh, 1)
    buckets = (buckets + offsets).reshape(b, -1)  # [b, nh*s]

    # ---- sort by (bucket, time) ----
    ticker = jnp.broadcast_to(jnp.arange(nh * s)[None, :], buckets.shape)
    buckets_and_t = s * buckets + (ticker % s)
    sidx = jnp.argsort(buckets_and_t, axis=-1)
    sbuckets_and_t = jnp.take_along_axis(buckets_and_t, sidx, axis=-1)
    sticker = jnp.take_along_axis(ticker, sidx, axis=-1)
    undo_sort = jnp.argsort(sticker, axis=-1)

    st = sticker % s
    sqk = _batched_index_select(qk, st)
    sv = _batched_index_select(v, st)

    chunk_size = nh * n_buckets
    bq_t = st.reshape(b, chunk_size, -1)
    bqk = sqk.reshape(b, chunk_size, -1, d)
    bv = sv.reshape(b, chunk_size, -1, d)
    bq = bqk
    nrm = jnp.maximum(jnp.linalg.norm(bqk, axis=-1, keepdims=True), 1e-12)
    bk = bqk / nrm

    def look_one_back(x):
        x_extra = jnp.concatenate([x[:, -1:], x[:, :-1]], axis=1)
        return jnp.concatenate([x, x_extra], axis=2)

    bk = look_one_back(bk)
    bv = look_one_back(bv)
    bkv_t = look_one_back(bq_t)

    dots = jnp.einsum('bhie,bhje->bhij', bq, bk) * (d ** -0.5)
    masked_value = -jnp.finfo(dots.dtype).max

    self_mask = bq_t[:, :, :, None] == bkv_t[:, :, None, :]
    dots = jnp.where(self_mask, TOKEN_SELF_ATTN_VALUE, dots)

    bq_buckets = (sbuckets_and_t // s).reshape(b, chunk_size, -1)
    bkv_buckets = look_one_back(bq_buckets)
    bucket_mask = bq_buckets[:, :, :, None] != bkv_buckets[:, :, None, :]
    dots = jnp.where(bucket_mask, masked_value, dots)

    dots_logsumexp = jax.nn.logsumexp(dots, axis=-1, keepdims=True)
    dots = jnp.exp(dots - dots_logsumexp)

    bo = jnp.einsum('buij,buje->buie', dots, bv)
    so = bo.reshape(b, -1, d)
    slogits = dots_logsumexp.reshape(b, -1)

    o = _batched_index_select(so, undo_sort)
    logits = jnp.take_along_axis(slogits, undo_sort, axis=-1)

    o = o.reshape(b, nh, s, d)
    logits = logits.reshape(b, nh, s, 1)

    probs = jnp.exp(logits - jax.nn.logsumexp(logits, axis=1, keepdims=True))
    out = jnp.sum(o * probs, axis=1)
    return out

if __name__ == "__main__":
    import jax
    _d = setup_inputs()
    print(jax.jit(kernel)(*tuple(_d.values())))

</pallas_src>

<mosaic_0001>
#map = affine_map<(d0, d1) -> (0, 0)>
module attributes {stable_mosaic.version = 14 : i64} {
  func.func @_sc_scatter_body(%arg0: i32, %arg1: i32, %arg2: memref<262144x128xf32, #tpu.memory_space<hbm>>, %arg3: memref<2048x128xi32, #tpu.memory_space<hbm>>, %arg4: memref<262144x128xf32, #tpu.memory_space<hbm>>, %arg5: memref<64x128xi32, #tpu.memory_space<vmem>>, %arg6: memref<512x128xf32, #tpu.memory_space<vmem>>, %arg7: memref<!tpu.dma_semaphore, #tpu.memory_space<semaphore_mem>>) attributes {dimension_semantics = [#tpu.dimension_semantics<core_parallel>, #tpu.dimension_semantics<subcore_parallel>], iteration_bounds = array<i64: 2, 16>, scalar_prefetch = 0 : i64, scratch_operands = 3 : i64, tpu.core_type = #tpu.core_type<sc_vector_subcore>, window_params = [{transform_indices = #map}, {transform_indices = #map}, {transform_indices = #map}]} {
    %mul3A = arith.constant 2 : i32
    %mul3A_0 = arith.muli %arg1, %mul3A : i32
    %add3A = arith.addi %mul3A_0, %arg0 : i32
    %mul3A_1 = arith.constant 64 : i32
    %mul3A_2 = arith.muli %add3A, %mul3A_1 : i32
    "tpu.region"() ({
      %run_scoped3A = tpu.sem_alloc : memref<!tpu.dma_semaphore, #tpu.memory_space<semaphore_mem>>
      %dma_start3A = arith.constant 0 : i32
      %dma_start3A_7 = tpu.memref_slice %arg3[%mul3A_2, %dma_start3A] : memref<2048x128xi32, #tpu.memory_space<hbm>> -> memref<64x128xi32, #tpu.memory_space<hbm>>
      %dma_start3A_8 = arith.constant 0 : i32
      %dma_start3A_9 = tpu.memref_slice %arg3[%mul3A_2, %dma_start3A_8] : memref<2048x128xi32, #tpu.memory_space<hbm>> -> memref<64x128xi32, #tpu.memory_space<hbm>>
      tpu.enqueue_dma source(%dma_start3A_9 : memref<64x128xi32, #tpu.memory_space<hbm>>) target(%arg5 : memref<64x128xi32, #tpu.memory_space<vmem>>) target_semaphore(%run_scoped3A : memref<!tpu.dma_semaphore, #tpu.memory_space<semaphore_mem>>)
      %dma_wait3A = arith.constant 0 : i32
      %dma_wait3A_10 = tpu.memref_slice %arg3[%mul3A_2, %dma_wait3A] : memref<2048x128xi32, #tpu.memory_space<hbm>> -> memref<64x128xi32, #tpu.memory_space<hbm>>
      %dma_wait3A_11 = arith.constant 0 : i32
      %dma_wait3A_12 = tpu.memref_slice %arg3[%mul3A_2, %dma_wait3A_11] : memref<2048x128xi32, #tpu.memory_space<hbm>> -> memref<64x128xi32, #tpu.memory_space<hbm>>
      tpu.wait_dma2 semaphore(%run_scoped3A : memref<!tpu.dma_semaphore, #tpu.memory_space<semaphore_mem>>) src(%dma_wait3A_12 : memref<64x128xi32, #tpu.memory_space<hbm>>) dst(%arg5 : memref<64x128xi32, #tpu.memory_space<vmem>>)
      tpu.yield
    }) : () -> ()
    %scan3A = arith.constant 0 : i32
    %scan3A_3 = arith.constant 16 : i32
    %scan3A_4 = arith.addi %scan3A, %scan3A_3 : i32
    %scan3A_5 = arith.constant 1 : i32
    scf.for %scan3A_7 = %scan3A to %scan3A_4 step %scan3A_5  : i32 {
      %mul3A_8 = arith.constant 4 : i32
      %mul3A_9 = arith.muli %scan3A_7, %mul3A_8 : i32
      %add3A_10 = arith.addi %mul3A_2, %mul3A_9 : i32
      %mul3A_11 = arith.constant 128 : i32
      %mul3A_12 = arith.muli %add3A_10, %mul3A_11 : i32
      "tpu.region"() ({
        %run_scoped3A = tpu.sem_alloc : memref<!tpu.dma_semaphore, #tpu.memory_space<semaphore_mem>>
        %dma_start3A_99 = arith.constant 0 : i32
        %dma_start3A_100 = tpu.memref_slice %arg2[%mul3A_12, %dma_start3A_99] : memref<262144x128xf32, #tpu.memory_space<hbm>> -> memref<512x128xf32, #tpu.memory_space<hbm>>
        %dma_start3A_101 = arith.constant 0 : i32
        %dma_start3A_102 = tpu.memref_slice %arg2[%mul3A_12, %dma_start3A_101] : memref<262144x128xf32, #tpu.memory_space<hbm>> -> memref<512x128xf32, #tpu.memory_space<hbm>>
        tpu.enqueue_dma source(%dma_start3A_102 : memref<512x128xf32, #tpu.memory_space<hbm>>) target(%arg6 : memref<512x128xf32, #tpu.memory_space<vmem>>) target_semaphore(%run_scoped3A : memref<!tpu.dma_semaphore, #tpu.memory_space<semaphore_mem>>)
        %dma_wait3A_103 = arith.constant 0 : i32
        %dma_wait3A_104 = tpu.memref_slice %arg2[%mul3A_12, %dma_wait3A_103] : memref<262144x128xf32, #tpu.memory_space<hbm>> -> memref<512x128xf32, #tpu.memory_space<hbm>>
        %dma_wait3A_105 = arith.constant 0 : i32
        %dma_wait3A_106 = tpu.memref_slice %arg2[%mul3A_12, %dma_wait3A_105] : memref<262144x128xf32, #tpu.memory_space<hbm>> -> memref<512x128xf32, #tpu.memory_space<hbm>>
        tpu.wait_dma2 semaphore(%run_scoped3A : memref<!tpu.dma_semaphore, #tpu.memory_space<semaphore_mem>>) src(%dma_wait3A_106 : memref<512x128xf32, #tpu.memory_space<hbm>>) dst(%arg6 : memref<512x128xf32, #tpu.memory_space<vmem>>)
        tpu.yield
      }) : () -> ()
      %mul3A_13 = arith.constant 4 : i32
      %mul3A_14 = arith.muli %scan3A_7, %mul3A_13 : i32
      %add3A_15 = arith.constant 0 : i32
      %add3A_16 = arith.addi %mul3A_14, %add3A_15 : i32
      %dma_start3A = arith.constant 0 : i32
      %dma_start3A_17 = arith.constant 0 : i32
      %dma_start3A_18 = tpu.memref_slice %arg6[%dma_start3A, %dma_start3A_17] : memref<512x128xf32, #tpu.memory_space<vmem>> -> memref<128x128xf32, #tpu.memory_space<vmem>>
      %dma_start3A_19 = arith.constant 0 : i32
      %dma_start3A_20 = tpu.memref_slice %arg5[%add3A_16, %dma_start3A_19] : memref<64x128xi32, #tpu.memory_space<vmem>> -> memref<1x128xi32, #tpu.memory_space<vmem>>
      %dma_start3A_21 = tpu.memref_squeeze %dma_start3A_20 : memref<1x128xi32, #tpu.memory_space<vmem>> -> memref<128xi32, #tpu.memory_space<vmem>>
      %dma_start3A_22 = arith.constant 0 : i32
      %dma_start3A_23 = arith.constant 0 : i32
      %dma_start3A_24 = tpu.memref_slice %arg4[%dma_start3A_22, %dma_start3A_23] : memref<262144x128xf32, #tpu.memory_space<hbm>> -> memref<262144x128xf32, #tpu.memory_space<hbm>>
      tpu.enqueue_indirect_dma source(%dma_start3A_18 : memref<128x128xf32, #tpu.memory_space<vmem>>) target(%dma_start3A_24 : memref<262144x128xf32, #tpu.memory_space<hbm>>) offsets(%dma_start3A_21 : memref<128xi32, #tpu.memory_space<vmem>>) semaphore(%arg7 : memref<!tpu.dma_semaphore, #tpu.memory_space<semaphore_mem>>)
      %mul3A_25 = arith.constant 4 : i32
      %mul3A_26 = arith.muli %scan3A_7, %mul3A_25 : i32
      %add3A_27 = arith.constant 1 : i32
      %add3A_28 = arith.addi %mul3A_26, %add3A_27 : i32
      %dma_start3A_29 = arith.constant 128 : i32
      %dma_start3A_30 = arith.constant 0 : i32
      %dma_start3A_31 = tpu.memref_slice %arg6[%dma_start3A_29, %dma_start3A_30] : memref<512x128xf32, #tpu.memory_space<vmem>> -> memref<128x128xf32, #tpu.memory_space<vmem>>
      %dma_start3A_32 = arith.constant 0 : i32
      %dma_start3A_33 = tpu.memref_slice %arg5[%add3A_28, %dma_start3A_32] : memref<64x128xi32, #tpu.memory_space<vmem>> -> memref<1x128xi32, #tpu.memory_space<vmem>>
      %dma_start3A_34 = tpu.memref_squeeze %dma_start3A_33 : memref<1x128xi32, #tpu.memory_space<vmem>> -> memref<128xi32, #tpu.memory_space<vmem>>
      %dma_start3A_35 = arith.constant 0 : i32
      %dma_start3A_36 = arith.constant 0 : i32
      %dma_start3A_37 = tpu.memref_slice %arg4[%dma_start3A_35, %dma_start3A_36] : memref<262144x128xf32, #tpu.memory_space<hbm>> -> memref<262144x128xf32, #tpu.memory_space<hbm>>
      tpu.enqueue_indirect_dma source(%dma_start3A_31 : memref<128x128xf32, #tpu.memory_space<vmem>>) target(%dma_start3A_37 : memref<262144x128xf32, #tpu.memory_space<hbm>>) offsets(%dma_start3A_34 : memref<128xi32, #tpu.memory_space<vmem>>) semaphore(%arg7 : memref<!tpu.dma_semaphore, #tpu.memory_space<semaphore_mem>>)
      %mul3A_38 = arith.constant 4 : i32
      %mul3A_39 = arith.muli %scan3A_7, %mul3A_38 : i32
      %add3A_40 = arith.constant 2 : i32
      %add3A_41 = arith.addi %mul3A_39, %add3A_40 : i32
      %dma_start3A_42 = arith.constant 256 : i32
      %dma_start3A_43 = arith.constant 0 : i32
      %dma_start3A_44 = tpu.memref_slice %arg6[%dma_start3A_42, %dma_start3A_43] : memref<512x128xf32, #tpu.memory_space<vmem>> -> memref<128x128xf32, #tpu.memory_space<vmem>>
      %dma_start3A_45 = arith.constant 0 : i32
      %dma_start3A_46 = tpu.memref_slice %arg5[%add3A_41, %dma_start3A_45] : memref<64x128xi32, #tpu.memory_space<vmem>> -> memref<1x128xi32, #tpu.memory_space<vmem>>
      %dma_start3A_47 = tpu.memref_squeeze %dma_start3A_46 : memref<1x128xi32, #tpu.memory_space<vmem>> -> memref<128xi32, #tpu.memory_space<vmem>>
      %dma_start3A_48 = arith.constant 0 : i32
      %dma_start3A_49 = arith.constant 0 : i32
      %dma_start3A_50 = tpu.memref_slice %arg4[%dma_start3A_48, %dma_start3A_49] : memref<262144x128xf32, #tpu.memory_space<hbm>> -> memref<262144x128xf32, #tpu.memory_space<hbm>>
      tpu.enqueue_indirect_dma source(%dma_start3A_44 : memref<128x128xf32, #tpu.memory_space<vmem>>) target(%dma_start3A_50 : memref<262144x128xf32, #tpu.memory_space<hbm>>) offsets(%dma_start3A_47 : memref<128xi32, #tpu.memory_space<vmem>>) semaphore(%arg7 : memref<!tpu.dma_semaphore, #tpu.memory_space<semaphore_mem>>)
      %mul3A_51 = arith.constant 4 : i32
      %mul3A_52 = arith.muli %scan3A_7, %mul3A_51 : i32
      %add3A_53 = arith.constant 3 : i32
      %add3A_54 = arith.addi %mul3A_52, %add3A_53 : i32
      %dma_start3A_55 = arith.constant 384 : i32
      %dma_start3A_56 = arith.constant 0 : i32
      %dma_start3A_57 = tpu.memref_slice %arg6[%dma_start3A_55, %dma_start3A_56] : memref<512x128xf32, #tpu.memory_space<vmem>> -> memref<128x128xf32, #tpu.memory_space<vmem>>
      %dma_start3A_58 = arith.constant 0 : i32
      %dma_start3A_59 = tpu.memref_slice %arg5[%add3A_54, %dma_start3A_58] : memref<64x128xi32, #tpu.memory_space<vmem>> -> memref<1x128xi32, #tpu.memory_space<vmem>>
      %dma_start3A_60 = tpu.memref_squeeze %dma_start3A_59 : memref<1x128xi32, #tpu.memory_space<vmem>> -> memref<128xi32, #tpu.memory_space<vmem>>
      %dma_start3A_61 = arith.constant 0 : i32
      %dma_start3A_62 = arith.constant 0 : i32
      %dma_start3A_63 = tpu.memref_slice %arg4[%dma_start3A_61, %dma_start3A_62] : memref<262144x128xf32, #tpu.memory_space<hbm>> -> memref<262144x128xf32, #tpu.memory_space<hbm>>
      tpu.enqueue_indirect_dma source(%dma_start3A_57 : memref<128x128xf32, #tpu.memory_space<vmem>>) target(%dma_start3A_63 : memref<262144x128xf32, #tpu.memory_space<hbm>>) offsets(%dma_start3A_60 : memref<128xi32, #tpu.memory_space<vmem>>) semaphore(%arg7 : memref<!tpu.dma_semaphore, #tpu.memory_space<semaphore_mem>>)
      %dma_wait3A = arith.constant 0 : i32
      %dma_wait3A_64 = arith.constant 0 : i32
      %dma_wait3A_65 = tpu.memref_slice %arg6[%dma_wait3A, %dma_wait3A_64] : memref<512x128xf32, #tpu.memory_space<vmem>> -> memref<128x128xf32, #tpu.memory_space<vmem>>
      %dma_wait3A_66 = arith.constant 0 : i32
      %dma_wait3A_67 = tpu.memref_slice %arg5[%add3A_16, %dma_wait3A_66] : memref<64x128xi32, #tpu.memory_space<vmem>> -> memref<1x128xi32, #tpu.memory_space<vmem>>
      %dma_wait3A_68 = tpu.memref_squeeze %dma_wait3A_67 : memref<1x128xi32, #tpu.memory_space<vmem>> -> memref<128xi32, #tpu.memory_space<vmem>>
      %dma_wait3A_69 = arith.constant 0 : i32
      %dma_wait3A_70 = arith.constant 0 : i32
      %dma_wait3A_71 = tpu.memref_slice %arg4[%dma_wait3A_69, %dma_wait3A_70] : memref<262144x128xf32, #tpu.memory_space<hbm>> -> memref<262144x128xf32, #tpu.memory_space<hbm>>
      tpu.wait_indirect_dma semaphore(%arg7 : memref<!tpu.dma_semaphore, #tpu.memory_space<semaphore_mem>>) src(%dma_wait3A_65 : memref<128x128xf32, #tpu.memory_space<vmem>>) dst(%dma_wait3A_71 : memref<262144x128xf32, #tpu.memory_space<hbm>>)
      %dma_wait3A_72 = arith.constant 128 : i32
      %dma_wait3A_73 = arith.constant 0 : i32
      %dma_wait3A_74 = tpu.memref_slice %arg6[%dma_wait3A_72, %dma_wait3A_73] : memref<512x128xf32, #tpu.memory_space<vmem>> -> memref<128x128xf32, #tpu.memory_space<vmem>>
      %dma_wait3A_75 = arith.constant 0 : i32
      %dma_wait3A_76 = tpu.memref_slice %arg5[%add3A_28, %dma_wait3A_75] : memref<64x128xi32, #tpu.memory_space<vmem>> -> memref<1x128xi32, #tpu.memory_space<vmem>>
      %dma_wait3A_77 = tpu.memref_squeeze %dma_wait3A_76 : memref<1x128xi32, #tpu.memory_space<vmem>> -> memref<128xi32, #tpu.memory_space<vmem>>
      %dma_wait3A_78 = arith.constant 0 : i32
      %dma_wait3A_79 = arith.constant 0 : i32
      %dma_wait3A_80 = tpu.memref_slice %arg4[%dma_wait3A_78, %dma_wait3A_79] : memref<262144x128xf32, #tpu.memory_space<hbm>> -> memref<262144x128xf32, #tpu.memory_space<hbm>>
      tpu.wait_indirect_dma semaphore(%arg7 : memref<!tpu.dma_semaphore, #tpu.memory_space<semaphore_mem>>) src(%dma_wait3A_74 : memref<128x128xf32, #tpu.memory_space<vmem>>) dst(%dma_wait3A_80 : memref<262144x128xf32, #tpu.memory_space<hbm>>)
      %dma_wait3A_81 = arith.constant 256 : i32
      %dma_wait3A_82 = arith.constant 0 : i32
      %dma_wait3A_83 = tpu.memref_slice %arg6[%dma_wait3A_81, %dma_wait3A_82] : memref<512x128xf32, #tpu.memory_space<vmem>> -> memref<128x128xf32, #tpu.memory_space<vmem>>
      %dma_wait3A_84 = arith.constant 0 : i32
      %dma_wait3A_85 = tpu.memref_slice %arg5[%add3A_41, %dma_wait3A_84] : memref<64x128xi32, #tpu.memory_space<vmem>> -> memref<1x128xi32, #tpu.memory_space<vmem>>
      %dma_wait3A_86 = tpu.memref_squeeze %dma_wait3A_85 : memref<1x128xi32, #tpu.memory_space<vmem>> -> memref<128xi32, #tpu.memory_space<vmem>>
      %dma_wait3A_87 = arith.constant 0 : i32
      %dma_wait3A_88 = arith.constant 0 : i32
      %dma_wait3A_89 = tpu.memref_slice %arg4[%dma_wait3A_87, %dma_wait3A_88] : memref<262144x128xf32, #tpu.memory_space<hbm>> -> memref<262144x128xf32, #tpu.memory_space<hbm>>
      tpu.wait_indirect_dma semaphore(%arg7 : memref<!tpu.dma_semaphore, #tpu.memory_space<semaphore_mem>>) src(%dma_wait3A_83 : memref<128x128xf32, #tpu.memory_space<vmem>>) dst(%dma_wait3A_89 : memref<262144x128xf32, #tpu.memory_space<hbm>>)
      %dma_wait3A_90 = arith.constant 384 : i32
      %dma_wait3A_91 = arith.constant 0 : i32
      %dma_wait3A_92 = tpu.memref_slice %arg6[%dma_wait3A_90, %dma_wait3A_91] : memref<512x128xf32, #tpu.memory_space<vmem>> -> memref<128x128xf32, #tpu.memory_space<vmem>>
      %dma_wait3A_93 = arith.constant 0 : i32
      %dma_wait3A_94 = tpu.memref_slice %arg5[%add3A_54, %dma_wait3A_93] : memref<64x128xi32, #tpu.memory_space<vmem>> -> memref<1x128xi32, #tpu.memory_space<vmem>>
      %dma_wait3A_95 = tpu.memref_squeeze %dma_wait3A_94 : memref<1x128xi32, #tpu.memory_space<vmem>> -> memref<128xi32, #tpu.memory_space<vmem>>
      %dma_wait3A_96 = arith.constant 0 : i32
      %dma_wait3A_97 = arith.constant 0 : i32
      %dma_wait3A_98 = tpu.memref_slice %arg4[%dma_wait3A_96, %dma_wait3A_97] : memref<262144x128xf32, #tpu.memory_space<hbm>> -> memref<262144x128xf32, #tpu.memory_space<hbm>>
      tpu.wait_indirect_dma semaphore(%arg7 : memref<!tpu.dma_semaphore, #tpu.memory_space<semaphore_mem>>) src(%dma_wait3A_92 : memref<128x128xf32, #tpu.memory_space<vmem>>) dst(%dma_wait3A_98 : memref<262144x128xf32, #tpu.memory_space<hbm>>)
    }
    %scan3A_6 = arith.constant 16 : i32
    return
  }
}

#map = affine_map<(d0, d1) -> (0, 0)>
module attributes {stable_mosaic.version = 14 : i64} {
  func.func @_sc_gather_body(%arg0: i32, %arg1: i32, %arg2: memref<65536x128xf32, #tpu.memory_space<hbm>>, %arg3: memref<2048x128xi32, #tpu.memory_space<hbm>>, %arg4: memref<262144x128xf32, #tpu.memory_space<hbm>>, %arg5: memref<64x128xi32, #tpu.memory_space<vmem>>, %arg6: memref<512x128xf32, #tpu.memory_space<vmem>>, %arg7: memref<!tpu.dma_semaphore, #tpu.memory_space<semaphore_mem>>) attributes {dimension_semantics = [#tpu.dimension_semantics<core_parallel>, #tpu.dimension_semantics<subcore_parallel>], iteration_bounds = array<i64: 2, 16>, scalar_prefetch = 0 : i64, scratch_operands = 3 : i64, tpu.core_type = #tpu.core_type<sc_vector_subcore>, window_params = [{transform_indices = #map}, {transform_indices = #map}, {transform_indices = #map}]} {
    %mul3A = arith.constant 2 : i32
    %mul3A_0 = arith.muli %arg1, %mul3A : i32
    %add3A = arith.addi %mul3A_0, %arg0 : i32
    %mul3A_1 = arith.constant 64 : i32
    %mul3A_2 = arith.muli %add3A, %mul3A_1 : i32
    "tpu.region"() ({
      %run_scoped3A = tpu.sem_alloc : memref<!tpu.dma_semaphore, #tpu.memory_space<semaphore_mem>>
      %dma_start3A = arith.constant 0 : i32
      %dma_start3A_7 = tpu.memref_slice %arg3[%mul3A_2, %dma_start3A] : memref<2048x128xi32, #tpu.memory_space<hbm>> -> memref<64x128xi32, #tpu.memory_space<hbm>>
      %dma_start3A_8 = arith.constant 0 : i32
      %dma_start3A_9 = tpu.memref_slice %arg3[%mul3A_2, %dma_start3A_8] : memref<2048x128xi32, #tpu.memory_space<hbm>> -> memref<64x128xi32, #tpu.memory_space<hbm>>
      tpu.enqueue_dma source(%dma_start3A_9 : memref<64x128xi32, #tpu.memory_space<hbm>>) target(%arg5 : memref<64x128xi32, #tpu.memory_space<vmem>>) target_semaphore(%run_scoped3A : memref<!tpu.dma_semaphore, #tpu.memory_space<semaphore_mem>>)
      %dma_wait3A = arith.constant 0 : i32
      %dma_wait3A_10 = tpu.memref_slice %arg3[%mul3A_2, %dma_wait3A] : memref<2048x128xi32, #tpu.memory_space<hbm>> -> memref<64x128xi32, #tpu.memory_space<hbm>>
      %dma_wait3A_11 = arith.constant 0 : i32
      %dma_wait3A_12 = tpu.memref_slice %arg3[%mul3A_2, %dma_wait3A_11] : memref<2048x128xi32, #tpu.memory_space<hbm>> -> memref<64x128xi32, #tpu.memory_space<hbm>>
      tpu.wait_dma2 semaphore(%run_scoped3A : memref<!tpu.dma_semaphore, #tpu.memory_space<semaphore_mem>>) src(%dma_wait3A_12 : memref<64x128xi32, #tpu.memory_space<hbm>>) dst(%arg5 : memref<64x128xi32, #tpu.memory_space<vmem>>)
      tpu.yield
    }) : () -> ()
    %scan3A = arith.constant 0 : i32
    %scan3A_3 = arith.constant 16 : i32
    %scan3A_4 = arith.addi %scan3A, %scan3A_3 : i32
    %scan3A_5 = arith.constant 1 : i32
    scf.for %scan3A_7 = %scan3A to %scan3A_4 step %scan3A_5  : i32 {
      %mul3A_8 = arith.constant 4 : i32
      %mul3A_9 = arith.muli %scan3A_7, %mul3A_8 : i32
      %add3A_10 = arith.constant 0 : i32
      %add3A_11 = arith.addi %mul3A_9, %add3A_10 : i32
      %dma_start3A = arith.constant 0 : i32
      %dma_start3A_12 = arith.constant 0 : i32
      %dma_start3A_13 = tpu.memref_slice %arg6[%dma_start3A, %dma_start3A_12] : memref<512x128xf32, #tpu.memory_space<vmem>> -> memref<128x128xf32, #tpu.memory_space<vmem>>
      %dma_start3A_14 = arith.constant 0 : i32
      %dma_start3A_15 = tpu.memref_slice %arg5[%add3A_11, %dma_start3A_14] : memref<64x128xi32, #tpu.memory_space<vmem>> -> memref<1x128xi32, #tpu.memory_space<vmem>>
      %dma_start3A_16 = tpu.memref_squeeze %dma_start3A_15 : memref<1x128xi32, #tpu.memory_space<vmem>> -> memref<128xi32, #tpu.memory_space<vmem>>
      %dma_start3A_17 = arith.constant 0 : i32
      %dma_start3A_18 = arith.constant 0 : i32
      %dma_start3A_19 = tpu.memref_slice %arg2[%dma_start3A_17, %dma_start3A_18] : memref<65536x128xf32, #tpu.memory_space<hbm>> -> memref<65536x128xf32, #tpu.memory_space<hbm>>
      tpu.enqueue_indirect_dma source(%dma_start3A_19 : memref<65536x128xf32, #tpu.memory_space<hbm>>) target(%dma_start3A_13 : memref<128x128xf32, #tpu.memory_space<vmem>>) offsets(%dma_start3A_16 : memref<128xi32, #tpu.memory_space<vmem>>) semaphore(%arg7 : memref<!tpu.dma_semaphore, #tpu.memory_space<semaphore_mem>>)
      %mul3A_20 = arith.constant 4 : i32
      %mul3A_21 = arith.muli %scan3A_7, %mul3A_20 : i32
      %add3A_22 = arith.constant 1 : i32
      %add3A_23 = arith.addi %mul3A_21, %add3A_22 : i32
      %dma_start3A_24 = arith.constant 128 : i32
      %dma_start3A_25 = arith.constant 0 : i32
      %dma_start3A_26 = tpu.memref_slice %arg6[%dma_start3A_24, %dma_start3A_25] : memref<512x128xf32, #tpu.memory_space<vmem>> -> memref<128x128xf32, #tpu.memory_space<vmem>>
      %dma_start3A_27 = arith.constant 0 : i32
      %dma_start3A_28 = tpu.memref_slice %arg5[%add3A_23, %dma_start3A_27] : memref<64x128xi32, #tpu.memory_space<vmem>> -> memref<1x128xi32, #tpu.memory_space<vmem>>
      %dma_start3A_29 = tpu.memref_squeeze %dma_start3A_28 : memref<1x128xi32, #tpu.memory_space<vmem>> -> memref<128xi32, #tpu.memory_space<vmem>>
      %dma_start3A_30 = arith.constant 0 : i32
      %dma_start3A_31 = arith.constant 0 : i32
      %dma_start3A_32 = tpu.memref_slice %arg2[%dma_start3A_30, %dma_start3A_31] : memref<65536x128xf32, #tpu.memory_space<hbm>> -> memref<65536x128xf32, #tpu.memory_space<hbm>>
      tpu.enqueue_indirect_dma source(%dma_start3A_32 : memref<65536x128xf32, #tpu.memory_space<hbm>>) target(%dma_start3A_26 : memref<128x128xf32, #tpu.memory_space<vmem>>) offsets(%dma_start3A_29 : memref<128xi32, #tpu.memory_space<vmem>>) semaphore(%arg7 : memref<!tpu.dma_semaphore, #tpu.memory_space<semaphore_mem>>)
      %mul3A_33 = arith.constant 4 : i32
      %mul3A_34 = arith.muli %scan3A_7, %mul3A_33 : i32
      %add3A_35 = arith.constant 2 : i32
      %add3A_36 = arith.addi %mul3A_34, %add3A_35 : i32
      %dma_start3A_37 = arith.constant 256 : i32
      %dma_start3A_38 = arith.constant 0 : i32
      %dma_start3A_39 = tpu.memref_slice %arg6[%dma_start3A_37, %dma_start3A_38] : memref<512x128xf32, #tpu.memory_space<vmem>> -> memref<128x128xf32, #tpu.memory_space<vmem>>
      %dma_start3A_40 = arith.constant 0 : i32
      %dma_start3A_41 = tpu.memref_slice %arg5[%add3A_36, %dma_start3A_40] : memref<64x128xi32, #tpu.memory_space<vmem>> -> memref<1x128xi32, #tpu.memory_space<vmem>>
      %dma_start3A_42 = tpu.memref_squeeze %dma_start3A_41 : memref<1x128xi32, #tpu.memory_space<vmem>> -> memref<128xi32, #tpu.memory_space<vmem>>
      %dma_start3A_43 = arith.constant 0 : i32
      %dma_start3A_44 = arith.constant 0 : i32
      %dma_start3A_45 = tpu.memref_slice %arg2[%dma_start3A_43, %dma_start3A_44] : memref<65536x128xf32, #tpu.memory_space<hbm>> -> memref<65536x128xf32, #tpu.memory_space<hbm>>
      tpu.enqueue_indirect_dma source(%dma_start3A_45 : memref<65536x128xf32, #tpu.memory_space<hbm>>) target(%dma_start3A_39 : memref<128x128xf32, #tpu.memory_space<vmem>>) offsets(%dma_start3A_42 : memref<128xi32, #tpu.memory_space<vmem>>) semaphore(%arg7 : memref<!tpu.dma_semaphore, #tpu.memory_space<semaphore_mem>>)
      %mul3A_46 = arith.constant 4 : i32
      %mul3A_47 = arith.muli %scan3A_7, %mul3A_46 : i32
      %add3A_48 = arith.constant 3 : i32
      %add3A_49 = arith.addi %mul3A_47, %add3A_48 : i32
      %dma_start3A_50 = arith.constant 384 : i32
      %dma_start3A_51 = arith.constant 0 : i32
      %dma_start3A_52 = tpu.memref_slice %arg6[%dma_start3A_50, %dma_start3A_51] : memref<512x128xf32, #tpu.memory_space<vmem>> -> memref<128x128xf32, #tpu.memory_space<vmem>>
      %dma_start3A_53 = arith.constant 0 : i32
      %dma_start3A_54 = tpu.memref_slice %arg5[%add3A_49, %dma_start3A_53] : memref<64x128xi32, #tpu.memory_space<vmem>> -> memref<1x128xi32, #tpu.memory_space<vmem>>
      %dma_start3A_55 = tpu.memref_squeeze %dma_start3A_54 : memref<1x128xi32, #tpu.memory_space<vmem>> -> memref<128xi32, #tpu.memory_space<vmem>>
      %dma_start3A_56 = arith.constant 0 : i32
      %dma_start3A_57 = arith.constant 0 : i32
      %dma_start3A_58 = tpu.memref_slice %arg2[%dma_start3A_56, %dma_start3A_57] : memref<65536x128xf32, #tpu.memory_space<hbm>> -> memref<65536x128xf32, #tpu.memory_space<hbm>>
      tpu.enqueue_indirect_dma source(%dma_start3A_58 : memref<65536x128xf32, #tpu.memory_space<hbm>>) target(%dma_start3A_52 : memref<128x128xf32, #tpu.memory_space<vmem>>) offsets(%dma_start3A_55 : memref<128xi32, #tpu.memory_space<vmem>>) semaphore(%arg7 : memref<!tpu.dma_semaphore, #tpu.memory_space<semaphore_mem>>)
      %dma_wait3A = arith.constant 0 : i32
      %dma_wait3A_59 = arith.constant 0 : i32
      %dma_wait3A_60 = tpu.memref_slice %arg6[%dma_wait3A, %dma_wait3A_59] : memref<512x128xf32, #tpu.memory_space<vmem>> -> memref<128x128xf32, #tpu.memory_space<vmem>>
      %dma_wait3A_61 = arith.constant 0 : i32
      %dma_wait3A_62 = tpu.memref_slice %arg5[%add3A_11, %dma_wait3A_61] : memref<64x128xi32, #tpu.memory_space<vmem>> -> memref<1x128xi32, #tpu.memory_space<vmem>>
      %dma_wait3A_63 = tpu.memref_squeeze %dma_wait3A_62 : memref<1x128xi32, #tpu.memory_space<vmem>> -> memref<128xi32, #tpu.memory_space<vmem>>
      %dma_wait3A_64 = arith.constant 0 : i32
      %dma_wait3A_65 = arith.constant 0 : i32
      %dma_wait3A_66 = tpu.memref_slice %arg2[%dma_wait3A_64, %dma_wait3A_65] : memref<65536x128xf32, #tpu.memory_space<hbm>> -> memref<65536x128xf32, #tpu.memory_space<hbm>>
      tpu.wait_indirect_dma semaphore(%arg7 : memref<!tpu.dma_semaphore, #tpu.memory_space<semaphore_mem>>) src(%dma_wait3A_66 : memref<65536x128xf32, #tpu.memory_space<hbm>>) dst(%dma_wait3A_60 : memref<128x128xf32, #tpu.memory_space<vmem>>)
      %dma_wait3A_67 = arith.constant 128 : i32
      %dma_wait3A_68 = arith.constant 0 : i32
      %dma_wait3A_69 = tpu.memref_slice %arg6[%dma_wait3A_67, %dma_wait3A_68] : memref<512x128xf32, #tpu.memory_space<vmem>> -> memref<128x128xf32, #tpu.memory_space<vmem>>
      %dma_wait3A_70 = arith.constant 0 : i32
      %dma_wait3A_71 = tpu.memref_slice %arg5[%add3A_23, %dma_wait3A_70] : memref<64x128xi32, #tpu.memory_space<vmem>> -> memref<1x128xi32, #tpu.memory_space<vmem>>
      %dma_wait3A_72 = tpu.memref_squeeze %dma_wait3A_71 : memref<1x128xi32, #tpu.memory_space<vmem>> -> memref<128xi32, #tpu.memory_space<vmem>>
      %dma_wait3A_73 = arith.constant 0 : i32
      %dma_wait3A_74 = arith.constant 0 : i32
      %dma_wait3A_75 = tpu.memref_slice %arg2[%dma_wait3A_73, %dma_wait3A_74] : memref<65536x128xf32, #tpu.memory_space<hbm>> -> memref<65536x128xf32, #tpu.memory_space<hbm>>
      tpu.wait_indirect_dma semaphore(%arg7 : memref<!tpu.dma_semaphore, #tpu.memory_space<semaphore_mem>>) src(%dma_wait3A_75 : memref<65536x128xf32, #tpu.memory_space<hbm>>) dst(%dma_wait3A_69 : memref<128x128xf32, #tpu.memory_space<vmem>>)
      %dma_wait3A_76 = arith.constant 256 : i32
      %dma_wait3A_77 = arith.constant 0 : i32
      %dma_wait3A_78 = tpu.memref_slice %arg6[%dma_wait3A_76, %dma_wait3A_77] : memref<512x128xf32, #tpu.memory_space<vmem>> -> memref<128x128xf32, #tpu.memory_space<vmem>>
      %dma_wait3A_79 = arith.constant 0 : i32
      %dma_wait3A_80 = tpu.memref_slice %arg5[%add3A_36, %dma_wait3A_79] : memref<64x128xi32, #tpu.memory_space<vmem>> -> memref<1x128xi32, #tpu.memory_space<vmem>>
      %dma_wait3A_81 = tpu.memref_squeeze %dma_wait3A_80 : memref<1x128xi32, #tpu.memory_space<vmem>> -> memref<128xi32, #tpu.memory_space<vmem>>
      %dma_wait3A_82 = arith.constant 0 : i32
      %dma_wait3A_83 = arith.constant 0 : i32
      %dma_wait3A_84 = tpu.memref_slice %arg2[%dma_wait3A_82, %dma_wait3A_83] : memref<65536x128xf32, #tpu.memory_space<hbm>> -> memref<65536x128xf32, #tpu.memory_space<hbm>>
      tpu.wait_indirect_dma semaphore(%arg7 : memref<!tpu.dma_semaphore, #tpu.memory_space<semaphore_mem>>) src(%dma_wait3A_84 : memref<65536x128xf32, #tpu.memory_space<hbm>>) dst(%dma_wait3A_78 : memref<128x128xf32, #tpu.memory_space<vmem>>)
      %dma_wait3A_85 = arith.constant 384 : i32
      %dma_wait3A_86 = arith.constant 0 : i32
      %dma_wait3A_87 = tpu.memref_slice %arg6[%dma_wait3A_85, %dma_wait3A_86] : memref<512x128xf32, #tpu.memory_space<vmem>> -> memref<128x128xf32, #tpu.memory_space<vmem>>
      %dma_wait3A_88 = arith.constant 0 : i32
      %dma_wait3A_89 = tpu.memref_slice %arg5[%add3A_49, %dma_wait3A_88] : memref<64x128xi32, #tpu.memory_space<vmem>> -> memref<1x128xi32, #tpu.memory_space<vmem>>
      %dma_wait3A_90 = tpu.memref_squeeze %dma_wait3A_89 : memref<1x128xi32, #tpu.memory_space<vmem>> -> memref<128xi32, #tpu.memory_space<vmem>>
      %dma_wait3A_91 = arith.constant 0 : i32
      %dma_wait3A_92 = arith.constant 0 : i32
      %dma_wait3A_93 = tpu.memref_slice %arg2[%dma_wait3A_91, %dma_wait3A_92] : memref<65536x128xf32, #tpu.memory_space<hbm>> -> memref<65536x128xf32, #tpu.memory_space<hbm>>
      tpu.wait_indirect_dma semaphore(%arg7 : memref<!tpu.dma_semaphore, #tpu.memory_space<semaphore_mem>>) src(%dma_wait3A_93 : memref<65536x128xf32, #tpu.memory_space<hbm>>) dst(%dma_wait3A_87 : memref<128x128xf32, #tpu.memory_space<vmem>>)
      %mul3A_94 = arith.constant 4 : i32
      %mul3A_95 = arith.muli %scan3A_7, %mul3A_94 : i32
      %add3A_96 = arith.addi %mul3A_2, %mul3A_95 : i32
      %mul3A_97 = arith.constant 128 : i32
      %mul3A_98 = arith.muli %add3A_96, %mul3A_97 : i32
      "tpu.region"() ({
        %run_scoped3A = tpu.sem_alloc : memref<!tpu.dma_semaphore, #tpu.memory_space<semaphore_mem>>
        %dma_start3A_99 = arith.constant 0 : i32
        %dma_start3A_100 = tpu.memref_slice %arg4[%mul3A_98, %dma_start3A_99] : memref<262144x128xf32, #tpu.memory_space<hbm>> -> memref<512x128xf32, #tpu.memory_space<hbm>>
        %dma_start3A_101 = arith.constant 0 : i32
        %dma_start3A_102 = tpu.memref_slice %arg4[%mul3A_98, %dma_start3A_101] : memref<262144x128xf32, #tpu.memory_space<hbm>> -> memref<512x128xf32, #tpu.memory_space<hbm>>
        tpu.enqueue_dma source(%arg6 : memref<512x128xf32, #tpu.memory_space<vmem>>) target(%dma_start3A_102 : memref<512x128xf32, #tpu.memory_space<hbm>>) target_semaphore(%run_scoped3A : memref<!tpu.dma_semaphore, #tpu.memory_space<semaphore_mem>>)
        %dma_wait3A_103 = arith.constant 0 : i32
        %dma_wait3A_104 = tpu.memref_slice %arg4[%mul3A_98, %dma_wait3A_103] : memref<262144x128xf32, #tpu.memory_space<hbm>> -> memref<512x128xf32, #tpu.memory_space<hbm>>
        %dma_wait3A_105 = arith.constant 0 : i32
        %dma_wait3A_106 = tpu.memref_slice %arg4[%mul3A_98, %dma_wait3A_105] : memref<262144x128xf32, #tpu.memory_space<hbm>> -> memref<512x128xf32, #tpu.memory_space<hbm>>
        tpu.wait_dma2 semaphore(%run_scoped3A : memref<!tpu.dma_semaphore, #tpu.memory_space<semaphore_mem>>) src(%arg6 : memref<512x128xf32, #tpu.memory_space<vmem>>) dst(%dma_wait3A_106 : memref<512x128xf32, #tpu.memory_space<hbm>>)
        tpu.yield
      }) : () -> ()
    }
    %scan3A_6 = arith.constant 16 : i32
    return
  }
}

module attributes {stable_mosaic.version = 14 : i64} {
  func.func @_attn_body(%arg0: i32, %arg1: i32, %arg2: memref<1x32x64x128xf32, #tpu.memory_space<vmem>>, %arg3: memref<1x1x64x128xf32, #tpu.memory_space<vmem>>, %arg4: memref<1x32x64x1xi32, #tpu.memory_space<vmem>>, %arg5: memref<1x32x1x64xi32, #tpu.memory_space<vmem>>, %arg6: memref<1x1x1x64xi32, #tpu.memory_space<vmem>>, %arg7: memref<1x32x64x1xi32, #tpu.memory_space<vmem>>, %arg8: memref<1x32x1x64xi32, #tpu.memory_space<vmem>>, %arg9: memref<1x1x1x64xi32, #tpu.memory_space<vmem>>, %arg10: memref<1x32x64x128xf32, #tpu.memory_space<vmem>>) attributes {dimension_semantics = [#tpu.dimension_semantics<arbitrary>, #tpu.dimension_semantics<arbitrary>], iteration_bounds = array<i64: 16, 8>, scalar_prefetch = 0 : i64, scratch_operands = 0 : i64, tpu.core_type = #tpu.core_type<tc>, window_params = [{transform_indices = @transform_0, window_bounds = array<i64: 1, 32, 64, 128>}, {transform_indices = @transform_1, window_bounds = array<i64: 1, 1, 64, 128>}, {transform_indices = @transform_2, window_bounds = array<i64: 1, 32, 64, 1>}, {transform_indices = @transform_3, window_bounds = array<i64: 1, 32, 1, 64>}, {transform_indices = @transform_4, window_bounds = array<i64: 1, 1, 1, 64>}, {transform_indices = @transform_5, window_bounds = array<i64: 1, 32, 64, 1>}, {transform_indices = @transform_6, window_bounds = array<i64: 1, 32, 1, 64>}, {transform_indices = @transform_7, window_bounds = array<i64: 1, 1, 1, 64>}, {transform_indices = @transform_8, window_bounds = array<i64: 1, 32, 64, 128>}]} {
    %get3A = arith.constant 0 : index
    %get3A_0 = arith.constant 0 : index
    %get3A_1 = arith.constant 0 : index
    %get3A_2 = arith.constant 0 : index
    %get3A_3 = vector.load %arg3[%get3A, %get3A_0, %get3A_1, %get3A_2] : memref<1x1x64x128xf32, #tpu.memory_space<vmem>>, vector<1x1x64x128xf32>
    %get3A_4 = vector.shape_cast %get3A_3 : vector<1x1x64x128xf32> to vector<64x128xf32>
    %slice3A = vector.extract_strided_slice %get3A_4 {offsets = [0, 0], sizes = [64, 64], strides = [1, 1]} : vector<64x128xf32> to vector<64x64xf32>
    %slice3A_5 = vector.extract_strided_slice %get3A_4 {offsets = [0, 64], sizes = [64, 64], strides = [1, 1]} : vector<64x128xf32> to vector<64x64xf32>
    %mul3A = arith.mulf %slice3A, %slice3A : vector<64x64xf32>
    %reduce_sum3A = arith.constant dense<0.000000e+00> : vector<64xf32>
    %reduce_sum3A_6 = vector.multi_reduction <add>, %mul3A, %reduce_sum3A [1] : vector<64x64xf32> to vector<64xf32>
    %broadcast_in_dim3A = vector.shape_cast %reduce_sum3A_6 : vector<64xf32> to vector<64x1xf32>
    %max3A = arith.constant 1.000000e-24 : f32
    %max3A_7 = vector.broadcast %max3A : f32 to vector<64x1xf32>
    %max3A_8 = arith.maximumf %broadcast_in_dim3A, %max3A_7 : vector<64x1xf32>
    %rsqrt3A = math.rsqrt %max3A_8 : vector<64x1xf32>
    %mul3A_9 = vector.broadcast %rsqrt3A : vector<64x1xf32> to vector<64x64xf32>
    %mul3A_10 = arith.mulf %slice3A, %mul3A_9 : vector<64x64xf32>
    %get3A_11 = arith.constant 0 : index
    %get3A_12 = arith.constant 0 : index
    %get3A_13 = arith.constant 0 : index
    %get3A_14 = arith.constant 0 : index
    %get3A_15 = vector.load %arg2[%get3A_11, %get3A_12, %get3A_13, %get3A_14] : memref<1x32x64x128xf32, #tpu.memory_space<vmem>>, vector<1x1x64x128xf32>
    %get3A_16 = vector.shape_cast %get3A_15 : vector<1x1x64x128xf32> to vector<64x128xf32>
    %slice3A_17 = vector.extract_strided_slice %get3A_16 {offsets = [0, 0], sizes = [64, 64], strides = [1, 1]} : vector<64x128xf32> to vector<64x64xf32>
    %slice3A_18 = vector.extract_strided_slice %get3A_16 {offsets = [0, 64], sizes = [64, 64], strides = [1, 1]} : vector<64x128xf32> to vector<64x64xf32>
    %mul3A_19 = arith.mulf %slice3A_17, %slice3A_17 : vector<64x64xf32>
    %reduce_sum3A_20 = arith.constant dense<0.000000e+00> : vector<64xf32>
    %reduce_sum3A_21 = vector.multi_reduction <add>, %mul3A_19, %reduce_sum3A_20 [1] : vector<64x64xf32> to vector<64xf32>
    %broadcast_in_dim3A_22 = vector.shape_cast %reduce_sum3A_21 : vector<64xf32> to vector<64x1xf32>
    %max3A_23 = arith.constant 1.000000e-24 : f32
    %max3A_24 = vector.broadcast %max3A_23 : f32 to vector<64x1xf32>
    %max3A_25 = arith.maximumf %broadcast_in_dim3A_22, %max3A_24 : vector<64x1xf32>
    %rsqrt3A_26 = math.rsqrt %max3A_25 : vector<64x1xf32>
    %mul3A_27 = vector.broadcast %rsqrt3A_26 : vector<64x1xf32> to vector<64x64xf32>
    %mul3A_28 = arith.mulf %slice3A_17, %mul3A_27 : vector<64x64xf32>
    %get3A_29 = arith.constant 0 : index
    %get3A_30 = arith.constant 1 : index
    %get3A_31 = arith.constant 0 : index
    %get3A_32 = arith.constant 0 : index
    %get3A_33 = vector.load %arg2[%get3A_29, %get3A_30, %get3A_31, %get3A_32] : memref<1x32x64x128xf32, #tpu.memory_space<vmem>>, vector<1x1x64x128xf32>
    %get3A_34 = vector.shape_cast %get3A_33 : vector<1x1x64x128xf32> to vector<64x128xf32>
    %slice3A_35 = vector.extract_strided_slice %get3A_34 {offsets = [0, 0], sizes = [64, 64], strides = [1, 1]} : vector<64x128xf32> to vector<64x64xf32>
    %slice3A_36 = vector.extract_strided_slice %get3A_34 {offsets = [0, 64], sizes = [64, 64], strides = [1, 1]} : vector<64x128xf32> to vector<64x64xf32>
    %mul3A_37 = arith.mulf %slice3A_35, %slice3A_35 : vector<64x64xf32>
    %reduce_sum3A_38 = arith.constant dense<0.000000e+00> : vector<64xf32>
    %reduce_sum3A_39 = vector.multi_reduction <add>, %mul3A_37, %reduce_sum3A_38 [1] : vector<64x64xf32> to vector<64xf32>
    %broadcast_in_dim3A_40 = vector.shape_cast %reduce_sum3A_39 : vector<64xf32> to vector<64x1xf32>
    %max3A_41 = arith.constant 1.000000e-24 : f32
    %max3A_42 = vector.broadcast %max3A_41 : f32 to vector<64x1xf32>
    %max3A_43 = arith.maximumf %broadcast_in_dim3A_40, %max3A_42 : vector<64x1xf32>
    %rsqrt3A_44 = math.rsqrt %max3A_43 : vector<64x1xf32>
    %mul3A_45 = vector.broadcast %rsqrt3A_44 : vector<64x1xf32> to vector<64x64xf32>
    %mul3A_46 = arith.mulf %slice3A_35, %mul3A_45 : vector<64x64xf32>
    %get3A_47 = arith.constant 0 : index
    %get3A_48 = arith.constant 2 : index
    %get3A_49 = arith.constant 0 : index
    %get3A_50 = arith.constant 0 : index
    %get3A_51 = vector.load %arg2[%get3A_47, %get3A_48, %get3A_49, %get3A_50] : memref<1x32x64x128xf32, #tpu.memory_space<vmem>>, vector<1x1x64x128xf32>
    %get3A_52 = vector.shape_cast %get3A_51 : vector<1x1x64x128xf32> to vector<64x128xf32>
    %slice3A_53 = vector.extract_strided_slice %get3A_52 {offsets = [0, 0], sizes = [64, 64], strides = [1, 1]} : vector<64x128xf32> to vector<64x64xf32>
    %slice3A_54 = vector.extract_strided_slice %get3A_52 {offsets = [0, 64], sizes = [64, 64], strides = [1, 1]} : vector<64x128xf32> to vector<64x64xf32>
    %mul3A_55 = arith.mulf %slice3A_53, %slice3A_53 : vector<64x64xf32>
    %reduce_sum3A_56 = arith.constant dense<0.000000e+00> : vector<64xf32>
    %reduce_sum3A_57 = vector.multi_reduction <add>, %mul3A_55, %reduce_sum3A_56 [1] : vector<64x64xf32> to vector<64xf32>
    %broadcast_in_dim3A_58 = vector.shape_cast %reduce_sum3A_57 : vector<64xf32> to vector<64x1xf32>
    %max3A_59 = arith.constant 1.000000e-24 : f32
    %max3A_60 = vector.broadcast %max3A_59 : f32 to vector<64x1xf32>
    %max3A_61 = arith.maximumf %broadcast_in_dim3A_58, %max3A_60 : vector<64x1xf32>
    %rsqrt3A_62 = math.rsqrt %max3A_61 : vector<64x1xf32>
    %mul3A_63 = vector.broadcast %rsqrt3A_62 : vector<64x1xf32> to vector<64x64xf32>
    %mul3A_64 = arith.mulf %slice3A_53, %mul3A_63 : vector<64x64xf32>
    %get3A_65 = arith.constant 0 : index
    %get3A_66 = arith.constant 3 : index
    %get3A_67 = arith.constant 0 : index
    %get3A_68 = arith.constant 0 : index
    %get3A_69 = vector.load %arg2[%get3A_65, %get3A_66, %get3A_67, %get3A_68] : memref<1x32x64x128xf32, #tpu.memory_space<vmem>>, vector<1x1x64x128xf32>
    %get3A_70 = vector.shape_cast %get3A_69 : vector<1x1x64x128xf32> to vector<64x128xf32>
    %slice3A_71 = vector.extract_strided_slice %get3A_70 {offsets = [0, 0], sizes = [64, 64], strides = [1, 1]} : vector<64x128xf32> to vector<64x64xf32>
    %slice3A_72 = vector.extract_strided_slice %get3A_70 {offsets = [0, 64], sizes = [64, 64], strides = [1, 1]} : vector<64x128xf32> to vector<64x64xf32>
    %mul3A_73 = arith.mulf %slice3A_71, %slice3A_71 : vector<64x64xf32>
    %reduce_sum3A_74 = arith.constant dense<0.000000e+00> : vector<64xf32>
    %reduce_sum3A_75 = vector.multi_reduction <add>, %mul3A_73, %reduce_sum3A_74 [1] : vector<64x64xf32> to vector<64xf32>
    %broadcast_in_dim3A_76 = vector.shape_cast %reduce_sum3A_75 : vector<64xf32> to vector<64x1xf32>
    %max3A_77 = arith.constant 1.000000e-24 : f32
    %max3A_78 = vector.broadcast %max3A_77 : f32 to vector<64x1xf32>
    %max3A_79 = arith.maximumf %broadcast_in_dim3A_76, %max3A_78 : vector<64x1xf32>
    %rsqrt3A_80 = math.rsqrt %max3A_79 : vector<64x1xf32>
    %mul3A_81 = vector.broadcast %rsqrt3A_80 : vector<64x1xf32> to vector<64x64xf32>
    %mul3A_82 = arith.mulf %slice3A_71, %mul3A_81 : vector<64x64xf32>
    %get3A_83 = arith.constant 0 : index
    %get3A_84 = arith.constant 4 : index
    %get3A_85 = arith.constant 0 : index
    %get3A_86 = arith.constant 0 : index
    %get3A_87 = vector.load %arg2[%get3A_83, %get3A_84, %get3A_85, %get3A_86] : memref<1x32x64x128xf32, #tpu.memory_space<vmem>>, vector<1x1x64x128xf32>
    %get3A_88 = vector.shape_cast %get3A_87 : vector<1x1x64x128xf32> to vector<64x128xf32>
    %slice3A_89 = vector.extract_strided_slice %get3A_88 {offsets = [0, 0], sizes = [64, 64], strides = [1, 1]} : vector<64x128xf32> to vector<64x64xf32>
    %slice3A_90 = vector.extract_strided_slice %get3A_88 {offsets = [0, 64], sizes = [64, 64], strides = [1, 1]} : vector<64x128xf32> to vector<64x64xf32>
    %mul3A_91 = arith.mulf %slice3A_89, %slice3A_89 : vector<64x64xf32>
    %reduce_sum3A_92 = arith.constant dense<0.000000e+00> : vector<64xf32>
    %reduce_sum3A_93 = vector.multi_reduction <add>, %mul3A_91, %reduce_sum3A_92 [1] : vector<64x64xf32> to vector<64xf32>
    %broadcast_in_dim3A_94 = vector.shape_cast %reduce_sum3A_93 : vector<64xf32> to vector<64x1xf32>
    %max3A_95 = arith.constant 1.000000e-24 : f32
    %max3A_96 = vector.broadcast %max3A_95 : f32 to vector<64x1xf32>
    %max3A_97 = arith.maximumf %broadcast_in_dim3A_94, %max3A_96 : vector<64x1xf32>
    %rsqrt3A_98 = math.rsqrt %max3A_97 : vector<64x1xf32>
    %mul3A_99 = vector.broadcast %rsqrt3A_98 : vector<64x1xf32> to vector<64x64xf32>
    %mul3A_100 = arith.mulf %slice3A_89, %mul3A_99 : vector<64x64xf32>
    %get3A_101 = arith.constant 0 : index
    %get3A_102 = arith.constant 5 : index
    %get3A_103 = arith.constant 0 : index
    %get3A_104 = arith.constant 0 : index
    %get3A_105 = vector.load %arg2[%get3A_101, %get3A_102, %get3A_103, %get3A_104] : memref<1x32x64x128xf32, #tpu.memory_space<vmem>>, vector<1x1x64x128xf32>
    %get3A_106 = vector.shape_cast %get3A_105 : vector<1x1x64x128xf32> to vector<64x128xf32>
    %slice3A_107 = vector.extract_strided_slice %get3A_106 {offsets = [0, 0], sizes = [64, 64], strides = [1, 1]} : vector<64x128xf32> to vector<64x64xf32>
    %slice3A_108 = vector.extract_strided_slice %get3A_106 {offsets = [0, 64], sizes = [64, 64], strides = [1, 1]} : vector<64x128xf32> to vector<64x64xf32>
    %mul3A_109 = arith.mulf %slice3A_107, %slice3A_107 : vector<64x64xf32>
    %reduce_sum3A_110 = arith.constant dense<0.000000e+00> : vector<64xf32>
    %reduce_sum3A_111 = vector.multi_reduction <add>, %mul3A_109, %reduce_sum3A_110 [1] : vector<64x64xf32> to vector<64xf32>
    %broadcast_in_dim3A_112 = vector.shape_cast %reduce_sum3A_111 : vector<64xf32> to vector<64x1xf32>
    %max3A_113 = arith.constant 1.000000e-24 : f32
    %max3A_114 = vector.broadcast %max3A_113 : f32 to vector<64x1xf32>
    %max3A_115 = arith.maximumf %broadcast_in_dim3A_112, %max3A_114 : vector<64x1xf32>
    %rsqrt3A_116 = math.rsqrt %max3A_115 : vector<64x1xf32>
    %mul3A_117 = vector.broadcast %rsqrt3A_116 : vector<64x1xf32> to vector<64x64xf32>
    %mul3A_118 = arith.mulf %slice3A_107, %mul3A_117 : vector<64x64xf32>
    %get3A_119 = arith.constant 0 : index
    %get3A_120 = arith.constant 6 : index
    %get3A_121 = arith.constant 0 : index
    %get3A_122 = arith.constant 0 : index
    %get3A_123 = vector.load %arg2[%get3A_119, %get3A_120, %get3A_121, %get3A_122] : memref<1x32x64x128xf32, #tpu.memory_space<vmem>>, vector<1x1x64x128xf32>
    %get3A_124 = vector.shape_cast %get3A_123 : vector<1x1x64x128xf32> to vector<64x128xf32>
    %slice3A_125 = vector.extract_strided_slice %get3A_124 {offsets = [0, 0], sizes = [64, 64], strides = [1, 1]} : vector<64x128xf32> to vector<64x64xf32>
    %slice3A_126 = vector.extract_strided_slice %get3A_124 {offsets = [0, 64], sizes = [64, 64], strides = [1, 1]} : vector<64x128xf32> to vector<64x64xf32>
    %mul3A_127 = arith.mulf %slice3A_125, %slice3A_125 : vector<64x64xf32>
    %reduce_sum3A_128 = arith.constant dense<0.000000e+00> : vector<64xf32>
    %reduce_sum3A_129 = vector.multi_reduction <add>, %mul3A_127, %reduce_sum3A_128 [1] : vector<64x64xf32> to vector<64xf32>
    %broadcast_in_dim3A_130 = vector.shape_cast %reduce_sum3A_129 : vector<64xf32> to vector<64x1xf32>
    %max3A_131 = arith.constant 1.000000e-24 : f32
    %max3A_132 = vector.broadcast %max3A_131 : f32 to vector<64x1xf32>
    %max3A_133 = arith.maximumf %broadcast_in_dim3A_130, %max3A_132 : vector<64x1xf32>
    %rsqrt3A_134 = math.rsqrt %max3A_133 : vector<64x1xf32>
    %mul3A_135 = vector.broadcast %rsqrt3A_134 : vector<64x1xf32> to vector<64x64xf32>
    %mul3A_136 = arith.mulf %slice3A_125, %mul3A_135 : vector<64x64xf32>
    %get3A_137 = arith.constant 0 : index
    %get3A_138 = arith.constant 7 : index
    %get3A_139 = arith.constant 0 : index
    %get3A_140 = arith.constant 0 : index
    %get3A_141 = vector.load %arg2[%get3A_137, %get3A_138, %get3A_139, %get3A_140] : memref<1x32x64x128xf32, #tpu.memory_space<vmem>>, vector<1x1x64x128xf32>
    %get3A_142 = vector.shape_cast %get3A_141 : vector<1x1x64x128xf32> to vector<64x128xf32>
    %slice3A_143 = vector.extract_strided_slice %get3A_142 {offsets = [0, 0], sizes = [64, 64], strides = [1, 1]} : vector<64x128xf32> to vector<64x64xf32>
    %slice3A_144 = vector.extract_strided_slice %get3A_142 {offsets = [0, 64], sizes = [64, 64], strides = [1, 1]} : vector<64x128xf32> to vector<64x64xf32>
    %mul3A_145 = arith.mulf %slice3A_143, %slice3A_143 : vector<64x64xf32>
    %reduce_sum3A_146 = arith.constant dense<0.000000e+00> : vector<64xf32>
    %reduce_sum3A_147 = vector.multi_reduction <add>, %mul3A_145, %reduce_sum3A_146 [1] : vector<64x64xf32> to vector<64xf32>
    %broadcast_in_dim3A_148 = vector.shape_cast %reduce_sum3A_147 : vector<64xf32> to vector<64x1xf32>
    %max3A_149 = arith.constant 1.000000e-24 : f32
    %max3A_150 = vector.broadcast %max3A_149 : f32 to vector<64x1xf32>
    %max3A_151 = arith.maximumf %broadcast_in_dim3A_148, %max3A_150 : vector<64x1xf32>
    %rsqrt3A_152 = math.rsqrt %max3A_151 : vector<64x1xf32>
    %mul3A_153 = vector.broadcast %rsqrt3A_152 : vector<64x1xf32> to vector<64x64xf32>
    %mul3A_154 = arith.mulf %slice3A_143, %mul3A_153 : vector<64x64xf32>
    %get3A_155 = arith.constant 0 : index
    %get3A_156 = arith.constant 8 : index
    %get3A_157 = arith.constant 0 : index
    %get3A_158 = arith.constant 0 : index
    %get3A_159 = vector.load %arg2[%get3A_155, %get3A_156, %get3A_157, %get3A_158] : memref<1x32x64x128xf32, #tpu.memory_space<vmem>>, vector<1x1x64x128xf32>
    %get3A_160 = vector.shape_cast %get3A_159 : vector<1x1x64x128xf32> to vector<64x128xf32>
    %slice3A_161 = vector.extract_strided_slice %get3A_160 {offsets = [0, 0], sizes = [64, 64], strides = [1, 1]} : vector<64x128xf32> to vector<64x64xf32>
    %slice3A_162 = vector.extract_strided_slice %get3A_160 {offsets = [0, 64], sizes = [64, 64], strides = [1, 1]} : vector<64x128xf32> to vector<64x64xf32>
    %mul3A_163 = arith.mulf %slice3A_161, %slice3A_161 : vector<64x64xf32>
    %reduce_sum3A_164 = arith.constant dense<0.000000e+00> : vector<64xf32>
    %reduce_sum3A_165 = vector.multi_reduction <add>, %mul3A_163, %reduce_sum3A_164 [1] : vector<64x64xf32> to vector<64xf32>
    %broadcast_in_dim3A_166 = vector.shape_cast %reduce_sum3A_165 : vector<64xf32> to vector<64x1xf32>
    %max3A_167 = arith.constant 1.000000e-24 : f32
    %max3A_168 = vector.broadcast %max3A_167 : f32 to vector<64x1xf32>
    %max3A_169 = arith.maximumf %broadcast_in_dim3A_166, %max3A_168 : vector<64x1xf32>
    %rsqrt3A_170 = math.rsqrt %max3A_169 : vector<64x1xf32>
    %mul3A_171 = vector.broadcast %rsqrt3A_170 : vector<64x1xf32> to vector<64x64xf32>
    %mul3A_172 = arith.mulf %slice3A_161, %mul3A_171 : vector<64x64xf32>
    %get3A_173 = arith.constant 0 : index
    %get3A_174 = arith.constant 9 : index
    %get3A_175 = arith.constant 0 : index
    %get3A_176 = arith.constant 0 : index
    %get3A_177 = vector.load %arg2[%get3A_173, %get3A_174, %get3A_175, %get3A_176] : memref<1x32x64x128xf32, #tpu.memory_space<vmem>>, vector<1x1x64x128xf32>
    %get3A_178 = vector.shape_cast %get3A_177 : vector<1x1x64x128xf32> to vector<64x128xf32>
    %slice3A_179 = vector.extract_strided_slice %get3A_178 {offsets = [0, 0], sizes = [64, 64], strides = [1, 1]} : vector<64x128xf32> to vector<64x64xf32>
    %slice3A_180 = vector.extract_strided_slice %get3A_178 {offsets = [0, 64], sizes = [64, 64], strides = [1, 1]} : vector<64x128xf32> to vector<64x64xf32>
    %mul3A_181 = arith.mulf %slice3A_179, %slice3A_179 : vector<64x64xf32>
    %reduce_sum3A_182 = arith.constant dense<0.000000e+00> : vector<64xf32>
    %reduce_sum3A_183 = vector.multi_reduction <add>, %mul3A_181, %reduce_sum3A_182 [1] : vector<64x64xf32> to vector<64xf32>
    %broadcast_in_dim3A_184 = vector.shape_cast %reduce_sum3A_183 : vector<64xf32> to vector<64x1xf32>
    %max3A_185 = arith.constant 1.000000e-24 : f32
    %max3A_186 = vector.broadcast %max3A_185 : f32 to vector<64x1xf32>
    %max3A_187 = arith.maximumf %broadcast_in_dim3A_184, %max3A_186 : vector<64x1xf32>
    %rsqrt3A_188 = math.rsqrt %max3A_187 : vector<64x1xf32>
    %mul3A_189 = vector.broadcast %rsqrt3A_188 : vector<64x1xf32> to vector<64x64xf32>
    %mul3A_190 = arith.mulf %slice3A_179, %mul3A_189 : vector<64x64xf32>
    %get3A_191 = arith.constant 0 : index
    %get3A_192 = arith.constant 10 : index
    %get3A_193 = arith.constant 0 : index
    %get3A_194 = arith.constant 0 : index
    %get3A_195 = vector.load %arg2[%get3A_191, %get3A_192, %get3A_193, %get3A_194] : memref<1x32x64x128xf32, #tpu.memory_space<vmem>>, vector<1x1x64x128xf32>
    %get3A_196 = vector.shape_cast %get3A_195 : vector<1x1x64x128xf32> to vector<64x128xf32>
    %slice3A_197 = vector.extract_strided_slice %get3A_196 {offsets = [0, 0], sizes = [64, 64], strides = [1, 1]} : vector<64x128xf32> to vector<64x64xf32>
    %slice3A_198 = vector.extract_strided_slice %get3A_196 {offsets = [0, 64], sizes = [64, 64], strides = [1, 1]} : vector<64x128xf32> to vector<64x64xf32>
    %mul3A_199 = arith.mulf %slice3A_197, %slice3A_197 : vector<64x64xf32>
    %reduce_sum3A_200 = arith.constant dense<0.000000e+00> : vector<64xf32>
    %reduce_sum3A_201 = vector.multi_reduction <add>, %mul3A_199, %reduce_sum3A_200 [1] : vector<64x64xf32> to vector<64xf32>
    %broadcast_in_dim3A_202 = vector.shape_cast %reduce_sum3A_201 : vector<64xf32> to vector<64x1xf32>
    %max3A_203 = arith.constant 1.000000e-24 : f32
    %max3A_204 = vector.broadcast %max3A_203 : f32 to vector<64x1xf32>
    %max3A_205 = arith.maximumf %broadcast_in_dim3A_202, %max3A_204 : vector<64x1xf32>
    %rsqrt3A_206 = math.rsqrt %max3A_205 : vector<64x1xf32>
    %mul3A_207 = vector.broadcast %rsqrt3A_206 : vector<64x1xf32> to vector<64x64xf32>
    %mul3A_208 = arith.mulf %slice3A_197, %mul3A_207 : vector<64x64xf32>
    %get3A_209 = arith.constant 0 : index
    %get3A_210 = arith.constant 11 : index
    %get3A_211 = arith.constant 0 : index
    %get3A_212 = arith.constant 0 : index
    %get3A_213 = vector.load %arg2[%get3A_209, %get3A_210, %get3A_211, %get3A_212] : memref<1x32x64x128xf32, #tpu.memory_space<vmem>>, vector<1x1x64x128xf32>
    %get3A_214 = vector.shape_cast %get3A_213 : vector<1x1x64x128xf32> to vector<64x128xf32>
    %slice3A_215 = vector.extract_strided_slice %get3A_214 {offsets = [0, 0], sizes = [64, 64], strides = [1, 1]} : vector<64x128xf32> to vector<64x64xf32>
    %slice3A_216 = vector.extract_strided_slice %get3A_214 {offsets = [0, 64], sizes = [64, 64], strides = [1, 1]} : vector<64x128xf32> to vector<64x64xf32>
    %mul3A_217 = arith.mulf %slice3A_215, %slice3A_215 : vector<64x64xf32>
    %reduce_sum3A_218 = arith.constant dense<0.000000e+00> : vector<64xf32>
    %reduce_sum3A_219 = vector.multi_reduction <add>, %mul3A_217, %reduce_sum3A_218 [1] : vector<64x64xf32> to vector<64xf32>
    %broadcast_in_dim3A_220 = vector.shape_cast %reduce_sum3A_219 : vector<64xf32> to vector<64x1xf32>
    %max3A_221 = arith.constant 1.000000e-24 : f32
    %max3A_222 = vector.broadcast %max3A_221 : f32 to vector<64x1xf32>
    %max3A_223 = arith.maximumf %broadcast_in_dim3A_220, %max3A_222 : vector<64x1xf32>
    %rsqrt3A_224 = math.rsqrt %max3A_223 : vector<64x1xf32>
    %mul3A_225 = vector.broadcast %rsqrt3A_224 : vector<64x1xf32> to vector<64x64xf32>
    %mul3A_226 = arith.mulf %slice3A_215, %mul3A_225 : vector<64x64xf32>
    %get3A_227 = arith.constant 0 : index
    %get3A_228 = arith.constant 12 : index
    %get3A_229 = arith.constant 0 : index
    %get3A_230 = arith.constant 0 : index
    %get3A_231 = vector.load %arg2[%get3A_227, %get3A_228, %get3A_229, %get3A_230] : memref<1x32x64x128xf32, #tpu.memory_space<vmem>>, vector<1x1x64x128xf32>
    %get3A_232 = vector.shape_cast %get3A_231 : vector<1x1x64x128xf32> to vector<64x128xf32>
    %slice3A_233 = vector.extract_strided_slice %get3A_232 {offsets = [0, 0], sizes = [64, 64], strides = [1, 1]} : vector<64x128xf32> to vector<64x64xf32>
    %slice3A_234 = vector.extract_strided_slice %get3A_232 {offsets = [0, 64], sizes = [64, 64], strides = [1, 1]} : vector<64x128xf32> to vector<64x64xf32>
    %mul3A_235 = arith.mulf %slice3A_233, %slice3A_233 : vector<64x64xf32>
    %reduce_sum3A_236 = arith.constant dense<0.000000e+00> : vector<64xf32>
    %reduce_sum3A_237 = vector.multi_reduction <add>, %mul3A_235, %reduce_sum3A_236 [1] : vector<64x64xf32> to vector<64xf32>
    %broadcast_in_dim3A_238 = vector.shape_cast %reduce_sum3A_237 : vector<64xf32> to vector<64x1xf32>
    %max3A_239 = arith.constant 1.000000e-24 : f32
    %max3A_240 = vector.broadcast %max3A_239 : f32 to vector<64x1xf32>
    %max3A_241 = arith.maximumf %broadcast_in_dim3A_238, %max3A_240 : vector<64x1xf32>
    %rsqrt3A_242 = math.rsqrt %max3A_241 : vector<64x1xf32>
    %mul3A_243 = vector.broadcast %rsqrt3A_242 : vector<64x1xf32> to vector<64x64xf32>
    %mul3A_244 = arith.mulf %slice3A_233, %mul3A_243 : vector<64x64xf32>
    %get3A_245 = arith.constant 0 : index
    %get3A_246 = arith.constant 13 : index
    %get3A_247 = arith.constant 0 : index
    %get3A_248 = arith.constant 0 : index
    %get3A_249 = vector.load %arg2[%get3A_245, %get3A_246, %get3A_247, %get3A_248] : memref<1x32x64x128xf32, #tpu.memory_space<vmem>>, vector<1x1x64x128xf32>
    %get3A_250 = vector.shape_cast %get3A_249 : vector<1x1x64x128xf32> to vector<64x128xf32>
    %slice3A_251 = vector.extract_strided_slice %get3A_250 {offsets = [0, 0], sizes = [64, 64], strides = [1, 1]} : vector<64x128xf32> to vector<64x64xf32>
    %slice3A_252 = vector.extract_strided_slice %get3A_250 {offsets = [0, 64], sizes = [64, 64], strides = [1, 1]} : vector<64x128xf32> to vector<64x64xf32>
    %mul3A_253 = arith.mulf %slice3A_251, %slice3A_251 : vector<64x64xf32>
    %reduce_sum3A_254 = arith.constant dense<0.000000e+00> : vector<64xf32>
    %reduce_sum3A_255 = vector.multi_reduction <add>, %mul3A_253, %reduce_sum3A_254 [1] : vector<64x64xf32> to vector<64xf32>
    %broadcast_in_dim3A_256 = vector.shape_cast %reduce_sum3A_255 : vector<64xf32> to vector<64x1xf32>
    %max3A_257 = arith.constant 1.000000e-24 : f32
    %max3A_258 = vector.broadcast %max3A_257 : f32 to vector<64x1xf32>
    %max3A_259 = arith.maximumf %broadcast_in_dim3A_256, %max3A_258 : vector<64x1xf32>
    %rsqrt3A_260 = math.rsqrt %max3A_259 : vector<64x1xf32>
    %mul3A_261 = vector.broadcast %rsqrt3A_260 : vector<64x1xf32> to vector<64x64xf32>
    %mul3A_262 = arith.mulf %slice3A_251, %mul3A_261 : vector<64x64xf32>
    %get3A_263 = arith.constant 0 : index
    %get3A_264 = arith.constant 14 : index
    %get3A_265 = arith.constant 0 : index
    %get3A_266 = arith.constant 0 : index
    %get3A_267 = vector.load %arg2[%get3A_263, %get3A_264, %get3A_265, %get3A_266] : memref<1x32x64x128xf32, #tpu.memory_space<vmem>>, vector<1x1x64x128xf32>
    %get3A_268 = vector.shape_cast %get3A_267 : vector<1x1x64x128xf32> to vector<64x128xf32>
    %slice3A_269 = vector.extract_strided_slice %get3A_268 {offsets = [0, 0], sizes = [64, 64], strides = [1, 1]} : vector<64x128xf32> to vector<64x64xf32>
    %slice3A_270 = vector.extract_strided_slice %get3A_268 {offsets = [0, 64], sizes = [64, 64], strides = [1, 1]} : vector<64x128xf32> to vector<64x64xf32>
    %mul3A_271 = arith.mulf %slice3A_269, %slice3A_269 : vector<64x64xf32>
    %reduce_sum3A_272 = arith.constant dense<0.000000e+00> : vector<64xf32>
    %reduce_sum3A_273 = vector.multi_reduction <add>, %mul3A_271, %reduce_sum3A_272 [1] : vector<64x64xf32> to vector<64xf32>
    %broadcast_in_dim3A_274 = vector.shape_cast %reduce_sum3A_273 : vector<64xf32> to vector<64x1xf32>
    %max3A_275 = arith.constant 1.000000e-24 : f32
    %max3A_276 = vector.broadcast %max3A_275 : f32 to vector<64x1xf32>
    %max3A_277 = arith.maximumf %broadcast_in_dim3A_274, %max3A_276 : vector<64x1xf32>
    %rsqrt3A_278 = math.rsqrt %max3A_277 : vector<64x1xf32>
    %mul3A_279 = vector.broadcast %rsqrt3A_278 : vector<64x1xf32> to vector<64x64xf32>
    %mul3A_280 = arith.mulf %slice3A_269, %mul3A_279 : vector<64x64xf32>
    %get3A_281 = arith.constant 0 : index
    %get3A_282 = arith.constant 15 : index
    %get3A_283 = arith.constant 0 : index
    %get3A_284 = arith.constant 0 : index
    %get3A_285 = vector.load %arg2[%get3A_281, %get3A_282, %get3A_283, %get3A_284] : memref<1x32x64x128xf32, #tpu.memory_space<vmem>>, vector<1x1x64x128xf32>
    %get3A_286 = vector.shape_cast %get3A_285 : vector<1x1x64x128xf32> to vector<64x128xf32>
    %slice3A_287 = vector.extract_strided_slice %get3A_286 {offsets = [0, 0], sizes = [64, 64], strides = [1, 1]} : vector<64x128xf32> to vector<64x64xf32>
    %slice3A_288 = vector.extract_strided_slice %get3A_286 {offsets = [0, 64], sizes = [64, 64], strides = [1, 1]} : vector<64x128xf32> to vector<64x64xf32>
    %mul3A_289 = arith.mulf %slice3A_287, %slice3A_287 : vector<64x64xf32>
    %reduce_sum3A_290 = arith.constant dense<0.000000e+00> : vector<64xf32>
    %reduce_sum3A_291 = vector.multi_reduction <add>, %mul3A_289, %reduce_sum3A_290 [1] : vector<64x64xf32> to vector<64xf32>
    %broadcast_in_dim3A_292 = vector.shape_cast %reduce_sum3A_291 : vector<64xf32> to vector<64x1xf32>
    %max3A_293 = arith.constant 1.000000e-24 : f32
    %max3A_294 = vector.broadcast %max3A_293 : f32 to vector<64x1xf32>
    %max3A_295 = arith.maximumf %broadcast_in_dim3A_292, %max3A_294 : vector<64x1xf32>
    %rsqrt3A_296 = math.rsqrt %max3A_295 : vector<64x1xf32>
    %mul3A_297 = vector.broadcast %rsqrt3A_296 : vector<64x1xf32> to vector<64x64xf32>
    %mul3A_298 = arith.mulf %slice3A_287, %mul3A_297 : vector<64x64xf32>
    %get3A_299 = arith.constant 0 : index
    %get3A_300 = arith.constant 16 : index
    %get3A_301 = arith.constant 0 : index
    %get3A_302 = arith.constant 0 : index
    %get3A_303 = vector.load %arg2[%get3A_299, %get3A_300, %get3A_301, %get3A_302] : memref<1x32x64x128xf32, #tpu.memory_space<vmem>>, vector<1x1x64x128xf32>
    %get3A_304 = vector.shape_cast %get3A_303 : vector<1x1x64x128xf32> to vector<64x128xf32>
    %slice3A_305 = vector.extract_strided_slice %get3A_304 {offsets = [0, 0], sizes = [64, 64], strides = [1, 1]} : vector<64x128xf32> to vector<64x64xf32>
    %slice3A_306 = vector.extract_strided_slice %get3A_304 {offsets = [0, 64], sizes = [64, 64], strides = [1, 1]} : vector<64x128xf32> to vector<64x64xf32>
    %mul3A_307 = arith.mulf %slice3A_305, %slice3A_305 : vector<64x64xf32>
    %reduce_sum3A_308 = arith.constant dense<0.000000e+00> : vector<64xf32>
    %reduce_sum3A_309 = vector.multi_reduction <add>, %mul3A_307, %reduce_sum3A_308 [1] : vector<64x64xf32> to vector<64xf32>
    %broadcast_in_dim3A_310 = vector.shape_cast %reduce_sum3A_309 : vector<64xf32> to vector<64x1xf32>
    %max3A_311 = arith.constant 1.000000e-24 : f32
    %max3A_312 = vector.broadcast %max3A_311 : f32 to vector<64x1xf32>
    %max3A_313 = arith.maximumf %broadcast_in_dim3A_310, %max3A_312 : vector<64x1xf32>
    %rsqrt3A_314 = math.rsqrt %max3A_313 : vector<64x1xf32>
    %mul3A_315 = vector.broadcast %rsqrt3A_314 : vector<64x1xf32> to vector<64x64xf32>
    %mul3A_316 = arith.mulf %slice3A_305, %mul3A_315 : vector<64x64xf32>
    %get3A_317 = arith.constant 0 : index
    %get3A_318 = arith.constant 17 : index
    %get3A_319 = arith.constant 0 : index
    %get3A_320 = arith.constant 0 : index
    %get3A_321 = vector.load %arg2[%get3A_317, %get3A_318, %get3A_319, %get3A_320] : memref<1x32x64x128xf32, #tpu.memory_space<vmem>>, vector<1x1x64x128xf32>
    %get3A_322 = vector.shape_cast %get3A_321 : vector<1x1x64x128xf32> to vector<64x128xf32>
    %slice3A_323 = vector.extract_strided_slice %get3A_322 {offsets = [0, 0], sizes = [64, 64], strides = [1, 1]} : vector<64x128xf32> to vector<64x64xf32>
    %slice3A_324 = vector.extract_strided_slice %get3A_322 {offsets = [0, 64], sizes = [64, 64], strides = [1, 1]} : vector<64x128xf32> to vector<64x64xf32>
    %mul3A_325 = arith.mulf %slice3A_323, %slice3A_323 : vector<64x64xf32>
    %reduce_sum3A_326 = arith.constant dense<0.000000e+00> : vector<64xf32>
    %reduce_sum3A_327 = vector.multi_reduction <add>, %mul3A_325, %reduce_sum3A_326 [1] : vector<64x64xf32> to vector<64xf32>
    %broadcast_in_dim3A_328 = vector.shape_cast %reduce_sum3A_327 : vector<64xf32> to vector<64x1xf32>
    %max3A_329 = arith.constant 1.000000e-24 : f32
    %max3A_330 = vector.broadcast %max3A_329 : f32 to vector<64x1xf32>
    %max3A_331 = arith.maximumf %broadcast_in_dim3A_328, %max3A_330 : vector<64x1xf32>
    %rsqrt3A_332 = math.rsqrt %max3A_331 : vector<64x1xf32>
    %mul3A_333 = vector.broadcast %rsqrt3A_332 : vector<64x1xf32> to vector<64x64xf32>
    %mul3A_334 = arith.mulf %slice3A_323, %mul3A_333 : vector<64x64xf32>
    %get3A_335 = arith.constant 0 : index
    %get3A_336 = arith.constant 18 : index
    %get3A_337 = arith.constant 0 : index
    %get3A_338 = arith.constant 0 : index
    %get3A_339 = vector.load %arg2[%get3A_335, %get3A_336, %get3A_337, %get3A_338] : memref<1x32x64x128xf32, #tpu.memory_space<vmem>>, vector<1x1x64x128xf32>
    %get3A_340 = vector.shape_cast %get3A_339 : vector<1x1x64x128xf32> to vector<64x128xf32>
    %slice3A_341 = vector.extract_strided_slice %get3A_340 {offsets = [0, 0], sizes = [64, 64], strides = [1, 1]} : vector<64x128xf32> to vector<64x64xf32>
    %slice3A_342 = vector.extract_strided_slice %get3A_340 {offsets = [0, 64], sizes = [64, 64], strides = [1, 1]} : vector<64x128xf32> to vector<64x64xf32>
    %mul3A_343 = arith.mulf %slice3A_341, %slice3A_341 : vector<64x64xf32>
    %reduce_sum3A_344 = arith.constant dense<0.000000e+00> : vector<64xf32>
    %reduce_sum3A_345 = vector.multi_reduction <add>, %mul3A_343, %reduce_sum3A_344 [1] : vector<64x64xf32> to vector<64xf32>
    %broadcast_in_dim3A_346 = vector.shape_cast %reduce_sum3A_345 : vector<64xf32> to vector<64x1xf32>
    %max3A_347 = arith.constant 1.000000e-24 : f32
    %max3A_348 = vector.broadcast %max3A_347 : f32 to vector<64x1xf32>
    %max3A_349 = arith.maximumf %broadcast_in_dim3A_346, %max3A_348 : vector<64x1xf32>
    %rsqrt3A_350 = math.rsqrt %max3A_349 : vector<64x1xf32>
    %mul3A_351 = vector.broadcast %rsqrt3A_350 : vector<64x1xf32> to vector<64x64xf32>
    %mul3A_352 = arith.mulf %slice3A_341, %mul3A_351 : vector<64x64xf32>
    %get3A_353 = arith.constant 0 : index
    %get3A_354 = arith.constant 19 : index
    %get3A_355 = arith.constant 0 : index
    %get3A_356 = arith.constant 0 : index
    %get3A_357 = vector.load %arg2[%get3A_353, %get3A_354, %get3A_355, %get3A_356] : memref<1x32x64x128xf32, #tpu.memory_space<vmem>>, vector<1x1x64x128xf32>
    %get3A_358 = vector.shape_cast %get3A_357 : vector<1x1x64x128xf32> to vector<64x128xf32>
    %slice3A_359 = vector.extract_strided_slice %get3A_358 {offsets = [0, 0], sizes = [64, 64], strides = [1, 1]} : vector<64x128xf32> to vector<64x64xf32>
    %slice3A_360 = vector.extract_strided_slice %get3A_358 {offsets = [0, 64], sizes = [64, 64], strides = [1, 1]} : vector<64x128xf32> to vector<64x64xf32>
    %mul3A_361 = arith.mulf %slice3A_359, %slice3A_359 : vector<64x64xf32>
    %reduce_sum3A_362 = arith.constant dense<0.000000e+00> : vector<64xf32>
    %reduce_sum3A_363 = vector.multi_reduction <add>, %mul3A_361, %reduce_sum3A_362 [1] : vector<64x64xf32> to vector<64xf32>
    %broadcast_in_dim3A_364 = vector.shape_cast %reduce_sum3A_363 : vector<64xf32> to vector<64x1xf32>
    %max3A_365 = arith.constant 1.000000e-24 : f32
    %max3A_366 = vector.broadcast %max3A_365 : f32 to vector<64x1xf32>
    %max3A_367 = arith.maximumf %broadcast_in_dim3A_364, %max3A_366 : vector<64x1xf32>
    %rsqrt3A_368 = math.rsqrt %max3A_367 : vector<64x1xf32>
    %mul3A_369 = vector.broadcast %rsqrt3A_368 : vector<64x1xf32> to vector<64x64xf32>
    %mul3A_370 = arith.mulf %slice3A_359, %mul3A_369 : vector<64x64xf32>
    %get3A_371 = arith.constant 0 : index
    %get3A_372 = arith.constant 20 : index
    %get3A_373 = arith.constant 0 : index
    %get3A_374 = arith.constant 0 : index
    %get3A_375 = vector.load %arg2[%get3A_371, %get3A_372, %get3A_373, %get3A_374] : memref<1x32x64x128xf32, #tpu.memory_space<vmem>>, vector<1x1x64x128xf32>
    %get3A_376 = vector.shape_cast %get3A_375 : vector<1x1x64x128xf32> to vector<64x128xf32>
    %slice3A_377 = vector.extract_strided_slice %get3A_376 {offsets = [0, 0], sizes = [64, 64], strides = [1, 1]} : vector<64x128xf32> to vector<64x64xf32>
    %slice3A_378 = vector.extract_strided_slice %get3A_376 {offsets = [0, 64], sizes = [64, 64], strides = [1, 1]} : vector<64x128xf32> to vector<64x64xf32>
    %mul3A_379 = arith.mulf %slice3A_377, %slice3A_377 : vector<64x64xf32>
    %reduce_sum3A_380 = arith.constant dense<0.000000e+00> : vector<64xf32>
    %reduce_sum3A_381 = vector.multi_reduction <add>, %mul3A_379, %reduce_sum3A_380 [1] : vector<64x64xf32> to vector<64xf32>
    %broadcast_in_dim3A_382 = vector.shape_cast %reduce_sum3A_381 : vector<64xf32> to vector<64x1xf32>
    %max3A_383 = arith.constant 1.000000e-24 : f32
    %max3A_384 = vector.broadcast %max3A_383 : f32 to vector<64x1xf32>
    %max3A_385 = arith.maximumf %broadcast_in_dim3A_382, %max3A_384 : vector<64x1xf32>
    %rsqrt3A_386 = math.rsqrt %max3A_385 : vector<64x1xf32>
    %mul3A_387 = vector.broadcast %rsqrt3A_386 : vector<64x1xf32> to vector<64x64xf32>
    %mul3A_388 = arith.mulf %slice3A_377, %mul3A_387 : vector<64x64xf32>
    %get3A_389 = arith.constant 0 : index
    %get3A_390 = arith.constant 21 : index
    %get3A_391 = arith.constant 0 : index
    %get3A_392 = arith.constant 0 : index
    %get3A_393 = vector.load %arg2[%get3A_389, %get3A_390, %get3A_391, %get3A_392] : memref<1x32x64x128xf32, #tpu.memory_space<vmem>>, vector<1x1x64x128xf32>
    %get3A_394 = vector.shape_cast %get3A_393 : vector<1x1x64x128xf32> to vector<64x128xf32>
    %slice3A_395 = vector.extract_strided_slice %get3A_394 {offsets = [0, 0], sizes = [64, 64], strides = [1, 1]} : vector<64x128xf32> to vector<64x64xf32>
    %slice3A_396 = vector.extract_strided_slice %get3A_394 {offsets = [0, 64], sizes = [64, 64], strides = [1, 1]} : vector<64x128xf32> to vector<64x64xf32>
    %mul3A_397 = arith.mulf %slice3A_395, %slice3A_395 : vector<64x64xf32>
    %reduce_sum3A_398 = arith.constant dense<0.000000e+00> : vector<64xf32>
    %reduce_sum3A_399 = vector.multi_reduction <add>, %mul3A_397, %reduce_sum3A_398 [1] : vector<64x64xf32> to vector<64xf32>
    %broadcast_in_dim3A_400 = vector.shape_cast %reduce_sum3A_399 : vector<64xf32> to vector<64x1xf32>
    %max3A_401 = arith.constant 1.000000e-24 : f32
    %max3A_402 = vector.broadcast %max3A_401 : f32 to vector<64x1xf32>
    %max3A_403 = arith.maximumf %broadcast_in_dim3A_400, %max3A_402 : vector<64x1xf32>
    %rsqrt3A_404 = math.rsqrt %max3A_403 : vector<64x1xf32>
    %mul3A_405 = vector.broadcast %rsqrt3A_404 : vector<64x1xf32> to vector<64x64xf32>
    %mul3A_406 = arith.mulf %slice3A_395, %mul3A_405 : vector<64x64xf32>
    %get3A_407 = arith.constant 0 : index
    %get3A_408 = arith.constant 22 : index
    %get3A_409 = arith.constant 0 : index
    %get3A_410 = arith.constant 0 : index
    %get3A_411 = vector.load %arg2[%get3A_407, %get3A_408, %get3A_409, %get3A_410] : memref<1x32x64x128xf32, #tpu.memory_space<vmem>>, vector<1x1x64x128xf32>
    %get3A_412 = vector.shape_cast %get3A_411 : vector<1x1x64x128xf32> to vector<64x128xf32>
    %slice3A_413 = vector.extract_strided_slice %get3A_412 {offsets = [0, 0], sizes = [64, 64], strides = [1, 1]} : vector<64x128xf32> to vector<64x64xf32>
    %slice3A_414 = vector.extract_strided_slice %get3A_412 {offsets = [0, 64], sizes = [64, 64], strides = [1, 1]} : vector<64x128xf32> to vector<64x64xf32>
    %mul3A_415 = arith.mulf %slice3A_413, %slice3A_413 : vector<64x64xf32>
    %reduce_sum3A_416 = arith.constant dense<0.000000e+00> : vector<64xf32>
    %reduce_sum3A_417 = vector.multi_reduction <add>, %mul3A_415, %reduce_sum3A_416 [1] : vector<64x64xf32> to vector<64xf32>
    %broadcast_in_dim3A_418 = vector.shape_cast %reduce_sum3A_417 : vector<64xf32> to vector<64x1xf32>
    %max3A_419 = arith.constant 1.000000e-24 : f32
    %max3A_420 = vector.broadcast %max3A_419 : f32 to vector<64x1xf32>
    %max3A_421 = arith.maximumf %broadcast_in_dim3A_418, %max3A_420 : vector<64x1xf32>
    %rsqrt3A_422 = math.rsqrt %max3A_421 : vector<64x1xf32>
    %mul3A_423 = vector.broadcast %rsqrt3A_422 : vector<64x1xf32> to vector<64x64xf32>
    %mul3A_424 = arith.mulf %slice3A_413, %mul3A_423 : vector<64x64xf32>
    %get3A_425 = arith.constant 0 : index
    %get3A_426 = arith.constant 23 : index
    %get3A_427 = arith.constant 0 : index
    %get3A_428 = arith.constant 0 : index
    %get3A_429 = vector.load %arg2[%get3A_425, %get3A_426, %get3A_427, %get3A_428] : memref<1x32x64x128xf32, #tpu.memory_space<vmem>>, vector<1x1x64x128xf32>
    %get3A_430 = vector.shape_cast %get3A_429 : vector<1x1x64x128xf32> to vector<64x128xf32>
    %slice3A_431 = vector.extract_strided_slice %get3A_430 {offsets = [0, 0], sizes = [64, 64], strides = [1, 1]} : vector<64x128xf32> to vector<64x64xf32>
    %slice3A_432 = vector.extract_strided_slice %get3A_430 {offsets = [0, 64], sizes = [64, 64], strides = [1, 1]} : vector<64x128xf32> to vector<64x64xf32>
    %mul3A_433 = arith.mulf %slice3A_431, %slice3A_431 : vector<64x64xf32>
    %reduce_sum3A_434 = arith.constant dense<0.000000e+00> : vector<64xf32>
    %reduce_sum3A_435 = vector.multi_reduction <add>, %mul3A_433, %reduce_sum3A_434 [1] : vector<64x64xf32> to vector<64xf32>
    %broadcast_in_dim3A_436 = vector.shape_cast %reduce_sum3A_435 : vector<64xf32> to vector<64x1xf32>
    %max3A_437 = arith.constant 1.000000e-24 : f32
    %max3A_438 = vector.broadcast %max3A_437 : f32 to vector<64x1xf32>
    %max3A_439 = arith.maximumf %broadcast_in_dim3A_436, %max3A_438 : vector<64x1xf32>
    %rsqrt3A_440 = math.rsqrt %max3A_439 : vector<64x1xf32>
    %mul3A_441 = vector.broadcast %rsqrt3A_440 : vector<64x1xf32> to vector<64x64xf32>
    %mul3A_442 = arith.mulf %slice3A_431, %mul3A_441 : vector<64x64xf32>
    %get3A_443 = arith.constant 0 : index
    %get3A_444 = arith.constant 24 : index
    %get3A_445 = arith.constant 0 : index
    %get3A_446 = arith.constant 0 : index
    %get3A_447 = vector.load %arg2[%get3A_443, %get3A_444, %get3A_445, %get3A_446] : memref<1x32x64x128xf32, #tpu.memory_space<vmem>>, vector<1x1x64x128xf32>
    %get3A_448 = vector.shape_cast %get3A_447 : vector<1x1x64x128xf32> to vector<64x128xf32>
    %slice3A_449 = vector.extract_strided_slice %get3A_448 {offsets = [0, 0], sizes = [64, 64], strides = [1, 1]} : vector<64x128xf32> to vector<64x64xf32>
    %slice3A_450 = vector.extract_strided_slice %get3A_448 {offsets = [0, 64], sizes = [64, 64], strides = [1, 1]} : vector<64x128xf32> to vector<64x64xf32>
    %mul3A_451 = arith.mulf %slice3A_449, %slice3A_449 : vector<64x64xf32>
    %reduce_sum3A_452 = arith.constant dense<0.000000e+00> : vector<64xf32>
    %reduce_sum3A_453 = vector.multi_reduction <add>, %mul3A_451, %reduce_sum3A_452 [1] : vector<64x64xf32> to vector<64xf32>
    %broadcast_in_dim3A_454 = vector.shape_cast %reduce_sum3A_453 : vector<64xf32> to vector<64x1xf32>
    %max3A_455 = arith.constant 1.000000e-24 : f32
    %max3A_456 = vector.broadcast %max3A_455 : f32 to vector<64x1xf32>
    %max3A_457 = arith.maximumf %broadcast_in_dim3A_454, %max3A_456 : vector<64x1xf32>
    %rsqrt3A_458 = math.rsqrt %max3A_457 : vector<64x1xf32>
    %mul3A_459 = vector.broadcast %rsqrt3A_458 : vector<64x1xf32> to vector<64x64xf32>
    %mul3A_460 = arith.mulf %slice3A_449, %mul3A_459 : vector<64x64xf32>
    %get3A_461 = arith.constant 0 : index
    %get3A_462 = arith.constant 25 : index
    %get3A_463 = arith.constant 0 : index
    %get3A_464 = arith.constant 0 : index
    %get3A_465 = vector.load %arg2[%get3A_461, %get3A_462, %get3A_463, %get3A_464] : memref<1x32x64x128xf32, #tpu.memory_space<vmem>>, vector<1x1x64x128xf32>
    %get3A_466 = vector.shape_cast %get3A_465 : vector<1x1x64x128xf32> to vector<64x128xf32>
    %slice3A_467 = vector.extract_strided_slice %get3A_466 {offsets = [0, 0], sizes = [64, 64], strides = [1, 1]} : vector<64x128xf32> to vector<64x64xf32>
    %slice3A_468 = vector.extract_strided_slice %get3A_466 {offsets = [0, 64], sizes = [64, 64], strides = [1, 1]} : vector<64x128xf32> to vector<64x64xf32>
    %mul3A_469 = arith.mulf %slice3A_467, %slice3A_467 : vector<64x64xf32>
    %reduce_sum3A_470 = arith.constant dense<0.000000e+00> : vector<64xf32>
    %reduce_sum3A_471 = vector.multi_reduction <add>, %mul3A_469, %reduce_sum3A_470 [1] : vector<64x64xf32> to vector<64xf32>
    %broadcast_in_dim3A_472 = vector.shape_cast %reduce_sum3A_471 : vector<64xf32> to vector<64x1xf32>
    %max3A_473 = arith.constant 1.000000e-24 : f32
    %max3A_474 = vector.broadcast %max3A_473 : f32 to vector<64x1xf32>
    %max3A_475 = arith.maximumf %broadcast_in_dim3A_472, %max3A_474 : vector<64x1xf32>
    %rsqrt3A_476 = math.rsqrt %max3A_475 : vector<64x1xf32>
    %mul3A_477 = vector.broadcast %rsqrt3A_476 : vector<64x1xf32> to vector<64x64xf32>
    %mul3A_478 = arith.mulf %slice3A_467, %mul3A_477 : vector<64x64xf32>
    %get3A_479 = arith.constant 0 : index
    %get3A_480 = arith.constant 26 : index
    %get3A_481 = arith.constant 0 : index
    %get3A_482 = arith.constant 0 : index
    %get3A_483 = vector.load %arg2[%get3A_479, %get3A_480, %get3A_481, %get3A_482] : memref<1x32x64x128xf32, #tpu.memory_space<vmem>>, vector<1x1x64x128xf32>
    %get3A_484 = vector.shape_cast %get3A_483 : vector<1x1x64x128xf32> to vector<64x128xf32>
    %slice3A_485 = vector.extract_strided_slice %get3A_484 {offsets = [0, 0], sizes = [64, 64], strides = [1, 1]} : vector<64x128xf32> to vector<64x64xf32>
    %slice3A_486 = vector.extract_strided_slice %get3A_484 {offsets = [0, 64], sizes = [64, 64], strides = [1, 1]} : vector<64x128xf32> to vector<64x64xf32>
    %mul3A_487 = arith.mulf %slice3A_485, %slice3A_485 : vector<64x64xf32>
    %reduce_sum3A_488 = arith.constant dense<0.000000e+00> : vector<64xf32>
    %reduce_sum3A_489 = vector.multi_reduction <add>, %mul3A_487, %reduce_sum3A_488 [1] : vector<64x64xf32> to vector<64xf32>
    %broadcast_in_dim3A_490 = vector.shape_cast %reduce_sum3A_489 : vector<64xf32> to vector<64x1xf32>
    %max3A_491 = arith.constant 1.000000e-24 : f32
    %max3A_492 = vector.broadcast %max3A_491 : f32 to vector<64x1xf32>
    %max3A_493 = arith.maximumf %broadcast_in_dim3A_490, %max3A_492 : vector<64x1xf32>
    %rsqrt3A_494 = math.rsqrt %max3A_493 : vector<64x1xf32>
    %mul3A_495 = vector.broadcast %rsqrt3A_494 : vector<64x1xf32> to vector<64x64xf32>
    %mul3A_496 = arith.mulf %slice3A_485, %mul3A_495 : vector<64x64xf32>
    %get3A_497 = arith.constant 0 : index
    %get3A_498 = arith.constant 27 : index
    %get3A_499 = arith.constant 0 : index
    %get3A_500 = arith.constant 0 : index
    %get3A_501 = vector.load %arg2[%get3A_497, %get3A_498, %get3A_499, %get3A_500] : memref<1x32x64x128xf32, #tpu.memory_space<vmem>>, vector<1x1x64x128xf32>
    %get3A_502 = vector.shape_cast %get3A_501 : vector<1x1x64x128xf32> to vector<64x128xf32>
    %slice3A_503 = vector.extract_strided_slice %get3A_502 {offsets = [0, 0], sizes = [64, 64], strides = [1, 1]} : vector<64x128xf32> to vector<64x64xf32>
    %slice3A_504 = vector.extract_strided_slice %get3A_502 {offsets = [0, 64], sizes = [64, 64], strides = [1, 1]} : vector<64x128xf32> to vector<64x64xf32>
    %mul3A_505 = arith.mulf %slice3A_503, %slice3A_503 : vector<64x64xf32>
    %reduce_sum3A_506 = arith.constant dense<0.000000e+00> : vector<64xf32>
    %reduce_sum3A_507 = vector.multi_reduction <add>, %mul3A_505, %reduce_sum3A_506 [1] : vector<64x64xf32> to vector<64xf32>
    %broadcast_in_dim3A_508 = vector.shape_cast %reduce_sum3A_507 : vector<64xf32> to vector<64x1xf32>
    %max3A_509 = arith.constant 1.000000e-24 : f32
    %max3A_510 = vector.broadcast %max3A_509 : f32 to vector<64x1xf32>
    %max3A_511 = arith.maximumf %broadcast_in_dim3A_508, %max3A_510 : vector<64x1xf32>
    %rsqrt3A_512 = math.rsqrt %max3A_511 : vector<64x1xf32>
    %mul3A_513 = vector.broadcast %rsqrt3A_512 : vector<64x1xf32> to vector<64x64xf32>
    %mul3A_514 = arith.mulf %slice3A_503, %mul3A_513 : vector<64x64xf32>
    %get3A_515 = arith.constant 0 : index
    %get3A_516 = arith.constant 28 : index
    %get3A_517 = arith.constant 0 : index
    %get3A_518 = arith.constant 0 : index
    %get3A_519 = vector.load %arg2[%get3A_515, %get3A_516, %get3A_517, %get3A_518] : memref<1x32x64x128xf32, #tpu.memory_space<vmem>>, vector<1x1x64x128xf32>
    %get3A_520 = vector.shape_cast %get3A_519 : vector<1x1x64x128xf32> to vector<64x128xf32>
    %slice3A_521 = vector.extract_strided_slice %get3A_520 {offsets = [0, 0], sizes = [64, 64], strides = [1, 1]} : vector<64x128xf32> to vector<64x64xf32>
    %slice3A_522 = vector.extract_strided_slice %get3A_520 {offsets = [0, 64], sizes = [64, 64], strides = [1, 1]} : vector<64x128xf32> to vector<64x64xf32>
    %mul3A_523 = arith.mulf %slice3A_521, %slice3A_521 : vector<64x64xf32>
    %reduce_sum3A_524 = arith.constant dense<0.000000e+00> : vector<64xf32>
    %reduce_sum3A_525 = vector.multi_reduction <add>, %mul3A_523, %reduce_sum3A_524 [1] : vector<64x64xf32> to vector<64xf32>
    %broadcast_in_dim3A_526 = vector.shape_cast %reduce_sum3A_525 : vector<64xf32> to vector<64x1xf32>
    %max3A_527 = arith.constant 1.000000e-24 : f32
    %max3A_528 = vector.broadcast %max3A_527 : f32 to vector<64x1xf32>
    %max3A_529 = arith.maximumf %broadcast_in_dim3A_526, %max3A_528 : vector<64x1xf32>
    %rsqrt3A_530 = math.rsqrt %max3A_529 : vector<64x1xf32>
    %mul3A_531 = vector.broadcast %rsqrt3A_530 : vector<64x1xf32> to vector<64x64xf32>
    %mul3A_532 = arith.mulf %slice3A_521, %mul3A_531 : vector<64x64xf32>
    %get3A_533 = arith.constant 0 : index
    %get3A_534 = arith.constant 29 : index
    %get3A_535 = arith.constant 0 : index
    %get3A_536 = arith.constant 0 : index
    %get3A_537 = vector.load %arg2[%get3A_533, %get3A_534, %get3A_535, %get3A_536] : memref<1x32x64x128xf32, #tpu.memory_space<vmem>>, vector<1x1x64x128xf32>
    %get3A_538 = vector.shape_cast %get3A_537 : vector<1x1x64x128xf32> to vector<64x128xf32>
    %slice3A_539 = vector.extract_strided_slice %get3A_538 {offsets = [0, 0], sizes = [64, 64], strides = [1, 1]} : vector<64x128xf32> to vector<64x64xf32>
    %slice3A_540 = vector.extract_strided_slice %get3A_538 {offsets = [0, 64], sizes = [64, 64], strides = [1, 1]} : vector<64x128xf32> to vector<64x64xf32>
    %mul3A_541 = arith.mulf %slice3A_539, %slice3A_539 : vector<64x64xf32>
    %reduce_sum3A_542 = arith.constant dense<0.000000e+00> : vector<64xf32>
    %reduce_sum3A_543 = vector.multi_reduction <add>, %mul3A_541, %reduce_sum3A_542 [1] : vector<64x64xf32> to vector<64xf32>
    %broadcast_in_dim3A_544 = vector.shape_cast %reduce_sum3A_543 : vector<64xf32> to vector<64x1xf32>
    %max3A_545 = arith.constant 1.000000e-24 : f32
    %max3A_546 = vector.broadcast %max3A_545 : f32 to vector<64x1xf32>
    %max3A_547 = arith.maximumf %broadcast_in_dim3A_544, %max3A_546 : vector<64x1xf32>
    %rsqrt3A_548 = math.rsqrt %max3A_547 : vector<64x1xf32>
    %mul3A_549 = vector.broadcast %rsqrt3A_548 : vector<64x1xf32> to vector<64x64xf32>
    %mul3A_550 = arith.mulf %slice3A_539, %mul3A_549 : vector<64x64xf32>
    %get3A_551 = arith.constant 0 : index
    %get3A_552 = arith.constant 30 : index
    %get3A_553 = arith.constant 0 : index
    %get3A_554 = arith.constant 0 : index
    %get3A_555 = vector.load %arg2[%get3A_551, %get3A_552, %get3A_553, %get3A_554] : memref<1x32x64x128xf32, #tpu.memory_space<vmem>>, vector<1x1x64x128xf32>
    %get3A_556 = vector.shape_cast %get3A_555 : vector<1x1x64x128xf32> to vector<64x128xf32>
    %slice3A_557 = vector.extract_strided_slice %get3A_556 {offsets = [0, 0], sizes = [64, 64], strides = [1, 1]} : vector<64x128xf32> to vector<64x64xf32>
    %slice3A_558 = vector.extract_strided_slice %get3A_556 {offsets = [0, 64], sizes = [64, 64], strides = [1, 1]} : vector<64x128xf32> to vector<64x64xf32>
    %mul3A_559 = arith.mulf %slice3A_557, %slice3A_557 : vector<64x64xf32>
    %reduce_sum3A_560 = arith.constant dense<0.000000e+00> : vector<64xf32>
    %reduce_sum3A_561 = vector.multi_reduction <add>, %mul3A_559, %reduce_sum3A_560 [1] : vector<64x64xf32> to vector<64xf32>
    %broadcast_in_dim3A_562 = vector.shape_cast %reduce_sum3A_561 : vector<64xf32> to vector<64x1xf32>
    %max3A_563 = arith.constant 1.000000e-24 : f32
    %max3A_564 = vector.broadcast %max3A_563 : f32 to vector<64x1xf32>
    %max3A_565 = arith.maximumf %broadcast_in_dim3A_562, %max3A_564 : vector<64x1xf32>
    %rsqrt3A_566 = math.rsqrt %max3A_565 : vector<64x1xf32>
    %mul3A_567 = vector.broadcast %rsqrt3A_566 : vector<64x1xf32> to vector<64x64xf32>
    %mul3A_568 = arith.mulf %slice3A_557, %mul3A_567 : vector<64x64xf32>
    %get3A_569 = arith.constant 0 : index
    %get3A_570 = arith.constant 31 : index
    %get3A_571 = arith.constant 0 : index
    %get3A_572 = arith.constant 0 : index
    %get3A_573 = vector.load %arg2[%get3A_569, %get3A_570, %get3A_571, %get3A_572] : memref<1x32x64x128xf32, #tpu.memory_space<vmem>>, vector<1x1x64x128xf32>
    %get3A_574 = vector.shape_cast %get3A_573 : vector<1x1x64x128xf32> to vector<64x128xf32>
    %slice3A_575 = vector.extract_strided_slice %get3A_574 {offsets = [0, 0], sizes = [64, 64], strides = [1, 1]} : vector<64x128xf32> to vector<64x64xf32>
    %slice3A_576 = vector.extract_strided_slice %get3A_574 {offsets = [0, 64], sizes = [64, 64], strides = [1, 1]} : vector<64x128xf32> to vector<64x64xf32>
    %mul3A_577 = arith.mulf %slice3A_575, %slice3A_575 : vector<64x64xf32>
    %reduce_sum3A_578 = arith.constant dense<0.000000e+00> : vector<64xf32>
    %reduce_sum3A_579 = vector.multi_reduction <add>, %mul3A_577, %reduce_sum3A_578 [1] : vector<64x64xf32> to vector<64xf32>
    %broadcast_in_dim3A_580 = vector.shape_cast %reduce_sum3A_579 : vector<64xf32> to vector<64x1xf32>
    %max3A_581 = arith.constant 1.000000e-24 : f32
    %max3A_582 = vector.broadcast %max3A_581 : f32 to vector<64x1xf32>
    %max3A_583 = arith.maximumf %broadcast_in_dim3A_580, %max3A_582 : vector<64x1xf32>
    %rsqrt3A_584 = math.rsqrt %max3A_583 : vector<64x1xf32>
    %mul3A_585 = vector.broadcast %rsqrt3A_584 : vector<64x1xf32> to vector<64x64xf32>
    %mul3A_586 = arith.mulf %slice3A_575, %mul3A_585 : vector<64x64xf32>
    %concatenate3A = tpu.concatenate %mul3A_28, %mul3A_10 in 0 : vector<64x64xf32>, vector<64x64xf32> -> vector<128x64xf32>
    %concatenate3A_587 = tpu.concatenate %slice3A_18, %slice3A_5 in 0 : vector<64x64xf32>, vector<64x64xf32> -> vector<128x64xf32>
    %dot_general3A = arith.constant dense<0.000000e+00> : vector<64x128xf32>
    %dot_general3A_588 = tpu.matmul %slice3A_17, %concatenate3A, %dot_general3A {dimension_numbers = #tpu.dot_dimension_numbers<[1], [1], [0], [0], [0, 0, 1, 0], [], []>, transpose_lhs_hint = false} : vector<64x64xf32>, vector<128x64xf32>, vector<64x128xf32> -> vector<64x128xf32>
    %mul3A_589 = arith.constant 1.250000e-01 : f32
    %mul3A_590 = vector.broadcast %mul3A_589 : f32 to vector<64x128xf32>
    %mul3A_591 = arith.mulf %dot_general3A_588, %mul3A_590 : vector<64x128xf32>
    %get3A_592 = arith.constant 0 : index
    %get3A_593 = arith.constant 0 : index
    %get3A_594 = arith.constant 0 : index
    %get3A_595 = arith.constant 0 : index
    %get3A_596 = vector.load %arg4[%get3A_592, %get3A_593, %get3A_594, %get3A_595] : memref<1x32x64x1xi32, #tpu.memory_space<vmem>>, vector<1x1x64x1xi32>
    %get3A_597 = vector.shape_cast %get3A_596 : vector<1x1x64x1xi32> to vector<64x1xi32>
    %get3A_598 = arith.constant 0 : index
    %get3A_599 = arith.constant 0 : index
    %get3A_600 = arith.constant 0 : index
    %get3A_601 = arith.constant 0 : index
    %get3A_602 = vector.load %arg7[%get3A_598, %get3A_599, %get3A_600, %get3A_601] : memref<1x32x64x1xi32, #tpu.memory_space<vmem>>, vector<1x1x64x1xi32>
    %get3A_603 = vector.shape_cast %get3A_602 : vector<1x1x64x1xi32> to vector<64x1xi32>
    %get3A_604 = arith.constant 0 : index
    %get3A_605 = arith.constant 0 : index
    %get3A_606 = arith.constant 0 : index
    %get3A_607 = arith.constant 0 : index
    %get3A_608 = vector.load %arg6[%get3A_604, %get3A_605, %get3A_606, %get3A_607] : memref<1x1x1x64xi32, #tpu.memory_space<vmem>>, vector<1x1x1x64xi32>
    %get3A_609 = vector.shape_cast %get3A_608 : vector<1x1x1x64xi32> to vector<1x64xi32>
    %get3A_610 = arith.constant 0 : index
    %get3A_611 = arith.constant 0 : index
    %get3A_612 = arith.constant 0 : index
    %get3A_613 = arith.constant 0 : index
    %get3A_614 = vector.load %arg9[%get3A_610, %get3A_611, %get3A_612, %get3A_613] : memref<1x1x1x64xi32, #tpu.memory_space<vmem>>, vector<1x1x1x64xi32>
    %get3A_615 = vector.shape_cast %get3A_614 : vector<1x1x1x64xi32> to vector<1x64xi32>
    %get3A_616 = arith.constant 0 : index
    %get3A_617 = arith.constant 0 : index
    %get3A_618 = arith.constant 0 : index
    %get3A_619 = arith.constant 0 : index
    %get3A_620 = vector.load %arg5[%get3A_616, %get3A_617, %get3A_618, %get3A_619] : memref<1x32x1x64xi32, #tpu.memory_space<vmem>>, vector<1x1x1x64xi32>
    %get3A_621 = vector.shape_cast %get3A_620 : vector<1x1x1x64xi32> to vector<1x64xi32>
    %concatenate3A_622 = tpu.concatenate %get3A_621, %get3A_609 in 1 : vector<1x64xi32>, vector<1x64xi32> -> vector<1x128xi32>
    %get3A_623 = arith.constant 0 : index
    %get3A_624 = arith.constant 0 : index
    %get3A_625 = arith.constant 0 : index
    %get3A_626 = arith.constant 0 : index
    %get3A_627 = vector.load %arg8[%get3A_623, %get3A_624, %get3A_625, %get3A_626] : memref<1x32x1x64xi32, #tpu.memory_space<vmem>>, vector<1x1x1x64xi32>
    %get3A_628 = vector.shape_cast %get3A_627 : vector<1x1x1x64xi32> to vector<1x64xi32>
    %concatenate3A_629 = tpu.concatenate %get3A_628, %get3A_615 in 1 : vector<1x64xi32>, vector<1x64xi32> -> vector<1x128xi32>
    %ne3A = vector.broadcast %get3A_603 : vector<64x1xi32> to vector<64x128xi32>
    %ne3A_630 = vector.broadcast %concatenate3A_629 : vector<1x128xi32> to vector<64x128xi32>
    %ne3A_631 = arith.cmpi ne, %ne3A, %ne3A_630 : vector<64x128xi32>
    %eq3A = vector.broadcast %get3A_597 : vector<64x1xi32> to vector<64x128xi32>
    %eq3A_632 = vector.broadcast %concatenate3A_622 : vector<1x128xi32> to vector<64x128xi32>
    %eq3A_633 = arith.cmpi eq, %eq3A, %eq3A_632 : vector<64x128xi32>
    %jit3A = arith.constant -5.000000e+04 : f32
    %broadcast_in_dim3A_634 = vector.broadcast %jit3A : f32 to vector<64x128xf32>
    %select_n3A = arith.select %eq3A_633, %broadcast_in_dim3A_634, %mul3A_591 : vector<64x128xi1>, vector<64x128xf32>
    %jit3A_635 = arith.constant -3.40282347E+38 : f32
    %broadcast_in_dim3A_636 = vector.broadcast %jit3A_635 : f32 to vector<64x128xf32>
    %select_n3A_637 = arith.select %ne3A_631, %broadcast_in_dim3A_636, %select_n3A : vector<64x128xi1>, vector<64x128xf32>
    %reduce_max3A = arith.constant dense<0xFF800000> : vector<64xf32>
    %reduce_max3A_638 = vector.multi_reduction <maximumf>, %select_n3A_637, %reduce_max3A [1] : vector<64x128xf32> to vector<64xf32>
    %broadcast_in_dim3A_639 = vector.shape_cast %reduce_max3A_638 : vector<64xf32> to vector<64x1xf32>
    %sub3A = vector.broadcast %broadcast_in_dim3A_639 : vector<64x1xf32> to vector<64x128xf32>
    %sub3A_640 = arith.subf %select_n3A_637, %sub3A : vector<64x128xf32>
    %exp3A = math.exp %sub3A_640 : vector<64x128xf32>
    %reduce_sum3A_641 = arith.constant dense<0.000000e+00> : vector<64xf32>
    %reduce_sum3A_642 = vector.multi_reduction <add>, %exp3A, %reduce_sum3A_641 [1] : vector<64x128xf32> to vector<64xf32>
    %broadcast_in_dim3A_643 = vector.shape_cast %reduce_sum3A_642 : vector<64xf32> to vector<64x1xf32>
    %dot_general3A_644 = arith.constant dense<0.000000e+00> : vector<64x64xf32>
    %dot_general3A_645 = tpu.matmul %exp3A, %concatenate3A_587, %dot_general3A_644 {dimension_numbers = #tpu.dot_dimension_numbers<[1], [0], [0], [1], [0, 0, 1, 1], [], []>, transpose_lhs_hint = false} : vector<64x128xf32>, vector<128x64xf32>, vector<64x64xf32> -> vector<64x64xf32>
    %swap3A = arith.constant 0 : index
    %swap3A_646 = arith.constant 0 : index
    %swap3A_647 = arith.constant 0 : index
    %swap3A_648 = arith.constant 0 : index
    %swap3A_649 = vector.load %arg10[%swap3A, %swap3A_646, %swap3A_647, %swap3A_648] : memref<1x32x64x128xf32, #tpu.memory_space<vmem>>, vector<1x1x64x64xf32>
    %swap3A_650 = vector.shape_cast %swap3A_649 : vector<1x1x64x64xf32> to vector<64x64xf32>
    %swap3A_651 = vector.shape_cast %dot_general3A_645 : vector<64x64xf32> to vector<1x1x64x64xf32>
    tpu.vector_store %arg10[%swap3A, %swap3A_646, %swap3A_647, %swap3A_648], %swap3A_651 {strides = array<i32>} : memref<1x32x64x128xf32, #tpu.memory_space<vmem>>, vector<1x1x64x64xf32>,
    %swap3A_652 = arith.constant 0 : index
    %swap3A_653 = arith.constant 0 : index
    %swap3A_654 = arith.constant 0 : index
    %swap3A_655 = arith.constant 64 : index
    %swap3A_656 = vector.load %arg10[%swap3A_652, %swap3A_653, %swap3A_654, %swap3A_655] : memref<1x32x64x128xf32, #tpu.memory_space<vmem>>, vector<1x1x64x1xf32>
    %swap3A_657 = vector.shape_cast %swap3A_656 : vector<1x1x64x1xf32> to vector<64x1xf32>
    %swap3A_658 = vector.shape_cast %broadcast_in_dim3A_639 : vector<64x1xf32> to vector<1x1x64x1xf32>
    tpu.vector_store %arg10[%swap3A_652, %swap3A_653, %swap3A_654, %swap3A_655], %swap3A_658 {strides = array<i32>} : memref<1x32x64x128xf32, #tpu.memory_space<vmem>>, vector<1x1x64x1xf32>,
    %swap3A_659 = arith.constant 0 : index
    %swap3A_660 = arith.constant 0 : index
    %swap3A_661 = arith.constant 0 : index
    %swap3A_662 = arith.constant 65 : index
    %swap3A_663 = vector.load %arg10[%swap3A_659, %swap3A_660, %swap3A_661, %swap3A_662] : memref<1x32x64x128xf32, #tpu.memory_space<vmem>>, vector<1x1x64x1xf32>
    %swap3A_664 = vector.shape_cast %swap3A_663 : vector<1x1x64x1xf32> to vector<64x1xf32>
    %swap3A_665 = vector.shape_cast %broadcast_in_dim3A_643 : vector<64x1xf32> to vector<1x1x64x1xf32>
    tpu.vector_store %arg10[%swap3A_659, %swap3A_660, %swap3A_661, %swap3A_662], %swap3A_665 {strides = array<i32>} : memref<1x32x64x128xf32, #tpu.memory_space<vmem>>, vector<1x1x64x1xf32>,
    %concatenate3A_666 = tpu.concatenate %mul3A_46, %mul3A_28 in 0 : vector<64x64xf32>, vector<64x64xf32> -> vector<128x64xf32>
    %concatenate3A_667 = tpu.concatenate %slice3A_36, %slice3A_18 in 0 : vector<64x64xf32>, vector<64x64xf32> -> vector<128x64xf32>
    %dot_general3A_668 = arith.constant dense<0.000000e+00> : vector<64x128xf32>
    %dot_general3A_669 = tpu.matmul %slice3A_35, %concatenate3A_666, %dot_general3A_668 {dimension_numbers = #tpu.dot_dimension_numbers<[1], [1], [0], [0], [0, 0, 1, 0], [], []>, transpose_lhs_hint = false} : vector<64x64xf32>, vector<128x64xf32>, vector<64x128xf32> -> vector<64x128xf32>
    %mul3A_670 = arith.constant 1.250000e-01 : f32
    %mul3A_671 = vector.broadcast %mul3A_670 : f32 to vector<64x128xf32>
    %mul3A_672 = arith.mulf %dot_general3A_669, %mul3A_671 : vector<64x128xf32>
    %get3A_673 = arith.constant 0 : index
    %get3A_674 = arith.constant 1 : index
    %get3A_675 = arith.constant 0 : index
    %get3A_676 = arith.constant 0 : index
    %get3A_677 = vector.load %arg4[%get3A_673, %get3A_674, %get3A_675, %get3A_676] : memref<1x32x64x1xi32, #tpu.memory_space<vmem>>, vector<1x1x64x1xi32>
    %get3A_678 = vector.shape_cast %get3A_677 : vector<1x1x64x1xi32> to vector<64x1xi32>
    %get3A_679 = arith.constant 0 : index
    %get3A_680 = arith.constant 1 : index
    %get3A_681 = arith.constant 0 : index
    %get3A_682 = arith.constant 0 : index
    %get3A_683 = vector.load %arg7[%get3A_679, %get3A_680, %get3A_681, %get3A_682] : memref<1x32x64x1xi32, #tpu.memory_space<vmem>>, vector<1x1x64x1xi32>
    %get3A_684 = vector.shape_cast %get3A_683 : vector<1x1x64x1xi32> to vector<64x1xi32>
    %get3A_685 = arith.constant 0 : index
    %get3A_686 = arith.constant 0 : index
    %get3A_687 = arith.constant 0 : index
    %get3A_688 = arith.constant 0 : index
    %get3A_689 = vector.load %arg5[%get3A_685, %get3A_686, %get3A_687, %get3A_688] : memref<1x32x1x64xi32, #tpu.memory_space<vmem>>, vector<1x1x1x64xi32>
    %get3A_690 = vector.shape_cast %get3A_689 : vector<1x1x1x64xi32> to vector<1x64xi32>
    %get3A_691 = arith.constant 0 : index
    %get3A_692 = arith.constant 0 : index
    %get3A_693 = arith.constant 0 : index
    %get3A_694 = arith.constant 0 : index
    %get3A_695 = vector.load %arg8[%get3A_691, %get3A_692, %get3A_693, %get3A_694] : memref<1x32x1x64xi32, #tpu.memory_space<vmem>>, vector<1x1x1x64xi32>
    %get3A_696 = vector.shape_cast %get3A_695 : vector<1x1x1x64xi32> to vector<1x64xi32>
    %get3A_697 = arith.constant 0 : index
    %get3A_698 = arith.constant 1 : index
    %get3A_699 = arith.constant 0 : index
    %get3A_700 = arith.constant 0 : index
    %get3A_701 = vector.load %arg5[%get3A_697, %get3A_698, %get3A_699, %get3A_700] : memref<1x32x1x64xi32, #tpu.memory_space<vmem>>, vector<1x1x1x64xi32>
    %get3A_702 = vector.shape_cast %get3A_701 : vector<1x1x1x64xi32> to vector<1x64xi32>
    %concatenate3A_703 = tpu.concatenate %get3A_702, %get3A_690 in 1 : vector<1x64xi32>, vector<1x64xi32> -> vector<1x128xi32>
    %get3A_704 = arith.constant 0 : index
    %get3A_705 = arith.constant 1 : index
    %get3A_706 = arith.constant 0 : index
    %get3A_707 = arith.constant 0 : index
    %get3A_708 = vector.load %arg8[%get3A_704, %get3A_705, %get3A_706, %get3A_707] : memref<1x32x1x64xi32, #tpu.memory_space<vmem>>, vector<1x1x1x64xi32>
    %get3A_709 = vector.shape_cast %get3A_708 : vector<1x1x1x64xi32> to vector<1x64xi32>
    %concatenate3A_710 = tpu.concatenate %get3A_709, %get3A_696 in 1 : vector<1x64xi32>, vector<1x64xi32> -> vector<1x128xi32>
    %ne3A_711 = vector.broadcast %get3A_684 : vector<64x1xi32> to vector<64x128xi32>
    %ne3A_712 = vector.broadcast %concatenate3A_710 : vector<1x128xi32> to vector<64x128xi32>
    %ne3A_713 = arith.cmpi ne, %ne3A_711, %ne3A_712 : vector<64x128xi32>
    %eq3A_714 = vector.broadcast %get3A_678 : vector<64x1xi32> to vector<64x128xi32>
    %eq3A_715 = vector.broadcast %concatenate3A_703 : vector<1x128xi32> to vector<64x128xi32>
    %eq3A_716 = arith.cmpi eq, %eq3A_714, %eq3A_715 : vector<64x128xi32>
    %jit3A_717 = arith.constant -5.000000e+04 : f32
    %broadcast_in_dim3A_718 = vector.broadcast %jit3A_717 : f32 to vector<64x128xf32>
    %select_n3A_719 = arith.select %eq3A_716, %broadcast_in_dim3A_718, %mul3A_672 : vector<64x128xi1>, vector<64x128xf32>
    %jit3A_720 = arith.constant -3.40282347E+38 : f32
    %broadcast_in_dim3A_721 = vector.broadcast %jit3A_720 : f32 to vector<64x128xf32>
    %select_n3A_722 = arith.select %ne3A_713, %broadcast_in_dim3A_721, %select_n3A_719 : vector<64x128xi1>, vector<64x128xf32>
    %reduce_max3A_723 = arith.constant dense<0xFF800000> : vector<64xf32>
    %reduce_max3A_724 = vector.multi_reduction <maximumf>, %select_n3A_722, %reduce_max3A_723 [1] : vector<64x128xf32> to vector<64xf32>
    %broadcast_in_dim3A_725 = vector.shape_cast %reduce_max3A_724 : vector<64xf32> to vector<64x1xf32>
    %sub3A_726 = vector.broadcast %broadcast_in_dim3A_725 : vector<64x1xf32> to vector<64x128xf32>
    %sub3A_727 = arith.subf %select_n3A_722, %sub3A_726 : vector<64x128xf32>
    %exp3A_728 = math.exp %sub3A_727 : vector<64x128xf32>
    %reduce_sum3A_729 = arith.constant dense<0.000000e+00> : vector<64xf32>
    %reduce_sum3A_730 = vector.multi_reduction <add>, %exp3A_728, %reduce_sum3A_729 [1] : vector<64x128xf32> to vector<64xf32>
    %broadcast_in_dim3A_731 = vector.shape_cast %reduce_sum3A_730 : vector<64xf32> to vector<64x1xf32>
    %dot_general3A_732 = arith.constant dense<0.000000e+00> : vector<64x64xf32>
    %dot_general3A_733 = tpu.matmul %exp3A_728, %concatenate3A_667, %dot_general3A_732 {dimension_numbers = #tpu.dot_dimension_numbers<[1], [0], [0], [1], [0, 0, 1, 1], [], []>, transpose_lhs_hint = false} : vector<64x128xf32>, vector<128x64xf32>, vector<64x64xf32> -> vector<64x64xf32>
    %swap3A_734 = arith.constant 0 : index
    %swap3A_735 = arith.constant 1 : index
    %swap3A_736 = arith.constant 0 : index
    %swap3A_737 = arith.constant 0 : index
    %swap3A_738 = vector.load %arg10[%swap3A_734, %swap3A_735, %swap3A_736, %swap3A_737] : memref<1x32x64x128xf32, #tpu.memory_space<vmem>>, vector<1x1x64x64xf32>
    %swap3A_739 = vector.shape_cast %swap3A_738 : vector<1x1x64x64xf32> to vector<64x64xf32>
    %swap3A_740 = vector.shape_cast %dot_general3A_733 : vector<64x64xf32> to vector<1x1x64x64xf32>
    tpu.vector_store %arg10[%swap3A_734, %swap3A_735, %swap3A_736, %swap3A_737], %swap3A_740 {strides = array<i32>} : memref<1x32x64x128xf32, #tpu.memory_space<vmem>>, vector<1x1x64x64xf32>,
    %swap3A_741 = arith.constant 0 : index
    %swap3A_742 = arith.constant 1 : index
    %swap3A_743 = arith.constant 0 : index
    %swap3A_744 = arith.constant 64 : index
    %swap3A_745 = vector.load %arg10[%swap3A_741, %swap3A_742, %swap3A_743, %swap3A_744] : memref<1x32x64x128xf32, #tpu.memory_space<vmem>>, vector<1x1x64x1xf32>
    %swap3A_746 = vector.shape_cast %swap3A_745 : vector<1x1x64x1xf32> to vector<64x1xf32>
    %swap3A_747 = vector.shape_cast %broadcast_in_dim3A_725 : vector<64x1xf32> to vector<1x1x64x1xf32>
    tpu.vector_store %arg10[%swap3A_741, %swap3A_742, %swap3A_743, %swap3A_744], %swap3A_747 {strides = array<i32>} : memref<1x32x64x128xf32, #tpu.memory_space<vmem>>, vector<1x1x64x1xf32>,
    %swap3A_748 = arith.constant 0 : index
    %swap3A_749 = arith.constant 1 : index
    %swap3A_750 = arith.constant 0 : index
    %swap3A_751 = arith.constant 65 : index
    %swap3A_752 = vector.load %arg10[%swap3A_748, %swap3A_749, %swap3A_750, %swap3A_751] : memref<1x32x64x128xf32, #tpu.memory_space<vmem>>, vector<1x1x64x1xf32>
    %swap3A_753 = vector.shape_cast %swap3A_752 : vector<1x1x64x1xf32> to vector<64x1xf32>
    %swap3A_754 = vector.shape_cast %broadcast_in_dim3A_731 : vector<64x1xf32> to vector<1x1x64x1xf32>
    tpu.vector_store %arg10[%swap3A_748, %swap3A_749, %swap3A_750, %swap3A_751], %swap3A_754 {strides = array<i32>} : memref<1x32x64x128xf32, #tpu.memory_space<vmem>>, vector<1x1x64x1xf32>,
    %concatenate3A_755 = tpu.concatenate %mul3A_64, %mul3A_46 in 0 : vector<64x64xf32>, vector<64x64xf32> -> vector<128x64xf32>
    %concatenate3A_756 = tpu.concatenate %slice3A_54, %slice3A_36 in 0 : vector<64x64xf32>, vector<64x64xf32> -> vector<128x64xf32>
    %dot_general3A_757 = arith.constant dense<0.000000e+00> : vector<64x128xf32>
    %dot_general3A_758 = tpu.matmul %slice3A_53, %concatenate3A_755, %dot_general3A_757 {dimension_numbers = #tpu.dot_dimension_numbers<[1], [1], [0], [0], [0, 0, 1, 0], [], []>, transpose_lhs_hint = false} : vector<64x64xf32>, vector<128x64xf32>, vector<64x128xf32> -> vector<64x128xf32>
    %mul3A_759 = arith.constant 1.250000e-01 : f32
    %mul3A_760 = vector.broadcast %mul3A_759 : f32 to vector<64x128xf32>
    %mul3A_761 = arith.mulf %dot_general3A_758, %mul3A_760 : vector<64x128xf32>
    %get3A_762 = arith.constant 0 : index
    %get3A_763 = arith.constant 2 : index
    %get3A_764 = arith.constant 0 : index
    %get3A_765 = arith.constant 0 : index
    %get3A_766 = vector.load %arg4[%get3A_762, %get3A_763, %get3A_764, %get3A_765] : memref<1x32x64x1xi32, #tpu.memory_space<vmem>>, vector<1x1x64x1xi32>
    %get3A_767 = vector.shape_cast %get3A_766 : vector<1x1x64x1xi32> to vector<64x1xi32>
    %get3A_768 = arith.constant 0 : index
    %get3A_769 = arith.constant 2 : index
    %get3A_770 = arith.constant 0 : index
    %get3A_771 = arith.constant 0 : index
    %get3A_772 = vector.load %arg7[%get3A_768, %get3A_769, %get3A_770, %get3A_771] : memref<1x32x64x1xi32, #tpu.memory_space<vmem>>, vector<1x1x64x1xi32>
    %get3A_773 = vector.shape_cast %get3A_772 : vector<1x1x64x1xi32> to vector<64x1xi32>
    %get3A_774 = arith.constant 0 : index
    %get3A_775 = arith.constant 1 : index
    %get3A_776 = arith.constant 0 : index
    %get3A_777 = arith.constant 0 : index
    %get3A_778 = vector.load %arg5[%get3A_774, %get3A_775, %get3A_776, %get3A_777] : memref<1x32x1x64xi32, #tpu.memory_space<vmem>>, vector<1x1x1x64xi32>
    %get3A_779 = vector.shape_cast %get3A_778 : vector<1x1x1x64xi32> to vector<1x64xi32>
    %get3A_780 = arith.constant 0 : index
    %get3A_781 = arith.constant 1 : index
    %get3A_782 = arith.constant 0 : index
    %get3A_783 = arith.constant 0 : index
    %get3A_784 = vector.load %arg8[%get3A_780, %get3A_781, %get3A_782, %get3A_783] : memref<1x32x1x64xi32, #tpu.memory_space<vmem>>, vector<1x1x1x64xi32>
    %get3A_785 = vector.shape_cast %get3A_784 : vector<1x1x1x64xi32> to vector<1x64xi32>
    %get3A_786 = arith.constant 0 : index
    %get3A_787 = arith.constant 2 : index
    %get3A_788 = arith.constant 0 : index
    %get3A_789 = arith.constant 0 : index
    %get3A_790 = vector.load %arg5[%get3A_786, %get3A_787, %get3A_788, %get3A_789] : memref<1x32x1x64xi32, #tpu.memory_space<vmem>>, vector<1x1x1x64xi32>
    %get3A_791 = vector.shape_cast %get3A_790 : vector<1x1x1x64xi32> to vector<1x64xi32>
    %concatenate3A_792 = tpu.concatenate %get3A_791, %get3A_779 in 1 : vector<1x64xi32>, vector<1x64xi32> -> vector<1x128xi32>
    %get3A_793 = arith.constant 0 : index
    %get3A_794 = arith.constant 2 : index
    %get3A_795 = arith.constant 0 : index
    %get3A_796 = arith.constant 0 : index
    %get3A_797 = vector.load %arg8[%get3A_793, %get3A_794, %get3A_795, %get3A_796] : memref<1x32x1x64xi32, #tpu.memory_space<vmem>>, vector<1x1x1x64xi32>
    %get3A_798 = vector.shape_cast %get3A_797 : vector<1x1x1x64xi32> to vector<1x64xi32>
    %concatenate3A_799 = tpu.concatenate %get3A_798, %get3A_785 in 1 : vector<1x64xi32>, vector<1x64xi32> -> vector<1x128xi32>
    %ne3A_800 = vector.broadcast %get3A_773 : vector<64x1xi32> to vector<64x128xi32>
    %ne3A_801 = vector.broadcast %concatenate3A_799 : vector<1x128xi32> to vector<64x128xi32>
    %ne3A_802 = arith.cmpi ne, %ne3A_800, %ne3A_801 : vector<64x128xi32>
    %eq3A_803 = vector.broadcast %get3A_767 : vector<64x1xi32> to vector<64x128xi32>
    %eq3A_804 = vector.broadcast %concatenate3A_792 : vector<1x128xi32> to vector<64x128xi32>
    %eq3A_805 = arith.cmpi eq, %eq3A_803, %eq3A_804 : vector<64x128xi32>
    %jit3A_806 = arith.constant -5.000000e+04 : f32
    %broadcast_in_dim3A_807 = vector.broadcast %jit3A_806 : f32 to vector<64x128xf32>
    %select_n3A_808 = arith.select %eq3A_805, %broadcast_in_dim3A_807, %mul3A_761 : vector<64x128xi1>, vector<64x128xf32>
    %jit3A_809 = arith.constant -3.40282347E+38 : f32
    %broadcast_in_dim3A_810 = vector.broadcast %jit3A_809 : f32 to vector<64x128xf32>
    %select_n3A_811 = arith.select %ne3A_802, %broadcast_in_dim3A_810, %select_n3A_808 : vector<64x128xi1>, vector<64x128xf32>
    %reduce_max3A_812 = arith.constant dense<0xFF800000> : vector<64xf32>
    %reduce_max3A_813 = vector.multi_reduction <maximumf>, %select_n3A_811, %reduce_max3A_812 [1] : vector<64x128xf32> to vector<64xf32>
    %broadcast_in_dim3A_814 = vector.shape_cast %reduce_max3A_813 : vector<64xf32> to vector<64x1xf32>
    %sub3A_815 = vector.broadcast %broadcast_in_dim3A_814 : vector<64x1xf32> to vector<64x128xf32>
    %sub3A_816 = arith.subf %select_n3A_811, %sub3A_815 : vector<64x128xf32>
    %exp3A_817 = math.exp %sub3A_816 : vector<64x128xf32>
    %reduce_sum3A_818 = arith.constant dense<0.000000e+00> : vector<64xf32>
    %reduce_sum3A_819 = vector.multi_reduction <add>, %exp3A_817, %reduce_sum3A_818 [1] : vector<64x128xf32> to vector<64xf32>
    %broadcast_in_dim3A_820 = vector.shape_cast %reduce_sum3A_819 : vector<64xf32> to vector<64x1xf32>
    %dot_general3A_821 = arith.constant dense<0.000000e+00> : vector<64x64xf32>
    %dot_general3A_822 = tpu.matmul %exp3A_817, %concatenate3A_756, %dot_general3A_821 {dimension_numbers = #tpu.dot_dimension_numbers<[1], [0], [0], [1], [0, 0, 1, 1], [], []>, transpose_lhs_hint = false} : vector<64x128xf32>, vector<128x64xf32>, vector<64x64xf32> -> vector<64x64xf32>
    %swap3A_823 = arith.constant 0 : index
    %swap3A_824 = arith.constant 2 : index
    %swap3A_825 = arith.constant 0 : index
    %swap3A_826 = arith.constant 0 : index
    %swap3A_827 = vector.load %arg10[%swap3A_823, %swap3A_824, %swap3A_825, %swap3A_826] : memref<1x32x64x128xf32, #tpu.memory_space<vmem>>, vector<1x1x64x64xf32>
    %swap3A_828 = vector.shape_cast %swap3A_827 : vector<1x1x64x64xf32> to vector<64x64xf32>
    %swap3A_829 = vector.shape_cast %dot_general3A_822 : vector<64x64xf32> to vector<1x1x64x64xf32>
    tpu.vector_store %arg10[%swap3A_823, %swap3A_824, %swap3A_825, %swap3A_826], %swap3A_829 {strides = array<i32>} : memref<1x32x64x128xf32, #tpu.memory_space<vmem>>, vector<1x1x64x64xf32>,
    %swap3A_830 = arith.constant 0 : index
    %swap3A_831 = arith.constant 2 : index
    %swap3A_832 = arith.constant 0 : index
    %swap3A_833 = arith.constant 64 : index
    %swap3A_834 = vector.load %arg10[%swap3A_830, %swap3A_831, %swap3A_832, %swap3A_833] : memref<1x32x64x128xf32, #tpu.memory_space<vmem>>, vector<1x1x64x1xf32>
    %swap3A_835 = vector.shape_cast %swap3A_834 : vector<1x1x64x1xf32> to vector<64x1xf32>
    %swap3A_836 = vector.shape_cast %broadcast_in_dim3A_814 : vector<64x1xf32> to vector<1x1x64x1xf32>
    tpu.vector_store %arg10[%swap3A_830, %swap3A_831, %swap3A_832, %swap3A_833], %swap3A_836 {strides = array<i32>} : memref<1x32x64x128xf32, #tpu.memory_space<vmem>>, vector<1x1x64x1xf32>,
    %swap3A_837 = arith.constant 0 : index
    %swap3A_838 = arith.constant 2 : index
    %swap3A_839 = arith.constant 0 : index
    %swap3A_840 = arith.constant 65 : index
    %swap3A_841 = vector.load %arg10[%swap3A_837, %swap3A_838, %swap3A_839, %swap3A_840] : memref<1x32x64x128xf32, #tpu.memory_space<vmem>>, vector<1x1x64x1xf32>
    %swap3A_842 = vector.shape_cast %swap3A_841 : vector<1x1x64x1xf32> to vector<64x1xf32>
    %swap3A_843 = vector.shape_cast %broadcast_in_dim3A_820 : vector<64x1xf32> to vector<1x1x64x1xf32>
    tpu.vector_store %arg10[%swap3A_837, %swap3A_838, %swap3A_839, %swap3A_840], %swap3A_843 {strides = array<i32>} : memref<1x32x64x128xf32, #tpu.memory_space<vmem>>, vector<1x1x64x1xf32>,
    %concatenate3A_844 = tpu.concatenate %mul3A_82, %mul3A_64 in 0 : vector<64x64xf32>, vector<64x64xf32> -> vector<128x64xf32>
    %concatenate3A_845 = tpu.concatenate %slice3A_72, %slice3A_54 in 0 : vector<64x64xf32>, vector<64x64xf32> -> vector<128x64xf32>
    %dot_general3A_846 = arith.constant dense<0.000000e+00> : vector<64x128xf32>
    %dot_general3A_847 = tpu.matmul %slice3A_71, %concatenate3A_844, %dot_general3A_846 {dimension_numbers = #tpu.dot_dimension_numbers<[1], [1], [0], [0], [0, 0, 1, 0], [], []>, transpose_lhs_hint = false} : vector<64x64xf32>, vector<128x64xf32>, vector<64x128xf32> -> vector<64x128xf32>
    %mul3A_848 = arith.constant 1.250000e-01 : f32
    %mul3A_849 = vector.broadcast %mul3A_848 : f32 to vector<64x128xf32>
    %mul3A_850 = arith.mulf %dot_general3A_847, %mul3A_849 : vector<64x128xf32>
    %get3A_851 = arith.constant 0 : index
    %get3A_852 = arith.constant 3 : index
    %get3A_853 = arith.constant 0 : index
    %get3A_854 = arith.constant 0 : index
    %get3A_855 = vector.load %arg4[%get3A_851, %get3A_852, %get3A_853, %get3A_854] : memref<1x32x64x1xi32, #tpu.memory_space<vmem>>, vector<1x1x64x1xi32>
    %get3A_856 = vector.shape_cast %get3A_855 : vector<1x1x64x1xi32> to vector<64x1xi32>
    %get3A_857 = arith.constant 0 : index
    %get3A_858 = arith.constant 3 : index
    %get3A_859 = arith.constant 0 : index
    %get3A_860 = arith.constant 0 : index
    %get3A_861 = vector.load %arg7[%get3A_857, %get3A_858, %get3A_859, %get3A_860] : memref<1x32x64x1xi32, #tpu.memory_space<vmem>>, vector<1x1x64x1xi32>
    %get3A_862 = vector.shape_cast %get3A_861 : vector<1x1x64x1xi32> to vector<64x1xi32>
    %get3A_863 = arith.constant 0 : index
    %get3A_864 = arith.constant 2 : index
    %get3A_865 = arith.constant 0 : index
    %get3A_866 = arith.constant 0 : index
    %get3A_867 = vector.load %arg5[%get3A_863, %get3A_864, %get3A_865, %get3A_866] : memref<1x32x1x64xi32, #tpu.memory_space<vmem>>, vector<1x1x1x64xi32>
    %get3A_868 = vector.shape_cast %get3A_867 : vector<1x1x1x64xi32> to vector<1x64xi32>
    %get3A_869 = arith.constant 0 : index
    %get3A_870 = arith.constant 2 : index
    %get3A_871 = arith.constant 0 : index
    %get3A_872 = arith.constant 0 : index
    %get3A_873 = vector.load %arg8[%get3A_869, %get3A_870, %get3A_871, %get3A_872] : memref<1x32x1x64xi32, #tpu.memory_space<vmem>>, vector<1x1x1x64xi32>
    %get3A_874 = vector.shape_cast %get3A_873 : vector<1x1x1x64xi32> to vector<1x64xi32>
    %get3A_875 = arith.constant 0 : index
    %get3A_876 = arith.constant 3 : index
    %get3A_877 = arith.constant 0 : index
    %get3A_878 = arith.constant 0 : index
    %get3A_879 = vector.load %arg5[%get3A_875, %get3A_876, %get3A_877, %get3A_878] : memref<1x32x1x64xi32, #tpu.memory_space<vmem>>, vector<1x1x1x64xi32>
    %get3A_880 = vector.shape_cast %get3A_879 : vector<1x1x1x64xi32> to vector<1x64xi32>
    %concatenate3A_881 = tpu.concatenate %get3A_880, %get3A_868 in 1 : vector<1x64xi32>, vector<1x64xi32> -> vector<1x128xi32>
    %get3A_882 = arith.constant 0 : index
    %get3A_883 = arith.constant 3 : index
    %get3A_884 = arith.constant 0 : index
    %get3A_885 = arith.constant 0 : index
    %get3A_886 = vector.load %arg8[%get3A_882, %get3A_883, %get3A_884, %get3A_885] : memref<1x32x1x64xi32, #tpu.memory_space<vmem>>, vector<1x1x1x64xi32>
    %get3A_887 = vector.shape_cast %get3A_886 : vector<1x1x1x64xi32> to vector<1x64xi32>
    %concatenate3A_888 = tpu.concatenate %get3A_887, %get3A_874 in 1 : vector<1x64xi32>, vector<1x64xi32> -> vector<1x128xi32>
    %ne3A_889 = vector.broadcast %get3A_862 : vector<64x1xi32> to vector<64x128xi32>
    %ne3A_890 = vector.broadcast %concatenate3A_888 : vector<1x128xi32> to vector<64x128xi32>
    %ne3A_891 = arith.cmpi ne, %ne3A_889, %ne3A_890 : vector<64x128xi32>
    %eq3A_892 = vector.broadcast %get3A_856 : vector<64x1xi32> to vector<64x128xi32>
    %eq3A_893 = vector.broadcast %concatenate3A_881 : vector<1x128xi32> to vector<64x128xi32>
    %eq3A_894 = arith.cmpi eq, %eq3A_892, %eq3A_893 : vector<64x128xi32>
    %jit3A_895 = arith.constant -5.000000e+04 : f32
    %broadcast_in_dim3A_896 = vector.broadcast %jit3A_895 : f32 to vector<64x128xf32>
    %select_n3A_897 = arith.select %eq3A_894, %broadcast_in_dim3A_896, %mul3A_850 : vector<64x128xi1>, vector<64x128xf32>
    %jit3A_898 = arith.constant -3.40282347E+38 : f32
    %broadcast_in_dim3A_899 = vector.broadcast %jit3A_898 : f32 to vector<64x128xf32>
    %select_n3A_900 = arith.select %ne3A_891, %broadcast_in_dim3A_899, %select_n3A_897 : vector<64x128xi1>, vector<64x128xf32>
    %reduce_max3A_901 = arith.constant dense<0xFF800000> : vector<64xf32>
    %reduce_max3A_902 = vector.multi_reduction <maximumf>, %select_n3A_900, %reduce_max3A_901 [1] : vector<64x128xf32> to vector<64xf32>
    %broadcast_in_dim3A_903 = vector.shape_cast %reduce_max3A_902 : vector<64xf32> to vector<64x1xf32>
    %sub3A_904 = vector.broadcast %broadcast_in_dim3A_903 : vector<64x1xf32> to vector<64x128xf32>
    %sub3A_905 = arith.subf %select_n3A_900, %sub3A_904 : vector<64x128xf32>
    %exp3A_906 = math.exp %sub3A_905 : vector<64x128xf32>
    %reduce_sum3A_907 = arith.constant dense<0.000000e+00> : vector<64xf32>
    %reduce_sum3A_908 = vector.multi_reduction <add>, %exp3A_906, %reduce_sum3A_907 [1] : vector<64x128xf32> to vector<64xf32>
    %broadcast_in_dim3A_909 = vector.shape_cast %reduce_sum3A_908 : vector<64xf32> to vector<64x1xf32>
    %dot_general3A_910 = arith.constant dense<0.000000e+00> : vector<64x64xf32>
    %dot_general3A_911 = tpu.matmul %exp3A_906, %concatenate3A_845, %dot_general3A_910 {dimension_numbers = #tpu.dot_dimension_numbers<[1], [0], [0], [1], [0, 0, 1, 1], [], []>, transpose_lhs_hint = false} : vector<64x128xf32>, vector<128x64xf32>, vector<64x64xf32> -> vector<64x64xf32>
    %swap3A_912 = arith.constant 0 : index
    %swap3A_913 = arith.constant 3 : index
    %swap3A_914 = arith.constant 0 : index
    %swap3A_915 = arith.constant 0 : index
    %swap3A_916 = vector.load %arg10[%swap3A_912, %swap3A_913, %swap3A_914, %swap3A_915] : memref<1x32x64x128xf32, #tpu.memory_space<vmem>>, vector<1x1x64x64xf32>
    %swap3A_917 = vector.shape_cast %swap3A_916 : vector<1x1x64x64xf32> to vector<64x64xf32>
    %swap3A_918 = vector.shape_cast %dot_general3A_911 : vector<64x64xf32> to vector<1x1x64x64xf32>
    tpu.vector_store %arg10[%swap3A_912, %swap3A_913, %swap3A_914, %swap3A_915], %swap3A_918 {strides = array<i32>} : memref<1x32x64x128xf32, #tpu.memory_space<vmem>>, vector<1x1x64x64xf32>,
    %swap3A_919 = arith.constant 0 : index
    %swap3A_920 = arith.constant 3 : index
    %swap3A_921 = arith.constant 0 : index
    %swap3A_922 = arith.constant 64 : index
    %swap3A_923 = vector.load %arg10[%swap3A_919, %swap3A_920, %swap3A_921, %swap3A_922] : memref<1x32x64x128xf32, #tpu.memory_space<vmem>>, vector<1x1x64x1xf32>
    %swap3A_924 = vector.shape_cast %swap3A_923 : vector<1x1x64x1xf32> to vector<64x1xf32>
    %swap3A_925 = vector.shape_cast %broadcast_in_dim3A_903 : vector<64x1xf32> to vector<1x1x64x1xf32>
    tpu.vector_store %arg10[%swap3A_919, %swap3A_920, %swap3A_921, %swap3A_922], %swap3A_925 {strides = array<i32>} : memref<1x32x64x128xf32, #tpu.memory_space<vmem>>, vector<1x1x64x1xf32>,
    %swap3A_926 = arith.constant 0 : index
    %swap3A_927 = arith.constant 3 : index
    %swap3A_928 = arith.constant 0 : index
    %swap3A_929 = arith.constant 65 : index
    %swap3A_930 = vector.load %arg10[%swap3A_926, %swap3A_927, %swap3A_928, %swap3A_929] : memref<1x32x64x128xf32, #tpu.memory_space<vmem>>, vector<1x1x64x1xf32>
    %swap3A_931 = vector.shape_cast %swap3A_930 : vector<1x1x64x1xf32> to vector<64x1xf32>
    %swap3A_932 = vector.shape_cast %broadcast_in_dim3A_909 : vector<64x1xf32> to vector<1x1x64x1xf32>
    tpu.vector_store %arg10[%swap3A_926, %swap3A_927, %swap3A_928, %swap3A_929], %swap3A_932 {strides = array<i32>} : memref<1x32x64x128xf32, #tpu.memory_space<vmem>>, vector<1x1x64x1xf32>,
    %concatenate3A_933 = tpu.concatenate %mul3A_100, %mul3A_82 in 0 : vector<64x64xf32>, vector<64x64xf32> -> vector<128x64xf32>
    %concatenate3A_934 = tpu.concatenate %slice3A_90, %slice3A_72 in 0 : vector<64x64xf32>, vector<64x64xf32> -> vector<128x64xf32>
    %dot_general3A_935 = arith.constant dense<0.000000e+00> : vector<64x128xf32>
    %dot_general3A_936 = tpu.matmul %slice3A_89, %concatenate3A_933, %dot_general3A_935 {dimension_numbers = #tpu.dot_dimension_numbers<[1], [1], [0], [0], [0, 0, 1, 0], [], []>, transpose_lhs_hint = false} : vector<64x64xf32>, vector<128x64xf32>, vector<64x128xf32> -> vector<64x128xf32>
    %mul3A_937 = arith.constant 1.250000e-01 : f32
    %mul3A_938 = vector.broadcast %mul3A_937 : f32 to vector<64x128xf32>
    %mul3A_939 = arith.mulf %dot_general3A_936, %mul3A_938 : vector<64x128xf32>
    %get3A_940 = arith.constant 0 : index
    %get3A_941 = arith.constant 4 : index
    %get3A_942 = arith.constant 0 : index
    %get3A_943 = arith.constant 0 : index
    %get3A_944 = vector.load %arg4[%get3A_940, %get3A_941, %get3A_942, %get3A_943] : memref<1x32x64x1xi32, #tpu.memory_space<vmem>>, vector<1x1x64x1xi32>
    %get3A_945 = vector.shape_cast %get3A_944 : vector<1x1x64x1xi32> to vector<64x1xi32>
    %get3A_946 = arith.constant 0 : index
    %get3A_947 = arith.constant 4 : index
    %get3A_948 = arith.constant 0 : index
    %get3A_949 = arith.constant 0 : index
    %get3A_950 = vector.load %arg7[%get3A_946, %get3A_947, %get3A_948, %get3A_949] : memref<1x32x64x1xi32, #tpu.memory_space<vmem>>, vector<1x1x64x1xi32>
    %get3A_951 = vector.shape_cast %get3A_950 : vector<1x1x64x1xi32> to vector<64x1xi32>
    %get3A_952 = arith.constant 0 : index
    %get3A_953 = arith.constant 3 : index
    %get3A_954 = arith.constant 0 : index
    %get3A_955 = arith.constant 0 : index
    %get3A_956 = vector.load %arg5[%get3A_952, %get3A_953, %get3A_954, %get3A_955] : memref<1x32x1x64xi32, #tpu.memory_space<vmem>>, vector<1x1x1x64xi32>
    %get3A_957 = vector.shape_cast %get3A_956 : vector<1x1x1x64xi32> to vector<1x64xi32>
    %get3A_958 = arith.constant 0 : index
    %get3A_959 = arith.constant 3 : index
    %get3A_960 = arith.constant 0 : index
    %get3A_961 = arith.constant 0 : index
    %get3A_962 = vector.load %arg8[%get3A_958, %get3A_959, %get3A_960, %get3A_961] : memref<1x32x1x64xi32, #tpu.memory_space<vmem>>, vector<1x1x1x64xi32>
    %get3A_963 = vector.shape_cast %get3A_962 : vector<1x1x1x64xi32> to vector<1x64xi32>
    %get3A_964 = arith.constant 0 : index
    %get3A_965 = arith.constant 4 : index
    %get3A_966 = arith.constant 0 : index
    %get3A_967 = arith.constant 0 : index
    %get3A_968 = vector.load %arg5[%get3A_964, %get3A_965, %get3A_966, %get3A_967] : memref<1x32x1x64xi32, #tpu.memory_space<vmem>>, vector<1x1x1x64xi32>
    %get3A_969 = vector.shape_cast %get3A_968 : vector<1x1x1x64xi32> to vector<1x64xi32>
    %concatenate3A_970 = tpu.concatenate %get3A_969, %get3A_957 in 1 : vector<1x64xi32>, vector<1x64xi32> -> vector<1x128xi32>
    %get3A_971 = arith.constant 0 : index
    %get3A_972 = arith.constant 4 : index
    %get3A_973 = arith.constant 0 : index
    %get3A_974 = arith.constant 0 : index
    %get3A_975 = vector.load %arg8[%get3A_971, %get3A_972, %get3A_973, %get3A_974] : memref<1x32x1x64xi32, #tpu.memory_space<vmem>>, vector<1x1x1x64xi32>
    %get3A_976 = vector.shape_cast %get3A_975 : vector<1x1x1x64xi32> to vector<1x64xi32>
    %concatenate3A_977 = tpu.concatenate %get3A_976, %get3A_963 in 1 : vector<1x64xi32>, vector<1x64xi32> -> vector<1x128xi32>
    %ne3A_978 = vector.broadcast %get3A_951 : vector<64x1xi32> to vector<64x128xi32>
    %ne3A_979 = vector.broadcast %concatenate3A_977 : vector<1x128xi32> to vector<64x128xi32>
    %ne3A_980 = arith.cmpi ne, %ne3A_978, %ne3A_979 : vector<64x128xi32>
    %eq3A_981 = vector.broadcast %get3A_945 : vector<64x1xi32> to vector<64x128xi32>
    %eq3A_982 = vector.broadcast %concatenate3A_970 : vector<1x128xi32> to vector<64x128xi32>
    %eq3A_983 = arith.cmpi eq, %eq3A_981, %eq3A_982 : vector<64x128xi32>
    %jit3A_984 = arith.constant -5.000000e+04 : f32
    %broadcast_in_dim3A_985 = vector.broadcast %jit3A_984 : f32 to vector<64x128xf32>
    %select_n3A_986 = arith.select %eq3A_983, %broadcast_in_dim3A_985, %mul3A_939 : vector<64x128xi1>, vector<64x128xf32>
    %jit3A_987 = arith.constant -3.40282347E+38 : f32
    %broadcast_in_dim3A_988 = vector.broadcast %jit3A_987 : f32 to vector<64x128xf32>
    %select_n3A_989 = arith.select %ne3A_980, %broadcast_in_dim3A_988, %select_n3A_986 : vector<64x128xi1>, vector<64x128xf32>
    %reduce_max3A_990 = arith.constant dense<0xFF800000> : vector<64xf32>
    %reduce_max3A_991 = vector.multi_reduction <maximumf>, %select_n3A_989, %reduce_max3A_990 [1] : vector<64x128xf32> to vector<64xf32>
    %broadcast_in_dim3A_992 = vector.shape_cast %reduce_max3A_991 : vector<64xf32> to vector<64x1xf32>
    %sub3A_993 = vector.broadcast %broadcast_in_dim3A_992 : vector<64x1xf32> to vector<64x128xf32>
    %sub3A_994 = arith.subf %select_n3A_989, %sub3A_993 : vector<64x128xf32>
    %exp3A_995 = math.exp %sub3A_994 : vector<64x128xf32>
    %reduce_sum3A_996 = arith.constant dense<0.000000e+00> : vector<64xf32>
    %reduce_sum3A_997 = vector.multi_reduction <add>, %exp3A_995, %reduce_sum3A_996 [1] : vector<64x128xf32> to vector<64xf32>
    %broadcast_in_dim3A_998 = vector.shape_cast %reduce_sum3A_997 : vector<64xf32> to vector<64x1xf32>
    %dot_general3A_999 = arith.constant dense<0.000000e+00> : vector<64x64xf32>
    %dot_general3A_1000 = tpu.matmul %exp3A_995, %concatenate3A_934, %dot_general3A_999 {dimension_numbers = #tpu.dot_dimension_numbers<[1], [0], [0], [1], [0, 0, 1, 1], [], []>, transpose_lhs_hint = false} : vector<64x128xf32>, vector<128x64xf32>, vector<64x64xf32> -> vector<64x64xf32>
    %swap3A_1001 = arith.constant 0 : index
    %swap3A_1002 = arith.constant 4 : index
    %swap3A_1003 = arith.constant 0 : index
    %swap3A_1004 = arith.constant 0 : index
    %swap3A_1005 = vector.load %arg10[%swap3A_1001, %swap3A_1002, %swap3A_1003, %swap3A_1004] : memref<1x32x64x128xf32, #tpu.memory_space<vmem>>, vector<1x1x64x64xf32>
    %swap3A_1006 = vector.shape_cast %swap3A_1005 : vector<1x1x64x64xf32> to vector<64x64xf32>
    %swap3A_1007 = vector.shape_cast %dot_general3A_1000 : vector<64x64xf32> to vector<1x1x64x64xf32>
    tpu.vector_store %arg10[%swap3A_1001, %swap3A_1002, %swap3A_1003, %swap3A_1004], %swap3A_1007 {strides = array<i32>} : memref<1x32x64x128xf32, #tpu.memory_space<vmem>>, vector<1x1x64x64xf32>,
    %swap3A_1008 = arith.constant 0 : index
    %swap3A_1009 = arith.constant 4 : index
    %swap3A_1010 = arith.constant 0 : index
    %swap3A_1011 = arith.constant 64 : index
    %swap3A_1012 = vector.load %arg10[%swap3A_1008, %swap3A_1009, %swap3A_1010, %swap3A_1011] : memref<1x32x64x128xf32, #tpu.memory_space<vmem>>, vector<1x1x64x1xf32>
    %swap3A_1013 = vector.shape_cast %swap3A_1012 : vector<1x1x64x1xf32> to vector<64x1xf32>
    %swap3A_1014 = vector.shape_cast %broadcast_in_dim3A_992 : vector<64x1xf32> to vector<1x1x64x1xf32>
    tpu.vector_store %arg10[%swap3A_1008, %swap3A_1009, %swap3A_1010, %swap3A_1011], %swap3A_1014 {strides = array<i32>} : memref<1x32x64x128xf32, #tpu.memory_space<vmem>>, vector<1x1x64x1xf32>,
    %swap3A_1015 = arith.constant 0 : index
    %swap3A_1016 = arith.constant 4 : index
    %swap3A_1017 = arith.constant 0 : index
    %swap3A_1018 = arith.constant 65 : index
    %swap3A_1019 = vector.load %arg10[%swap3A_1015, %swap3A_1016, %swap3A_1017, %swap3A_1018] : memref<1x32x64x128xf32, #tpu.memory_space<vmem>>, vector<1x1x64x1xf32>
    %swap3A_1020 = vector.shape_cast %swap3A_1019 : vector<1x1x64x1xf32> to vector<64x1xf32>
    %swap3A_1021 = vector.shape_cast %broadcast_in_dim3A_998 : vector<64x1xf32> to vector<1x1x64x1xf32>
    tpu.vector_store %arg10[%swap3A_1015, %swap3A_1016, %swap3A_1017, %swap3A_1018], %swap3A_1021 {strides = array<i32>} : memref<1x32x64x128xf32, #tpu.memory_space<vmem>>, vector<1x1x64x1xf32>,
    %concatenate3A_1022 = tpu.concatenate %mul3A_118, %mul3A_100 in 0 : vector<64x64xf32>, vector<64x64xf32> -> vector<128x64xf32>
    %concatenate3A_1023 = tpu.concatenate %slice3A_108, %slice3A_90 in 0 : vector<64x64xf32>, vector<64x64xf32> -> vector<128x64xf32>
    %dot_general3A_1024 = arith.constant dense<0.000000e+00> : vector<64x128xf32>
    %dot_general3A_1025 = tpu.matmul %slice3A_107, %concatenate3A_1022, %dot_general3A_1024 {dimension_numbers = #tpu.dot_dimension_numbers<[1], [1], [0], [0], [0, 0, 1, 0], [], []>, transpose_lhs_hint = false} : vector<64x64xf32>, vector<128x64xf32>, vector<64x128xf32> -> vector<64x128xf32>
    %mul3A_1026 = arith.constant 1.250000e-01 : f32
    %mul3A_1027 = vector.broadcast %mul3A_1026 : f32 to vector<64x128xf32>
    %mul3A_1028 = arith.mulf %dot_general3A_1025, %mul3A_1027 : vector<64x128xf32>
    %get3A_1029 = arith.constant 0 : index
    %get3A_1030 = arith.constant 5 : index
    %get3A_1031 = arith.constant 0 : index
    %get3A_1032 = arith.constant 0 : index
    %get3A_1033 = vector.load %arg4[%get3A_1029, %get3A_1030, %get3A_1031, %get3A_1032] : memref<1x32x64x1xi32, #tpu.memory_space<vmem>>, vector<1x1x64x1xi32>
    %get3A_1034 = vector.shape_cast %get3A_1033 : vector<1x1x64x1xi32> to vector<64x1xi32>
    %get3A_1035 = arith.constant 0 : index
    %get3A_1036 = arith.constant 5 : index
    %get3A_1037 = arith.constant 0 : index
    %get3A_1038 = arith.constant 0 : index
    %get3A_1039 = vector.load %arg7[%get3A_1035, %get3A_1036, %get3A_1037, %get3A_1038] : memref<1x32x64x1xi32, #tpu.memory_space<vmem>>, vector<1x1x64x1xi32>
    %get3A_1040 = vector.shape_cast %get3A_1039 : vector<1x1x64x1xi32> to vector<64x1xi32>
    %get3A_1041 = arith.constant 0 : index
    %get3A_1042 = arith.constant 4 : index
    %get3A_1043 = arith.constant 0 : index
    %get3A_1044 = arith.constant 0 : index
    %get3A_1045 = vector.load %arg5[%get3A_1041, %get3A_1042, %get3A_1043, %get3A_1044] : memref<1x32x1x64xi32, #tpu.memory_space<vmem>>, vector<1x1x1x64xi32>
    %get3A_1046 = vector.shape_cast %get3A_1045 : vector<1x1x1x64xi32> to vector<1x64xi32>
    %get3A_1047 = arith.constant 0 : index
    %get3A_1048 = arith.constant 4 : index
    %get3A_1049 = arith.constant 0 : index
    %get3A_1050 = arith.constant 0 : index
    %get3A_1051 = vector.load %arg8[%get3A_1047, %get3A_1048, %get3A_1049, %get3A_1050] : memref<1x32x1x64xi32, #tpu.memory_space<vmem>>, vector<1x1x1x64xi32>
    %get3A_1052 = vector.shape_cast %get3A_1051 : vector<1x1x1x64xi32> to vector<1x64xi32>
    %get3A_1053 = arith.constant 0 : index
    %get3A_1054 = arith.constant 5 : index
    %get3A_1055 = arith.constant 0 : index
    %get3A_1056 = arith.constant 0 : index
    %get3A_1057 = vector.load %arg5[%get3A_1053, %get3A_1054, %get3A_1055, %get3A_1056] : memref<1x32x1x64xi32, #tpu.memory_space<vmem>>, vector<1x1x1x64xi32>
    %get3A_1058 = vector.shape_cast %get3A_1057 : vector<1x1x1x64xi32> to vector<1x64xi32>
    %concatenate3A_1059 = tpu.concatenate %get3A_1058, %get3A_1046 in 1 : vector<1x64xi32>, vector<1x64xi32> -> vector<1x128xi32>
    %get3A_1060 = arith.constant 0 : index
    %get3A_1061 = arith.constant 5 : index
    %get3A_1062 = arith.constant 0 : index
    %get3A_1063 = arith.constant 0 : index
    %get3A_1064 = vector.load %arg8[%get3A_1060, %get3A_1061, %get3A_1062, %get3A_1063] : memref<1x32x1x64xi32, #tpu.memory_space<vmem>>, vector<1x1x1x64xi32>
    %get3A_1065 = vector.shape_cast %get3A_1064 : vector<1x1x1x64xi32> to vector<1x64xi32>
    %concatenate3A_1066 = tpu.concatenate %get3A_1065, %get3A_1052 in 1 : vector<1x64xi32>, vector<1x64xi32> -> vector<1x128xi32>
    %ne3A_1067 = vector.broadcast %get3A_1040 : vector<64x1xi32> to vector<64x128xi32>
    %ne3A_1068 = vector.broadcast %concatenate3A_1066 : vector<1x128xi32> to vector<64x128xi32>
    %ne3A_1069 = arith.cmpi ne, %ne3A_1067, %ne3A_1068 : vector<64x128xi32>
    %eq3A_1070 = vector.broadcast %get3A_1034 : vector<64x1xi32> to vector<64x128xi32>
    %eq3A_1071 = vector.broadcast %concatenate3A_1059 : vector<1x128xi32> to vector<64x128xi32>
    %eq3A_1072 = arith.cmpi eq, %eq3A_1070, %eq3A_1071 : vector<64x128xi32>
    %jit3A_1073 = arith.constant -5.000000e+04 : f32
    %broadcast_in_dim3A_1074 = vector.broadcast %jit3A_1073 : f32 to vector<64x128xf32>
    %select_n3A_1075 = arith.select %eq3A_1072, %broadcast_in_dim3A_1074, %mul3A_1028 : vector<64x128xi1>, vector<64x128xf32>
    %jit3A_1076 = arith.constant -3.40282347E+38 : f32
    %broadcast_in_dim3A_1077 = vector.broadcast %jit3A_1076 : f32 to vector<64x128xf32>
    %select_n3A_1078 = arith.select %ne3A_1069, %broadcast_in_dim3A_1077, %select_n3A_1075 : vector<64x128xi1>, vector<64x128xf32>
    %reduce_max3A_1079 = arith.constant dense<0xFF800000> : vector<64xf32>
    %reduce_max3A_1080 = vector.multi_reduction <maximumf>, %select_n3A_1078, %reduce_max3A_1079 [1] : vector<64x128xf32> to vector<64xf32>
    %broadcast_in_dim3A_1081 = vector.shape_cast %reduce_max3A_1080 : vector<64xf32> to vector<64x1xf32>
    %sub3A_1082 = vector.broadcast %broadcast_in_dim3A_1081 : vector<64x1xf32> to vector<64x128xf32>
    %sub3A_1083 = arith.subf %select_n3A_1078, %sub3A_1082 : vector<64x128xf32>
    %exp3A_1084 = math.exp %sub3A_1083 : vector<64x128xf32>
    %reduce_sum3A_1085 = arith.constant dense<0.000000e+00> : vector<64xf32>
    %reduce_sum3A_1086 = vector.multi_reduction <add>, %exp3A_1084, %reduce_sum3A_1085 [1] : vector<64x128xf32> to vector<64xf32>
    %broadcast_in_dim3A_1087 = vector.shape_cast %reduce_sum3A_1086 : vector<64xf32> to vector<64x1xf32>
    %dot_general3A_1088 = arith.constant dense<0.000000e+00> : vector<64x64xf32>
    %dot_general3A_1089 = tpu.matmul %exp3A_1084, %concatenate3A_1023, %dot_general3A_1088 {dimension_numbers = #tpu.dot_dimension_numbers<[1], [0], [0], [1], [0, 0, 1, 1], [], []>, transpose_lhs_hint = false} : vector<64x128xf32>, vector<128x64xf32>, vector<64x64xf32> -> vector<64x64xf32>
    %swap3A_1090 = arith.constant 0 : index
    %swap3A_1091 = arith.constant 5 : index
    %swap3A_1092 = arith.constant 0 : index
    %swap3A_1093 = arith.constant 0 : index
    %swap3A_1094 = vector.load %arg10[%swap3A_1090, %swap3A_1091, %swap3A_1092, %swap3A_1093] : memref<1x32x64x128xf32, #tpu.memory_space<vmem>>, vector<1x1x64x64xf32>
    %swap3A_1095 = vector.shape_cast %swap3A_1094 : vector<1x1x64x64xf32> to vector<64x64xf32>
    %swap3A_1096 = vector.shape_cast %dot_general3A_1089 : vector<64x64xf32> to vector<1x1x64x64xf32>
    tpu.vector_store %arg10[%swap3A_1090, %swap3A_1091, %swap3A_1092, %swap3A_1093], %swap3A_1096 {strides = array<i32>} : memref<1x32x64x128xf32, #tpu.memory_space<vmem>>, vector<1x1x64x64xf32>,
    %swap3A_1097 = arith.constant 0 : index
    %swap3A_1098 = arith.constant 5 : index
    %swap3A_1099 = arith.constant 0 : index
    %swap3A_1100 = arith.constant 64 : index
    %swap3A_1101 = vector.load %arg10[%swap3A_1097, %swap3A_1098, %swap3A_1099, %swap3A_1100] : memref<1x32x64x128xf32, #tpu.memory_space<vmem>>, vector<1x1x64x1xf32>
    %swap3A_1102 = vector.shape_cast %swap3A_1101 : vector<1x1x64x1xf32> to vector<64x1xf32>
    %swap3A_1103 = vector.shape_cast %broadcast_in_dim3A_1081 : vector<64x1xf32> to vector<1x1x64x1xf32>
    tpu.vector_store %arg10[%swap3A_1097, %swap3A_1098, %swap3A_1099, %swap3A_1100], %swap3A_1103 {strides = array<i32>} : memref<1x32x64x128xf32, #tpu.memory_space<vmem>>, vector<1x1x64x1xf32>,
    %swap3A_1104 = arith.constant 0 : index
    %swap3A_1105 = arith.constant 5 : index
    %swap3A_1106 = arith.constant 0 : index
    %swap3A_1107 = arith.constant 65 : index
    %swap3A_1108 = vector.load %arg10[%swap3A_1104, %swap3A_1105, %swap3A_1106, %swap3A_1107] : memref<1x32x64x128xf32, #tpu.memory_space<vmem>>, vector<1x1x64x1xf32>
    %swap3A_1109 = vector.shape_cast %swap3A_1108 : vector<1x1x64x1xf32> to vector<64x1xf32>
    %swap3A_1110 = vector.shape_cast %broadcast_in_dim3A_1087 : vector<64x1xf32> to vector<1x1x64x1xf32>
    tpu.vector_store %arg10[%swap3A_1104, %swap3A_1105, %swap3A_1106, %swap3A_1107], %swap3A_1110 {strides = array<i32>} : memref<1x32x64x128xf32, #tpu.memory_space<vmem>>, vector<1x1x64x1xf32>,
    %concatenate3A_1111 = tpu.concatenate %mul3A_136, %mul3A_118 in 0 : vector<64x64xf32>, vector<64x64xf32> -> vector<128x64xf32>
    %concatenate3A_1112 = tpu.concatenate %slice3A_126, %slice3A_108 in 0 : vector<64x64xf32>, vector<64x64xf32> -> vector<128x64xf32>
    %dot_general3A_1113 = arith.constant dense<0.000000e+00> : vector<64x128xf32>
    %dot_general3A_1114 = tpu.matmul %slice3A_125, %concatenate3A_1111, %dot_general3A_1113 {dimension_numbers = #tpu.dot_dimension_numbers<[1], [1], [0], [0], [0, 0, 1, 0], [], []>, transpose_lhs_hint = false} : vector<64x64xf32>, vector<128x64xf32>, vector<64x128xf32> -> vector<64x128xf32>
    %mul3A_1115 = arith.constant 1.250000e-01 : f32
    %mul3A_1116 = vector.broadcast %mul3A_1115 : f32 to vector<64x128xf32>
    %mul3A_1117 = arith.mulf %dot_general3A_1114, %mul3A_1116 : vector<64x128xf32>
    %get3A_1118 = arith.constant 0 : index
    %get3A_1119 = arith.constant 6 : index
    %get3A_1120 = arith.constant 0 : index
    %get3A_1121 = arith.constant 0 : index
    %get3A_1122 = vector.load %arg4[%get3A_1118, %get3A_1119, %get3A_1120, %get3A_1121] : memref<1x32x64x1xi32, #tpu.memory_space<vmem>>, vector<1x1x64x1xi32>
    %get3A_1123 = vector.shape_cast %get3A_1122 : vector<1x1x64x1xi32> to vector<64x1xi32>
    %get3A_1124 = arith.constant 0 : index
    %get3A_1125 = arith.constant 6 : index
    %get3A_1126 = arith.constant 0 : index
    %get3A_1127 = arith.constant 0 : index
    %get3A_1128 = vector.load %arg7[%get3A_1124, %get3A_1125, %get3A_1126, %get3A_1127] : memref<1x32x64x1xi32, #tpu.memory_space<vmem>>, vector<1x1x64x1xi32>
    %get3A_1129 = vector.shape_cast %get3A_1128 : vector<1x1x64x1xi32> to vector<64x1xi32>
    %get3A_1130 = arith.constant 0 : index
    %get3A_1131 = arith.constant 5 : index
    %get3A_1132 = arith.constant 0 : index
    %get3A_1133 = arith.constant 0 : index
    %get3A_1134 = vector.load %arg5[%get3A_1130, %get3A_1131, %get3A_1132, %get3A_1133] : memref<1x32x1x64xi32, #tpu.memory_space<vmem>>, vector<1x1x1x64xi32>
    %get3A_1135 = vector.shape_cast %get3A_1134 : vector<1x1x1x64xi32> to vector<1x64xi32>
    %get3A_1136 = arith.constant 0 : index
    %get3A_1137 = arith.constant 5 : index
    %get3A_1138 = arith.constant 0 : index
    %get3A_1139 = arith.constant 0 : index
    %get3A_1140 = vector.load %arg8[%get3A_1136, %get3A_1137, %get3A_1138, %get3A_1139] : memref<1x32x1x64xi32, #tpu.memory_space<vmem>>, vector<1x1x1x64xi32>
    %get3A_1141 = vector.shape_cast %get3A_1140 : vector<1x1x1x64xi32> to vector<1x64xi32>
    %get3A_1142 = arith.constant 0 : index
    %get3A_1143 = arith.constant 6 : index
    %get3A_1144 = arith.constant 0 : index
    %get3A_1145 = arith.constant 0 : index
    %get3A_1146 = vector.load %arg5[%get3A_1142, %get3A_1143, %get3A_1144, %get3A_1145] : memref<1x32x1x64xi32, #tpu.memory_space<vmem>>, vector<1x1x1x64xi32>
    %get3A_1147 = vector.shape_cast %get3A_1146 : vector<1x1x1x64xi32> to vector<1x64xi32>
    %concatenate3A_1148 = tpu.concatenate %get3A_1147, %get3A_1135 in 1 : vector<1x64xi32>, vector<1x64xi32> -> vector<1x128xi32>
    %get3A_1149 = arith.constant 0 : index
    %get3A_1150 = arith.constant 6 : index
    %get3A_1151 = arith.constant 0 : index
    %get3A_1152 = arith.constant 0 : index
    %get3A_1153 = vector.load %arg8[%get3A_1149, %get3A_1150, %get3A_1151, %get3A_1152] : memref<1x32x1x64xi32, #tpu.memory_space<vmem>>, vector<1x1x1x64xi32>
    %get3A_1154 = vector.shape_cast %get3A_1153 : vector<1x1x1x64xi32> to vector<1x64xi32>
    %concatenate3A_1155 = tpu.concatenate %get3A_1154, %get3A_1141 in 1 : vector<1x64xi32>, vector<1x64xi32> -> vector<1x128xi32>
    %ne3A_1156 = vector.broadcast %get3A_1129 : vector<64x1xi32> to vector<64x128xi32>
    %ne3A_1157 = vector.broadcast %concatenate3A_1155 : vector<1x128xi32> to vector<64x128xi32>
    %ne3A_1158 = arith.cmpi ne, %ne3A_1156, %ne3A_1157 : vector<64x128xi32>
    %eq3A_1159 = vector.broadcast %get3A_1123 : vector<64x1xi32> to vector<64x128xi32>
    %eq3A_1160 = vector.broadcast %concatenate3A_1148 : vector<1x128xi32> to vector<64x128xi32>
    %eq3A_1161 = arith.cmpi eq, %eq3A_1159, %eq3A_1160 : vector<64x128xi32>
    %jit3A_1162 = arith.constant -5.000000e+04 : f32
    %broadcast_in_dim3A_1163 = vector.broadcast %jit3A_1162 : f32 to vector<64x128xf32>
    %select_n3A_1164 = arith.select %eq3A_1161, %broadcast_in_dim3A_1163, %mul3A_1117 : vector<64x128xi1>, vector<64x128xf32>
    %jit3A_1165 = arith.constant -3.40282347E+38 : f32
    %broadcast_in_dim3A_1166 = vector.broadcast %jit3A_1165 : f32 to vector<64x128xf32>
    %select_n3A_1167 = arith.select %ne3A_1158, %broadcast_in_dim3A_1166, %select_n3A_1164 : vector<64x128xi1>, vector<64x128xf32>
    %reduce_max3A_1168 = arith.constant dense<0xFF800000> : vector<64xf32>
    %reduce_max3A_1169 = vector.multi_reduction <maximumf>, %select_n3A_1167, %reduce_max3A_1168 [1] : vector<64x128xf32> to vector<64xf32>
    %broadcast_in_dim3A_1170 = vector.shape_cast %reduce_max3A_1169 : vector<64xf32> to vector<64x1xf32>
    %sub3A_1171 = vector.broadcast %broadcast_in_dim3A_1170 : vector<64x1xf32> to vector<64x128xf32>
    %sub3A_1172 = arith.subf %select_n3A_1167, %sub3A_1171 : vector<64x128xf32>
    %exp3A_1173 = math.exp %sub3A_1172 : vector<64x128xf32>
    %reduce_sum3A_1174 = arith.constant dense<0.000000e+00> : vector<64xf32>
    %reduce_sum3A_1175 = vector.multi_reduction <add>, %exp3A_1173, %reduce_sum3A_1174 [1] : vector<64x128xf32> to vector<64xf32>
    %broadcast_in_dim3A_1176 = vector.shape_cast %reduce_sum3A_1175 : vector<64xf32> to vector<64x1xf32>
    %dot_general3A_1177 = arith.constant dense<0.000000e+00> : vector<64x64xf32>
    %dot_general3A_1178 = tpu.matmul %exp3A_1173, %concatenate3A_1112, %dot_general3A_1177 {dimension_numbers = #tpu.dot_dimension_numbers<[1], [0], [0], [1], [0, 0, 1, 1], [], []>, transpose_lhs_hint = false} : vector<64x128xf32>, vector<128x64xf32>, vector<64x64xf32> -> vector<64x64xf32>
    %swap3A_1179 = arith.constant 0 : index
    %swap3A_1180 = arith.constant 6 : index
    %swap3A_1181 = arith.constant 0 : index
    %swap3A_1182 = arith.constant 0 : index
    %swap3A_1183 = vector.load %arg10[%swap3A_1179, %swap3A_1180, %swap3A_1181, %swap3A_1182] : memref<1x32x64x128xf32, #tpu.memory_space<vmem>>, vector<1x1x64x64xf32>
    %swap3A_1184 = vector.shape_cast %swap3A_1183 : vector<1x1x64x64xf32> to vector<64x64xf32>
    %swap3A_1185 = vector.shape_cast %dot_general3A_1178 : vector<64x64xf32> to vector<1x1x64x64xf32>
    tpu.vector_store %arg10[%swap3A_1179, %swap3A_1180, %swap3A_1181, %swap3A_1182], %swap3A_1185 {strides = array<i32>} : memref<1x32x64x128xf32, #tpu.memory_space<vmem>>, vector<1x1x64x64xf32>,
    %swap3A_1186 = arith.constant 0 : index
    %swap3A_1187 = arith.constant 6 : index
    %swap3A_1188 = arith.constant 0 : index
    %swap3A_1189 = arith.constant 64 : index
    %swap3A_1190 = vector.load %arg10[%swap3A_1186, %swap3A_1187, %swap3A_1188, %swap3A_1189] : memref<1x32x64x128xf32, #tpu.memory_space<vmem>>, vector<1x1x64x1xf32>
    %swap3A_1191 = vector.shape_cast %swap3A_1190 : vector<1x1x64x1xf32> to vector<64x1xf32>
    %swap3A_1192 = vector.shape_cast %broadcast_in_dim3A_1170 : vector<64x1xf32> to vector<1x1x64x1xf32>
    tpu.vector_store %arg10[%swap3A_1186, %swap3A_1187, %swap3A_1188, %swap3A_1189], %swap3A_1192 {strides = array<i32>} : memref<1x32x64x128xf32, #tpu.memory_space<vmem>>, vector<1x1x64x1xf32>,
    %swap3A_1193 = arith.constant 0 : index
    %swap3A_1194 = arith.constant 6 : index
    %swap3A_1195 = arith.constant 0 : index
    %swap3A_1196 = arith.constant 65 : index
    %swap3A_1197 = vector.load %arg10[%swap3A_1193, %swap3A_1194, %swap3A_1195, %swap3A_1196] : memref<1x32x64x128xf32, #tpu.memory_space<vmem>>, vector<1x1x64x1xf32>
    %swap3A_1198 = vector.shape_cast %swap3A_1197 : vector<1x1x64x1xf32> to vector<64x1xf32>
    %swap3A_1199 = vector.shape_cast %broadcast_in_dim3A_1176 : vector<64x1xf32> to vector<1x1x64x1xf32>
    tpu.vector_store %arg10[%swap3A_1193, %swap3A_1194, %swap3A_1195, %swap3A_1196], %swap3A_1199 {strides = array<i32>} : memref<1x32x64x128xf32, #tpu.memory_space<vmem>>, vector<1x1x64x1xf32>,
    %concatenate3A_1200 = tpu.concatenate %mul3A_154, %mul3A_136 in 0 : vector<64x64xf32>, vector<64x64xf32> -> vector<128x64xf32>
    %concatenate3A_1201 = tpu.concatenate %slice3A_144, %slice3A_126 in 0 : vector<64x64xf32>, vector<64x64xf32> -> vector<128x64xf32>
    %dot_general3A_1202 = arith.constant dense<0.000000e+00> : vector<64x128xf32>
    %dot_general3A_1203 = tpu.matmul %slice3A_143, %concatenate3A_1200, %dot_general3A_1202 {dimension_numbers = #tpu.dot_dimension_numbers<[1], [1], [0], [0], [0, 0, 1, 0], [], []>, transpose_lhs_hint = false} : vector<64x64xf32>, vector<128x64xf32>, vector<64x128xf32> -> vector<64x128xf32>
    %mul3A_1204 = arith.constant 1.250000e-01 : f32
    %mul3A_1205 = vector.broadcast %mul3A_1204 : f32 to vector<64x128xf32>
    %mul3A_1206 = arith.mulf %dot_general3A_1203, %mul3A_1205 : vector<64x128xf32>
    %get3A_1207 = arith.constant 0 : index
    %get3A_1208 = arith.constant 7 : index
    %get3A_1209 = arith.constant 0 : index
    %get3A_1210 = arith.constant 0 : index
    %get3A_1211 = vector.load %arg4[%get3A_1207, %get3A_1208, %get3A_1209, %get3A_1210] : memref<1x32x64x1xi32, #tpu.memory_space<vmem>>, vector<1x1x64x1xi32>
    %get3A_1212 = vector.shape_cast %get3A_1211 : vector<1x1x64x1xi32> to vector<64x1xi32>
    %get3A_1213 = arith.constant 0 : index
    %get3A_1214 = arith.constant 7 : index
    %get3A_1215 = arith.constant 0 : index
    %get3A_1216 = arith.constant 0 : index
    %get3A_1217 = vector.load %arg7[%get3A_1213, %get3A_1214, %get3A_1215, %get3A_1216] : memref<1x32x64x1xi32, #tpu.memory_space<vmem>>, vector<1x1x64x1xi32>
    %get3A_1218 = vector.shape_cast %get3A_1217 : vector<1x1x64x1xi32> to vector<64x1xi32>
    %get3A_1219 = arith.constant 0 : index
    %get3A_1220 = arith.constant 6 : index
    %get3A_1221 = arith.constant 0 : index
    %get3A_1222 = arith.constant 0 : index
    %get3A_1223 = vector.load %arg5[%get3A_1219, %get3A_1220, %get3A_1221, %get3A_1222] : memref<1x32x1x64xi32, #tpu.memory_space<vmem>>, vector<1x1x1x64xi32>
    %get3A_1224 = vector.shape_cast %get3A_1223 : vector<1x1x1x64xi32> to vector<1x64xi32>
    %get3A_1225 = arith.constant 0 : index
    %get3A_1226 = arith.constant 6 : index
    %get3A_1227 = arith.constant 0 : index
    %get3A_1228 = arith.constant 0 : index
    %get3A_1229 = vector.load %arg8[%get3A_1225, %get3A_1226, %get3A_1227, %get3A_1228] : memref<1x32x1x64xi32, #tpu.memory_space<vmem>>, vector<1x1x1x64xi32>
    %get3A_1230 = vector.shape_cast %get3A_1229 : vector<1x1x1x64xi32> to vector<1x64xi32>
    %get3A_1231 = arith.constant 0 : index
    %get3A_1232 = arith.constant 7 : index
    %get3A_1233 = arith.constant 0 : index
    %get3A_1234 = arith.constant 0 : index
    %get3A_1235 = vector.load %arg5[%get3A_1231, %get3A_1232, %get3A_1233, %get3A_1234] : memref<1x32x1x64xi32, #tpu.memory_space<vmem>>, vector<1x1x1x64xi32>
    %get3A_1236 = vector.shape_cast %get3A_1235 : vector<1x1x1x64xi32> to vector<1x64xi32>
    %concatenate3A_1237 = tpu.concatenate %get3A_1236, %get3A_1224 in 1 : vector<1x64xi32>, vector<1x64xi32> -> vector<1x128xi32>
    %get3A_1238 = arith.constant 0 : index
    %get3A_1239 = arith.constant 7 : index
    %get3A_1240 = arith.constant 0 : index
    %get3A_1241 = arith.constant 0 : index
    %get3A_1242 = vector.load %arg8[%get3A_1238, %get3A_1239, %get3A_1240, %get3A_1241] : memref<1x32x1x64xi32, #tpu.memory_space<vmem>>, vector<1x1x1x64xi32>
    %get3A_1243 = vector.shape_cast %get3A_1242 : vector<1x1x1x64xi32> to vector<1x64xi32>
    %concatenate3A_1244 = tpu.concatenate %get3A_1243, %get3A_1230 in 1 : vector<1x64xi32>, vector<1x64xi32> -> vector<1x128xi32>
    %ne3A_1245 = vector.broadcast %get3A_1218 : vector<64x1xi32> to vector<64x128xi32>
    %ne3A_1246 = vector.broadcast %concatenate3A_1244 : vector<1x128xi32> to vector<64x128xi32>
    %ne3A_1247 = arith.cmpi ne, %ne3A_1245, %ne3A_1246 : vector<64x128xi32>
    %eq3A_1248 = vector.broadcast %get3A_1212 : vector<64x1xi32> to vector<64x128xi32>
    %eq3A_1249 = vector.broadcast %concatenate3A_1237 : vector<1x128xi32> to vector<64x128xi32>
    %eq3A_1250 = arith.cmpi eq, %eq3A_1248, %eq3A_1249 : vector<64x128xi32>
    %jit3A_1251 = arith.constant -5.000000e+04 : f32
    %broadcast_in_dim3A_1252 = vector.broadcast %jit3A_1251 : f32 to vector<64x128xf32>
    %select_n3A_1253 = arith.select %eq3A_1250, %broadcast_in_dim3A_1252, %mul3A_1206 : vector<64x128xi1>, vector<64x128xf32>
    %jit3A_1254 = arith.constant -3.40282347E+38 : f32
    %broadcast_in_dim3A_1255 = vector.broadcast %jit3A_1254 : f32 to vector<64x128xf32>
    %select_n3A_1256 = arith.select %ne3A_1247, %broadcast_in_dim3A_1255, %select_n3A_1253 : vector<64x128xi1>, vector<64x128xf32>
    %reduce_max3A_1257 = arith.constant dense<0xFF800000> : vector<64xf32>
    %reduce_max3A_1258 = vector.multi_reduction <maximumf>, %select_n3A_1256, %reduce_max3A_1257 [1] : vector<64x128xf32> to vector<64xf32>
    %broadcast_in_dim3A_1259 = vector.shape_cast %reduce_max3A_1258 : vector<64xf32> to vector<64x1xf32>
    %sub3A_1260 = vector.broadcast %broadcast_in_dim3A_1259 : vector<64x1xf32> to vector<64x128xf32>
    %sub3A_1261 = arith.subf %select_n3A_1256, %sub3A_1260 : vector<64x128xf32>
    %exp3A_1262 = math.exp %sub3A_1261 : vector<64x128xf32>
    %reduce_sum3A_1263 = arith.constant dense<0.000000e+00> : vector<64xf32>
    %reduce_sum3A_1264 = vector.multi_reduction <add>, %exp3A_1262, %reduce_sum3A_1263 [1] : vector<64x128xf32> to vector<64xf32>
    %broadcast_in_dim3A_1265 = vector.shape_cast %reduce_sum3A_1264 : vector<64xf32> to vector<64x1xf32>
    %dot_general3A_1266 = arith.constant dense<0.000000e+00> : vector<64x64xf32>
    %dot_general3A_1267 = tpu.matmul %exp3A_1262, %concatenate3A_1201, %dot_general3A_1266 {dimension_numbers = #tpu.dot_dimension_numbers<[1], [0], [0], [1], [0, 0, 1, 1], [], []>, transpose_lhs_hint = false} : vector<64x128xf32>, vector<128x64xf32>, vector<64x64xf32> -> vector<64x64xf32>
    %swap3A_1268 = arith.constant 0 : index
    %swap3A_1269 = arith.constant 7 : index
    %swap3A_1270 = arith.constant 0 : index
    %swap3A_1271 = arith.constant 0 : index
    %swap3A_1272 = vector.load %arg10[%swap3A_1268, %swap3A_1269, %swap3A_1270, %swap3A_1271] : memref<1x32x64x128xf32, #tpu.memory_space<vmem>>, vector<1x1x64x64xf32>
    %swap3A_1273 = vector.shape_cast %swap3A_1272 : vector<1x1x64x64xf32> to vector<64x64xf32>
    %swap3A_1274 = vector.shape_cast %dot_general3A_1267 : vector<64x64xf32> to vector<1x1x64x64xf32>
    tpu.vector_store %arg10[%swap3A_1268, %swap3A_1269, %swap3A_1270, %swap3A_1271], %swap3A_1274 {strides = array<i32>} : memref<1x32x64x128xf32, #tpu.memory_space<vmem>>, vector<1x1x64x64xf32>,
    %swap3A_1275 = arith.constant 0 : index
    %swap3A_1276 = arith.constant 7 : index
    %swap3A_1277 = arith.constant 0 : index
    %swap3A_1278 = arith.constant 64 : index
    %swap3A_1279 = vector.load %arg10[%swap3A_1275, %swap3A_1276, %swap3A_1277, %swap3A_1278] : memref<1x32x64x128xf32, #tpu.memory_space<vmem>>, vector<1x1x64x1xf32>
    %swap3A_1280 = vector.shape_cast %swap3A_1279 : vector<1x1x64x1xf32> to vector<64x1xf32>
    %swap3A_1281 = vector.shape_cast %broadcast_in_dim3A_1259 : vector<64x1xf32> to vector<1x1x64x1xf32>
    tpu.vector_store %arg10[%swap3A_1275, %swap3A_1276, %swap3A_1277, %swap3A_1278], %swap3A_1281 {strides = array<i32>} : memref<1x32x64x128xf32, #tpu.memory_space<vmem>>, vector<1x1x64x1xf32>,
    %swap3A_1282 = arith.constant 0 : index
    %swap3A_1283 = arith.constant 7 : index
    %swap3A_1284 = arith.constant 0 : index
    %swap3A_1285 = arith.constant 65 : index
    %swap3A_1286 = vector.load %arg10[%swap3A_1282, %swap3A_1283, %swap3A_1284, %swap3A_1285] : memref<1x32x64x128xf32, #tpu.memory_space<vmem>>, vector<1x1x64x1xf32>
    %swap3A_1287 = vector.shape_cast %swap3A_1286 : vector<1x1x64x1xf32> to vector<64x1xf32>
    %swap3A_1288 = vector.shape_cast %broadcast_in_dim3A_1265 : vector<64x1xf32> to vector<1x1x64x1xf32>
    tpu.vector_store %arg10[%swap3A_1282, %swap3A_1283, %swap3A_1284, %swap3A_1285], %swap3A_1288 {strides = array<i32>} : memref<1x32x64x128xf32, #tpu.memory_space<vmem>>, vector<1x1x64x1xf32>,
    %concatenate3A_1289 = tpu.concatenate %mul3A_172, %mul3A_154 in 0 : vector<64x64xf32>, vector<64x64xf32> -> vector<128x64xf32>
    %concatenate3A_1290 = tpu.concatenate %slice3A_162, %slice3A_144 in 0 : vector<64x64xf32>, vector<64x64xf32> -> vector<128x64xf32>
    %dot_general3A_1291 = arith.constant dense<0.000000e+00> : vector<64x128xf32>
    %dot_general3A_1292 = tpu.matmul %slice3A_161, %concatenate3A_1289, %dot_general3A_1291 {dimension_numbers = #tpu.dot_dimension_numbers<[1], [1], [0], [0], [0, 0, 1, 0], [], []>, transpose_lhs_hint = false} : vector<64x64xf32>, vector<128x64xf32>, vector<64x128xf32> -> vector<64x128xf32>
    %mul3A_1293 = arith.constant 1.250000e-01 : f32
    %mul3A_1294 = vector.broadcast %mul3A_1293 : f32 to vector<64x128xf32>
    %mul3A_1295 = arith.mulf %dot_general3A_1292, %mul3A_1294 : vector<64x128xf32>
    %get3A_1296 = arith.constant 0 : index
    %get3A_1297 = arith.constant 8 : index
    %get3A_1298 = arith.constant 0 : index
    %get3A_1299 = arith.constant 0 : index
    %get3A_1300 = vector.load %arg4[%get3A_1296, %get3A_1297, %get3A_1298, %get3A_1299] : memref<1x32x64x1xi32, #tpu.memory_space<vmem>>, vector<1x1x64x1xi32>
    %get3A_1301 = vector.shape_cast %get3A_1300 : vector<1x1x64x1xi32> to vector<64x1xi32>
    %get3A_1302 = arith.constant 0 : index
    %get3A_1303 = arith.constant 8 : index
    %get3A_1304 = arith.constant 0 : index
    %get3A_1305 = arith.constant 0 : index
    %get3A_1306 = vector.load %arg7[%get3A_1302, %get3A_1303, %get3A_1304, %get3A_1305] : memref<1x32x64x1xi32, #tpu.memory_space<vmem>>, vector<1x1x64x1xi32>
    %get3A_1307 = vector.shape_cast %get3A_1306 : vector<1x1x64x1xi32> to vector<64x1xi32>
    %get3A_1308 = arith.constant 0 : index
    %get3A_1309 = arith.constant 7 : index
    %get3A_1310 = arith.constant 0 : index
    %get3A_1311 = arith.constant 0 : index
    %get3A_1312 = vector.load %arg5[%get3A_1308, %get3A_1309, %get3A_1310, %get3A_1311] : memref<1x32x1x64xi32, #tpu.memory_space<vmem>>, vector<1x1x1x64xi32>
    %get3A_1313 = vector.shape_cast %get3A_1312 : vector<1x1x1x64xi32> to vector<1x64xi32>
    %get3A_1314 = arith.constant 0 : index
    %get3A_1315 = arith.constant 7 : index
    %get3A_1316 = arith.constant 0 : index
    %get3A_1317 = arith.constant 0 : index
    %get3A_1318 = vector.load %arg8[%get3A_1314, %get3A_1315, %get3A_1316, %get3A_1317] : memref<1x32x1x64xi32, #tpu.memory_space<vmem>>, vector<1x1x1x64xi32>
    %get3A_1319 = vector.shape_cast %get3A_1318 : vector<1x1x1x64xi32> to vector<1x64xi32>
    %get3A_1320 = arith.constant 0 : index
    %get3A_1321 = arith.constant 8 : index
    %get3A_1322 = arith.constant 0 : index
    %get3A_1323 = arith.constant 0 : index
    %get3A_1324 = vector.load %arg5[%get3A_1320, %get3A_1321, %get3A_1322, %get3A_1323] : memref<1x32x1x64xi32, #tpu.memory_space<vmem>>, vector<1x1x1x64xi32>
    %get3A_1325 = vector.shape_cast %get3A_1324 : vector<1x1x1x64xi32> to vector<1x64xi32>
    %concatenate3A_1326 = tpu.concatenate %get3A_1325, %get3A_1313 in 1 : vector<1x64xi32>, vector<1x64xi32> -> vector<1x128xi32>
    %get3A_1327 = arith.constant 0 : index
    %get3A_1328 = arith.constant 8 : index
    %get3A_1329 = arith.constant 0 : index
    %get3A_1330 = arith.constant 0 : index
    %get3A_1331 = vector.load %arg8[%get3A_1327, %get3A_1328, %get3A_1329, %get3A_1330] : memref<1x32x1x64xi32, #tpu.memory_space<vmem>>, vector<1x1x1x64xi32>
    %get3A_1332 = vector.shape_cast %get3A_1331 : vector<1x1x1x64xi32> to vector<1x64xi32>
    %concatenate3A_1333 = tpu.concatenate %get3A_1332, %get3A_1319 in 1 : vector<1x64xi32>, vector<1x64xi32> -> vector<1x128xi32>
    %ne3A_1334 = vector.broadcast %get3A_1307 : vector<64x1xi32> to vector<64x128xi32>
    %ne3A_1335 = vector.broadcast %concatenate3A_1333 : vector<1x128xi32> to vector<64x128xi32>
    %ne3A_1336 = arith.cmpi ne, %ne3A_1334, %ne3A_1335 : vector<64x128xi32>
    %eq3A_1337 = vector.broadcast %get3A_1301 : vector<64x1xi32> to vector<64x128xi32>
    %eq3A_1338 = vector.broadcast %concatenate3A_1326 : vector<1x128xi32> to vector<64x128xi32>
    %eq3A_1339 = arith.cmpi eq, %eq3A_1337, %eq3A_1338 : vector<64x128xi32>
    %jit3A_1340 = arith.constant -5.000000e+04 : f32
    %broadcast_in_dim3A_1341 = vector.broadcast %jit3A_1340 : f32 to vector<64x128xf32>
    %select_n3A_1342 = arith.select %eq3A_1339, %broadcast_in_dim3A_1341, %mul3A_1295 : vector<64x128xi1>, vector<64x128xf32>
    %jit3A_1343 = arith.constant -3.40282347E+38 : f32
    %broadcast_in_dim3A_1344 = vector.broadcast %jit3A_1343 : f32 to vector<64x128xf32>
    %select_n3A_1345 = arith.select %ne3A_1336, %broadcast_in_dim3A_1344, %select_n3A_1342 : vector<64x128xi1>, vector<64x128xf32>
    %reduce_max3A_1346 = arith.constant dense<0xFF800000> : vector<64xf32>
    %reduce_max3A_1347 = vector.multi_reduction <maximumf>, %select_n3A_1345, %reduce_max3A_1346 [1] : vector<64x128xf32> to vector<64xf32>
    %broadcast_in_dim3A_1348 = vector.shape_cast %reduce_max3A_1347 : vector<64xf32> to vector<64x1xf32>
    %sub3A_1349 = vector.broadcast %broadcast_in_dim3A_1348 : vector<64x1xf32> to vector<64x128xf32>
    %sub3A_1350 = arith.subf %select_n3A_1345, %sub3A_1349 : vector<64x128xf32>
    %exp3A_1351 = math.exp %sub3A_1350 : vector<64x128xf32>
    %reduce_sum3A_1352 = arith.constant dense<0.000000e+00> : vector<64xf32>
    %reduce_sum3A_1353 = vector.multi_reduction <add>, %exp3A_1351, %reduce_sum3A_1352 [1] : vector<64x128xf32> to vector<64xf32>
    %broadcast_in_dim3A_1354 = vector.shape_cast %reduce_sum3A_1353 : vector<64xf32> to vector<64x1xf32>
    %dot_general3A_1355 = arith.constant dense<0.000000e+00> : vector<64x64xf32>
    %dot_general3A_1356 = tpu.matmul %exp3A_1351, %concatenate3A_1290, %dot_general3A_1355 {dimension_numbers = #tpu.dot_dimension_numbers<[1], [0], [0], [1], [0, 0, 1, 1], [], []>, transpose_lhs_hint = false} : vector<64x128xf32>, vector<128x64xf32>, vector<64x64xf32> -> vector<64x64xf32>
    %swap3A_1357 = arith.constant 0 : index
    %swap3A_1358 = arith.constant 8 : index
    %swap3A_1359 = arith.constant 0 : index
    %swap3A_1360 = arith.constant 0 : index
    %swap3A_1361 = vector.load %arg10[%swap3A_1357, %swap3A_1358, %swap3A_1359, %swap3A_1360] : memref<1x32x64x128xf32, #tpu.memory_space<vmem>>, vector<1x1x64x64xf32>
    %swap3A_1362 = vector.shape_cast %swap3A_1361 : vector<1x1x64x64xf32> to vector<64x64xf32>
    %swap3A_1363 = vector.shape_cast %dot_general3A_1356 : vector<64x64xf32> to vector<1x1x64x64xf32>
    tpu.vector_store %arg10[%swap3A_1357, %swap3A_1358, %swap3A_1359, %swap3A_1360], %swap3A_1363 {strides = array<i32>} : memref<1x32x64x128xf32, #tpu.memory_space<vmem>>, vector<1x1x64x64xf32>,
    %swap3A_1364 = arith.constant 0 : index
    %swap3A_1365 = arith.constant 8 : index
    %swap3A_1366 = arith.constant 0 : index
    %swap3A_1367 = arith.constant 64 : index
    %swap3A_1368 = vector.load %arg10[%swap3A_1364, %swap3A_1365, %swap3A_1366, %swap3A_1367] : memref<1x32x64x128xf32, #tpu.memory_space<vmem>>, vector<1x1x64x1xf32>
    %swap3A_1369 = vector.shape_cast %swap3A_1368 : vector<1x1x64x1xf32> to vector<64x1xf32>
    %swap3A_1370 = vector.shape_cast %broadcast_in_dim3A_1348 : vector<64x1xf32> to vector<1x1x64x1xf32>
    tpu.vector_store %arg10[%swap3A_1364, %swap3A_1365, %swap3A_1366, %swap3A_1367], %swap3A_1370 {strides = array<i32>} : memref<1x32x64x128xf32, #tpu.memory_space<vmem>>, vector<1x1x64x1xf32>,
    %swap3A_1371 = arith.constant 0 : index
    %swap3A_1372 = arith.constant 8 : index
    %swap3A_1373 = arith.constant 0 : index
    %swap3A_1374 = arith.constant 65 : index
    %swap3A_1375 = vector.load %arg10[%swap3A_1371, %swap3A_1372, %swap3A_1373, %swap3A_1374] : memref<1x32x64x128xf32, #tpu.memory_space<vmem>>, vector<1x1x64x1xf32>
    %swap3A_1376 = vector.shape_cast %swap3A_1375 : vector<1x1x64x1xf32> to vector<64x1xf32>
    %swap3A_1377 = vector.shape_cast %broadcast_in_dim3A_1354 : vector<64x1xf32> to vector<1x1x64x1xf32>
    tpu.vector_store %arg10[%swap3A_1371, %swap3A_1372, %swap3A_1373, %swap3A_1374], %swap3A_1377 {strides = array<i32>} : memref<1x32x64x128xf32, #tpu.memory_space<vmem>>, vector<1x1x64x1xf32>,
    %concatenate3A_1378 = tpu.concatenate %mul3A_190, %mul3A_172 in 0 : vector<64x64xf32>, vector<64x64xf32> -> vector<128x64xf32>
    %concatenate3A_1379 = tpu.concatenate %slice3A_180, %slice3A_162 in 0 : vector<64x64xf32>, vector<64x64xf32> -> vector<128x64xf32>
    %dot_general3A_1380 = arith.constant dense<0.000000e+00> : vector<64x128xf32>
    %dot_general3A_1381 = tpu.matmul %slice3A_179, %concatenate3A_1378, %dot_general3A_1380 {dimension_numbers = #tpu.dot_dimension_numbers<[1], [1], [0], [0], [0, 0, 1, 0], [], []>, transpose_lhs_hint = false} : vector<64x64xf32>, vector<128x64xf32>, vector<64x128xf32> -> vector<64x128xf32>
    %mul3A_1382 = arith.constant 1.250000e-01 : f32
    %mul3A_1383 = vector.broadcast %mul3A_1382 : f32 to vector<64x128xf32>
    %mul3A_1384 = arith.mulf %dot_general3A_1381, %mul3A_1383 : vector<64x128xf32>
    %get3A_1385 = arith.constant 0 : index
    %get3A_1386 = arith.constant 9 : index
    %get3A_1387 = arith.constant 0 : index
    %get3A_1388 = arith.constant 0 : index
    %get3A_1389 = vector.load %arg4[%get3A_1385, %get3A_1386, %get3A_1387, %get3A_1388] : memref<1x32x64x1xi32, #tpu.memory_space<vmem>>, vector<1x1x64x1xi32>
    %get3A_1390 = vector.shape_cast %get3A_1389 : vector<1x1x64x1xi32> to vector<64x1xi32>
    %get3A_1391 = arith.constant 0 : index
    %get3A_1392 = arith.constant 9 : index
    %get3A_1393 = arith.constant 0 : index
    %get3A_1394 = arith.constant 0 : index
    %get3A_1395 = vector.load %arg7[%get3A_1391, %get3A_1392, %get3A_1393, %get3A_1394] : memref<1x32x64x1xi32, #tpu.memory_space<vmem>>, vector<1x1x64x1xi32>
    %get3A_1396 = vector.shape_cast %get3A_1395 : vector<1x1x64x1xi32> to vector<64x1xi32>
    %get3A_1397 = arith.constant 0 : index
    %get3A_1398 = arith.constant 8 : index
    %get3A_1399 = arith.constant 0 : index
    %get3A_1400 = arith.constant 0 : index
    %get3A_1401 = vector.load %arg5[%get3A_1397, %get3A_1398, %get3A_1399, %get3A_1400] : memref<1x32x1x64xi32, #tpu.memory_space<vmem>>, vector<1x1x1x64xi32>
    %get3A_1402 = vector.shape_cast %get3A_1401 : vector<1x1x1x64xi32> to vector<1x64xi32>
    %get3A_1403 = arith.constant 0 : index
    %get3A_1404 = arith.constant 8 : index
    %get3A_1405 = arith.constant 0 : index
    %get3A_1406 = arith.constant 0 : index
    %get3A_1407 = vector.load %arg8[%get3A_1403, %get3A_1404, %get3A_1405, %get3A_1406] : memref<1x32x1x64xi32, #tpu.memory_space<vmem>>, vector<1x1x1x64xi32>
    %get3A_1408 = vector.shape_cast %get3A_1407 : vector<1x1x1x64xi32> to vector<1x64xi32>
    %get3A_1409 = arith.constant 0 : index
    %get3A_1410 = arith.constant 9 : index
    %get3A_1411 = arith.constant 0 : index
    %get3A_1412 = arith.constant 0 : index
    %get3A_1413 = vector.load %arg5[%get3A_1409, %get3A_1410, %get3A_1411, %get3A_1412] : memref<1x32x1x64xi32, #tpu.memory_space<vmem>>, vector<1x1x1x64xi32>
    %get3A_1414 = vector.shape_cast %get3A_1413 : vector<1x1x1x64xi32> to vector<1x64xi32>
    %concatenate3A_1415 = tpu.concatenate %get3A_1414, %get3A_1402 in 1 : vector<1x64xi32>, vector<1x64xi32> -> vector<1x128xi32>
    %get3A_1416 = arith.constant 0 : index
    %get3A_1417 = arith.constant 9 : index
    %get3A_1418 = arith.constant 0 : index
    %get3A_1419 = arith.constant 0 : index
    %get3A_1420 = vector.load %arg8[%get3A_1416, %get3A_1417, %get3A_1418, %get3A_1419] : memref<1x32x1x64xi32, #tpu.memory_space<vmem>>, vector<1x1x1x64xi32>
    %get3A_1421 = vector.shape_cast %get3A_1420 : vector<1x1x1x64xi32> to vector<1x64xi32>
    %concatenate3A_1422 = tpu.concatenate %get3A_1421, %get3A_1408 in 1 : vector<1x64xi32>, vector<1x64xi32> -> vector<1x128xi32>
    %ne3A_1423 = vector.broadcast %get3A_1396 : vector<64x1xi32> to vector<64x128xi32>
    %ne3A_1424 = vector.broadcast %concatenate3A_1422 : vector<1x128xi32> to vector<64x128xi32>
    %ne3A_1425 = arith.cmpi ne, %ne3A_1423, %ne3A_1424 : vector<64x128xi32>
    %eq3A_1426 = vector.broadcast %get3A_1390 : vector<64x1xi32> to vector<64x128xi32>
    %eq3A_1427 = vector.broadcast %concatenate3A_1415 : vector<1x128xi32> to vector<64x128xi32>
    %eq3A_1428 = arith.cmpi eq, %eq3A_1426, %eq3A_1427 : vector<64x128xi32>
    %jit3A_1429 = arith.constant -5.000000e+04 : f32
    %broadcast_in_dim3A_1430 = vector.broadcast %jit3A_1429 : f32 to vector<64x128xf32>
    %select_n3A_1431 = arith.select %eq3A_1428, %broadcast_in_dim3A_1430, %mul3A_1384 : vector<64x128xi1>, vector<64x128xf32>
    %jit3A_1432 = arith.constant -3.40282347E+38 : f32
    %broadcast_in_dim3A_1433 = vector.broadcast %jit3A_1432 : f32 to vector<64x128xf32>
    %select_n3A_1434 = arith.select %ne3A_1425, %broadcast_in_dim3A_1433, %select_n3A_1431 : vector<64x128xi1>, vector<64x128xf32>
    %reduce_max3A_1435 = arith.constant dense<0xFF800000> : vector<64xf32>
    %reduce_max3A_1436 = vector.multi_reduction <maximumf>, %select_n3A_1434, %reduce_max3A_1435 [1] : vector<64x128xf32> to vector<64xf32>
    %broadcast_in_dim3A_1437 = vector.shape_cast %reduce_max3A_1436 : vector<64xf32> to vector<64x1xf32>
    %sub3A_1438 = vector.broadcast %broadcast_in_dim3A_1437 : vector<64x1xf32> to vector<64x128xf32>
    %sub3A_1439 = arith.subf %select_n3A_1434, %sub3A_1438 : vector<64x128xf32>
    %exp3A_1440 = math.exp %sub3A_1439 : vector<64x128xf32>
    %reduce_sum3A_1441 = arith.constant dense<0.000000e+00> : vector<64xf32>
    %reduce_sum3A_1442 = vector.multi_reduction <add>, %exp3A_1440, %reduce_sum3A_1441 [1] : vector<64x128xf32> to vector<64xf32>
    %broadcast_in_dim3A_1443 = vector.shape_cast %reduce_sum3A_1442 : vector<64xf32> to vector<64x1xf32>
    %dot_general3A_1444 = arith.constant dense<0.000000e+00> : vector<64x64xf32>
    %dot_general3A_1445 = tpu.matmul %exp3A_1440, %concatenate3A_1379, %dot_general3A_1444 {dimension_numbers = #tpu.dot_dimension_numbers<[1], [0], [0], [1], [0, 0, 1, 1], [], []>, transpose_lhs_hint = false} : vector<64x128xf32>, vector<128x64xf32>, vector<64x64xf32> -> vector<64x64xf32>
    %swap3A_1446 = arith.constant 0 : index
    %swap3A_1447 = arith.constant 9 : index
    %swap3A_1448 = arith.constant 0 : index
    %swap3A_1449 = arith.constant 0 : index
    %swap3A_1450 = vector.load %arg10[%swap3A_1446, %swap3A_1447, %swap3A_1448, %swap3A_1449] : memref<1x32x64x128xf32, #tpu.memory_space<vmem>>, vector<1x1x64x64xf32>
    %swap3A_1451 = vector.shape_cast %swap3A_1450 : vector<1x1x64x64xf32> to vector<64x64xf32>
    %swap3A_1452 = vector.shape_cast %dot_general3A_1445 : vector<64x64xf32> to vector<1x1x64x64xf32>
    tpu.vector_store %arg10[%swap3A_1446, %swap3A_1447, %swap3A_1448, %swap3A_1449], %swap3A_1452 {strides = array<i32>} : memref<1x32x64x128xf32, #tpu.memory_space<vmem>>, vector<1x1x64x64xf32>,
    %swap3A_1453 = arith.constant 0 : index
    %swap3A_1454 = arith.constant 9 : index
    %swap3A_1455 = arith.constant 0 : index
    %swap3A_1456 = arith.constant 64 : index
    %swap3A_1457 = vector.load %arg10[%swap3A_1453, %swap3A_1454, %swap3A_1455, %swap3A_1456] : memref<1x32x64x128xf32, #tpu.memory_space<vmem>>, vector<1x1x64x1xf32>
    %swap3A_1458 = vector.shape_cast %swap3A_1457 : vector<1x1x64x1xf32> to vector<64x1xf32>
    %swap3A_1459 = vector.shape_cast %broadcast_in_dim3A_1437 : vector<64x1xf32> to vector<1x1x64x1xf32>
    tpu.vector_store %arg10[%swap3A_1453, %swap3A_1454, %swap3A_1455, %swap3A_1456], %swap3A_1459 {strides = array<i32>} : memref<1x32x64x128xf32, #tpu.memory_space<vmem>>, vector<1x1x64x1xf32>,
    %swap3A_1460 = arith.constant 0 : index
    %swap3A_1461 = arith.constant 9 : index
    %swap3A_1462 = arith.constant 0 : index
    %swap3A_1463 = arith.constant 65 : index
    %swap3A_1464 = vector.load %arg10[%swap3A_1460, %swap3A_1461, %swap3A_1462, %swap3A_1463] : memref<1x32x64x128xf32, #tpu.memory_space<vmem>>, vector<1x1x64x1xf32>
    %swap3A_1465 = vector.shape_cast %swap3A_1464 : vector<1x1x64x1xf32> to vector<64x1xf32>
    %swap3A_1466 = vector.shape_cast %broadcast_in_dim3A_1443 : vector<64x1xf32> to vector<1x1x64x1xf32>
    tpu.vector_store %arg10[%swap3A_1460, %swap3A_1461, %swap3A_1462, %swap3A_1463], %swap3A_1466 {strides = array<i32>} : memref<1x32x64x128xf32, #tpu.memory_space<vmem>>, vector<1x1x64x1xf32>,
    %concatenate3A_1467 = tpu.concatenate %mul3A_208, %mul3A_190 in 0 : vector<64x64xf32>, vector<64x64xf32> -> vector<128x64xf32>
    %concatenate3A_1468 = tpu.concatenate %slice3A_198, %slice3A_180 in 0 : vector<64x64xf32>, vector<64x64xf32> -> vector<128x64xf32>
    %dot_general3A_1469 = arith.constant dense<0.000000e+00> : vector<64x128xf32>
    %dot_general3A_1470 = tpu.matmul %slice3A_197, %concatenate3A_1467, %dot_general3A_1469 {dimension_numbers = #tpu.dot_dimension_numbers<[1], [1], [0], [0], [0, 0, 1, 0], [], []>, transpose_lhs_hint = false} : vector<64x64xf32>, vector<128x64xf32>, vector<64x128xf32> -> vector<64x128xf32>
    %mul3A_1471 = arith.constant 1.250000e-01 : f32
    %mul3A_1472 = vector.broadcast %mul3A_1471 : f32 to vector<64x128xf32>
    %mul3A_1473 = arith.mulf %dot_general3A_1470, %mul3A_1472 : vector<64x128xf32>
    %get3A_1474 = arith.constant 0 : index
    %get3A_1475 = arith.constant 10 : index
    %get3A_1476 = arith.constant 0 : index
    %get3A_1477 = arith.constant 0 : index
    %get3A_1478 = vector.load %arg4[%get3A_1474, %get3A_1475, %get3A_1476, %get3A_1477] : memref<1x32x64x1xi32, #tpu.memory_space<vmem>>, vector<1x1x64x1xi32>
    %get3A_1479 = vector.shape_cast %get3A_1478 : vector<1x1x64x1xi32> to vector<64x1xi32>
    %get3A_1480 = arith.constant 0 : index
    %get3A_1481 = arith.constant 10 : index
    %get3A_1482 = arith.constant 0 : index
    %get3A_1483 = arith.constant 0 : index
    %get3A_1484 = vector.load %arg7[%get3A_1480, %get3A_1481, %get3A_1482, %get3A_1483] : memref<1x32x64x1xi32, #tpu.memory_space<vmem>>, vector<1x1x64x1xi32>
    %get3A_1485 = vector.shape_cast %get3A_1484 : vector<1x1x64x1xi32> to vector<64x1xi32>
    %get3A_1486 = arith.constant 0 : index
    %get3A_1487 = arith.constant 9 : index
    %get3A_1488 = arith.constant 0 : index
    %get3A_1489 = arith.constant 0 : index
    %get3A_1490 = vector.load %arg5[%get3A_1486, %get3A_1487, %get3A_1488, %get3A_1489] : memref<1x32x1x64xi32, #tpu.memory_space<vmem>>, vector<1x1x1x64xi32>
    %get3A_1491 = vector.shape_cast %get3A_1490 : vector<1x1x1x64xi32> to vector<1x64xi32>
    %get3A_1492 = arith.constant 0 : index
    %get3A_1493 = arith.constant 9 : index
    %get3A_1494 = arith.constant 0 : index
    %get3A_1495 = arith.constant 0 : index
    %get3A_1496 = vector.load %arg8[%get3A_1492, %get3A_1493, %get3A_1494, %get3A_1495] : memref<1x32x1x64xi32, #tpu.memory_space<vmem>>, vector<1x1x1x64xi32>
    %get3A_1497 = vector.shape_cast %get3A_1496 : vector<1x1x1x64xi32> to vector<1x64xi32>
    %get3A_1498 = arith.constant 0 : index
    %get3A_1499 = arith.constant 10 : index
    %get3A_1500 = arith.constant 0 : index
    %get3A_1501 = arith.constant 0 : index
    %get3A_1502 = vector.load %arg5[%get3A_1498, %get3A_1499, %get3A_1500, %get3A_1501] : memref<1x32x1x64xi32, #tpu.memory_space<vmem>>, vector<1x1x1x64xi32>
    %get3A_1503 = vector.shape_cast %get3A_1502 : vector<1x1x1x64xi32> to vector<1x64xi32>
    %concatenate3A_1504 = tpu.concatenate %get3A_1503, %get3A_1491 in 1 : vector<1x64xi32>, vector<1x64xi32> -> vector<1x128xi32>
    %get3A_1505 = arith.constant 0 : index
    %get3A_1506 = arith.constant 10 : index
    %get3A_1507 = arith.constant 0 : index
    %get3A_1508 = arith.constant 0 : index
    %get3A_1509 = vector.load %arg8[%get3A_1505, %get3A_1506, %get3A_1507, %get3A_1508] : memref<1x32x1x64xi32, #tpu.memory_space<vmem>>, vector<1x1x1x64xi32>
    %get3A_1510 = vector.shape_cast %get3A_1509 : vector<1x1x1x64xi32> to vector<1x64xi32>
    %concatenate3A_1511 = tpu.concatenate %get3A_1510, %get3A_1497 in 1 : vector<1x64xi32>, vector<1x64xi32> -> vector<1x128xi32>
    %ne3A_1512 = vector.broadcast %get3A_1485 : vector<64x1xi32> to vector<64x128xi32>
    %ne3A_1513 = vector.broadcast %concatenate3A_1511 : vector<1x128xi32> to vector<64x128xi32>
    %ne3A_1514 = arith.cmpi ne, %ne3A_1512, %ne3A_1513 : vector<64x128xi32>
    %eq3A_1515 = vector.broadcast %get3A_1479 : vector<64x1xi32> to vector<64x128xi32>
    %eq3A_1516 = vector.broadcast %concatenate3A_1504 : vector<1x128xi32> to vector<64x128xi32>
    %eq3A_1517 = arith.cmpi eq, %eq3A_1515, %eq3A_1516 : vector<64x128xi32>
    %jit3A_1518 = arith.constant -5.000000e+04 : f32
    %broadcast_in_dim3A_1519 = vector.broadcast %jit3A_1518 : f32 to vector<64x128xf32>
    %select_n3A_1520 = arith.select %eq3A_1517, %broadcast_in_dim3A_1519, %mul3A_1473 : vector<64x128xi1>, vector<64x128xf32>
    %jit3A_1521 = arith.constant -3.40282347E+38 : f32
    %broadcast_in_dim3A_1522 = vector.broadcast %jit3A_1521 : f32 to vector<64x128xf32>
    %select_n3A_1523 = arith.select %ne3A_1514, %broadcast_in_dim3A_1522, %select_n3A_1520 : vector<64x128xi1>, vector<64x128xf32>
    %reduce_max3A_1524 = arith.constant dense<0xFF800000> : vector<64xf32>
    %reduce_max3A_1525 = vector.multi_reduction <maximumf>, %select_n3A_1523, %reduce_max3A_1524 [1] : vector<64x128xf32> to vector<64xf32>
    %broadcast_in_dim3A_1526 = vector.shape_cast %reduce_max3A_1525 : vector<64xf32> to vector<64x1xf32>
    %sub3A_1527 = vector.broadcast %broadcast_in_dim3A_1526 : vector<64x1xf32> to vector<64x128xf32>
    %sub3A_1528 = arith.subf %select_n3A_1523, %sub3A_1527 : vector<64x128xf32>
    %exp3A_1529 = math.exp %sub3A_1528 : vector<64x128xf32>
    %reduce_sum3A_1530 = arith.constant dense<0.000000e+00> : vector<64xf32>
    %reduce_sum3A_1531 = vector.multi_reduction <add>, %exp3A_1529, %reduce_sum3A_1530 [1] : vector<64x128xf32> to vector<64xf32>
    %broadcast_in_dim3A_1532 = vector.shape_cast %reduce_sum3A_1531 : vector<64xf32> to vector<64x1xf32>
    %dot_general3A_1533 = arith.constant dense<0.000000e+00> : vector<64x64xf32>
    %dot_general3A_1534 = tpu.matmul %exp3A_1529, %concatenate3A_1468, %dot_general3A_1533 {dimension_numbers = #tpu.dot_dimension_numbers<[1], [0], [0], [1], [0, 0, 1, 1], [], []>, transpose_lhs_hint = false} : vector<64x128xf32>, vector<128x64xf32>, vector<64x64xf32> -> vector<64x64xf32>
    %swap3A_1535 = arith.constant 0 : index
    %swap3A_1536 = arith.constant 10 : index
    %swap3A_1537 = arith.constant 0 : index
    %swap3A_1538 = arith.constant 0 : index
    %swap3A_1539 = vector.load %arg10[%swap3A_1535, %swap3A_1536, %swap3A_1537, %swap3A_1538] : memref<1x32x64x128xf32, #tpu.memory_space<vmem>>, vector<1x1x64x64xf32>
    %swap3A_1540 = vector.shape_cast %swap3A_1539 : vector<1x1x64x64xf32> to vector<64x64xf32>
    %swap3A_1541 = vector.shape_cast %dot_general3A_1534 : vector<64x64xf32> to vector<1x1x64x64xf32>
    tpu.vector_store %arg10[%swap3A_1535, %swap3A_1536, %swap3A_1537, %swap3A_1538], %swap3A_1541 {strides = array<i32>} : memref<1x32x64x128xf32, #tpu.memory_space<vmem>>, vector<1x1x64x64xf32>,
    %swap3A_1542 = arith.constant 0 : index
    %swap3A_1543 = arith.constant 10 : index
    %swap3A_1544 = arith.constant 0 : index
    %swap3A_1545 = arith.constant 64 : index
    %swap3A_1546 = vector.load %arg10[%swap3A_1542, %swap3A_1543, %swap3A_1544, %swap3A_1545] : memref<1x32x64x128xf32, #tpu.memory_space<vmem>>, vector<1x1x64x1xf32>
    %swap3A_1547 = vector.shape_cast %swap3A_1546 : vector<1x1x64x1xf32> to vector<64x1xf32>
    %swap3A_1548 = vector.shape_cast %broadcast_in_dim3A_1526 : vector<64x1xf32> to vector<1x1x64x1xf32>
    tpu.vector_store %arg10[%swap3A_1542, %swap3A_1543, %swap3A_1544, %swap3A_1545], %swap3A_1548 {strides = array<i32>} : memref<1x32x64x128xf32, #tpu.memory_space<vmem>>, vector<1x1x64x1xf32>,
    %swap3A_1549 = arith.constant 0 : index
    %swap3A_1550 = arith.constant 10 : index
    %swap3A_1551 = arith.constant 0 : index
    %swap3A_1552 = arith.constant 65 : index
    %swap3A_1553 = vector.load %arg10[%swap3A_1549, %swap3A_1550, %swap3A_1551, %swap3A_1552] : memref<1x32x64x128xf32, #tpu.memory_space<vmem>>, vector<1x1x64x1xf32>
    %swap3A_1554 = vector.shape_cast %swap3A_1553 : vector<1x1x64x1xf32> to vector<64x1xf32>
    %swap3A_1555 = vector.shape_cast %broadcast_in_dim3A_1532 : vector<64x1xf32> to vector<1x1x64x1xf32>
    tpu.vector_store %arg10[%swap3A_1549, %swap3A_1550, %swap3A_1551, %swap3A_1552], %swap3A_1555 {strides = array<i32>} : memref<1x32x64x128xf32, #tpu.memory_space<vmem>>, vector<1x1x64x1xf32>,
    %concatenate3A_1556 = tpu.concatenate %mul3A_226, %mul3A_208 in 0 : vector<64x64xf32>, vector<64x64xf32> -> vector<128x64xf32>
    %concatenate3A_1557 = tpu.concatenate %slice3A_216, %slice3A_198 in 0 : vector<64x64xf32>, vector<64x64xf32> -> vector<128x64xf32>
    %dot_general3A_1558 = arith.constant dense<0.000000e+00> : vector<64x128xf32>
    %dot_general3A_1559 = tpu.matmul %slice3A_215, %concatenate3A_1556, %dot_general3A_1558 {dimension_numbers = #tpu.dot_dimension_numbers<[1], [1], [0], [0], [0, 0, 1, 0], [], []>, transpose_lhs_hint = false} : vector<64x64xf32>, vector<128x64xf32>, vector<64x128xf32> -> vector<64x128xf32>
    %mul3A_1560 = arith.constant 1.250000e-01 : f32
    %mul3A_1561 = vector.broadcast %mul3A_1560 : f32 to vector<64x128xf32>
    %mul3A_1562 = arith.mulf %dot_general3A_1559, %mul3A_1561 : vector<64x128xf32>
    %get3A_1563 = arith.constant 0 : index
    %get3A_1564 = arith.constant 11 : index
    %get3A_1565 = arith.constant 0 : index
    %get3A_1566 = arith.constant 0 : index
    %get3A_1567 = vector.load %arg4[%get3A_1563, %get3A_1564, %get3A_1565, %get3A_1566] : memref<1x32x64x1xi32, #tpu.memory_space<vmem>>, vector<1x1x64x1xi32>
    %get3A_1568 = vector.shape_cast %get3A_1567 : vector<1x1x64x1xi32> to vector<64x1xi32>
    %get3A_1569 = arith.constant 0 : index
    %get3A_1570 = arith.constant 11 : index
    %get3A_1571 = arith.constant 0 : index
    %get3A_1572 = arith.constant 0 : index
    %get3A_1573 = vector.load %arg7[%get3A_1569, %get3A_1570, %get3A_1571, %get3A_1572] : memref<1x32x64x1xi32, #tpu.memory_space<vmem>>, vector<1x1x64x1xi32>
    %get3A_1574 = vector.shape_cast %get3A_1573 : vector<1x1x64x1xi32> to vector<64x1xi32>
    %get3A_1575 = arith.constant 0 : index
    %get3A_1576 = arith.constant 10 : index
    %get3A_1577 = arith.constant 0 : index
    %get3A_1578 = arith.constant 0 : index
    %get3A_1579 = vector.load %arg5[%get3A_1575, %get3A_1576, %get3A_1577, %get3A_1578] : memref<1x32x1x64xi32, #tpu.memory_space<vmem>>, vector<1x1x1x64xi32>
    %get3A_1580 = vector.shape_cast %get3A_1579 : vector<1x1x1x64xi32> to vector<1x64xi32>
    %get3A_1581 = arith.constant 0 : index
    %get3A_1582 = arith.constant 10 : index
    %get3A_1583 = arith.constant 0 : index
    %get3A_1584 = arith.constant 0 : index
    %get3A_1585 = vector.load %arg8[%get3A_1581, %get3A_1582, %get3A_1583, %get3A_1584] : memref<1x32x1x64xi32, #tpu.memory_space<vmem>>, vector<1x1x1x64xi32>
    %get3A_1586 = vector.shape_cast %get3A_1585 : vector<1x1x1x64xi32> to vector<1x64xi32>
    %get3A_1587 = arith.constant 0 : index
    %get3A_1588 = arith.constant 11 : index
    %get3A_1589 = arith.constant 0 : index
    %get3A_1590 = arith.constant 0 : index
    %get3A_1591 = vector.load %arg5[%get3A_1587, %get3A_1588, %get3A_1589, %get3A_1590] : memref<1x32x1x64xi32, #tpu.memory_space<vmem>>, vector<1x1x1x64xi32>
    %get3A_1592 = vector.shape_cast %get3A_1591 : vector<1x1x1x64xi32> to vector<1x64xi32>
    %concatenate3A_1593 = tpu.concatenate %get3A_1592, %get3A_1580 in 1 : vector<1x64xi32>, vector<1x64xi32> -> vector<1x128xi32>
    %get3A_1594 = arith.constant 0 : index
    %get3A_1595 = arith.constant 11 : index
    %get3A_1596 = arith.constant 0 : index
    %get3A_1597 = arith.constant 0 : index
    %get3A_1598 = vector.load %arg8[%get3A_1594, %get3A_1595, %get3A_1596, %get3A_1597] : memref<1x32x1x64xi32, #tpu.memory_space<vmem>>, vector<1x1x1x64xi32>
    %get3A_1599 = vector.shape_cast %get3A_1598 : vector<1x1x1x64xi32> to vector<1x64xi32>
    %concatenate3A_1600 = tpu.concatenate %get3A_1599, %get3A_1586 in 1 : vector<1x64xi32>, vector<1x64xi32> -> vector<1x128xi32>
    %ne3A_1601 = vector.broadcast %get3A_1574 : vector<64x1xi32> to vector<64x128xi32>
    %ne3A_1602 = vector.broadcast %concatenate3A_1600 : vector<1x128xi32> to vector<64x128xi32>
    %ne3A_1603 = arith.cmpi ne, %ne3A_1601, %ne3A_1602 : vector<64x128xi32>
    %eq3A_1604 = vector.broadcast %get3A_1568 : vector<64x1xi32> to vector<64x128xi32>
    %eq3A_1605 = vector.broadcast %concatenate3A_1593 : vector<1x128xi32> to vector<64x128xi32>
    %eq3A_1606 = arith.cmpi eq, %eq3A_1604, %eq3A_1605 : vector<64x128xi32>
    %jit3A_1607 = arith.constant -5.000000e+04 : f32
    %broadcast_in_dim3A_1608 = vector.broadcast %jit3A_1607 : f32 to vector<64x128xf32>
    %select_n3A_1609 = arith.select %eq3A_1606, %broadcast_in_dim3A_1608, %mul3A_1562 : vector<64x128xi1>, vector<64x128xf32>
    %jit3A_1610 = arith.constant -3.40282347E+38 : f32
    %broadcast_in_dim3A_1611 = vector.broadcast %jit3A_1610 : f32 to vector<64x128xf32>
    %select_n3A_1612 = arith.select %ne3A_1603, %broadcast_in_dim3A_1611, %select_n3A_1609 : vector<64x128xi1>, vector<64x128xf32>
    %reduce_max3A_1613 = arith.constant dense<0xFF800000> : vector<64xf32>
    %reduce_max3A_1614 = vector.multi_reduction <maximumf>, %select_n3A_1612, %reduce_max3A_1613 [1] : vector<64x128xf32> to vector<64xf32>
    %broadcast_in_dim3A_1615 = vector.shape_cast %reduce_max3A_1614 : vector<64xf32> to vector<64x1xf32>
    %sub3A_1616 = vector.broadcast %broadcast_in_dim3A_1615 : vector<64x1xf32> to vector<64x128xf32>
    %sub3A_1617 = arith.subf %select_n3A_1612, %sub3A_1616 : vector<64x128xf32>
    %exp3A_1618 = math.exp %sub3A_1617 : vector<64x128xf32>
    %reduce_sum3A_1619 = arith.constant dense<0.000000e+00> : vector<64xf32>
    %reduce_sum3A_1620 = vector.multi_reduction <add>, %exp3A_1618, %reduce_sum3A_1619 [1] : vector<64x128xf32> to vector<64xf32>
    %broadcast_in_dim3A_1621 = vector.shape_cast %reduce_sum3A_1620 : vector<64xf32> to vector<64x1xf32>
    %dot_general3A_1622 = arith.constant dense<0.000000e+00> : vector<64x64xf32>
    %dot_general3A_1623 = tpu.matmul %exp3A_1618, %concatenate3A_1557, %dot_general3A_1622 {dimension_numbers = #tpu.dot_dimension_numbers<[1], [0], [0], [1], [0, 0, 1, 1], [], []>, transpose_lhs_hint = false} : vector<64x128xf32>, vector<128x64xf32>, vector<64x64xf32> -> vector<64x64xf32>
    %swap3A_1624 = arith.constant 0 : index
    %swap3A_1625 = arith.constant 11 : index
    %swap3A_1626 = arith.constant 0 : index
    %swap3A_1627 = arith.constant 0 : index
    %swap3A_1628 = vector.load %arg10[%swap3A_1624, %swap3A_1625, %swap3A_1626, %swap3A_1627] : memref<1x32x64x128xf32, #tpu.memory_space<vmem>>, vector<1x1x64x64xf32>
    %swap3A_1629 = vector.shape_cast %swap3A_1628 : vector<1x1x64x64xf32> to vector<64x64xf32>
    %swap3A_1630 = vector.shape_cast %dot_general3A_1623 : vector<64x64xf32> to vector<1x1x64x64xf32>
    tpu.vector_store %arg10[%swap3A_1624, %swap3A_1625, %swap3A_1626, %swap3A_1627], %swap3A_1630 {strides = array<i32>} : memref<1x32x64x128xf32, #tpu.memory_space<vmem>>, vector<1x1x64x64xf32>,
    %swap3A_1631 = arith.constant 0 : index
    %swap3A_1632 = arith.constant 11 : index
    %swap3A_1633 = arith.constant 0 : index
    %swap3A_1634 = arith.constant 64 : index
    %swap3A_1635 = vector.load %arg10[%swap3A_1631, %swap3A_1632, %swap3A_1633, %swap3A_1634] : memref<1x32x64x128xf32, #tpu.memory_space<vmem>>, vector<1x1x64x1xf32>
    %swap3A_1636 = vector.shape_cast %swap3A_1635 : vector<1x1x64x1xf32> to vector<64x1xf32>
    %swap3A_1637 = vector.shape_cast %broadcast_in_dim3A_1615 : vector<64x1xf32> to vector<1x1x64x1xf32>
    tpu.vector_store %arg10[%swap3A_1631, %swap3A_1632, %swap3A_1633, %swap3A_1634], %swap3A_1637 {strides = array<i32>} : memref<1x32x64x128xf32, #tpu.memory_space<vmem>>, vector<1x1x64x1xf32>,
    %swap3A_1638 = arith.constant 0 : index
    %swap3A_1639 = arith.constant 11 : index
    %swap3A_1640 = arith.constant 0 : index
    %swap3A_1641 = arith.constant 65 : index
    %swap3A_1642 = vector.load %arg10[%swap3A_1638, %swap3A_1639, %swap3A_1640, %swap3A_1641] : memref<1x32x64x128xf32, #tpu.memory_space<vmem>>, vector<1x1x64x1xf32>
    %swap3A_1643 = vector.shape_cast %swap3A_1642 : vector<1x1x64x1xf32> to vector<64x1xf32>
    %swap3A_1644 = vector.shape_cast %broadcast_in_dim3A_1621 : vector<64x1xf32> to vector<1x1x64x1xf32>
    tpu.vector_store %arg10[%swap3A_1638, %swap3A_1639, %swap3A_1640, %swap3A_1641], %swap3A_1644 {strides = array<i32>} : memref<1x32x64x128xf32, #tpu.memory_space<vmem>>, vector<1x1x64x1xf32>,
    %concatenate3A_1645 = tpu.concatenate %mul3A_244, %mul3A_226 in 0 : vector<64x64xf32>, vector<64x64xf32> -> vector<128x64xf32>
    %concatenate3A_1646 = tpu.concatenate %slice3A_234, %slice3A_216 in 0 : vector<64x64xf32>, vector<64x64xf32> -> vector<128x64xf32>
    %dot_general3A_1647 = arith.constant dense<0.000000e+00> : vector<64x128xf32>
    %dot_general3A_1648 = tpu.matmul %slice3A_233, %concatenate3A_1645, %dot_general3A_1647 {dimension_numbers = #tpu.dot_dimension_numbers<[1], [1], [0], [0], [0, 0, 1, 0], [], []>, transpose_lhs_hint = false} : vector<64x64xf32>, vector<128x64xf32>, vector<64x128xf32> -> vector<64x128xf32>
    %mul3A_1649 = arith.constant 1.250000e-01 : f32
    %mul3A_1650 = vector.broadcast %mul3A_1649 : f32 to vector<64x128xf32>
    %mul3A_1651 = arith.mulf %dot_general3A_1648, %mul3A_1650 : vector<64x128xf32>
    %get3A_1652 = arith.constant 0 : index
    %get3A_1653 = arith.constant 12 : index
    %get3A_1654 = arith.constant 0 : index
    %get3A_1655 = arith.constant 0 : index
    %get3A_1656 = vector.load %arg4[%get3A_1652, %get3A_1653, %get3A_1654, %get3A_1655] : memref<1x32x64x1xi32, #tpu.memory_space<vmem>>, vector<1x1x64x1xi32>
    %get3A_1657 = vector.shape_cast %get3A_1656 : vector<1x1x64x1xi32> to vector<64x1xi32>
    %get3A_1658 = arith.constant 0 : index
    %get3A_1659 = arith.constant 12 : index
    %get3A_1660 = arith.constant 0 : index
    %get3A_1661 = arith.constant 0 : index
    %get3A_1662 = vector.load %arg7[%get3A_1658, %get3A_1659, %get3A_1660, %get3A_1661] : memref<1x32x64x1xi32, #tpu.memory_space<vmem>>, vector<1x1x64x1xi32>
    %get3A_1663 = vector.shape_cast %get3A_1662 : vector<1x1x64x1xi32> to vector<64x1xi32>
    %get3A_1664 = arith.constant 0 : index
    %get3A_1665 = arith.constant 11 : index
    %get3A_1666 = arith.constant 0 : index
    %get3A_1667 = arith.constant 0 : index
    %get3A_1668 = vector.load %arg5[%get3A_1664, %get3A_1665, %get3A_1666, %get3A_1667] : memref<1x32x1x64xi32, #tpu.memory_space<vmem>>, vector<1x1x1x64xi32>
    %get3A_1669 = vector.shape_cast %get3A_1668 : vector<1x1x1x64xi32> to vector<1x64xi32>
    %get3A_1670 = arith.constant 0 : index
    %get3A_1671 = arith.constant 11 : index
    %get3A_1672 = arith.constant 0 : index
    %get3A_1673 = arith.constant 0 : index
    %get3A_1674 = vector.load %arg8[%get3A_1670, %get3A_1671, %get3A_1672, %get3A_1673] : memref<1x32x1x64xi32, #tpu.memory_space<vmem>>, vector<1x1x1x64xi32>
    %get3A_1675 = vector.shape_cast %get3A_1674 : vector<1x1x1x64xi32> to vector<1x64xi32>
    %get3A_1676 = arith.constant 0 : index
    %get3A_1677 = arith.constant 12 : index
    %get3A_1678 = arith.constant 0 : index
    %get3A_1679 = arith.constant 0 : index
    %get3A_1680 = vector.load %arg5[%get3A_1676, %get3A_1677, %get3A_1678, %get3A_1679] : memref<1x32x1x64xi32, #tpu.memory_space<vmem>>, vector<1x1x1x64xi32>
    %get3A_1681 = vector.shape_cast %get3A_1680 : vector<1x1x1x64xi32> to vector<1x64xi32>
    %concatenate3A_1682 = tpu.concatenate %get3A_1681, %get3A_1669 in 1 : vector<1x64xi32>, vector<1x64xi32> -> vector<1x128xi32>
    %get3A_1683 = arith.constant 0 : index
    %get3A_1684 = arith.constant 12 : index
    %get3A_1685 = arith.constant 0 : index
    %get3A_1686 = arith.constant 0 : index
    %get3A_1687 = vector.load %arg8[%get3A_1683, %get3A_1684, %get3A_1685, %get3A_1686] : memref<1x32x1x64xi32, #tpu.memory_space<vmem>>, vector<1x1x1x64xi32>
    %get3A_1688 = vector.shape_cast %get3A_1687 : vector<1x1x1x64xi32> to vector<1x64xi32>
    %concatenate3A_1689 = tpu.concatenate %get3A_1688, %get3A_1675 in 1 : vector<1x64xi32>, vector<1x64xi32> -> vector<1x128xi32>
    %ne3A_1690 = vector.broadcast %get3A_1663 : vector<64x1xi32> to vector<64x128xi32>
    %ne3A_1691 = vector.broadcast %concatenate3A_1689 : vector<1x128xi32> to vector<64x128xi32>
    %ne3A_1692 = arith.cmpi ne, %ne3A_1690, %ne3A_1691 : vector<64x128xi32>
    %eq3A_1693 = vector.broadcast %get3A_1657 : vector<64x1xi32> to vector<64x128xi32>
    %eq3A_1694 = vector.broadcast %concatenate3A_1682 : vector<1x128xi32> to vector<64x128xi32>
    %eq3A_1695 = arith.cmpi eq, %eq3A_1693, %eq3A_1694 : vector<64x128xi32>
    %jit3A_1696 = arith.constant -5.000000e+04 : f32
    %broadcast_in_dim3A_1697 = vector.broadcast %jit3A_1696 : f32 to vector<64x128xf32>
    %select_n3A_1698 = arith.select %eq3A_1695, %broadcast_in_dim3A_1697, %mul3A_1651 : vector<64x128xi1>, vector<64x128xf32>
    %jit3A_1699 = arith.constant -3.40282347E+38 : f32
    %broadcast_in_dim3A_1700 = vector.broadcast %jit3A_1699 : f32 to vector<64x128xf32>
    %select_n3A_1701 = arith.select %ne3A_1692, %broadcast_in_dim3A_1700, %select_n3A_1698 : vector<64x128xi1>, vector<64x128xf32>
    %reduce_max3A_1702 = arith.constant dense<0xFF800000> : vector<64xf32>
    %reduce_max3A_1703 = vector.multi_reduction <maximumf>, %select_n3A_1701, %reduce_max3A_1702 [1] : vector<64x128xf32> to vector<64xf32>
    %broadcast_in_dim3A_1704 = vector.shape_cast %reduce_max3A_1703 : vector<64xf32> to vector<64x1xf32>
    %sub3A_1705 = vector.broadcast %broadcast_in_dim3A_1704 : vector<64x1xf32> to vector<64x128xf32>
    %sub3A_1706 = arith.subf %select_n3A_1701, %sub3A_1705 : vector<64x128xf32>
    %exp3A_1707 = math.exp %sub3A_1706 : vector<64x128xf32>
    %reduce_sum3A_1708 = arith.constant dense<0.000000e+00> : vector<64xf32>
    %reduce_sum3A_1709 = vector.multi_reduction <add>, %exp3A_1707, %reduce_sum3A_1708 [1] : vector<64x128xf32> to vector<64xf32>
    %broadcast_in_dim3A_1710 = vector.shape_cast %reduce_sum3A_1709 : vector<64xf32> to vector<64x1xf32>
    %dot_general3A_1711 = arith.constant dense<0.000000e+00> : vector<64x64xf32>
    %dot_general3A_1712 = tpu.matmul %exp3A_1707, %concatenate3A_1646, %dot_general3A_1711 {dimension_numbers = #tpu.dot_dimension_numbers<[1], [0], [0], [1], [0, 0, 1, 1], [], []>, transpose_lhs_hint = false} : vector<64x128xf32>, vector<128x64xf32>, vector<64x64xf32> -> vector<64x64xf32>
    %swap3A_1713 = arith.constant 0 : index
    %swap3A_1714 = arith.constant 12 : index
    %swap3A_1715 = arith.constant 0 : index
    %swap3A_1716 = arith.constant 0 : index
    %swap3A_1717 = vector.load %arg10[%swap3A_1713, %swap3A_1714, %swap3A_1715, %swap3A_1716] : memref<1x32x64x128xf32, #tpu.memory_space<vmem>>, vector<1x1x64x64xf32>
    %swap3A_1718 = vector.shape_cast %swap3A_1717 : vector<1x1x64x64xf32> to vector<64x64xf32>
    %swap3A_1719 = vector.shape_cast %dot_general3A_1712 : vector<64x64xf32> to vector<1x1x64x64xf32>
    tpu.vector_store %arg10[%swap3A_1713, %swap3A_1714, %swap3A_1715, %swap3A_1716], %swap3A_1719 {strides = array<i32>} : memref<1x32x64x128xf32, #tpu.memory_space<vmem>>, vector<1x1x64x64xf32>,
    %swap3A_1720 = arith.constant 0 : index
    %swap3A_1721 = arith.constant 12 : index
    %swap3A_1722 = arith.constant 0 : index
    %swap3A_1723 = arith.constant 64 : index
    %swap3A_1724 = vector.load %arg10[%swap3A_1720, %swap3A_1721, %swap3A_1722, %swap3A_1723] : memref<1x32x64x128xf32, #tpu.memory_space<vmem>>, vector<1x1x64x1xf32>
    %swap3A_1725 = vector.shape_cast %swap3A_1724 : vector<1x1x64x1xf32> to vector<64x1xf32>
    %swap3A_1726 = vector.shape_cast %broadcast_in_dim3A_1704 : vector<64x1xf32> to vector<1x1x64x1xf32>
    tpu.vector_store %arg10[%swap3A_1720, %swap3A_1721, %swap3A_1722, %swap3A_1723], %swap3A_1726 {strides = array<i32>} : memref<1x32x64x128xf32, #tpu.memory_space<vmem>>, vector<1x1x64x1xf32>,
    %swap3A_1727 = arith.constant 0 : index
    %swap3A_1728 = arith.constant 12 : index
    %swap3A_1729 = arith.constant 0 : index
    %swap3A_1730 = arith.constant 65 : index
    %swap3A_1731 = vector.load %arg10[%swap3A_1727, %swap3A_1728, %swap3A_1729, %swap3A_1730] : memref<1x32x64x128xf32, #tpu.memory_space<vmem>>, vector<1x1x64x1xf32>
    %swap3A_1732 = vector.shape_cast %swap3A_1731 : vector<1x1x64x1xf32> to vector<64x1xf32>
    %swap3A_1733 = vector.shape_cast %broadcast_in_dim3A_1710 : vector<64x1xf32> to vector<1x1x64x1xf32>
    tpu.vector_store %arg10[%swap3A_1727, %swap3A_1728, %swap3A_1729, %swap3A_1730], %swap3A_1733 {strides = array<i32>} : memref<1x32x64x128xf32, #tpu.memory_space<vmem>>, vector<1x1x64x1xf32>,
    %concatenate3A_1734 = tpu.concatenate %mul3A_262, %mul3A_244 in 0 : vector<64x64xf32>, vector<64x64xf32> -> vector<128x64xf32>
    %concatenate3A_1735 = tpu.concatenate %slice3A_252, %slice3A_234 in 0 : vector<64x64xf32>, vector<64x64xf32> -> vector<128x64xf32>
    %dot_general3A_1736 = arith.constant dense<0.000000e+00> : vector<64x128xf32>
    %dot_general3A_1737 = tpu.matmul %slice3A_251, %concatenate3A_1734, %dot_general3A_1736 {dimension_numbers = #tpu.dot_dimension_numbers<[1], [1], [0], [0], [0, 0, 1, 0], [], []>, transpose_lhs_hint = false} : vector<64x64xf32>, vector<128x64xf32>, vector<64x128xf32> -> vector<64x128xf32>
    %mul3A_1738 = arith.constant 1.250000e-01 : f32
    %mul3A_1739 = vector.broadcast %mul3A_1738 : f32 to vector<64x128xf32>
    %mul3A_1740 = arith.mulf %dot_general3A_1737, %mul3A_1739 : vector<64x128xf32>
    %get3A_1741 = arith.constant 0 : index
    %get3A_1742 = arith.constant 13 : index
    %get3A_1743 = arith.constant 0 : index
    %get3A_1744 = arith.constant 0 : index
    %get3A_1745 = vector.load %arg4[%get3A_1741, %get3A_1742, %get3A_1743, %get3A_1744] : memref<1x32x64x1xi32, #tpu.memory_space<vmem>>, vector<1x1x64x1xi32>
    %get3A_1746 = vector.shape_cast %get3A_1745 : vector<1x1x64x1xi32> to vector<64x1xi32>
    %get3A_1747 = arith.constant 0 : index
    %get3A_1748 = arith.constant 13 : index
    %get3A_1749 = arith.constant 0 : index
    %get3A_1750 = arith.constant 0 : index
    %get3A_1751 = vector.load %arg7[%get3A_1747, %get3A_1748, %get3A_1749, %get3A_1750] : memref<1x32x64x1xi32, #tpu.memory_space<vmem>>, vector<1x1x64x1xi32>
    %get3A_1752 = vector.shape_cast %get3A_1751 : vector<1x1x64x1xi32> to vector<64x1xi32>
    %get3A_1753 = arith.constant 0 : index
    %get3A_1754 = arith.constant 12 : index
    %get3A_1755 = arith.constant 0 : index
    %get3A_1756 = arith.constant 0 : index
    %get3A_1757 = vector.load %arg5[%get3A_1753, %get3A_1754, %get3A_1755, %get3A_1756] : memref<1x32x1x64xi32, #tpu.memory_space<vmem>>, vector<1x1x1x64xi32>
    %get3A_1758 = vector.shape_cast %get3A_1757 : vector<1x1x1x64xi32> to vector<1x64xi32>
    %get3A_1759 = arith.constant 0 : index
    %get3A_1760 = arith.constant 12 : index
    %get3A_1761 = arith.constant 0 : index
    %get3A_1762 = arith.constant 0 : index
    %get3A_1763 = vector.load %arg8[%get3A_1759, %get3A_1760, %get3A_1761, %get3A_1762] : memref<1x32x1x64xi32, #tpu.memory_space<vmem>>, vector<1x1x1x64xi32>
    %get3A_1764 = vector.shape_cast %get3A_1763 : vector<1x1x1x64xi32> to vector<1x64xi32>
    %get3A_1765 = arith.constant 0 : index
    %get3A_1766 = arith.constant 13 : index
    %get3A_1767 = arith.constant 0 : index
    %get3A_1768 = arith.constant 0 : index
    %get3A_1769 = vector.load %arg5[%get3A_1765, %get3A_1766, %get3A_1767, %get3A_1768] : memref<1x32x1x64xi32, #tpu.memory_space<vmem>>, vector<1x1x1x64xi32>
    %get3A_1770 = vector.shape_cast %get3A_1769 : vector<1x1x1x64xi32> to vector<1x64xi32>
    %concatenate3A_1771 = tpu.concatenate %get3A_1770, %get3A_1758 in 1 : vector<1x64xi32>, vector<1x64xi32> -> vector<1x128xi32>
    %get3A_1772 = arith.constant 0 : index
    %get3A_1773 = arith.constant 13 : index
    %get3A_1774 = arith.constant 0 : index
    %get3A_1775 = arith.constant 0 : index
    %get3A_1776 = vector.load %arg8[%get3A_1772, %get3A_1773, %get3A_1774, %get3A_1775] : memref<1x32x1x64xi32, #tpu.memory_space<vmem>>, vector<1x1x1x64xi32>
    %get3A_1777 = vector.shape_cast %get3A_1776 : vector<1x1x1x64xi32> to vector<1x64xi32>
    %concatenate3A_1778 = tpu.concatenate %get3A_1777, %get3A_1764 in 1 : vector<1x64xi32>, vector<1x64xi32> -> vector<1x128xi32>
    %ne3A_1779 = vector.broadcast %get3A_1752 : vector<64x1xi32> to vector<64x128xi32>
    %ne3A_1780 = vector.broadcast %concatenate3A_1778 : vector<1x128xi32> to vector<64x128xi32>
    %ne3A_1781 = arith.cmpi ne, %ne3A_1779, %ne3A_1780 : vector<64x128xi32>
    %eq3A_1782 = vector.broadcast %get3A_1746 : vector<64x1xi32> to vector<64x128xi32>
    %eq3A_1783 = vector.broadcast %concatenate3A_1771 : vector<1x128xi32> to vector<64x128xi32>
    %eq3A_1784 = arith.cmpi eq, %eq3A_1782, %eq3A_1783 : vector<64x128xi32>
    %jit3A_1785 = arith.constant -5.000000e+04 : f32
    %broadcast_in_dim3A_1786 = vector.broadcast %jit3A_1785 : f32 to vector<64x128xf32>
    %select_n3A_1787 = arith.select %eq3A_1784, %broadcast_in_dim3A_1786, %mul3A_1740 : vector<64x128xi1>, vector<64x128xf32>
    %jit3A_1788 = arith.constant -3.40282347E+38 : f32
    %broadcast_in_dim3A_1789 = vector.broadcast %jit3A_1788 : f32 to vector<64x128xf32>
    %select_n3A_1790 = arith.select %ne3A_1781, %broadcast_in_dim3A_1789, %select_n3A_1787 : vector<64x128xi1>, vector<64x128xf32>
    %reduce_max3A_1791 = arith.constant dense<0xFF800000> : vector<64xf32>
    %reduce_max3A_1792 = vector.multi_reduction <maximumf>, %select_n3A_1790, %reduce_max3A_1791 [1] : vector<64x128xf32> to vector<64xf32>
    %broadcast_in_dim3A_1793 = vector.shape_cast %reduce_max3A_1792 : vector<64xf32> to vector<64x1xf32>
    %sub3A_1794 = vector.broadcast %broadcast_in_dim3A_1793 : vector<64x1xf32> to vector<64x128xf32>
    %sub3A_1795 = arith.subf %select_n3A_1790, %sub3A_1794 : vector<64x128xf32>
    %exp3A_1796 = math.exp %sub3A_1795 : vector<64x128xf32>
    %reduce_sum3A_1797 = arith.constant dense<0.000000e+00> : vector<64xf32>
    %reduce_sum3A_1798 = vector.multi_reduction <add>, %exp3A_1796, %reduce_sum3A_1797 [1] : vector<64x128xf32> to vector<64xf32>
    %broadcast_in_dim3A_1799 = vector.shape_cast %reduce_sum3A_1798 : vector<64xf32> to vector<64x1xf32>
    %dot_general3A_1800 = arith.constant dense<0.000000e+00> : vector<64x64xf32>
    %dot_general3A_1801 = tpu.matmul %exp3A_1796, %concatenate3A_1735, %dot_general3A_1800 {dimension_numbers = #tpu.dot_dimension_numbers<[1], [0], [0], [1], [0, 0, 1, 1], [], []>, transpose_lhs_hint = false} : vector<64x128xf32>, vector<128x64xf32>, vector<64x64xf32> -> vector<64x64xf32>
    %swap3A_1802 = arith.constant 0 : index
    %swap3A_1803 = arith.constant 13 : index
    %swap3A_1804 = arith.constant 0 : index
    %swap3A_1805 = arith.constant 0 : index
    %swap3A_1806 = vector.load %arg10[%swap3A_1802, %swap3A_1803, %swap3A_1804, %swap3A_1805] : memref<1x32x64x128xf32, #tpu.memory_space<vmem>>, vector<1x1x64x64xf32>
    %swap3A_1807 = vector.shape_cast %swap3A_1806 : vector<1x1x64x64xf32> to vector<64x64xf32>
    %swap3A_1808 = vector.shape_cast %dot_general3A_1801 : vector<64x64xf32> to vector<1x1x64x64xf32>
    tpu.vector_store %arg10[%swap3A_1802, %swap3A_1803, %swap3A_1804, %swap3A_1805], %swap3A_1808 {strides = array<i32>} : memref<1x32x64x128xf32, #tpu.memory_space<vmem>>, vector<1x1x64x64xf32>,
    %swap3A_1809 = arith.constant 0 : index
    %swap3A_1810 = arith.constant 13 : index
    %swap3A_1811 = arith.constant 0 : index
    %swap3A_1812 = arith.constant 64 : index
    %swap3A_1813 = vector.load %arg10[%swap3A_1809, %swap3A_1810, %swap3A_1811, %swap3A_1812] : memref<1x32x64x128xf32, #tpu.memory_space<vmem>>, vector<1x1x64x1xf32>
    %swap3A_1814 = vector.shape_cast %swap3A_1813 : vector<1x1x64x1xf32> to vector<64x1xf32>
    %swap3A_1815 = vector.shape_cast %broadcast_in_dim3A_1793 : vector<64x1xf32> to vector<1x1x64x1xf32>
    tpu.vector_store %arg10[%swap3A_1809, %swap3A_1810, %swap3A_1811, %swap3A_1812], %swap3A_1815 {strides = array<i32>} : memref<1x32x64x128xf32, #tpu.memory_space<vmem>>, vector<1x1x64x1xf32>,
    %swap3A_1816 = arith.constant 0 : index
    %swap3A_1817 = arith.constant 13 : index
    %swap3A_1818 = arith.constant 0 : index
    %swap3A_1819 = arith.constant 65 : index
    %swap3A_1820 = vector.load %arg10[%swap3A_1816, %swap3A_1817, %swap3A_1818, %swap3A_1819] : memref<1x32x64x128xf32, #tpu.memory_space<vmem>>, vector<1x1x64x1xf32>
    %swap3A_1821 = vector.shape_cast %swap3A_1820 : vector<1x1x64x1xf32> to vector<64x1xf32>
    %swap3A_1822 = vector.shape_cast %broadcast_in_dim3A_1799 : vector<64x1xf32> to vector<1x1x64x1xf32>
    tpu.vector_store %arg10[%swap3A_1816, %swap3A_1817, %swap3A_1818, %swap3A_1819], %swap3A_1822 {strides = array<i32>} : memref<1x32x64x128xf32, #tpu.memory_space<vmem>>, vector<1x1x64x1xf32>,
    %concatenate3A_1823 = tpu.concatenate %mul3A_280, %mul3A_262 in 0 : vector<64x64xf32>, vector<64x64xf32> -> vector<128x64xf32>
    %concatenate3A_1824 = tpu.concatenate %slice3A_270, %slice3A_252 in 0 : vector<64x64xf32>, vector<64x64xf32> -> vector<128x64xf32>
    %dot_general3A_1825 = arith.constant dense<0.000000e+00> : vector<64x128xf32>
    %dot_general3A_1826 = tpu.matmul %slice3A_269, %concatenate3A_1823, %dot_general3A_1825 {dimension_numbers = #tpu.dot_dimension_numbers<[1], [1], [0], [0], [0, 0, 1, 0], [], []>, transpose_lhs_hint = false} : vector<64x64xf32>, vector<128x64xf32>, vector<64x128xf32> -> vector<64x128xf32>
    %mul3A_1827 = arith.constant 1.250000e-01 : f32
    %mul3A_1828 = vector.broadcast %mul3A_1827 : f32 to vector<64x128xf32>
    %mul3A_1829 = arith.mulf %dot_general3A_1826, %mul3A_1828 : vector<64x128xf32>
    %get3A_1830 = arith.constant 0 : index
    %get3A_1831 = arith.constant 14 : index
    %get3A_1832 = arith.constant 0 : index
    %get3A_1833 = arith.constant 0 : index
    %get3A_1834 = vector.load %arg4[%get3A_1830, %get3A_1831, %get3A_1832, %get3A_1833] : memref<1x32x64x1xi32, #tpu.memory_space<vmem>>, vector<1x1x64x1xi32>
    %get3A_1835 = vector.shape_cast %get3A_1834 : vector<1x1x64x1xi32> to vector<64x1xi32>
    %get3A_1836 = arith.constant 0 : index
    %get3A_1837 = arith.constant 14 : index
    %get3A_1838 = arith.constant 0 : index
    %get3A_1839 = arith.constant 0 : index
    %get3A_1840 = vector.load %arg7[%get3A_1836, %get3A_1837, %get3A_1838, %get3A_1839] : memref<1x32x64x1xi32, #tpu.memory_space<vmem>>, vector<1x1x64x1xi32>
    %get3A_1841 = vector.shape_cast %get3A_1840 : vector<1x1x64x1xi32> to vector<64x1xi32>
    %get3A_1842 = arith.constant 0 : index
    %get3A_1843 = arith.constant 13 : index
    %get3A_1844 = arith.constant 0 : index
    %get3A_1845 = arith.constant 0 : index
    %get3A_1846 = vector.load %arg5[%get3A_1842, %get3A_1843, %get3A_1844, %get3A_1845] : memref<1x32x1x64xi32, #tpu.memory_space<vmem>>, vector<1x1x1x64xi32>
    %get3A_1847 = vector.shape_cast %get3A_1846 : vector<1x1x1x64xi32> to vector<1x64xi32>
    %get3A_1848 = arith.constant 0 : index
    %get3A_1849 = arith.constant 13 : index
    %get3A_1850 = arith.constant 0 : index
    %get3A_1851 = arith.constant 0 : index
    %get3A_1852 = vector.load %arg8[%get3A_1848, %get3A_1849, %get3A_1850, %get3A_1851] : memref<1x32x1x64xi32, #tpu.memory_space<vmem>>, vector<1x1x1x64xi32>
    %get3A_1853 = vector.shape_cast %get3A_1852 : vector<1x1x1x64xi32> to vector<1x64xi32>
    %get3A_1854 = arith.constant 0 : index
    %get3A_1855 = arith.constant 14 : index
    %get3A_1856 = arith.constant 0 : index
    %get3A_1857 = arith.constant 0 : index
    %get3A_1858 = vector.load %arg5[%get3A_1854, %get3A_1855, %get3A_1856, %get3A_1857] : memref<1x32x1x64xi32, #tpu.memory_space<vmem>>, vector<1x1x1x64xi32>
    %get3A_1859 = vector.shape_cast %get3A_1858 : vector<1x1x1x64xi32> to vector<1x64xi32>
    %concatenate3A_1860 = tpu.concatenate %get3A_1859, %get3A_1847 in 1 : vector<1x64xi32>, vector<1x64xi32> -> vector<1x128xi32>
    %get3A_1861 = arith.constant 0 : index
    %get3A_1862 = arith.constant 14 : index
    %get3A_1863 = arith.constant 0 : index
    %get3A_1864 = arith.constant 0 : index
    %get3A_1865 = vector.load %arg8[%get3A_1861, %get3A_1862, %get3A_1863, %get3A_1864] : memref<1x32x1x64xi32, #tpu.memory_space<vmem>>, vector<1x1x1x64xi32>
    %get3A_1866 = vector.shape_cast %get3A_1865 : vector<1x1x1x64xi32> to vector<1x64xi32>
    %concatenate3A_1867 = tpu.concatenate %get3A_1866, %get3A_1853 in 1 : vector<1x64xi32>, vector<1x64xi32> -> vector<1x128xi32>
    %ne3A_1868 = vector.broadcast %get3A_1841 : vector<64x1xi32> to vector<64x128xi32>
    %ne3A_1869 = vector.broadcast %concatenate3A_1867 : vector<1x128xi32> to vector<64x128xi32>
    %ne3A_1870 = arith.cmpi ne, %ne3A_1868, %ne3A_1869 : vector<64x128xi32>
    %eq3A_1871 = vector.broadcast %get3A_1835 : vector<64x1xi32> to vector<64x128xi32>
    %eq3A_1872 = vector.broadcast %concatenate3A_1860 : vector<1x128xi32> to vector<64x128xi32>
    %eq3A_1873 = arith.cmpi eq, %eq3A_1871, %eq3A_1872 : vector<64x128xi32>
    %jit3A_1874 = arith.constant -5.000000e+04 : f32
    %broadcast_in_dim3A_1875 = vector.broadcast %jit3A_1874 : f32 to vector<64x128xf32>
    %select_n3A_1876 = arith.select %eq3A_1873, %broadcast_in_dim3A_1875, %mul3A_1829 : vector<64x128xi1>, vector<64x128xf32>
    %jit3A_1877 = arith.constant -3.40282347E+38 : f32
    %broadcast_in_dim3A_1878 = vector.broadcast %jit3A_1877 : f32 to vector<64x128xf32>
    %select_n3A_1879 = arith.select %ne3A_1870, %broadcast_in_dim3A_1878, %select_n3A_1876 : vector<64x128xi1>, vector<64x128xf32>
    %reduce_max3A_1880 = arith.constant dense<0xFF800000> : vector<64xf32>
    %reduce_max3A_1881 = vector.multi_reduction <maximumf>, %select_n3A_1879, %reduce_max3A_1880 [1] : vector<64x128xf32> to vector<64xf32>
    %broadcast_in_dim3A_1882 = vector.shape_cast %reduce_max3A_1881 : vector<64xf32> to vector<64x1xf32>
    %sub3A_1883 = vector.broadcast %broadcast_in_dim3A_1882 : vector<64x1xf32> to vector<64x128xf32>
    %sub3A_1884 = arith.subf %select_n3A_1879, %sub3A_1883 : vector<64x128xf32>
    %exp3A_1885 = math.exp %sub3A_1884 : vector<64x128xf32>
    %reduce_sum3A_1886 = arith.constant dense<0.000000e+00> : vector<64xf32>
    %reduce_sum3A_1887 = vector.multi_reduction <add>, %exp3A_1885, %reduce_sum3A_1886 [1] : vector<64x128xf32> to vector<64xf32>
    %broadcast_in_dim3A_1888 = vector.shape_cast %reduce_sum3A_1887 : vector<64xf32> to vector<64x1xf32>
    %dot_general3A_1889 = arith.constant dense<0.000000e+00> : vector<64x64xf32>
    %dot_general3A_1890 = tpu.matmul %exp3A_1885, %concatenate3A_1824, %dot_general3A_1889 {dimension_numbers = #tpu.dot_dimension_numbers<[1], [0], [0], [1], [0, 0, 1, 1], [], []>, transpose_lhs_hint = false} : vector<64x128xf32>, vector<128x64xf32>, vector<64x64xf32> -> vector<64x64xf32>
    %swap3A_1891 = arith.constant 0 : index
    %swap3A_1892 = arith.constant 14 : index
    %swap3A_1893 = arith.constant 0 : index
    %swap3A_1894 = arith.constant 0 : index
    %swap3A_1895 = vector.load %arg10[%swap3A_1891, %swap3A_1892, %swap3A_1893, %swap3A_1894] : memref<1x32x64x128xf32, #tpu.memory_space<vmem>>, vector<1x1x64x64xf32>
    %swap3A_1896 = vector.shape_cast %swap3A_1895 : vector<1x1x64x64xf32> to vector<64x64xf32>
    %swap3A_1897 = vector.shape_cast %dot_general3A_1890 : vector<64x64xf32> to vector<1x1x64x64xf32>
    tpu.vector_store %arg10[%swap3A_1891, %swap3A_1892, %swap3A_1893, %swap3A_1894], %swap3A_1897 {strides = array<i32>} : memref<1x32x64x128xf32, #tpu.memory_space<vmem>>, vector<1x1x64x64xf32>,
    %swap3A_1898 = arith.constant 0 : index
    %swap3A_1899 = arith.constant 14 : index
    %swap3A_1900 = arith.constant 0 : index
    %swap3A_1901 = arith.constant 64 : index
    %swap3A_1902 = vector.load %arg10[%swap3A_1898, %swap3A_1899, %swap3A_1900, %swap3A_1901] : memref<1x32x64x128xf32, #tpu.memory_space<vmem>>, vector<1x1x64x1xf32>
    %swap3A_1903 = vector.shape_cast %swap3A_1902 : vector<1x1x64x1xf32> to vector<64x1xf32>
    %swap3A_1904 = vector.shape_cast %broadcast_in_dim3A_1882 : vector<64x1xf32> to vector<1x1x64x1xf32>
    tpu.vector_store %arg10[%swap3A_1898, %swap3A_1899, %swap3A_1900, %swap3A_1901], %swap3A_1904 {strides = array<i32>} : memref<1x32x64x128xf32, #tpu.memory_space<vmem>>, vector<1x1x64x1xf32>,
    %swap3A_1905 = arith.constant 0 : index
    %swap3A_1906 = arith.constant 14 : index
    %swap3A_1907 = arith.constant 0 : index
    %swap3A_1908 = arith.constant 65 : index
    %swap3A_1909 = vector.load %arg10[%swap3A_1905, %swap3A_1906, %swap3A_1907, %swap3A_1908] : memref<1x32x64x128xf32, #tpu.memory_space<vmem>>, vector<1x1x64x1xf32>
    %swap3A_1910 = vector.shape_cast %swap3A_1909 : vector<1x1x64x1xf32> to vector<64x1xf32>
    %swap3A_1911 = vector.shape_cast %broadcast_in_dim3A_1888 : vector<64x1xf32> to vector<1x1x64x1xf32>
    tpu.vector_store %arg10[%swap3A_1905, %swap3A_1906, %swap3A_1907, %swap3A_1908], %swap3A_1911 {strides = array<i32>} : memref<1x32x64x128xf32, #tpu.memory_space<vmem>>, vector<1x1x64x1xf32>,
    %concatenate3A_1912 = tpu.concatenate %mul3A_298, %mul3A_280 in 0 : vector<64x64xf32>, vector<64x64xf32> -> vector<128x64xf32>
    %concatenate3A_1913 = tpu.concatenate %slice3A_288, %slice3A_270 in 0 : vector<64x64xf32>, vector<64x64xf32> -> vector<128x64xf32>
    %dot_general3A_1914 = arith.constant dense<0.000000e+00> : vector<64x128xf32>
    %dot_general3A_1915 = tpu.matmul %slice3A_287, %concatenate3A_1912, %dot_general3A_1914 {dimension_numbers = #tpu.dot_dimension_numbers<[1], [1], [0], [0], [0, 0, 1, 0], [], []>, transpose_lhs_hint = false} : vector<64x64xf32>, vector<128x64xf32>, vector<64x128xf32> -> vector<64x128xf32>
    %mul3A_1916 = arith.constant 1.250000e-01 : f32
    %mul3A_1917 = vector.broadcast %mul3A_1916 : f32 to vector<64x128xf32>
    %mul3A_1918 = arith.mulf %dot_general3A_1915, %mul3A_1917 : vector<64x128xf32>
    %get3A_1919 = arith.constant 0 : index
    %get3A_1920 = arith.constant 15 : index
    %get3A_1921 = arith.constant 0 : index
    %get3A_1922 = arith.constant 0 : index
    %get3A_1923 = vector.load %arg4[%get3A_1919, %get3A_1920, %get3A_1921, %get3A_1922] : memref<1x32x64x1xi32, #tpu.memory_space<vmem>>, vector<1x1x64x1xi32>
    %get3A_1924 = vector.shape_cast %get3A_1923 : vector<1x1x64x1xi32> to vector<64x1xi32>
    %get3A_1925 = arith.constant 0 : index
    %get3A_1926 = arith.constant 15 : index
    %get3A_1927 = arith.constant 0 : index
    %get3A_1928 = arith.constant 0 : index
    %get3A_1929 = vector.load %arg7[%get3A_1925, %get3A_1926, %get3A_1927, %get3A_1928] : memref<1x32x64x1xi32, #tpu.memory_space<vmem>>, vector<1x1x64x1xi32>
    %get3A_1930 = vector.shape_cast %get3A_1929 : vector<1x1x64x1xi32> to vector<64x1xi32>
    %get3A_1931 = arith.constant 0 : index
    %get3A_1932 = arith.constant 14 : index
    %get3A_1933 = arith.constant 0 : index
    %get3A_1934 = arith.constant 0 : index
    %get3A_1935 = vector.load %arg5[%get3A_1931, %get3A_1932, %get3A_1933, %get3A_1934] : memref<1x32x1x64xi32, #tpu.memory_space<vmem>>, vector<1x1x1x64xi32>
    %get3A_1936 = vector.shape_cast %get3A_1935 : vector<1x1x1x64xi32> to vector<1x64xi32>
    %get3A_1937 = arith.constant 0 : index
    %get3A_1938 = arith.constant 14 : index
    %get3A_1939 = arith.constant 0 : index
    %get3A_1940 = arith.constant 0 : index
    %get3A_1941 = vector.load %arg8[%get3A_1937, %get3A_1938, %get3A_1939, %get3A_1940] : memref<1x32x1x64xi32, #tpu.memory_space<vmem>>, vector<1x1x1x64xi32>
    %get3A_1942 = vector.shape_cast %get3A_1941 : vector<1x1x1x64xi32> to vector<1x64xi32>
    %get3A_1943 = arith.constant 0 : index
    %get3A_1944 = arith.constant 15 : index
    %get3A_1945 = arith.constant 0 : index
    %get3A_1946 = arith.constant 0 : index
    %get3A_1947 = vector.load %arg5[%get3A_1943, %get3A_1944, %get3A_1945, %get3A_1946] : memref<1x32x1x64xi32, #tpu.memory_space<vmem>>, vector<1x1x1x64xi32>
    %get3A_1948 = vector.shape_cast %get3A_1947 : vector<1x1x1x64xi32> to vector<1x64xi32>
    %concatenate3A_1949 = tpu.concatenate %get3A_1948, %get3A_1936 in 1 : vector<1x64xi32>, vector<1x64xi32> -> vector<1x128xi32>
    %get3A_1950 = arith.constant 0 : index
    %get3A_1951 = arith.constant 15 : index
    %get3A_1952 = arith.constant 0 : index
    %get3A_1953 = arith.constant 0 : index
    %get3A_1954 = vector.load %arg8[%get3A_1950, %get3A_1951, %get3A_1952, %get3A_1953] : memref<1x32x1x64xi32, #tpu.memory_space<vmem>>, vector<1x1x1x64xi32>
    %get3A_1955 = vector.shape_cast %get3A_1954 : vector<1x1x1x64xi32> to vector<1x64xi32>
    %concatenate3A_1956 = tpu.concatenate %get3A_1955, %get3A_1942 in 1 : vector<1x64xi32>, vector<1x64xi32> -> vector<1x128xi32>
    %ne3A_1957 = vector.broadcast %get3A_1930 : vector<64x1xi32> to vector<64x128xi32>
    %ne3A_1958 = vector.broadcast %concatenate3A_1956 : vector<1x128xi32> to vector<64x128xi32>
    %ne3A_1959 = arith.cmpi ne, %ne3A_1957, %ne3A_1958 : vector<64x128xi32>
    %eq3A_1960 = vector.broadcast %get3A_1924 : vector<64x1xi32> to vector<64x128xi32>
    %eq3A_1961 = vector.broadcast %concatenate3A_1949 : vector<1x128xi32> to vector<64x128xi32>
    %eq3A_1962 = arith.cmpi eq, %eq3A_1960, %eq3A_1961 : vector<64x128xi32>
    %jit3A_1963 = arith.constant -5.000000e+04 : f32
    %broadcast_in_dim3A_1964 = vector.broadcast %jit3A_1963 : f32 to vector<64x128xf32>
    %select_n3A_1965 = arith.select %eq3A_1962, %broadcast_in_dim3A_1964, %mul3A_1918 : vector<64x128xi1>, vector<64x128xf32>
    %jit3A_1966 = arith.constant -3.40282347E+38 : f32
    %broadcast_in_dim3A_1967 = vector.broadcast %jit3A_1966 : f32 to vector<64x128xf32>
    %select_n3A_1968 = arith.select %ne3A_1959, %broadcast_in_dim3A_1967, %select_n3A_1965 : vector<64x128xi1>, vector<64x128xf32>
    %reduce_max3A_1969 = arith.constant dense<0xFF800000> : vector<64xf32>
    %reduce_max3A_1970 = vector.multi_reduction <maximumf>, %select_n3A_1968, %reduce_max3A_1969 [1] : vector<64x128xf32> to vector<64xf32>
    %broadcast_in_dim3A_1971 = vector.shape_cast %reduce_max3A_1970 : vector<64xf32> to vector<64x1xf32>
    %sub3A_1972 = vector.broadcast %broadcast_in_dim3A_1971 : vector<64x1xf32> to vector<64x128xf32>
    %sub3A_1973 = arith.subf %select_n3A_1968, %sub3A_1972 : vector<64x128xf32>
    %exp3A_1974 = math.exp %sub3A_1973 : vector<64x128xf32>
    %reduce_sum3A_1975 = arith.constant dense<0.000000e+00> : vector<64xf32>
    %reduce_sum3A_1976 = vector.multi_reduction <add>, %exp3A_1974, %reduce_sum3A_1975 [1] : vector<64x128xf32> to vector<64xf32>
    %broadcast_in_dim3A_1977 = vector.shape_cast %reduce_sum3A_1976 : vector<64xf32> to vector<64x1xf32>
    %dot_general3A_1978 = arith.constant dense<0.000000e+00> : vector<64x64xf32>
    %dot_general3A_1979 = tpu.matmul %exp3A_1974, %concatenate3A_1913, %dot_general3A_1978 {dimension_numbers = #tpu.dot_dimension_numbers<[1], [0], [0], [1], [0, 0, 1, 1], [], []>, transpose_lhs_hint = false} : vector<64x128xf32>, vector<128x64xf32>, vector<64x64xf32> -> vector<64x64xf32>
    %swap3A_1980 = arith.constant 0 : index
    %swap3A_1981 = arith.constant 15 : index
    %swap3A_1982 = arith.constant 0 : index
    %swap3A_1983 = arith.constant 0 : index
    %swap3A_1984 = vector.load %arg10[%swap3A_1980, %swap3A_1981, %swap3A_1982, %swap3A_1983] : memref<1x32x64x128xf32, #tpu.memory_space<vmem>>, vector<1x1x64x64xf32>
    %swap3A_1985 = vector.shape_cast %swap3A_1984 : vector<1x1x64x64xf32> to vector<64x64xf32>
    %swap3A_1986 = vector.shape_cast %dot_general3A_1979 : vector<64x64xf32> to vector<1x1x64x64xf32>
    tpu.vector_store %arg10[%swap3A_1980, %swap3A_1981, %swap3A_1982, %swap3A_1983], %swap3A_1986 {strides = array<i32>} : memref<1x32x64x128xf32, #tpu.memory_space<vmem>>, vector<1x1x64x64xf32>,
    %swap3A_1987 = arith.constant 0 : index
    %swap3A_1988 = arith.constant 15 : index
    %swap3A_1989 = arith.constant 0 : index
    %swap3A_1990 = arith.constant 64 : index
    %swap3A_1991 = vector.load %arg10[%swap3A_1987, %swap3A_1988, %swap3A_1989, %swap3A_1990] : memref<1x32x64x128xf32, #tpu.memory_space<vmem>>, vector<1x1x64x1xf32>
    %swap3A_1992 = vector.shape_cast %swap3A_1991 : vector<1x1x64x1xf32> to vector<64x1xf32>
    %swap3A_1993 = vector.shape_cast %broadcast_in_dim3A_1971 : vector<64x1xf32> to vector<1x1x64x1xf32>
    tpu.vector_store %arg10[%swap3A_1987, %swap3A_1988, %swap3A_1989, %swap3A_1990], %swap3A_1993 {strides = array<i32>} : memref<1x32x64x128xf32, #tpu.memory_space<vmem>>, vector<1x1x64x1xf32>,
    %swap3A_1994 = arith.constant 0 : index
    %swap3A_1995 = arith.constant 15 : index
    %swap3A_1996 = arith.constant 0 : index
    %swap3A_1997 = arith.constant 65 : index
    %swap3A_1998 = vector.load %arg10[%swap3A_1994, %swap3A_1995, %swap3A_1996, %swap3A_1997] : memref<1x32x64x128xf32, #tpu.memory_space<vmem>>, vector<1x1x64x1xf32>
    %swap3A_1999 = vector.shape_cast %swap3A_1998 : vector<1x1x64x1xf32> to vector<64x1xf32>
    %swap3A_2000 = vector.shape_cast %broadcast_in_dim3A_1977 : vector<64x1xf32> to vector<1x1x64x1xf32>
    tpu.vector_store %arg10[%swap3A_1994, %swap3A_1995, %swap3A_1996, %swap3A_1997], %swap3A_2000 {strides = array<i32>} : memref<1x32x64x128xf32, #tpu.memory_space<vmem>>, vector<1x1x64x1xf32>,
    %concatenate3A_2001 = tpu.concatenate %mul3A_316, %mul3A_298 in 0 : vector<64x64xf32>, vector<64x64xf32> -> vector<128x64xf32>
    %concatenate3A_2002 = tpu.concatenate %slice3A_306, %slice3A_288 in 0 : vector<64x64xf32>, vector<64x64xf32> -> vector<128x64xf32>
    %dot_general3A_2003 = arith.constant dense<0.000000e+00> : vector<64x128xf32>
    %dot_general3A_2004 = tpu.matmul %slice3A_305, %concatenate3A_2001, %dot_general3A_2003 {dimension_numbers = #tpu.dot_dimension_numbers<[1], [1], [0], [0], [0, 0, 1, 0], [], []>, transpose_lhs_hint = false} : vector<64x64xf32>, vector<128x64xf32>, vector<64x128xf32> -> vector<64x128xf32>
    %mul3A_2005 = arith.constant 1.250000e-01 : f32
    %mul3A_2006 = vector.broadcast %mul3A_2005 : f32 to vector<64x128xf32>
    %mul3A_2007 = arith.mulf %dot_general3A_2004, %mul3A_2006 : vector<64x128xf32>
    %get3A_2008 = arith.constant 0 : index
    %get3A_2009 = arith.constant 16 : index
    %get3A_2010 = arith.constant 0 : index
    %get3A_2011 = arith.constant 0 : index
    %get3A_2012 = vector.load %arg4[%get3A_2008, %get3A_2009, %get3A_2010, %get3A_2011] : memref<1x32x64x1xi32, #tpu.memory_space<vmem>>, vector<1x1x64x1xi32>
    %get3A_2013 = vector.shape_cast %get3A_2012 : vector<1x1x64x1xi32> to vector<64x1xi32>
    %get3A_2014 = arith.constant 0 : index
    %get3A_2015 = arith.constant 16 : index
    %get3A_2016 = arith.constant 0 : index
    %get3A_2017 = arith.constant 0 : index
    %get3A_2018 = vector.load %arg7[%get3A_2014, %get3A_2015, %get3A_2016, %get3A_2017] : memref<1x32x64x1xi32, #tpu.memory_space<vmem>>, vector<1x1x64x1xi32>
    %get3A_2019 = vector.shape_cast %get3A_2018 : vector<1x1x64x1xi32> to vector<64x1xi32>
    %get3A_2020 = arith.constant 0 : index
    %get3A_2021 = arith.constant 15 : index
    %get3A_2022 = arith.constant 0 : index
    %get3A_2023 = arith.constant 0 : index
    %get3A_2024 = vector.load %arg5[%get3A_2020, %get3A_2021, %get3A_2022, %get3A_2023] : memref<1x32x1x64xi32, #tpu.memory_space<vmem>>, vector<1x1x1x64xi32>
    %get3A_2025 = vector.shape_cast %get3A_2024 : vector<1x1x1x64xi32> to vector<1x64xi32>
    %get3A_2026 = arith.constant 0 : index
    %get3A_2027 = arith.constant 15 : index
    %get3A_2028 = arith.constant 0 : index
    %get3A_2029 = arith.constant 0 : index
    %get3A_2030 = vector.load %arg8[%get3A_2026, %get3A_2027, %get3A_2028, %get3A_2029] : memref<1x32x1x64xi32, #tpu.memory_space<vmem>>, vector<1x1x1x64xi32>
    %get3A_2031 = vector.shape_cast %get3A_2030 : vector<1x1x1x64xi32> to vector<1x64xi32>
    %get3A_2032 = arith.constant 0 : index
    %get3A_2033 = arith.constant 16 : index
    %get3A_2034 = arith.constant 0 : index
    %get3A_2035 = arith.constant 0 : index
    %get3A_2036 = vector.load %arg5[%get3A_2032, %get3A_2033, %get3A_2034, %get3A_2035] : memref<1x32x1x64xi32, #tpu.memory_space<vmem>>, vector<1x1x1x64xi32>
    %get3A_2037 = vector.shape_cast %get3A_2036 : vector<1x1x1x64xi32> to vector<1x64xi32>
    %concatenate3A_2038 = tpu.concatenate %get3A_2037, %get3A_2025 in 1 : vector<1x64xi32>, vector<1x64xi32> -> vector<1x128xi32>
    %get3A_2039 = arith.constant 0 : index
    %get3A_2040 = arith.constant 16 : index
    %get3A_2041 = arith.constant 0 : index
    %get3A_2042 = arith.constant 0 : index
    %get3A_2043 = vector.load %arg8[%get3A_2039, %get3A_2040, %get3A_2041, %get3A_2042] : memref<1x32x1x64xi32, #tpu.memory_space<vmem>>, vector<1x1x1x64xi32>
    %get3A_2044 = vector.shape_cast %get3A_2043 : vector<1x1x1x64xi32> to vector<1x64xi32>
    %concatenate3A_2045 = tpu.concatenate %get3A_2044, %get3A_2031 in 1 : vector<1x64xi32>, vector<1x64xi32> -> vector<1x128xi32>
    %ne3A_2046 = vector.broadcast %get3A_2019 : vector<64x1xi32> to vector<64x128xi32>
    %ne3A_2047 = vector.broadcast %concatenate3A_2045 : vector<1x128xi32> to vector<64x128xi32>
    %ne3A_2048 = arith.cmpi ne, %ne3A_2046, %ne3A_2047 : vector<64x128xi32>
    %eq3A_2049 = vector.broadcast %get3A_2013 : vector<64x1xi32> to vector<64x128xi32>
    %eq3A_2050 = vector.broadcast %concatenate3A_2038 : vector<1x128xi32> to vector<64x128xi32>
    %eq3A_2051 = arith.cmpi eq, %eq3A_2049, %eq3A_2050 : vector<64x128xi32>
    %jit3A_2052 = arith.constant -5.000000e+04 : f32
    %broadcast_in_dim3A_2053 = vector.broadcast %jit3A_2052 : f32 to vector<64x128xf32>
    %select_n3A_2054 = arith.select %eq3A_2051, %broadcast_in_dim3A_2053, %mul3A_2007 : vector<64x128xi1>, vector<64x128xf32>
    %jit3A_2055 = arith.constant -3.40282347E+38 : f32
    %broadcast_in_dim3A_2056 = vector.broadcast %jit3A_2055 : f32 to vector<64x128xf32>
    %select_n3A_2057 = arith.select %ne3A_2048, %broadcast_in_dim3A_2056, %select_n3A_2054 : vector<64x128xi1>, vector<64x128xf32>
    %reduce_max3A_2058 = arith.constant dense<0xFF800000> : vector<64xf32>
    %reduce_max3A_2059 = vector.multi_reduction <maximumf>, %select_n3A_2057, %reduce_max3A_2058 [1] : vector<64x128xf32> to vector<64xf32>
    %broadcast_in_dim3A_2060 = vector.shape_cast %reduce_max3A_2059 : vector<64xf32> to vector<64x1xf32>
    %sub3A_2061 = vector.broadcast %broadcast_in_dim3A_2060 : vector<64x1xf32> to vector<64x128xf32>
    %sub3A_2062 = arith.subf %select_n3A_2057, %sub3A_2061 : vector<64x128xf32>
    %exp3A_2063 = math.exp %sub3A_2062 : vector<64x128xf32>
    %reduce_sum3A_2064 = arith.constant dense<0.000000e+00> : vector<64xf32>
    %reduce_sum3A_2065 = vector.multi_reduction <add>, %exp3A_2063, %reduce_sum3A_2064 [1] : vector<64x128xf32> to vector<64xf32>
    %broadcast_in_dim3A_2066 = vector.shape_cast %reduce_sum3A_2065 : vector<64xf32> to vector<64x1xf32>
    %dot_general3A_2067 = arith.constant dense<0.000000e+00> : vector<64x64xf32>
    %dot_general3A_2068 = tpu.matmul %exp3A_2063, %concatenate3A_2002, %dot_general3A_2067 {dimension_numbers = #tpu.dot_dimension_numbers<[1], [0], [0], [1], [0, 0, 1, 1], [], []>, transpose_lhs_hint = false} : vector<64x128xf32>, vector<128x64xf32>, vector<64x64xf32> -> vector<64x64xf32>
    %swap3A_2069 = arith.constant 0 : index
    %swap3A_2070 = arith.constant 16 : index
    %swap3A_2071 = arith.constant 0 : index
    %swap3A_2072 = arith.constant 0 : index
    %swap3A_2073 = vector.load %arg10[%swap3A_2069, %swap3A_2070, %swap3A_2071, %swap3A_2072] : memref<1x32x64x128xf32, #tpu.memory_space<vmem>>, vector<1x1x64x64xf32>
    %swap3A_2074 = vector.shape_cast %swap3A_2073 : vector<1x1x64x64xf32> to vector<64x64xf32>
    %swap3A_2075 = vector.shape_cast %dot_general3A_2068 : vector<64x64xf32> to vector<1x1x64x64xf32>
    tpu.vector_store %arg10[%swap3A_2069, %swap3A_2070, %swap3A_2071, %swap3A_2072], %swap3A_2075 {strides = array<i32>} : memref<1x32x64x128xf32, #tpu.memory_space<vmem>>, vector<1x1x64x64xf32>,
    %swap3A_2076 = arith.constant 0 : index
    %swap3A_2077 = arith.constant 16 : index
    %swap3A_2078 = arith.constant 0 : index
    %swap3A_2079 = arith.constant 64 : index
    %swap3A_2080 = vector.load %arg10[%swap3A_2076, %swap3A_2077, %swap3A_2078, %swap3A_2079] : memref<1x32x64x128xf32, #tpu.memory_space<vmem>>, vector<1x1x64x1xf32>
    %swap3A_2081 = vector.shape_cast %swap3A_2080 : vector<1x1x64x1xf32> to vector<64x1xf32>
    %swap3A_2082 = vector.shape_cast %broadcast_in_dim3A_2060 : vector<64x1xf32> to vector<1x1x64x1xf32>
    tpu.vector_store %arg10[%swap3A_2076, %swap3A_2077, %swap3A_2078, %swap3A_2079], %swap3A_2082 {strides = array<i32>} : memref<1x32x64x128xf32, #tpu.memory_space<vmem>>, vector<1x1x64x1xf32>,
    %swap3A_2083 = arith.constant 0 : index
    %swap3A_2084 = arith.constant 16 : index
    %swap3A_2085 = arith.constant 0 : index
    %swap3A_2086 = arith.constant 65 : index
    %swap3A_2087 = vector.load %arg10[%swap3A_2083, %swap3A_2084, %swap3A_2085, %swap3A_2086] : memref<1x32x64x128xf32, #tpu.memory_space<vmem>>, vector<1x1x64x1xf32>
    %swap3A_2088 = vector.shape_cast %swap3A_2087 : vector<1x1x64x1xf32> to vector<64x1xf32>
    %swap3A_2089 = vector.shape_cast %broadcast_in_dim3A_2066 : vector<64x1xf32> to vector<1x1x64x1xf32>
    tpu.vector_store %arg10[%swap3A_2083, %swap3A_2084, %swap3A_2085, %swap3A_2086], %swap3A_2089 {strides = array<i32>} : memref<1x32x64x128xf32, #tpu.memory_space<vmem>>, vector<1x1x64x1xf32>,
    %concatenate3A_2090 = tpu.concatenate %mul3A_334, %mul3A_316 in 0 : vector<64x64xf32>, vector<64x64xf32> -> vector<128x64xf32>
    %concatenate3A_2091 = tpu.concatenate %slice3A_324, %slice3A_306 in 0 : vector<64x64xf32>, vector<64x64xf32> -> vector<128x64xf32>
    %dot_general3A_2092 = arith.constant dense<0.000000e+00> : vector<64x128xf32>
    %dot_general3A_2093 = tpu.matmul %slice3A_323, %concatenate3A_2090, %dot_general3A_2092 {dimension_numbers = #tpu.dot_dimension_numbers<[1], [1], [0], [0], [0, 0, 1, 0], [], []>, transpose_lhs_hint = false} : vector<64x64xf32>, vector<128x64xf32>, vector<64x128xf32> -> vector<64x128xf32>
    %mul3A_2094 = arith.constant 1.250000e-01 : f32
    %mul3A_2095 = vector.broadcast %mul3A_2094 : f32 to vector<64x128xf32>
    %mul3A_2096 = arith.mulf %dot_general3A_2093, %mul3A_2095 : vector<64x128xf32>
    %get3A_2097 = arith.constant 0 : index
    %get3A_2098 = arith.constant 17 : index
    %get3A_2099 = arith.constant 0 : index
    %get3A_2100 = arith.constant 0 : index
    %get3A_2101 = vector.load %arg4[%get3A_2097, %get3A_2098, %get3A_2099, %get3A_2100] : memref<1x32x64x1xi32, #tpu.memory_space<vmem>>, vector<1x1x64x1xi32>
    %get3A_2102 = vector.shape_cast %get3A_2101 : vector<1x1x64x1xi32> to vector<64x1xi32>
    %get3A_2103 = arith.constant 0 : index
    %get3A_2104 = arith.constant 17 : index
    %get3A_2105 = arith.constant 0 : index
    %get3A_2106 = arith.constant 0 : index
    %get3A_2107 = vector.load %arg7[%get3A_2103, %get3A_2104, %get3A_2105, %get3A_2106] : memref<1x32x64x1xi32, #tpu.memory_space<vmem>>, vector<1x1x64x1xi32>
    %get3A_2108 = vector.shape_cast %get3A_2107 : vector<1x1x64x1xi32> to vector<64x1xi32>
    %get3A_2109 = arith.constant 0 : index
    %get3A_2110 = arith.constant 16 : index
    %get3A_2111 = arith.constant 0 : index
    %get3A_2112 = arith.constant 0 : index
    %get3A_2113 = vector.load %arg5[%get3A_2109, %get3A_2110, %get3A_2111, %get3A_2112] : memref<1x32x1x64xi32, #tpu.memory_space<vmem>>, vector<1x1x1x64xi32>
    %get3A_2114 = vector.shape_cast %get3A_2113 : vector<1x1x1x64xi32> to vector<1x64xi32>
    %get3A_2115 = arith.constant 0 : index
    %get3A_2116 = arith.constant 16 : index
    %get3A_2117 = arith.constant 0 : index
    %get3A_2118 = arith.constant 0 : index
    %get3A_2119 = vector.load %arg8[%get3A_2115, %get3A_2116, %get3A_2117, %get3A_2118] : memref<1x32x1x64xi32, #tpu.memory_space<vmem>>, vector<1x1x1x64xi32>
    %get3A_2120 = vector.shape_cast %get3A_2119 : vector<1x1x1x64xi32> to vector<1x64xi32>
    %get3A_2121 = arith.constant 0 : index
    %get3A_2122 = arith.constant 17 : index
    %get3A_2123 = arith.constant 0 : index
    %get3A_2124 = arith.constant 0 : index
    %get3A_2125 = vector.load %arg5[%get3A_2121, %get3A_2122, %get3A_2123, %get3A_2124] : memref<1x32x1x64xi32, #tpu.memory_space<vmem>>, vector<1x1x1x64xi32>
    %get3A_2126 = vector.shape_cast %get3A_2125 : vector<1x1x1x64xi32> to vector<1x64xi32>
    %concatenate3A_2127 = tpu.concatenate %get3A_2126, %get3A_2114 in 1 : vector<1x64xi32>, vector<1x64xi32> -> vector<1x128xi32>
    %get3A_2128 = arith.constant 0 : index
    %get3A_2129 = arith.constant 17 : index
    %get3A_2130 = arith.constant 0 : index
    %get3A_2131 = arith.constant 0 : index
    %get3A_2132 = vector.load %arg8[%get3A_2128, %get3A_2129, %get3A_2130, %get3A_2131] : memref<1x32x1x64xi32, #tpu.memory_space<vmem>>, vector<1x1x1x64xi32>
    %get3A_2133 = vector.shape_cast %get3A_2132 : vector<1x1x1x64xi32> to vector<1x64xi32>
    %concatenate3A_2134 = tpu.concatenate %get3A_2133, %get3A_2120 in 1 : vector<1x64xi32>, vector<1x64xi32> -> vector<1x128xi32>
    %ne3A_2135 = vector.broadcast %get3A_2108 : vector<64x1xi32> to vector<64x128xi32>
    %ne3A_2136 = vector.broadcast %concatenate3A_2134 : vector<1x128xi32> to vector<64x128xi32>
    %ne3A_2137 = arith.cmpi ne, %ne3A_2135, %ne3A_2136 : vector<64x128xi32>
    %eq3A_2138 = vector.broadcast %get3A_2102 : vector<64x1xi32> to vector<64x128xi32>
    %eq3A_2139 = vector.broadcast %concatenate3A_2127 : vector<1x128xi32> to vector<64x128xi32>
    %eq3A_2140 = arith.cmpi eq, %eq3A_2138, %eq3A_2139 : vector<64x128xi32>
    %jit3A_2141 = arith.constant -5.000000e+04 : f32
    %broadcast_in_dim3A_2142 = vector.broadcast %jit3A_2141 : f32 to vector<64x128xf32>
    %select_n3A_2143 = arith.select %eq3A_2140, %broadcast_in_dim3A_2142, %mul3A_2096 : vector<64x128xi1>, vector<64x128xf32>
    %jit3A_2144 = arith.constant -3.40282347E+38 : f32
    %broadcast_in_dim3A_2145 = vector.broadcast %jit3A_2144 : f32 to vector<64x128xf32>
    %select_n3A_2146 = arith.select %ne3A_2137, %broadcast_in_dim3A_2145, %select_n3A_2143 : vector<64x128xi1>, vector<64x128xf32>
    %reduce_max3A_2147 = arith.constant dense<0xFF800000> : vector<64xf32>
    %reduce_max3A_2148 = vector.multi_reduction <maximumf>, %select_n3A_2146, %reduce_max3A_2147 [1] : vector<64x128xf32> to vector<64xf32>
    %broadcast_in_dim3A_2149 = vector.shape_cast %reduce_max3A_2148 : vector<64xf32> to vector<64x1xf32>
    %sub3A_2150 = vector.broadcast %broadcast_in_dim3A_2149 : vector<64x1xf32> to vector<64x128xf32>
    %sub3A_2151 = arith.subf %select_n3A_2146, %sub3A_2150 : vector<64x128xf32>
    %exp3A_2152 = math.exp %sub3A_2151 : vector<64x128xf32>
    %reduce_sum3A_2153 = arith.constant dense<0.000000e+00> : vector<64xf32>
    %reduce_sum3A_2154 = vector.multi_reduction <add>, %exp3A_2152, %reduce_sum3A_2153 [1] : vector<64x128xf32> to vector<64xf32>
    %broadcast_in_dim3A_2155 = vector.shape_cast %reduce_sum3A_2154 : vector<64xf32> to vector<64x1xf32>
    %dot_general3A_2156 = arith.constant dense<0.000000e+00> : vector<64x64xf32>
    %dot_general3A_2157 = tpu.matmul %exp3A_2152, %concatenate3A_2091, %dot_general3A_2156 {dimension_numbers = #tpu.dot_dimension_numbers<[1], [0], [0], [1], [0, 0, 1, 1], [], []>, transpose_lhs_hint = false} : vector<64x128xf32>, vector<128x64xf32>, vector<64x64xf32> -> vector<64x64xf32>
    %swap3A_2158 = arith.constant 0 : index
    %swap3A_2159 = arith.constant 17 : index
    %swap3A_2160 = arith.constant 0 : index
    %swap3A_2161 = arith.constant 0 : index
    %swap3A_2162 = vector.load %arg10[%swap3A_2158, %swap3A_2159, %swap3A_2160, %swap3A_2161] : memref<1x32x64x128xf32, #tpu.memory_space<vmem>>, vector<1x1x64x64xf32>
    %swap3A_2163 = vector.shape_cast %swap3A_2162 : vector<1x1x64x64xf32> to vector<64x64xf32>
    %swap3A_2164 = vector.shape_cast %dot_general3A_2157 : vector<64x64xf32> to vector<1x1x64x64xf32>
    tpu.vector_store %arg10[%swap3A_2158, %swap3A_2159, %swap3A_2160, %swap3A_2161], %swap3A_2164 {strides = array<i32>} : memref<1x32x64x128xf32, #tpu.memory_space<vmem>>, vector<1x1x64x64xf32>,
    %swap3A_2165 = arith.constant 0 : index
    %swap3A_2166 = arith.constant 17 : index
    %swap3A_2167 = arith.constant 0 : index
    %swap3A_2168 = arith.constant 64 : index
    %swap3A_2169 = vector.load %arg10[%swap3A_2165, %swap3A_2166, %swap3A_2167, %swap3A_2168] : memref<1x32x64x128xf32, #tpu.memory_space<vmem>>, vector<1x1x64x1xf32>
    %swap3A_2170 = vector.shape_cast %swap3A_2169 : vector<1x1x64x1xf32> to vector<64x1xf32>
    %swap3A_2171 = vector.shape_cast %broadcast_in_dim3A_2149 : vector<64x1xf32> to vector<1x1x64x1xf32>
    tpu.vector_store %arg10[%swap3A_2165, %swap3A_2166, %swap3A_2167, %swap3A_2168], %swap3A_2171 {strides = array<i32>} : memref<1x32x64x128xf32, #tpu.memory_space<vmem>>, vector<1x1x64x1xf32>,
    %swap3A_2172 = arith.constant 0 : index
    %swap3A_2173 = arith.constant 17 : index
    %swap3A_2174 = arith.constant 0 : index
    %swap3A_2175 = arith.constant 65 : index
    %swap3A_2176 = vector.load %arg10[%swap3A_2172, %swap3A_2173, %swap3A_2174, %swap3A_2175] : memref<1x32x64x128xf32, #tpu.memory_space<vmem>>, vector<1x1x64x1xf32>
    %swap3A_2177 = vector.shape_cast %swap3A_2176 : vector<1x1x64x1xf32> to vector<64x1xf32>
    %swap3A_2178 = vector.shape_cast %broadcast_in_dim3A_2155 : vector<64x1xf32> to vector<1x1x64x1xf32>
    tpu.vector_store %arg10[%swap3A_2172, %swap3A_2173, %swap3A_2174, %swap3A_2175], %swap3A_2178 {strides = array<i32>} : memref<1x32x64x128xf32, #tpu.memory_space<vmem>>, vector<1x1x64x1xf32>,
    %concatenate3A_2179 = tpu.concatenate %mul3A_352, %mul3A_334 in 0 : vector<64x64xf32>, vector<64x64xf32> -> vector<128x64xf32>
    %concatenate3A_2180 = tpu.concatenate %slice3A_342, %slice3A_324 in 0 : vector<64x64xf32>, vector<64x64xf32> -> vector<128x64xf32>
    %dot_general3A_2181 = arith.constant dense<0.000000e+00> : vector<64x128xf32>
    %dot_general3A_2182 = tpu.matmul %slice3A_341, %concatenate3A_2179, %dot_general3A_2181 {dimension_numbers = #tpu.dot_dimension_numbers<[1], [1], [0], [0], [0, 0, 1, 0], [], []>, transpose_lhs_hint = false} : vector<64x64xf32>, vector<128x64xf32>, vector<64x128xf32> -> vector<64x128xf32>
    %mul3A_2183 = arith.constant 1.250000e-01 : f32
    %mul3A_2184 = vector.broadcast %mul3A_2183 : f32 to vector<64x128xf32>
    %mul3A_2185 = arith.mulf %dot_general3A_2182, %mul3A_2184 : vector<64x128xf32>
    %get3A_2186 = arith.constant 0 : index
    %get3A_2187 = arith.constant 18 : index
    %get3A_2188 = arith.constant 0 : index
    %get3A_2189 = arith.constant 0 : index
    %get3A_2190 = vector.load %arg4[%get3A_2186, %get3A_2187, %get3A_2188, %get3A_2189] : memref<1x32x64x1xi32, #tpu.memory_space<vmem>>, vector<1x1x64x1xi32>
    %get3A_2191 = vector.shape_cast %get3A_2190 : vector<1x1x64x1xi32> to vector<64x1xi32>
    %get3A_2192 = arith.constant 0 : index
    %get3A_2193 = arith.constant 18 : index
    %get3A_2194 = arith.constant 0 : index
    %get3A_2195 = arith.constant 0 : index
    %get3A_2196 = vector.load %arg7[%get3A_2192, %get3A_2193, %get3A_2194, %get3A_2195] : memref<1x32x64x1xi32, #tpu.memory_space<vmem>>, vector<1x1x64x1xi32>
    %get3A_2197 = vector.shape_cast %get3A_2196 : vector<1x1x64x1xi32> to vector<64x1xi32>
    %get3A_2198 = arith.constant 0 : index
    %get3A_2199 = arith.constant 17 : index
    %get3A_2200 = arith.constant 0 : index
    %get3A_2201 = arith.constant 0 : index
    %get3A_2202 = vector.load %arg5[%get3A_2198, %get3A_2199, %get3A_2200, %get3A_2201] : memref<1x32x1x64xi32, #tpu.memory_space<vmem>>, vector<1x1x1x64xi32>
    %get3A_2203 = vector.shape_cast %get3A_2202 : vector<1x1x1x64xi32> to vector<1x64xi32>
    %get3A_2204 = arith.constant 0 : index
    %get3A_2205 = arith.constant 17 : index
    %get3A_2206 = arith.constant 0 : index
    %get3A_2207 = arith.constant 0 : index
    %get3A_2208 = vector.load %arg8[%get3A_2204, %get3A_2205, %get3A_2206, %get3A_2207] : memref<1x32x1x64xi32, #tpu.memory_space<vmem>>, vector<1x1x1x64xi32>
    %get3A_2209 = vector.shape_cast %get3A_2208 : vector<1x1x1x64xi32> to vector<1x64xi32>
    %get3A_2210 = arith.constant 0 : index
    %get3A_2211 = arith.constant 18 : index
    %get3A_2212 = arith.constant 0 : index
    %get3A_2213 = arith.constant 0 : index
    %get3A_2214 = vector.load %arg5[%get3A_2210, %get3A_2211, %get3A_2212, %get3A_2213] : memref<1x32x1x64xi32, #tpu.memory_space<vmem>>, vector<1x1x1x64xi32>
    %get3A_2215 = vector.shape_cast %get3A_2214 : vector<1x1x1x64xi32> to vector<1x64xi32>
    %concatenate3A_2216 = tpu.concatenate %get3A_2215, %get3A_2203 in 1 : vector<1x64xi32>, vector<1x64xi32> -> vector<1x128xi32>
    %get3A_2217 = arith.constant 0 : index
    %get3A_2218 = arith.constant 18 : index
    %get3A_2219 = arith.constant 0 : index
    %get3A_2220 = arith.constant 0 : index
    %get3A_2221 = vector.load %arg8[%get3A_2217, %get3A_2218, %get3A_2219, %get3A_2220] : memref<1x32x1x64xi32, #tpu.memory_space<vmem>>, vector<1x1x1x64xi32>
    %get3A_2222 = vector.shape_cast %get3A_2221 : vector<1x1x1x64xi32> to vector<1x64xi32>
    %concatenate3A_2223 = tpu.concatenate %get3A_2222, %get3A_2209 in 1 : vector<1x64xi32>, vector<1x64xi32> -> vector<1x128xi32>
    %ne3A_2224 = vector.broadcast %get3A_2197 : vector<64x1xi32> to vector<64x128xi32>
    %ne3A_2225 = vector.broadcast %concatenate3A_2223 : vector<1x128xi32> to vector<64x128xi32>
    %ne3A_2226 = arith.cmpi ne, %ne3A_2224, %ne3A_2225 : vector<64x128xi32>
    %eq3A_2227 = vector.broadcast %get3A_2191 : vector<64x1xi32> to vector<64x128xi32>
    %eq3A_2228 = vector.broadcast %concatenate3A_2216 : vector<1x128xi32> to vector<64x128xi32>
    %eq3A_2229 = arith.cmpi eq, %eq3A_2227, %eq3A_2228 : vector<64x128xi32>
    %jit3A_2230 = arith.constant -5.000000e+04 : f32
    %broadcast_in_dim3A_2231 = vector.broadcast %jit3A_2230 : f32 to vector<64x128xf32>
    %select_n3A_2232 = arith.select %eq3A_2229, %broadcast_in_dim3A_2231, %mul3A_2185 : vector<64x128xi1>, vector<64x128xf32>
    %jit3A_2233 = arith.constant -3.40282347E+38 : f32
    %broadcast_in_dim3A_2234 = vector.broadcast %jit3A_2233 : f32 to vector<64x128xf32>
    %select_n3A_2235 = arith.select %ne3A_2226, %broadcast_in_dim3A_2234, %select_n3A_2232 : vector<64x128xi1>, vector<64x128xf32>
    %reduce_max3A_2236 = arith.constant dense<0xFF800000> : vector<64xf32>
    %reduce_max3A_2237 = vector.multi_reduction <maximumf>, %select_n3A_2235, %reduce_max3A_2236 [1] : vector<64x128xf32> to vector<64xf32>
    %broadcast_in_dim3A_2238 = vector.shape_cast %reduce_max3A_2237 : vector<64xf32> to vector<64x1xf32>
    %sub3A_2239 = vector.broadcast %broadcast_in_dim3A_2238 : vector<64x1xf32> to vector<64x128xf32>
    %sub3A_2240 = arith.subf %select_n3A_2235, %sub3A_2239 : vector<64x128xf32>
    %exp3A_2241 = math.exp %sub3A_2240 : vector<64x128xf32>
    %reduce_sum3A_2242 = arith.constant dense<0.000000e+00> : vector<64xf32>
    %reduce_sum3A_2243 = vector.multi_reduction <add>, %exp3A_2241, %reduce_sum3A_2242 [1] : vector<64x128xf32> to vector<64xf32>
    %broadcast_in_dim3A_2244 = vector.shape_cast %reduce_sum3A_2243 : vector<64xf32> to vector<64x1xf32>
    %dot_general3A_2245 = arith.constant dense<0.000000e+00> : vector<64x64xf32>
    %dot_general3A_2246 = tpu.matmul %exp3A_2241, %concatenate3A_2180, %dot_general3A_2245 {dimension_numbers = #tpu.dot_dimension_numbers<[1], [0], [0], [1], [0, 0, 1, 1], [], []>, transpose_lhs_hint = false} : vector<64x128xf32>, vector<128x64xf32>, vector<64x64xf32> -> vector<64x64xf32>
    %swap3A_2247 = arith.constant 0 : index
    %swap3A_2248 = arith.constant 18 : index
    %swap3A_2249 = arith.constant 0 : index
    %swap3A_2250 = arith.constant 0 : index
    %swap3A_2251 = vector.load %arg10[%swap3A_2247, %swap3A_2248, %swap3A_2249, %swap3A_2250] : memref<1x32x64x128xf32, #tpu.memory_space<vmem>>, vector<1x1x64x64xf32>
    %swap3A_2252 = vector.shape_cast %swap3A_2251 : vector<1x1x64x64xf32> to vector<64x64xf32>
    %swap3A_2253 = vector.shape_cast %dot_general3A_2246 : vector<64x64xf32> to vector<1x1x64x64xf32>
    tpu.vector_store %arg10[%swap3A_2247, %swap3A_2248, %swap3A_2249, %swap3A_2250], %swap3A_2253 {strides = array<i32>} : memref<1x32x64x128xf32, #tpu.memory_space<vmem>>, vector<1x1x64x64xf32>,
    %swap3A_2254 = arith.constant 0 : index
    %swap3A_2255 = arith.constant 18 : index
    %swap3A_2256 = arith.constant 0 : index
    %swap3A_2257 = arith.constant 64 : index
    %swap3A_2258 = vector.load %arg10[%swap3A_2254, %swap3A_2255, %swap3A_2256, %swap3A_2257] : memref<1x32x64x128xf32, #tpu.memory_space<vmem>>, vector<1x1x64x1xf32>
    %swap3A_2259 = vector.shape_cast %swap3A_2258 : vector<1x1x64x1xf32> to vector<64x1xf32>
    %swap3A_2260 = vector.shape_cast %broadcast_in_dim3A_2238 : vector<64x1xf32> to vector<1x1x64x1xf32>
    tpu.vector_store %arg10[%swap3A_2254, %swap3A_2255, %swap3A_2256, %swap3A_2257], %swap3A_2260 {strides = array<i32>} : memref<1x32x64x128xf32, #tpu.memory_space<vmem>>, vector<1x1x64x1xf32>,
    %swap3A_2261 = arith.constant 0 : index
    %swap3A_2262 = arith.constant 18 : index
    %swap3A_2263 = arith.constant 0 : index
    %swap3A_2264 = arith.constant 65 : index
    %swap3A_2265 = vector.load %arg10[%swap3A_2261, %swap3A_2262, %swap3A_2263, %swap3A_2264] : memref<1x32x64x128xf32, #tpu.memory_space<vmem>>, vector<1x1x64x1xf32>
    %swap3A_2266 = vector.shape_cast %swap3A_2265 : vector<1x1x64x1xf32> to vector<64x1xf32>
    %swap3A_2267 = vector.shape_cast %broadcast_in_dim3A_2244 : vector<64x1xf32> to vector<1x1x64x1xf32>
    tpu.vector_store %arg10[%swap3A_2261, %swap3A_2262, %swap3A_2263, %swap3A_2264], %swap3A_2267 {strides = array<i32>} : memref<1x32x64x128xf32, #tpu.memory_space<vmem>>, vector<1x1x64x1xf32>,
    %concatenate3A_2268 = tpu.concatenate %mul3A_370, %mul3A_352 in 0 : vector<64x64xf32>, vector<64x64xf32> -> vector<128x64xf32>
    %concatenate3A_2269 = tpu.concatenate %slice3A_360, %slice3A_342 in 0 : vector<64x64xf32>, vector<64x64xf32> -> vector<128x64xf32>
    %dot_general3A_2270 = arith.constant dense<0.000000e+00> : vector<64x128xf32>
    %dot_general3A_2271 = tpu.matmul %slice3A_359, %concatenate3A_2268, %dot_general3A_2270 {dimension_numbers = #tpu.dot_dimension_numbers<[1], [1], [0], [0], [0, 0, 1, 0], [], []>, transpose_lhs_hint = false} : vector<64x64xf32>, vector<128x64xf32>, vector<64x128xf32> -> vector<64x128xf32>
    %mul3A_2272 = arith.constant 1.250000e-01 : f32
    %mul3A_2273 = vector.broadcast %mul3A_2272 : f32 to vector<64x128xf32>
    %mul3A_2274 = arith.mulf %dot_general3A_2271, %mul3A_2273 : vector<64x128xf32>
    %get3A_2275 = arith.constant 0 : index
    %get3A_2276 = arith.constant 19 : index
    %get3A_2277 = arith.constant 0 : index
    %get3A_2278 = arith.constant 0 : index
    %get3A_2279 = vector.load %arg4[%get3A_2275, %get3A_2276, %get3A_2277, %get3A_2278] : memref<1x32x64x1xi32, #tpu.memory_space<vmem>>, vector<1x1x64x1xi32>
    %get3A_2280 = vector.shape_cast %get3A_2279 : vector<1x1x64x1xi32> to vector<64x1xi32>
    %get3A_2281 = arith.constant 0 : index
    %get3A_2282 = arith.constant 19 : index
    %get3A_2283 = arith.constant 0 : index
    %get3A_2284 = arith.constant 0 : index
    %get3A_2285 = vector.load %arg7[%get3A_2281, %get3A_2282, %get3A_2283, %get3A_2284] : memref<1x32x64x1xi32, #tpu.memory_space<vmem>>, vector<1x1x64x1xi32>
    %get3A_2286 = vector.shape_cast %get3A_2285 : vector<1x1x64x1xi32> to vector<64x1xi32>
    %get3A_2287 = arith.constant 0 : index
    %get3A_2288 = arith.constant 18 : index
    %get3A_2289 = arith.constant 0 : index
    %get3A_2290 = arith.constant 0 : index
    %get3A_2291 = vector.load %arg5[%get3A_2287, %get3A_2288, %get3A_2289, %get3A_2290] : memref<1x32x1x64xi32, #tpu.memory_space<vmem>>, vector<1x1x1x64xi32>
    %get3A_2292 = vector.shape_cast %get3A_2291 : vector<1x1x1x64xi32> to vector<1x64xi32>
    %get3A_2293 = arith.constant 0 : index
    %get3A_2294 = arith.constant 18 : index
    %get3A_2295 = arith.constant 0 : index
    %get3A_2296 = arith.constant 0 : index
    %get3A_2297 = vector.load %arg8[%get3A_2293, %get3A_2294, %get3A_2295, %get3A_2296] : memref<1x32x1x64xi32, #tpu.memory_space<vmem>>, vector<1x1x1x64xi32>
    %get3A_2298 = vector.shape_cast %get3A_2297 : vector<1x1x1x64xi32> to vector<1x64xi32>
    %get3A_2299 = arith.constant 0 : index
    %get3A_2300 = arith.constant 19 : index
    %get3A_2301 = arith.constant 0 : index
    %get3A_2302 = arith.constant 0 : index
    %get3A_2303 = vector.load %arg5[%get3A_2299, %get3A_2300, %get3A_2301, %get3A_2302] : memref<1x32x1x64xi32, #tpu.memory_space<vmem>>, vector<1x1x1x64xi32>
    %get3A_2304 = vector.shape_cast %get3A_2303 : vector<1x1x1x64xi32> to vector<1x64xi32>
    %concatenate3A_2305 = tpu.concatenate %get3A_2304, %get3A_2292 in 1 : vector<1x64xi32>, vector<1x64xi32> -> vector<1x128xi32>
    %get3A_2306 = arith.constant 0 : index
    %get3A_2307 = arith.constant 19 : index
    %get3A_2308 = arith.constant 0 : index
    %get3A_2309 = arith.constant 0 : index
    %get3A_2310 = vector.load %arg8[%get3A_2306, %get3A_2307, %get3A_2308, %get3A_2309] : memref<1x32x1x64xi32, #tpu.memory_space<vmem>>, vector<1x1x1x64xi32>
    %get3A_2311 = vector.shape_cast %get3A_2310 : vector<1x1x1x64xi32> to vector<1x64xi32>
    %concatenate3A_2312 = tpu.concatenate %get3A_2311, %get3A_2298 in 1 : vector<1x64xi32>, vector<1x64xi32> -> vector<1x128xi32>
    %ne3A_2313 = vector.broadcast %get3A_2286 : vector<64x1xi32> to vector<64x128xi32>
    %ne3A_2314 = vector.broadcast %concatenate3A_2312 : vector<1x128xi32> to vector<64x128xi32>
    %ne3A_2315 = arith.cmpi ne, %ne3A_2313, %ne3A_2314 : vector<64x128xi32>
    %eq3A_2316 = vector.broadcast %get3A_2280 : vector<64x1xi32> to vector<64x128xi32>
    %eq3A_2317 = vector.broadcast %concatenate3A_2305 : vector<1x128xi32> to vector<64x128xi32>
    %eq3A_2318 = arith.cmpi eq, %eq3A_2316, %eq3A_2317 : vector<64x128xi32>
    %jit3A_2319 = arith.constant -5.000000e+04 : f32
    %broadcast_in_dim3A_2320 = vector.broadcast %jit3A_2319 : f32 to vector<64x128xf32>
    %select_n3A_2321 = arith.select %eq3A_2318, %broadcast_in_dim3A_2320, %mul3A_2274 : vector<64x128xi1>, vector<64x128xf32>
    %jit3A_2322 = arith.constant -3.40282347E+38 : f32
    %broadcast_in_dim3A_2323 = vector.broadcast %jit3A_2322 : f32 to vector<64x128xf32>
    %select_n3A_2324 = arith.select %ne3A_2315, %broadcast_in_dim3A_2323, %select_n3A_2321 : vector<64x128xi1>, vector<64x128xf32>
    %reduce_max3A_2325 = arith.constant dense<0xFF800000> : vector<64xf32>
    %reduce_max3A_2326 = vector.multi_reduction <maximumf>, %select_n3A_2324, %reduce_max3A_2325 [1] : vector<64x128xf32> to vector<64xf32>
    %broadcast_in_dim3A_2327 = vector.shape_cast %reduce_max3A_2326 : vector<64xf32> to vector<64x1xf32>
    %sub3A_2328 = vector.broadcast %broadcast_in_dim3A_2327 : vector<64x1xf32> to vector<64x128xf32>
    %sub3A_2329 = arith.subf %select_n3A_2324, %sub3A_2328 : vector<64x128xf32>
    %exp3A_2330 = math.exp %sub3A_2329 : vector<64x128xf32>
    %reduce_sum3A_2331 = arith.constant dense<0.000000e+00> : vector<64xf32>
    %reduce_sum3A_2332 = vector.multi_reduction <add>, %exp3A_2330, %reduce_sum3A_2331 [1] : vector<64x128xf32> to vector<64xf32>
    %broadcast_in_dim3A_2333 = vector.shape_cast %reduce_sum3A_2332 : vector<64xf32> to vector<64x1xf32>
    %dot_general3A_2334 = arith.constant dense<0.000000e+00> : vector<64x64xf32>
    %dot_general3A_2335 = tpu.matmul %exp3A_2330, %concatenate3A_2269, %dot_general3A_2334 {dimension_numbers = #tpu.dot_dimension_numbers<[1], [0], [0], [1], [0, 0, 1, 1], [], []>, transpose_lhs_hint = false} : vector<64x128xf32>, vector<128x64xf32>, vector<64x64xf32> -> vector<64x64xf32>
    %swap3A_2336 = arith.constant 0 : index
    %swap3A_2337 = arith.constant 19 : index
    %swap3A_2338 = arith.constant 0 : index
    %swap3A_2339 = arith.constant 0 : index
    %swap3A_2340 = vector.load %arg10[%swap3A_2336, %swap3A_2337, %swap3A_2338, %swap3A_2339] : memref<1x32x64x128xf32, #tpu.memory_space<vmem>>, vector<1x1x64x64xf32>
    %swap3A_2341 = vector.shape_cast %swap3A_2340 : vector<1x1x64x64xf32> to vector<64x64xf32>
    %swap3A_2342 = vector.shape_cast %dot_general3A_2335 : vector<64x64xf32> to vector<1x1x64x64xf32>
    tpu.vector_store %arg10[%swap3A_2336, %swap3A_2337, %swap3A_2338, %swap3A_2339], %swap3A_2342 {strides = array<i32>} : memref<1x32x64x128xf32, #tpu.memory_space<vmem>>, vector<1x1x64x64xf32>,
    %swap3A_2343 = arith.constant 0 : index
    %swap3A_2344 = arith.constant 19 : index
    %swap3A_2345 = arith.constant 0 : index
    %swap3A_2346 = arith.constant 64 : index
    %swap3A_2347 = vector.load %arg10[%swap3A_2343, %swap3A_2344, %swap3A_2345, %swap3A_2346] : memref<1x32x64x128xf32, #tpu.memory_space<vmem>>, vector<1x1x64x1xf32>
    %swap3A_2348 = vector.shape_cast %swap3A_2347 : vector<1x1x64x1xf32> to vector<64x1xf32>
    %swap3A_2349 = vector.shape_cast %broadcast_in_dim3A_2327 : vector<64x1xf32> to vector<1x1x64x1xf32>
    tpu.vector_store %arg10[%swap3A_2343, %swap3A_2344, %swap3A_2345, %swap3A_2346], %swap3A_2349 {strides = array<i32>} : memref<1x32x64x128xf32, #tpu.memory_space<vmem>>, vector<1x1x64x1xf32>,
    %swap3A_2350 = arith.constant 0 : index
    %swap3A_2351 = arith.constant 19 : index
    %swap3A_2352 = arith.constant 0 : index
    %swap3A_2353 = arith.constant 65 : index
    %swap3A_2354 = vector.load %arg10[%swap3A_2350, %swap3A_2351, %swap3A_2352, %swap3A_2353] : memref<1x32x64x128xf32, #tpu.memory_space<vmem>>, vector<1x1x64x1xf32>
    %swap3A_2355 = vector.shape_cast %swap3A_2354 : vector<1x1x64x1xf32> to vector<64x1xf32>
    %swap3A_2356 = vector.shape_cast %broadcast_in_dim3A_2333 : vector<64x1xf32> to vector<1x1x64x1xf32>
    tpu.vector_store %arg10[%swap3A_2350, %swap3A_2351, %swap3A_2352, %swap3A_2353], %swap3A_2356 {strides = array<i32>} : memref<1x32x64x128xf32, #tpu.memory_space<vmem>>, vector<1x1x64x1xf32>,
    %concatenate3A_2357 = tpu.concatenate %mul3A_388, %mul3A_370 in 0 : vector<64x64xf32>, vector<64x64xf32> -> vector<128x64xf32>
    %concatenate3A_2358 = tpu.concatenate %slice3A_378, %slice3A_360 in 0 : vector<64x64xf32>, vector<64x64xf32> -> vector<128x64xf32>
    %dot_general3A_2359 = arith.constant dense<0.000000e+00> : vector<64x128xf32>
    %dot_general3A_2360 = tpu.matmul %slice3A_377, %concatenate3A_2357, %dot_general3A_2359 {dimension_numbers = #tpu.dot_dimension_numbers<[1], [1], [0], [0], [0, 0, 1, 0], [], []>, transpose_lhs_hint = false} : vector<64x64xf32>, vector<128x64xf32>, vector<64x128xf32> -> vector<64x128xf32>
    %mul3A_2361 = arith.constant 1.250000e-01 : f32
    %mul3A_2362 = vector.broadcast %mul3A_2361 : f32 to vector<64x128xf32>
    %mul3A_2363 = arith.mulf %dot_general3A_2360, %mul3A_2362 : vector<64x128xf32>
    %get3A_2364 = arith.constant 0 : index
    %get3A_2365 = arith.constant 20 : index
    %get3A_2366 = arith.constant 0 : index
    %get3A_2367 = arith.constant 0 : index
    %get3A_2368 = vector.load %arg4[%get3A_2364, %get3A_2365, %get3A_2366, %get3A_2367] : memref<1x32x64x1xi32, #tpu.memory_space<vmem>>, vector<1x1x64x1xi32>
    %get3A_2369 = vector.shape_cast %get3A_2368 : vector<1x1x64x1xi32> to vector<64x1xi32>
    %get3A_2370 = arith.constant 0 : index
    %get3A_2371 = arith.constant 20 : index
    %get3A_2372 = arith.constant 0 : index
    %get3A_2373 = arith.constant 0 : index
    %get3A_2374 = vector.load %arg7[%get3A_2370, %get3A_2371, %get3A_2372, %get3A_2373] : memref<1x32x64x1xi32, #tpu.memory_space<vmem>>, vector<1x1x64x1xi32>
    %get3A_2375 = vector.shape_cast %get3A_2374 : vector<1x1x64x1xi32> to vector<64x1xi32>
    %get3A_2376 = arith.constant 0 : index
    %get3A_2377 = arith.constant 19 : index
    %get3A_2378 = arith.constant 0 : index
    %get3A_2379 = arith.constant 0 : index
    %get3A_2380 = vector.load %arg5[%get3A_2376, %get3A_2377, %get3A_2378, %get3A_2379] : memref<1x32x1x64xi32, #tpu.memory_space<vmem>>, vector<1x1x1x64xi32>
    %get3A_2381 = vector.shape_cast %get3A_2380 : vector<1x1x1x64xi32> to vector<1x64xi32>
    %get3A_2382 = arith.constant 0 : index
    %get3A_2383 = arith.constant 19 : index
    %get3A_2384 = arith.constant 0 : index
    %get3A_2385 = arith.constant 0 : index
    %get3A_2386 = vector.load %arg8[%get3A_2382, %get3A_2383, %get3A_2384, %get3A_2385] : memref<1x32x1x64xi32, #tpu.memory_space<vmem>>, vector<1x1x1x64xi32>
    %get3A_2387 = vector.shape_cast %get3A_2386 : vector<1x1x1x64xi32> to vector<1x64xi32>
    %get3A_2388 = arith.constant 0 : index
    %get3A_2389 = arith.constant 20 : index
    %get3A_2390 = arith.constant 0 : index
    %get3A_2391 = arith.constant 0 : index
    %get3A_2392 = vector.load %arg5[%get3A_2388, %get3A_2389, %get3A_2390, %get3A_2391] : memref<1x32x1x64xi32, #tpu.memory_space<vmem>>, vector<1x1x1x64xi32>
    %get3A_2393 = vector.shape_cast %get3A_2392 : vector<1x1x1x64xi32> to vector<1x64xi32>
    %concatenate3A_2394 = tpu.concatenate %get3A_2393, %get3A_2381 in 1 : vector<1x64xi32>, vector<1x64xi32> -> vector<1x128xi32>
    %get3A_2395 = arith.constant 0 : index
    %get3A_2396 = arith.constant 20 : index
    %get3A_2397 = arith.constant 0 : index
    %get3A_2398 = arith.constant 0 : index
    %get3A_2399 = vector.load %arg8[%get3A_2395, %get3A_2396, %get3A_2397, %get3A_2398] : memref<1x32x1x64xi32, #tpu.memory_space<vmem>>, vector<1x1x1x64xi32>
    %get3A_2400 = vector.shape_cast %get3A_2399 : vector<1x1x1x64xi32> to vector<1x64xi32>
    %concatenate3A_2401 = tpu.concatenate %get3A_2400, %get3A_2387 in 1 : vector<1x64xi32>, vector<1x64xi32> -> vector<1x128xi32>
    %ne3A_2402 = vector.broadcast %get3A_2375 : vector<64x1xi32> to vector<64x128xi32>
    %ne3A_2403 = vector.broadcast %concatenate3A_2401 : vector<1x128xi32> to vector<64x128xi32>
    %ne3A_2404 = arith.cmpi ne, %ne3A_2402, %ne3A_2403 : vector<64x128xi32>
    %eq3A_2405 = vector.broadcast %get3A_2369 : vector<64x1xi32> to vector<64x128xi32>
    %eq3A_2406 = vector.broadcast %concatenate3A_2394 : vector<1x128xi32> to vector<64x128xi32>
    %eq3A_2407 = arith.cmpi eq, %eq3A_2405, %eq3A_2406 : vector<64x128xi32>
    %jit3A_2408 = arith.constant -5.000000e+04 : f32
    %broadcast_in_dim3A_2409 = vector.broadcast %jit3A_2408 : f32 to vector<64x128xf32>
    %select_n3A_2410 = arith.select %eq3A_2407, %broadcast_in_dim3A_2409, %mul3A_2363 : vector<64x128xi1>, vector<64x128xf32>
    %jit3A_2411 = arith.constant -3.40282347E+38 : f32
    %broadcast_in_dim3A_2412 = vector.broadcast %jit3A_2411 : f32 to vector<64x128xf32>
    %select_n3A_2413 = arith.select %ne3A_2404, %broadcast_in_dim3A_2412, %select_n3A_2410 : vector<64x128xi1>, vector<64x128xf32>
    %reduce_max3A_2414 = arith.constant dense<0xFF800000> : vector<64xf32>
    %reduce_max3A_2415 = vector.multi_reduction <maximumf>, %select_n3A_2413, %reduce_max3A_2414 [1] : vector<64x128xf32> to vector<64xf32>
    %broadcast_in_dim3A_2416 = vector.shape_cast %reduce_max3A_2415 : vector<64xf32> to vector<64x1xf32>
    %sub3A_2417 = vector.broadcast %broadcast_in_dim3A_2416 : vector<64x1xf32> to vector<64x128xf32>
    %sub3A_2418 = arith.subf %select_n3A_2413, %sub3A_2417 : vector<64x128xf32>
    %exp3A_2419 = math.exp %sub3A_2418 : vector<64x128xf32>
    %reduce_sum3A_2420 = arith.constant dense<0.000000e+00> : vector<64xf32>
    %reduce_sum3A_2421 = vector.multi_reduction <add>, %exp3A_2419, %reduce_sum3A_2420 [1] : vector<64x128xf32> to vector<64xf32>
    %broadcast_in_dim3A_2422 = vector.shape_cast %reduce_sum3A_2421 : vector<64xf32> to vector<64x1xf32>
    %dot_general3A_2423 = arith.constant dense<0.000000e+00> : vector<64x64xf32>
    %dot_general3A_2424 = tpu.matmul %exp3A_2419, %concatenate3A_2358, %dot_general3A_2423 {dimension_numbers = #tpu.dot_dimension_numbers<[1], [0], [0], [1], [0, 0, 1, 1], [], []>, transpose_lhs_hint = false} : vector<64x128xf32>, vector<128x64xf32>, vector<64x64xf32> -> vector<64x64xf32>
    %swap3A_2425 = arith.constant 0 : index
    %swap3A_2426 = arith.constant 20 : index
    %swap3A_2427 = arith.constant 0 : index
    %swap3A_2428 = arith.constant 0 : index
    %swap3A_2429 = vector.load %arg10[%swap3A_2425, %swap3A_2426, %swap3A_2427, %swap3A_2428] : memref<1x32x64x128xf32, #tpu.memory_space<vmem>>, vector<1x1x64x64xf32>
    %swap3A_2430 = vector.shape_cast %swap3A_2429 : vector<1x1x64x64xf32> to vector<64x64xf32>
    %swap3A_2431 = vector.shape_cast %dot_general3A_2424 : vector<64x64xf32> to vector<1x1x64x64xf32>
    tpu.vector_store %arg10[%swap3A_2425, %swap3A_2426, %swap3A_2427, %swap3A_2428], %swap3A_2431 {strides = array<i32>} : memref<1x32x64x128xf32, #tpu.memory_space<vmem>>, vector<1x1x64x64xf32>,
    %swap3A_2432 = arith.constant 0 : index
    %swap3A_2433 = arith.constant 20 : index
    %swap3A_2434 = arith.constant 0 : index
    %swap3A_2435 = arith.constant 64 : index
    %swap3A_2436 = vector.load %arg10[%swap3A_2432, %swap3A_2433, %swap3A_2434, %swap3A_2435] : memref<1x32x64x128xf32, #tpu.memory_space<vmem>>, vector<1x1x64x1xf32>
    %swap3A_2437 = vector.shape_cast %swap3A_2436 : vector<1x1x64x1xf32> to vector<64x1xf32>
    %swap3A_2438 = vector.shape_cast %broadcast_in_dim3A_2416 : vector<64x1xf32> to vector<1x1x64x1xf32>
    tpu.vector_store %arg10[%swap3A_2432, %swap3A_2433, %swap3A_2434, %swap3A_2435], %swap3A_2438 {strides = array<i32>} : memref<1x32x64x128xf32, #tpu.memory_space<vmem>>, vector<1x1x64x1xf32>,
    %swap3A_2439 = arith.constant 0 : index
    %swap3A_2440 = arith.constant 20 : index
    %swap3A_2441 = arith.constant 0 : index
    %swap3A_2442 = arith.constant 65 : index
    %swap3A_2443 = vector.load %arg10[%swap3A_2439, %swap3A_2440, %swap3A_2441, %swap3A_2442] : memref<1x32x64x128xf32, #tpu.memory_space<vmem>>, vector<1x1x64x1xf32>
    %swap3A_2444 = vector.shape_cast %swap3A_2443 : vector<1x1x64x1xf32> to vector<64x1xf32>
    %swap3A_2445 = vector.shape_cast %broadcast_in_dim3A_2422 : vector<64x1xf32> to vector<1x1x64x1xf32>
    tpu.vector_store %arg10[%swap3A_2439, %swap3A_2440, %swap3A_2441, %swap3A_2442], %swap3A_2445 {strides = array<i32>} : memref<1x32x64x128xf32, #tpu.memory_space<vmem>>, vector<1x1x64x1xf32>,
    %concatenate3A_2446 = tpu.concatenate %mul3A_406, %mul3A_388 in 0 : vector<64x64xf32>, vector<64x64xf32> -> vector<128x64xf32>
    %concatenate3A_2447 = tpu.concatenate %slice3A_396, %slice3A_378 in 0 : vector<64x64xf32>, vector<64x64xf32> -> vector<128x64xf32>
    %dot_general3A_2448 = arith.constant dense<0.000000e+00> : vector<64x128xf32>
    %dot_general3A_2449 = tpu.matmul %slice3A_395, %concatenate3A_2446, %dot_general3A_2448 {dimension_numbers = #tpu.dot_dimension_numbers<[1], [1], [0], [0], [0, 0, 1, 0], [], []>, transpose_lhs_hint = false} : vector<64x64xf32>, vector<128x64xf32>, vector<64x128xf32> -> vector<64x128xf32>
    %mul3A_2450 = arith.constant 1.250000e-01 : f32
    %mul3A_2451 = vector.broadcast %mul3A_2450 : f32 to vector<64x128xf32>
    %mul3A_2452 = arith.mulf %dot_general3A_2449, %mul3A_2451 : vector<64x128xf32>
    %get3A_2453 = arith.constant 0 : index
    %get3A_2454 = arith.constant 21 : index
    %get3A_2455 = arith.constant 0 : index
    %get3A_2456 = arith.constant 0 : index
    %get3A_2457 = vector.load %arg4[%get3A_2453, %get3A_2454, %get3A_2455, %get3A_2456] : memref<1x32x64x1xi32, #tpu.memory_space<vmem>>, vector<1x1x64x1xi32>
    %get3A_2458 = vector.shape_cast %get3A_2457 : vector<1x1x64x1xi32> to vector<64x1xi32>
    %get3A_2459 = arith.constant 0 : index
    %get3A_2460 = arith.constant 21 : index
    %get3A_2461 = arith.constant 0 : index
    %get3A_2462 = arith.constant 0 : index
    %get3A_2463 = vector.load %arg7[%get3A_2459, %get3A_2460, %get3A_2461, %get3A_2462] : memref<1x32x64x1xi32, #tpu.memory_space<vmem>>, vector<1x1x64x1xi32>
    %get3A_2464 = vector.shape_cast %get3A_2463 : vector<1x1x64x1xi32> to vector<64x1xi32>
    %get3A_2465 = arith.constant 0 : index
    %get3A_2466 = arith.constant 20 : index
    %get3A_2467 = arith.constant 0 : index
    %get3A_2468 = arith.constant 0 : index
    %get3A_2469 = vector.load %arg5[%get3A_2465, %get3A_2466, %get3A_2467, %get3A_2468] : memref<1x32x1x64xi32, #tpu.memory_space<vmem>>, vector<1x1x1x64xi32>
    %get3A_2470 = vector.shape_cast %get3A_2469 : vector<1x1x1x64xi32> to vector<1x64xi32>
    %get3A_2471 = arith.constant 0 : index
    %get3A_2472 = arith.constant 20 : index
    %get3A_2473 = arith.constant 0 : index
    %get3A_2474 = arith.constant 0 : index
    %get3A_2475 = vector.load %arg8[%get3A_2471, %get3A_2472, %get3A_2473, %get3A_2474] : memref<1x32x1x64xi32, #tpu.memory_space<vmem>>, vector<1x1x1x64xi32>
    %get3A_2476 = vector.shape_cast %get3A_2475 : vector<1x1x1x64xi32> to vector<1x64xi32>
    %get3A_2477 = arith.constant 0 : index
    %get3A_2478 = arith.constant 21 : index
    %get3A_2479 = arith.constant 0 : index
    %get3A_2480 = arith.constant 0 : index
    %get3A_2481 = vector.load %arg5[%get3A_2477, %get3A_2478, %get3A_2479, %get3A_2480] : memref<1x32x1x64xi32, #tpu.memory_space<vmem>>, vector<1x1x1x64xi32>
    %get3A_2482 = vector.shape_cast %get3A_2481 : vector<1x1x1x64xi32> to vector<1x64xi32>
    %concatenate3A_2483 = tpu.concatenate %get3A_2482, %get3A_2470 in 1 : vector<1x64xi32>, vector<1x64xi32> -> vector<1x128xi32>
    %get3A_2484 = arith.constant 0 : index
    %get3A_2485 = arith.constant 21 : index
    %get3A_2486 = arith.constant 0 : index
    %get3A_2487 = arith.constant 0 : index
    %get3A_2488 = vector.load %arg8[%get3A_2484, %get3A_2485, %get3A_2486, %get3A_2487] : memref<1x32x1x64xi32, #tpu.memory_space<vmem>>, vector<1x1x1x64xi32>
    %get3A_2489 = vector.shape_cast %get3A_2488 : vector<1x1x1x64xi32> to vector<1x64xi32>
    %concatenate3A_2490 = tpu.concatenate %get3A_2489, %get3A_2476 in 1 : vector<1x64xi32>, vector<1x64xi32> -> vector<1x128xi32>
    %ne3A_2491 = vector.broadcast %get3A_2464 : vector<64x1xi32> to vector<64x128xi32>
    %ne3A_2492 = vector.broadcast %concatenate3A_2490 : vector<1x128xi32> to vector<64x128xi32>
    %ne3A_2493 = arith.cmpi ne, %ne3A_2491, %ne3A_2492 : vector<64x128xi32>
    %eq3A_2494 = vector.broadcast %get3A_2458 : vector<64x1xi32> to vector<64x128xi32>
    %eq3A_2495 = vector.broadcast %concatenate3A_2483 : vector<1x128xi32> to vector<64x128xi32>
    %eq3A_2496 = arith.cmpi eq, %eq3A_2494, %eq3A_2495 : vector<64x128xi32>
    %jit3A_2497 = arith.constant -5.000000e+04 : f32
    %broadcast_in_dim3A_2498 = vector.broadcast %jit3A_2497 : f32 to vector<64x128xf32>
    %select_n3A_2499 = arith.select %eq3A_2496, %broadcast_in_dim3A_2498, %mul3A_2452 : vector<64x128xi1>, vector<64x128xf32>
    %jit3A_2500 = arith.constant -3.40282347E+38 : f32
    %broadcast_in_dim3A_2501 = vector.broadcast %jit3A_2500 : f32 to vector<64x128xf32>
    %select_n3A_2502 = arith.select %ne3A_2493, %broadcast_in_dim3A_2501, %select_n3A_2499 : vector<64x128xi1>, vector<64x128xf32>
    %reduce_max3A_2503 = arith.constant dense<0xFF800000> : vector<64xf32>
    %reduce_max3A_2504 = vector.multi_reduction <maximumf>, %select_n3A_2502, %reduce_max3A_2503 [1] : vector<64x128xf32> to vector<64xf32>
    %broadcast_in_dim3A_2505 = vector.shape_cast %reduce_max3A_2504 : vector<64xf32> to vector<64x1xf32>
    %sub3A_2506 = vector.broadcast %broadcast_in_dim3A_2505 : vector<64x1xf32> to vector<64x128xf32>
    %sub3A_2507 = arith.subf %select_n3A_2502, %sub3A_2506 : vector<64x128xf32>
    %exp3A_2508 = math.exp %sub3A_2507 : vector<64x128xf32>
    %reduce_sum3A_2509 = arith.constant dense<0.000000e+00> : vector<64xf32>
    %reduce_sum3A_2510 = vector.multi_reduction <add>, %exp3A_2508, %reduce_sum3A_2509 [1] : vector<64x128xf32> to vector<64xf32>
    %broadcast_in_dim3A_2511 = vector.shape_cast %reduce_sum3A_2510 : vector<64xf32> to vector<64x1xf32>
    %dot_general3A_2512 = arith.constant dense<0.000000e+00> : vector<64x64xf32>
    %dot_general3A_2513 = tpu.matmul %exp3A_2508, %concatenate3A_2447, %dot_general3A_2512 {dimension_numbers = #tpu.dot_dimension_numbers<[1], [0], [0], [1], [0, 0, 1, 1], [], []>, transpose_lhs_hint = false} : vector<64x128xf32>, vector<128x64xf32>, vector<64x64xf32> -> vector<64x64xf32>
    %swap3A_2514 = arith.constant 0 : index
    %swap3A_2515 = arith.constant 21 : index
    %swap3A_2516 = arith.constant 0 : index
    %swap3A_2517 = arith.constant 0 : index
    %swap3A_2518 = vector.load %arg10[%swap3A_2514, %swap3A_2515, %swap3A_2516, %swap3A_2517] : memref<1x32x64x128xf32, #tpu.memory_space<vmem>>, vector<1x1x64x64xf32>
    %swap3A_2519 = vector.shape_cast %swap3A_2518 : vector<1x1x64x64xf32> to vector<64x64xf32>
    %swap3A_2520 = vector.shape_cast %dot_general3A_2513 : vector<64x64xf32> to vector<1x1x64x64xf32>
    tpu.vector_store %arg10[%swap3A_2514, %swap3A_2515, %swap3A_2516, %swap3A_2517], %swap3A_2520 {strides = array<i32>} : memref<1x32x64x128xf32, #tpu.memory_space<vmem>>, vector<1x1x64x64xf32>,
    %swap3A_2521 = arith.constant 0 : index
    %swap3A_2522 = arith.constant 21 : index
    %swap3A_2523 = arith.constant 0 : index
    %swap3A_2524 = arith.constant 64 : index
    %swap3A_2525 = vector.load %arg10[%swap3A_2521, %swap3A_2522, %swap3A_2523, %swap3A_2524] : memref<1x32x64x128xf32, #tpu.memory_space<vmem>>, vector<1x1x64x1xf32>
    %swap3A_2526 = vector.shape_cast %swap3A_2525 : vector<1x1x64x1xf32> to vector<64x1xf32>
    %swap3A_2527 = vector.shape_cast %broadcast_in_dim3A_2505 : vector<64x1xf32> to vector<1x1x64x1xf32>
    tpu.vector_store %arg10[%swap3A_2521, %swap3A_2522, %swap3A_2523, %swap3A_2524], %swap3A_2527 {strides = array<i32>} : memref<1x32x64x128xf32, #tpu.memory_space<vmem>>, vector<1x1x64x1xf32>,
    %swap3A_2528 = arith.constant 0 : index
    %swap3A_2529 = arith.constant 21 : index
    %swap3A_2530 = arith.constant 0 : index
    %swap3A_2531 = arith.constant 65 : index
    %swap3A_2532 = vector.load %arg10[%swap3A_2528, %swap3A_2529, %swap3A_2530, %swap3A_2531] : memref<1x32x64x128xf32, #tpu.memory_space<vmem>>, vector<1x1x64x1xf32>
    %swap3A_2533 = vector.shape_cast %swap3A_2532 : vector<1x1x64x1xf32> to vector<64x1xf32>
    %swap3A_2534 = vector.shape_cast %broadcast_in_dim3A_2511 : vector<64x1xf32> to vector<1x1x64x1xf32>
    tpu.vector_store %arg10[%swap3A_2528, %swap3A_2529, %swap3A_2530, %swap3A_2531], %swap3A_2534 {strides = array<i32>} : memref<1x32x64x128xf32, #tpu.memory_space<vmem>>, vector<1x1x64x1xf32>,
    %concatenate3A_2535 = tpu.concatenate %mul3A_424, %mul3A_406 in 0 : vector<64x64xf32>, vector<64x64xf32> -> vector<128x64xf32>
    %concatenate3A_2536 = tpu.concatenate %slice3A_414, %slice3A_396 in 0 : vector<64x64xf32>, vector<64x64xf32> -> vector<128x64xf32>
    %dot_general3A_2537 = arith.constant dense<0.000000e+00> : vector<64x128xf32>
    %dot_general3A_2538 = tpu.matmul %slice3A_413, %concatenate3A_2535, %dot_general3A_2537 {dimension_numbers = #tpu.dot_dimension_numbers<[1], [1], [0], [0], [0, 0, 1, 0], [], []>, transpose_lhs_hint = false} : vector<64x64xf32>, vector<128x64xf32>, vector<64x128xf32> -> vector<64x128xf32>
    %mul3A_2539 = arith.constant 1.250000e-01 : f32
    %mul3A_2540 = vector.broadcast %mul3A_2539 : f32 to vector<64x128xf32>
    %mul3A_2541 = arith.mulf %dot_general3A_2538, %mul3A_2540 : vector<64x128xf32>
    %get3A_2542 = arith.constant 0 : index
    %get3A_2543 = arith.constant 22 : index
    %get3A_2544 = arith.constant 0 : index
    %get3A_2545 = arith.constant 0 : index
    %get3A_2546 = vector.load %arg4[%get3A_2542, %get3A_2543, %get3A_2544, %get3A_2545] : memref<1x32x64x1xi32, #tpu.memory_space<vmem>>, vector<1x1x64x1xi32>
    %get3A_2547 = vector.shape_cast %get3A_2546 : vector<1x1x64x1xi32> to vector<64x1xi32>
    %get3A_2548 = arith.constant 0 : index
    %get3A_2549 = arith.constant 22 : index
    %get3A_2550 = arith.constant 0 : index
    %get3A_2551 = arith.constant 0 : index
    %get3A_2552 = vector.load %arg7[%get3A_2548, %get3A_2549, %get3A_2550, %get3A_2551] : memref<1x32x64x1xi32, #tpu.memory_space<vmem>>, vector<1x1x64x1xi32>
    %get3A_2553 = vector.shape_cast %get3A_2552 : vector<1x1x64x1xi32> to vector<64x1xi32>
    %get3A_2554 = arith.constant 0 : index
    %get3A_2555 = arith.constant 21 : index
    %get3A_2556 = arith.constant 0 : index
    %get3A_2557 = arith.constant 0 : index
    %get3A_2558 = vector.load %arg5[%get3A_2554, %get3A_2555, %get3A_2556, %get3A_2557] : memref<1x32x1x64xi32, #tpu.memory_space<vmem>>, vector<1x1x1x64xi32>
    %get3A_2559 = vector.shape_cast %get3A_2558 : vector<1x1x1x64xi32> to vector<1x64xi32>
    %get3A_2560 = arith.constant 0 : index
    %get3A_2561 = arith.constant 21 : index
    %get3A_2562 = arith.constant 0 : index
    %get3A_2563 = arith.constant 0 : index
    %get3A_2564 = vector.load %arg8[%get3A_2560, %get3A_2561, %get3A_2562, %get3A_2563] : memref<1x32x1x64xi32, #tpu.memory_space<vmem>>, vector<1x1x1x64xi32>
    %get3A_2565 = vector.shape_cast %get3A_2564 : vector<1x1x1x64xi32> to vector<1x64xi32>
    %get3A_2566 = arith.constant 0 : index
    %get3A_2567 = arith.constant 22 : index
    %get3A_2568 = arith.constant 0 : index
    %get3A_2569 = arith.constant 0 : index
    %get3A_2570 = vector.load %arg5[%get3A_2566, %get3A_2567, %get3A_2568, %get3A_2569] : memref<1x32x1x64xi32, #tpu.memory_space<vmem>>, vector<1x1x1x64xi32>
    %get3A_2571 = vector.shape_cast %get3A_2570 : vector<1x1x1x64xi32> to vector<1x64xi32>
    %concatenate3A_2572 = tpu.concatenate %get3A_2571, %get3A_2559 in 1 : vector<1x64xi32>, vector<1x64xi32> -> vector<1x128xi32>
    %get3A_2573 = arith.constant 0 : index
    %get3A_2574 = arith.constant 22 : index
    %get3A_2575 = arith.constant 0 : index
    %get3A_2576 = arith.constant 0 : index
    %get3A_2577 = vector.load %arg8[%get3A_2573, %get3A_2574, %get3A_2575, %get3A_2576] : memref<1x32x1x64xi32, #tpu.memory_space<vmem>>, vector<1x1x1x64xi32>
    %get3A_2578 = vector.shape_cast %get3A_2577 : vector<1x1x1x64xi32> to vector<1x64xi32>
    %concatenate3A_2579 = tpu.concatenate %get3A_2578, %get3A_2565 in 1 : vector<1x64xi32>, vector<1x64xi32> -> vector<1x128xi32>
    %ne3A_2580 = vector.broadcast %get3A_2553 : vector<64x1xi32> to vector<64x128xi32>
    %ne3A_2581 = vector.broadcast %concatenate3A_2579 : vector<1x128xi32> to vector<64x128xi32>
    %ne3A_2582 = arith.cmpi ne, %ne3A_2580, %ne3A_2581 : vector<64x128xi32>
    %eq3A_2583 = vector.broadcast %get3A_2547 : vector<64x1xi32> to vector<64x128xi32>
    %eq3A_2584 = vector.broadcast %concatenate3A_2572 : vector<1x128xi32> to vector<64x128xi32>
    %eq3A_2585 = arith.cmpi eq, %eq3A_2583, %eq3A_2584 : vector<64x128xi32>
    %jit3A_2586 = arith.constant -5.000000e+04 : f32
    %broadcast_in_dim3A_2587 = vector.broadcast %jit3A_2586 : f32 to vector<64x128xf32>
    %select_n3A_2588 = arith.select %eq3A_2585, %broadcast_in_dim3A_2587, %mul3A_2541 : vector<64x128xi1>, vector<64x128xf32>
    %jit3A_2589 = arith.constant -3.40282347E+38 : f32
    %broadcast_in_dim3A_2590 = vector.broadcast %jit3A_2589 : f32 to vector<64x128xf32>
    %select_n3A_2591 = arith.select %ne3A_2582, %broadcast_in_dim3A_2590, %select_n3A_2588 : vector<64x128xi1>, vector<64x128xf32>
    %reduce_max3A_2592 = arith.constant dense<0xFF800000> : vector<64xf32>
    %reduce_max3A_2593 = vector.multi_reduction <maximumf>, %select_n3A_2591, %reduce_max3A_2592 [1] : vector<64x128xf32> to vector<64xf32>
    %broadcast_in_dim3A_2594 = vector.shape_cast %reduce_max3A_2593 : vector<64xf32> to vector<64x1xf32>
    %sub3A_2595 = vector.broadcast %broadcast_in_dim3A_2594 : vector<64x1xf32> to vector<64x128xf32>
    %sub3A_2596 = arith.subf %select_n3A_2591, %sub3A_2595 : vector<64x128xf32>
    %exp3A_2597 = math.exp %sub3A_2596 : vector<64x128xf32>
    %reduce_sum3A_2598 = arith.constant dense<0.000000e+00> : vector<64xf32>
    %reduce_sum3A_2599 = vector.multi_reduction <add>, %exp3A_2597, %reduce_sum3A_2598 [1] : vector<64x128xf32> to vector<64xf32>
    %broadcast_in_dim3A_2600 = vector.shape_cast %reduce_sum3A_2599 : vector<64xf32> to vector<64x1xf32>
    %dot_general3A_2601 = arith.constant dense<0.000000e+00> : vector<64x64xf32>
    %dot_general3A_2602 = tpu.matmul %exp3A_2597, %concatenate3A_2536, %dot_general3A_2601 {dimension_numbers = #tpu.dot_dimension_numbers<[1], [0], [0], [1], [0, 0, 1, 1], [], []>, transpose_lhs_hint = false} : vector<64x128xf32>, vector<128x64xf32>, vector<64x64xf32> -> vector<64x64xf32>
    %swap3A_2603 = arith.constant 0 : index
    %swap3A_2604 = arith.constant 22 : index
    %swap3A_2605 = arith.constant 0 : index
    %swap3A_2606 = arith.constant 0 : index
    %swap3A_2607 = vector.load %arg10[%swap3A_2603, %swap3A_2604, %swap3A_2605, %swap3A_2606] : memref<1x32x64x128xf32, #tpu.memory_space<vmem>>, vector<1x1x64x64xf32>
    %swap3A_2608 = vector.shape_cast %swap3A_2607 : vector<1x1x64x64xf32> to vector<64x64xf32>
    %swap3A_2609 = vector.shape_cast %dot_general3A_2602 : vector<64x64xf32> to vector<1x1x64x64xf32>
    tpu.vector_store %arg10[%swap3A_2603, %swap3A_2604, %swap3A_2605, %swap3A_2606], %swap3A_2609 {strides = array<i32>} : memref<1x32x64x128xf32, #tpu.memory_space<vmem>>, vector<1x1x64x64xf32>,
    %swap3A_2610 = arith.constant 0 : index
    %swap3A_2611 = arith.constant 22 : index
    %swap3A_2612 = arith.constant 0 : index
    %swap3A_2613 = arith.constant 64 : index
    %swap3A_2614 = vector.load %arg10[%swap3A_2610, %swap3A_2611, %swap3A_2612, %swap3A_2613] : memref<1x32x64x128xf32, #tpu.memory_space<vmem>>, vector<1x1x64x1xf32>
    %swap3A_2615 = vector.shape_cast %swap3A_2614 : vector<1x1x64x1xf32> to vector<64x1xf32>
    %swap3A_2616 = vector.shape_cast %broadcast_in_dim3A_2594 : vector<64x1xf32> to vector<1x1x64x1xf32>
    tpu.vector_store %arg10[%swap3A_2610, %swap3A_2611, %swap3A_2612, %swap3A_2613], %swap3A_2616 {strides = array<i32>} : memref<1x32x64x128xf32, #tpu.memory_space<vmem>>, vector<1x1x64x1xf32>,
    %swap3A_2617 = arith.constant 0 : index
    %swap3A_2618 = arith.constant 22 : index
    %swap3A_2619 = arith.constant 0 : index
    %swap3A_2620 = arith.constant 65 : index
    %swap3A_2621 = vector.load %arg10[%swap3A_2617, %swap3A_2618, %swap3A_2619, %swap3A_2620] : memref<1x32x64x128xf32, #tpu.memory_space<vmem>>, vector<1x1x64x1xf32>
    %swap3A_2622 = vector.shape_cast %swap3A_2621 : vector<1x1x64x1xf32> to vector<64x1xf32>
    %swap3A_2623 = vector.shape_cast %broadcast_in_dim3A_2600 : vector<64x1xf32> to vector<1x1x64x1xf32>
    tpu.vector_store %arg10[%swap3A_2617, %swap3A_2618, %swap3A_2619, %swap3A_2620], %swap3A_2623 {strides = array<i32>} : memref<1x32x64x128xf32, #tpu.memory_space<vmem>>, vector<1x1x64x1xf32>,
    %concatenate3A_2624 = tpu.concatenate %mul3A_442, %mul3A_424 in 0 : vector<64x64xf32>, vector<64x64xf32> -> vector<128x64xf32>
    %concatenate3A_2625 = tpu.concatenate %slice3A_432, %slice3A_414 in 0 : vector<64x64xf32>, vector<64x64xf32> -> vector<128x64xf32>
    %dot_general3A_2626 = arith.constant dense<0.000000e+00> : vector<64x128xf32>
    %dot_general3A_2627 = tpu.matmul %slice3A_431, %concatenate3A_2624, %dot_general3A_2626 {dimension_numbers = #tpu.dot_dimension_numbers<[1], [1], [0], [0], [0, 0, 1, 0], [], []>, transpose_lhs_hint = false} : vector<64x64xf32>, vector<128x64xf32>, vector<64x128xf32> -> vector<64x128xf32>
    %mul3A_2628 = arith.constant 1.250000e-01 : f32
    %mul3A_2629 = vector.broadcast %mul3A_2628 : f32 to vector<64x128xf32>
    %mul3A_2630 = arith.mulf %dot_general3A_2627, %mul3A_2629 : vector<64x128xf32>
    %get3A_2631 = arith.constant 0 : index
    %get3A_2632 = arith.constant 23 : index
    %get3A_2633 = arith.constant 0 : index
    %get3A_2634 = arith.constant 0 : index
    %get3A_2635 = vector.load %arg4[%get3A_2631, %get3A_2632, %get3A_2633, %get3A_2634] : memref<1x32x64x1xi32, #tpu.memory_space<vmem>>, vector<1x1x64x1xi32>
    %get3A_2636 = vector.shape_cast %get3A_2635 : vector<1x1x64x1xi32> to vector<64x1xi32>
    %get3A_2637 = arith.constant 0 : index
    %get3A_2638 = arith.constant 23 : index
    %get3A_2639 = arith.constant 0 : index
    %get3A_2640 = arith.constant 0 : index
    %get3A_2641 = vector.load %arg7[%get3A_2637, %get3A_2638, %get3A_2639, %get3A_2640] : memref<1x32x64x1xi32, #tpu.memory_space<vmem>>, vector<1x1x64x1xi32>
    %get3A_2642 = vector.shape_cast %get3A_2641 : vector<1x1x64x1xi32> to vector<64x1xi32>
    %get3A_2643 = arith.constant 0 : index
    %get3A_2644 = arith.constant 22 : index
    %get3A_2645 = arith.constant 0 : index
    %get3A_2646 = arith.constant 0 : index
    %get3A_2647 = vector.load %arg5[%get3A_2643, %get3A_2644, %get3A_2645, %get3A_2646] : memref<1x32x1x64xi32, #tpu.memory_space<vmem>>, vector<1x1x1x64xi32>
    %get3A_2648 = vector.shape_cast %get3A_2647 : vector<1x1x1x64xi32> to vector<1x64xi32>
    %get3A_2649 = arith.constant 0 : index
    %get3A_2650 = arith.constant 22 : index
    %get3A_2651 = arith.constant 0 : index
    %get3A_2652 = arith.constant 0 : index
    %get3A_2653 = vector.load %arg8[%get3A_2649, %get3A_2650, %get3A_2651, %get3A_2652] : memref<1x32x1x64xi32, #tpu.memory_space<vmem>>, vector<1x1x1x64xi32>
    %get3A_2654 = vector.shape_cast %get3A_2653 : vector<1x1x1x64xi32> to vector<1x64xi32>
    %get3A_2655 = arith.constant 0 : index
    %get3A_2656 = arith.constant 23 : index
    %get3A_2657 = arith.constant 0 : index
    %get3A_2658 = arith.constant 0 : index
    %get3A_2659 = vector.load %arg5[%get3A_2655, %get3A_2656, %get3A_2657, %get3A_2658] : memref<1x32x1x64xi32, #tpu.memory_space<vmem>>, vector<1x1x1x64xi32>
    %get3A_2660 = vector.shape_cast %get3A_2659 : vector<1x1x1x64xi32> to vector<1x64xi32>
    %concatenate3A_2661 = tpu.concatenate %get3A_2660, %get3A_2648 in 1 : vector<1x64xi32>, vector<1x64xi32> -> vector<1x128xi32>
    %get3A_2662 = arith.constant 0 : index
    %get3A_2663 = arith.constant 23 : index
    %get3A_2664 = arith.constant 0 : index
    %get3A_2665 = arith.constant 0 : index
    %get3A_2666 = vector.load %arg8[%get3A_2662, %get3A_2663, %get3A_2664, %get3A_2665] : memref<1x32x1x64xi32, #tpu.memory_space<vmem>>, vector<1x1x1x64xi32>
    %get3A_2667 = vector.shape_cast %get3A_2666 : vector<1x1x1x64xi32> to vector<1x64xi32>
    %concatenate3A_2668 = tpu.concatenate %get3A_2667, %get3A_2654 in 1 : vector<1x64xi32>, vector<1x64xi32> -> vector<1x128xi32>
    %ne3A_2669 = vector.broadcast %get3A_2642 : vector<64x1xi32> to vector<64x128xi32>
    %ne3A_2670 = vector.broadcast %concatenate3A_2668 : vector<1x128xi32> to vector<64x128xi32>
    %ne3A_2671 = arith.cmpi ne, %ne3A_2669, %ne3A_2670 : vector<64x128xi32>
    %eq3A_2672 = vector.broadcast %get3A_2636 : vector<64x1xi32> to vector<64x128xi32>
    %eq3A_2673 = vector.broadcast %concatenate3A_2661 : vector<1x128xi32> to vector<64x128xi32>
    %eq3A_2674 = arith.cmpi eq, %eq3A_2672, %eq3A_2673 : vector<64x128xi32>
    %jit3A_2675 = arith.constant -5.000000e+04 : f32
    %broadcast_in_dim3A_2676 = vector.broadcast %jit3A_2675 : f32 to vector<64x128xf32>
    %select_n3A_2677 = arith.select %eq3A_2674, %broadcast_in_dim3A_2676, %mul3A_2630 : vector<64x128xi1>, vector<64x128xf32>
    %jit3A_2678 = arith.constant -3.40282347E+38 : f32
    %broadcast_in_dim3A_2679 = vector.broadcast %jit3A_2678 : f32 to vector<64x128xf32>
    %select_n3A_2680 = arith.select %ne3A_2671, %broadcast_in_dim3A_2679, %select_n3A_2677 : vector<64x128xi1>, vector<64x128xf32>
    %reduce_max3A_2681 = arith.constant dense<0xFF800000> : vector<64xf32>
    %reduce_max3A_2682 = vector.multi_reduction <maximumf>, %select_n3A_2680, %reduce_max3A_2681 [1] : vector<64x128xf32> to vector<64xf32>
    %broadcast_in_dim3A_2683 = vector.shape_cast %reduce_max3A_2682 : vector<64xf32> to vector<64x1xf32>
    %sub3A_2684 = vector.broadcast %broadcast_in_dim3A_2683 : vector<64x1xf32> to vector<64x128xf32>
    %sub3A_2685 = arith.subf %select_n3A_2680, %sub3A_2684 : vector<64x128xf32>
    %exp3A_2686 = math.exp %sub3A_2685 : vector<64x128xf32>
    %reduce_sum3A_2687 = arith.constant dense<0.000000e+00> : vector<64xf32>
    %reduce_sum3A_2688 = vector.multi_reduction <add>, %exp3A_2686, %reduce_sum3A_2687 [1] : vector<64x128xf32> to vector<64xf32>
    %broadcast_in_dim3A_2689 = vector.shape_cast %reduce_sum3A_2688 : vector<64xf32> to vector<64x1xf32>
    %dot_general3A_2690 = arith.constant dense<0.000000e+00> : vector<64x64xf32>
    %dot_general3A_2691 = tpu.matmul %exp3A_2686, %concatenate3A_2625, %dot_general3A_2690 {dimension_numbers = #tpu.dot_dimension_numbers<[1], [0], [0], [1], [0, 0, 1, 1], [], []>, transpose_lhs_hint = false} : vector<64x128xf32>, vector<128x64xf32>, vector<64x64xf32> -> vector<64x64xf32>
    %swap3A_2692 = arith.constant 0 : index
    %swap3A_2693 = arith.constant 23 : index
    %swap3A_2694 = arith.constant 0 : index
    %swap3A_2695 = arith.constant 0 : index
    %swap3A_2696 = vector.load %arg10[%swap3A_2692, %swap3A_2693, %swap3A_2694, %swap3A_2695] : memref<1x32x64x128xf32, #tpu.memory_space<vmem>>, vector<1x1x64x64xf32>
    %swap3A_2697 = vector.shape_cast %swap3A_2696 : vector<1x1x64x64xf32> to vector<64x64xf32>
    %swap3A_2698 = vector.shape_cast %dot_general3A_2691 : vector<64x64xf32> to vector<1x1x64x64xf32>
    tpu.vector_store %arg10[%swap3A_2692, %swap3A_2693, %swap3A_2694, %swap3A_2695], %swap3A_2698 {strides = array<i32>} : memref<1x32x64x128xf32, #tpu.memory_space<vmem>>, vector<1x1x64x64xf32>,
    %swap3A_2699 = arith.constant 0 : index
    %swap3A_2700 = arith.constant 23 : index
    %swap3A_2701 = arith.constant 0 : index
    %swap3A_2702 = arith.constant 64 : index
    %swap3A_2703 = vector.load %arg10[%swap3A_2699, %swap3A_2700, %swap3A_2701, %swap3A_2702] : memref<1x32x64x128xf32, #tpu.memory_space<vmem>>, vector<1x1x64x1xf32>
    %swap3A_2704 = vector.shape_cast %swap3A_2703 : vector<1x1x64x1xf32> to vector<64x1xf32>
    %swap3A_2705 = vector.shape_cast %broadcast_in_dim3A_2683 : vector<64x1xf32> to vector<1x1x64x1xf32>
    tpu.vector_store %arg10[%swap3A_2699, %swap3A_2700, %swap3A_2701, %swap3A_2702], %swap3A_2705 {strides = array<i32>} : memref<1x32x64x128xf32, #tpu.memory_space<vmem>>, vector<1x1x64x1xf32>,
    %swap3A_2706 = arith.constant 0 : index
    %swap3A_2707 = arith.constant 23 : index
    %swap3A_2708 = arith.constant 0 : index
    %swap3A_2709 = arith.constant 65 : index
    %swap3A_2710 = vector.load %arg10[%swap3A_2706, %swap3A_2707, %swap3A_2708, %swap3A_2709] : memref<1x32x64x128xf32, #tpu.memory_space<vmem>>, vector<1x1x64x1xf32>
    %swap3A_2711 = vector.shape_cast %swap3A_2710 : vector<1x1x64x1xf32> to vector<64x1xf32>
    %swap3A_2712 = vector.shape_cast %broadcast_in_dim3A_2689 : vector<64x1xf32> to vector<1x1x64x1xf32>
    tpu.vector_store %arg10[%swap3A_2706, %swap3A_2707, %swap3A_2708, %swap3A_2709], %swap3A_2712 {strides = array<i32>} : memref<1x32x64x128xf32, #tpu.memory_space<vmem>>, vector<1x1x64x1xf32>,
    %concatenate3A_2713 = tpu.concatenate %mul3A_460, %mul3A_442 in 0 : vector<64x64xf32>, vector<64x64xf32> -> vector<128x64xf32>
    %concatenate3A_2714 = tpu.concatenate %slice3A_450, %slice3A_432 in 0 : vector<64x64xf32>, vector<64x64xf32> -> vector<128x64xf32>
    %dot_general3A_2715 = arith.constant dense<0.000000e+00> : vector<64x128xf32>
    %dot_general3A_2716 = tpu.matmul %slice3A_449, %concatenate3A_2713, %dot_general3A_2715 {dimension_numbers = #tpu.dot_dimension_numbers<[1], [1], [0], [0], [0, 0, 1, 0], [], []>, transpose_lhs_hint = false} : vector<64x64xf32>, vector<128x64xf32>, vector<64x128xf32> -> vector<64x128xf32>
    %mul3A_2717 = arith.constant 1.250000e-01 : f32
    %mul3A_2718 = vector.broadcast %mul3A_2717 : f32 to vector<64x128xf32>
    %mul3A_2719 = arith.mulf %dot_general3A_2716, %mul3A_2718 : vector<64x128xf32>
    %get3A_2720 = arith.constant 0 : index
    %get3A_2721 = arith.constant 24 : index
    %get3A_2722 = arith.constant 0 : index
    %get3A_2723 = arith.constant 0 : index
    %get3A_2724 = vector.load %arg4[%get3A_2720, %get3A_2721, %get3A_2722, %get3A_2723] : memref<1x32x64x1xi32, #tpu.memory_space<vmem>>, vector<1x1x64x1xi32>
    %get3A_2725 = vector.shape_cast %get3A_2724 : vector<1x1x64x1xi32> to vector<64x1xi32>
    %get3A_2726 = arith.constant 0 : index
    %get3A_2727 = arith.constant 24 : index
    %get3A_2728 = arith.constant 0 : index
    %get3A_2729 = arith.constant 0 : index
    %get3A_2730 = vector.load %arg7[%get3A_2726, %get3A_2727, %get3A_2728, %get3A_2729] : memref<1x32x64x1xi32, #tpu.memory_space<vmem>>, vector<1x1x64x1xi32>
    %get3A_2731 = vector.shape_cast %get3A_2730 : vector<1x1x64x1xi32> to vector<64x1xi32>
    %get3A_2732 = arith.constant 0 : index
    %get3A_2733 = arith.constant 23 : index
    %get3A_2734 = arith.constant 0 : index
    %get3A_2735 = arith.constant 0 : index
    %get3A_2736 = vector.load %arg5[%get3A_2732, %get3A_2733, %get3A_2734, %get3A_2735] : memref<1x32x1x64xi32, #tpu.memory_space<vmem>>, vector<1x1x1x64xi32>
    %get3A_2737 = vector.shape_cast %get3A_2736 : vector<1x1x1x64xi32> to vector<1x64xi32>
    %get3A_2738 = arith.constant 0 : index
    %get3A_2739 = arith.constant 23 : index
    %get3A_2740 = arith.constant 0 : index
    %get3A_2741 = arith.constant 0 : index
    %get3A_2742 = vector.load %arg8[%get3A_2738, %get3A_2739, %get3A_2740, %get3A_2741] : memref<1x32x1x64xi32, #tpu.memory_space<vmem>>, vector<1x1x1x64xi32>
    %get3A_2743 = vector.shape_cast %get3A_2742 : vector<1x1x1x64xi32> to vector<1x64xi32>
    %get3A_2744 = arith.constant 0 : index
    %get3A_2745 = arith.constant 24 : index
    %get3A_2746 = arith.constant 0 : index
    %get3A_2747 = arith.constant 0 : index
    %get3A_2748 = vector.load %arg5[%get3A_2744, %get3A_2745, %get3A_2746, %get3A_2747] : memref<1x32x1x64xi32, #tpu.memory_space<vmem>>, vector<1x1x1x64xi32>
    %get3A_2749 = vector.shape_cast %get3A_2748 : vector<1x1x1x64xi32> to vector<1x64xi32>
    %concatenate3A_2750 = tpu.concatenate %get3A_2749, %get3A_2737 in 1 : vector<1x64xi32>, vector<1x64xi32> -> vector<1x128xi32>
    %get3A_2751 = arith.constant 0 : index
    %get3A_2752 = arith.constant 24 : index
    %get3A_2753 = arith.constant 0 : index
    %get3A_2754 = arith.constant 0 : index
    %get3A_2755 = vector.load %arg8[%get3A_2751, %get3A_2752, %get3A_2753, %get3A_2754] : memref<1x32x1x64xi32, #tpu.memory_space<vmem>>, vector<1x1x1x64xi32>
    %get3A_2756 = vector.shape_cast %get3A_2755 : vector<1x1x1x64xi32> to vector<1x64xi32>
    %concatenate3A_2757 = tpu.concatenate %get3A_2756, %get3A_2743 in 1 : vector<1x64xi32>, vector<1x64xi32> -> vector<1x128xi32>
    %ne3A_2758 = vector.broadcast %get3A_2731 : vector<64x1xi32> to vector<64x128xi32>
    %ne3A_2759 = vector.broadcast %concatenate3A_2757 : vector<1x128xi32> to vector<64x128xi32>
    %ne3A_2760 = arith.cmpi ne, %ne3A_2758, %ne3A_2759 : vector<64x128xi32>
    %eq3A_2761 = vector.broadcast %get3A_2725 : vector<64x1xi32> to vector<64x128xi32>
    %eq3A_2762 = vector.broadcast %concatenate3A_2750 : vector<1x128xi32> to vector<64x128xi32>
    %eq3A_2763 = arith.cmpi eq, %eq3A_2761, %eq3A_2762 : vector<64x128xi32>
    %jit3A_2764 = arith.constant -5.000000e+04 : f32
    %broadcast_in_dim3A_2765 = vector.broadcast %jit3A_2764 : f32 to vector<64x128xf32>
    %select_n3A_2766 = arith.select %eq3A_2763, %broadcast_in_dim3A_2765, %mul3A_2719 : vector<64x128xi1>, vector<64x128xf32>
    %jit3A_2767 = arith.constant -3.40282347E+38 : f32
    %broadcast_in_dim3A_2768 = vector.broadcast %jit3A_2767 : f32 to vector<64x128xf32>
    %select_n3A_2769 = arith.select %ne3A_2760, %broadcast_in_dim3A_2768, %select_n3A_2766 : vector<64x128xi1>, vector<64x128xf32>
    %reduce_max3A_2770 = arith.constant dense<0xFF800000> : vector<64xf32>
    %reduce_max3A_2771 = vector.multi_reduction <maximumf>, %select_n3A_2769, %reduce_max3A_2770 [1] : vector<64x128xf32> to vector<64xf32>
    %broadcast_in_dim3A_2772 = vector.shape_cast %reduce_max3A_2771 : vector<64xf32> to vector<64x1xf32>
    %sub3A_2773 = vector.broadcast %broadcast_in_dim3A_2772 : vector<64x1xf32> to vector<64x128xf32>
    %sub3A_2774 = arith.subf %select_n3A_2769, %sub3A_2773 : vector<64x128xf32>
    %exp3A_2775 = math.exp %sub3A_2774 : vector<64x128xf32>
    %reduce_sum3A_2776 = arith.constant dense<0.000000e+00> : vector<64xf32>
    %reduce_sum3A_2777 = vector.multi_reduction <add>, %exp3A_2775, %reduce_sum3A_2776 [1] : vector<64x128xf32> to vector<64xf32>
    %broadcast_in_dim3A_2778 = vector.shape_cast %reduce_sum3A_2777 : vector<64xf32> to vector<64x1xf32>
    %dot_general3A_2779 = arith.constant dense<0.000000e+00> : vector<64x64xf32>
    %dot_general3A_2780 = tpu.matmul %exp3A_2775, %concatenate3A_2714, %dot_general3A_2779 {dimension_numbers = #tpu.dot_dimension_numbers<[1], [0], [0], [1], [0, 0, 1, 1], [], []>, transpose_lhs_hint = false} : vector<64x128xf32>, vector<128x64xf32>, vector<64x64xf32> -> vector<64x64xf32>
    %swap3A_2781 = arith.constant 0 : index
    %swap3A_2782 = arith.constant 24 : index
    %swap3A_2783 = arith.constant 0 : index
    %swap3A_2784 = arith.constant 0 : index
    %swap3A_2785 = vector.load %arg10[%swap3A_2781, %swap3A_2782, %swap3A_2783, %swap3A_2784] : memref<1x32x64x128xf32, #tpu.memory_space<vmem>>, vector<1x1x64x64xf32>
    %swap3A_2786 = vector.shape_cast %swap3A_2785 : vector<1x1x64x64xf32> to vector<64x64xf32>
    %swap3A_2787 = vector.shape_cast %dot_general3A_2780 : vector<64x64xf32> to vector<1x1x64x64xf32>
    tpu.vector_store %arg10[%swap3A_2781, %swap3A_2782, %swap3A_2783, %swap3A_2784], %swap3A_2787 {strides = array<i32>} : memref<1x32x64x128xf32, #tpu.memory_space<vmem>>, vector<1x1x64x64xf32>,
    %swap3A_2788 = arith.constant 0 : index
    %swap3A_2789 = arith.constant 24 : index
    %swap3A_2790 = arith.constant 0 : index
    %swap3A_2791 = arith.constant 64 : index
    %swap3A_2792 = vector.load %arg10[%swap3A_2788, %swap3A_2789, %swap3A_2790, %swap3A_2791] : memref<1x32x64x128xf32, #tpu.memory_space<vmem>>, vector<1x1x64x1xf32>
    %swap3A_2793 = vector.shape_cast %swap3A_2792 : vector<1x1x64x1xf32> to vector<64x1xf32>
    %swap3A_2794 = vector.shape_cast %broadcast_in_dim3A_2772 : vector<64x1xf32> to vector<1x1x64x1xf32>
    tpu.vector_store %arg10[%swap3A_2788, %swap3A_2789, %swap3A_2790, %swap3A_2791], %swap3A_2794 {strides = array<i32>} : memref<1x32x64x128xf32, #tpu.memory_space<vmem>>, vector<1x1x64x1xf32>,
    %swap3A_2795 = arith.constant 0 : index
    %swap3A_2796 = arith.constant 24 : index
    %swap3A_2797 = arith.constant 0 : index
    %swap3A_2798 = arith.constant 65 : index
    %swap3A_2799 = vector.load %arg10[%swap3A_2795, %swap3A_2796, %swap3A_2797, %swap3A_2798] : memref<1x32x64x128xf32, #tpu.memory_space<vmem>>, vector<1x1x64x1xf32>
    %swap3A_2800 = vector.shape_cast %swap3A_2799 : vector<1x1x64x1xf32> to vector<64x1xf32>
    %swap3A_2801 = vector.shape_cast %broadcast_in_dim3A_2778 : vector<64x1xf32> to vector<1x1x64x1xf32>
    tpu.vector_store %arg10[%swap3A_2795, %swap3A_2796, %swap3A_2797, %swap3A_2798], %swap3A_2801 {strides = array<i32>} : memref<1x32x64x128xf32, #tpu.memory_space<vmem>>, vector<1x1x64x1xf32>,
    %concatenate3A_2802 = tpu.concatenate %mul3A_478, %mul3A_460 in 0 : vector<64x64xf32>, vector<64x64xf32> -> vector<128x64xf32>
    %concatenate3A_2803 = tpu.concatenate %slice3A_468, %slice3A_450 in 0 : vector<64x64xf32>, vector<64x64xf32> -> vector<128x64xf32>
    %dot_general3A_2804 = arith.constant dense<0.000000e+00> : vector<64x128xf32>
    %dot_general3A_2805 = tpu.matmul %slice3A_467, %concatenate3A_2802, %dot_general3A_2804 {dimension_numbers = #tpu.dot_dimension_numbers<[1], [1], [0], [0], [0, 0, 1, 0], [], []>, transpose_lhs_hint = false} : vector<64x64xf32>, vector<128x64xf32>, vector<64x128xf32> -> vector<64x128xf32>
    %mul3A_2806 = arith.constant 1.250000e-01 : f32
    %mul3A_2807 = vector.broadcast %mul3A_2806 : f32 to vector<64x128xf32>
    %mul3A_2808 = arith.mulf %dot_general3A_2805, %mul3A_2807 : vector<64x128xf32>
    %get3A_2809 = arith.constant 0 : index
    %get3A_2810 = arith.constant 25 : index
    %get3A_2811 = arith.constant 0 : index
    %get3A_2812 = arith.constant 0 : index
    %get3A_2813 = vector.load %arg4[%get3A_2809, %get3A_2810, %get3A_2811, %get3A_2812] : memref<1x32x64x1xi32, #tpu.memory_space<vmem>>, vector<1x1x64x1xi32>
    %get3A_2814 = vector.shape_cast %get3A_2813 : vector<1x1x64x1xi32> to vector<64x1xi32>
    %get3A_2815 = arith.constant 0 : index
    %get3A_2816 = arith.constant 25 : index
    %get3A_2817 = arith.constant 0 : index
    %get3A_2818 = arith.constant 0 : index
    %get3A_2819 = vector.load %arg7[%get3A_2815, %get3A_2816, %get3A_2817, %get3A_2818] : memref<1x32x64x1xi32, #tpu.memory_space<vmem>>, vector<1x1x64x1xi32>
    %get3A_2820 = vector.shape_cast %get3A_2819 : vector<1x1x64x1xi32> to vector<64x1xi32>
    %get3A_2821 = arith.constant 0 : index
    %get3A_2822 = arith.constant 24 : index
    %get3A_2823 = arith.constant 0 : index
    %get3A_2824 = arith.constant 0 : index
    %get3A_2825 = vector.load %arg5[%get3A_2821, %get3A_2822, %get3A_2823, %get3A_2824] : memref<1x32x1x64xi32, #tpu.memory_space<vmem>>, vector<1x1x1x64xi32>
    %get3A_2826 = vector.shape_cast %get3A_2825 : vector<1x1x1x64xi32> to vector<1x64xi32>
    %get3A_2827 = arith.constant 0 : index
    %get3A_2828 = arith.constant 24 : index
    %get3A_2829 = arith.constant 0 : index
    %get3A_2830 = arith.constant 0 : index
    %get3A_2831 = vector.load %arg8[%get3A_2827, %get3A_2828, %get3A_2829, %get3A_2830] : memref<1x32x1x64xi32, #tpu.memory_space<vmem>>, vector<1x1x1x64xi32>
    %get3A_2832 = vector.shape_cast %get3A_2831 : vector<1x1x1x64xi32> to vector<1x64xi32>
    %get3A_2833 = arith.constant 0 : index
    %get3A_2834 = arith.constant 25 : index
    %get3A_2835 = arith.constant 0 : index
    %get3A_2836 = arith.constant 0 : index
    %get3A_2837 = vector.load %arg5[%get3A_2833, %get3A_2834, %get3A_2835, %get3A_2836] : memref<1x32x1x64xi32, #tpu.memory_space<vmem>>, vector<1x1x1x64xi32>
    %get3A_2838 = vector.shape_cast %get3A_2837 : vector<1x1x1x64xi32> to vector<1x64xi32>
    %concatenate3A_2839 = tpu.concatenate %get3A_2838, %get3A_2826 in 1 : vector<1x64xi32>, vector<1x64xi32> -> vector<1x128xi32>
    %get3A_2840 = arith.constant 0 : index
    %get3A_2841 = arith.constant 25 : index
    %get3A_2842 = arith.constant 0 : index
    %get3A_2843 = arith.constant 0 : index
    %get3A_2844 = vector.load %arg8[%get3A_2840, %get3A_2841, %get3A_2842, %get3A_2843] : memref<1x32x1x64xi32, #tpu.memory_space<vmem>>, vector<1x1x1x64xi32>
    %get3A_2845 = vector.shape_cast %get3A_2844 : vector<1x1x1x64xi32> to vector<1x64xi32>
    %concatenate3A_2846 = tpu.concatenate %get3A_2845, %get3A_2832 in 1 : vector<1x64xi32>, vector<1x64xi32> -> vector<1x128xi32>
    %ne3A_2847 = vector.broadcast %get3A_2820 : vector<64x1xi32> to vector<64x128xi32>
    %ne3A_2848 = vector.broadcast %concatenate3A_2846 : vector<1x128xi32> to vector<64x128xi32>
    %ne3A_2849 = arith.cmpi ne, %ne3A_2847, %ne3A_2848 : vector<64x128xi32>
    %eq3A_2850 = vector.broadcast %get3A_2814 : vector<64x1xi32> to vector<64x128xi32>
    %eq3A_2851 = vector.broadcast %concatenate3A_2839 : vector<1x128xi32> to vector<64x128xi32>
    %eq3A_2852 = arith.cmpi eq, %eq3A_2850, %eq3A_2851 : vector<64x128xi32>
    %jit3A_2853 = arith.constant -5.000000e+04 : f32
    %broadcast_in_dim3A_2854 = vector.broadcast %jit3A_2853 : f32 to vector<64x128xf32>
    %select_n3A_2855 = arith.select %eq3A_2852, %broadcast_in_dim3A_2854, %mul3A_2808 : vector<64x128xi1>, vector<64x128xf32>
    %jit3A_2856 = arith.constant -3.40282347E+38 : f32
    %broadcast_in_dim3A_2857 = vector.broadcast %jit3A_2856 : f32 to vector<64x128xf32>
    %select_n3A_2858 = arith.select %ne3A_2849, %broadcast_in_dim3A_2857, %select_n3A_2855 : vector<64x128xi1>, vector<64x128xf32>
    %reduce_max3A_2859 = arith.constant dense<0xFF800000> : vector<64xf32>
    %reduce_max3A_2860 = vector.multi_reduction <maximumf>, %select_n3A_2858, %reduce_max3A_2859 [1] : vector<64x128xf32> to vector<64xf32>
    %broadcast_in_dim3A_2861 = vector.shape_cast %reduce_max3A_2860 : vector<64xf32> to vector<64x1xf32>
    %sub3A_2862 = vector.broadcast %broadcast_in_dim3A_2861 : vector<64x1xf32> to vector<64x128xf32>
    %sub3A_2863 = arith.subf %select_n3A_2858, %sub3A_2862 : vector<64x128xf32>
    %exp3A_2864 = math.exp %sub3A_2863 : vector<64x128xf32>
    %reduce_sum3A_2865 = arith.constant dense<0.000000e+00> : vector<64xf32>
    %reduce_sum3A_2866 = vector.multi_reduction <add>, %exp3A_2864, %reduce_sum3A_2865 [1] : vector<64x128xf32> to vector<64xf32>
    %broadcast_in_dim3A_2867 = vector.shape_cast %reduce_sum3A_2866 : vector<64xf32> to vector<64x1xf32>
    %dot_general3A_2868 = arith.constant dense<0.000000e+00> : vector<64x64xf32>
    %dot_general3A_2869 = tpu.matmul %exp3A_2864, %concatenate3A_2803, %dot_general3A_2868 {dimension_numbers = #tpu.dot_dimension_numbers<[1], [0], [0], [1], [0, 0, 1, 1], [], []>, transpose_lhs_hint = false} : vector<64x128xf32>, vector<128x64xf32>, vector<64x64xf32> -> vector<64x64xf32>
    %swap3A_2870 = arith.constant 0 : index
    %swap3A_2871 = arith.constant 25 : index
    %swap3A_2872 = arith.constant 0 : index
    %swap3A_2873 = arith.constant 0 : index
    %swap3A_2874 = vector.load %arg10[%swap3A_2870, %swap3A_2871, %swap3A_2872, %swap3A_2873] : memref<1x32x64x128xf32, #tpu.memory_space<vmem>>, vector<1x1x64x64xf32>
    %swap3A_2875 = vector.shape_cast %swap3A_2874 : vector<1x1x64x64xf32> to vector<64x64xf32>
    %swap3A_2876 = vector.shape_cast %dot_general3A_2869 : vector<64x64xf32> to vector<1x1x64x64xf32>
    tpu.vector_store %arg10[%swap3A_2870, %swap3A_2871, %swap3A_2872, %swap3A_2873], %swap3A_2876 {strides = array<i32>} : memref<1x32x64x128xf32, #tpu.memory_space<vmem>>, vector<1x1x64x64xf32>,
    %swap3A_2877 = arith.constant 0 : index
    %swap3A_2878 = arith.constant 25 : index
    %swap3A_2879 = arith.constant 0 : index
    %swap3A_2880 = arith.constant 64 : index
    %swap3A_2881 = vector.load %arg10[%swap3A_2877, %swap3A_2878, %swap3A_2879, %swap3A_2880] : memref<1x32x64x128xf32, #tpu.memory_space<vmem>>, vector<1x1x64x1xf32>
    %swap3A_2882 = vector.shape_cast %swap3A_2881 : vector<1x1x64x1xf32> to vector<64x1xf32>
    %swap3A_2883 = vector.shape_cast %broadcast_in_dim3A_2861 : vector<64x1xf32> to vector<1x1x64x1xf32>
    tpu.vector_store %arg10[%swap3A_2877, %swap3A_2878, %swap3A_2879, %swap3A_2880], %swap3A_2883 {strides = array<i32>} : memref<1x32x64x128xf32, #tpu.memory_space<vmem>>, vector<1x1x64x1xf32>,
    %swap3A_2884 = arith.constant 0 : index
    %swap3A_2885 = arith.constant 25 : index
    %swap3A_2886 = arith.constant 0 : index
    %swap3A_2887 = arith.constant 65 : index
    %swap3A_2888 = vector.load %arg10[%swap3A_2884, %swap3A_2885, %swap3A_2886, %swap3A_2887] : memref<1x32x64x128xf32, #tpu.memory_space<vmem>>, vector<1x1x64x1xf32>
    %swap3A_2889 = vector.shape_cast %swap3A_2888 : vector<1x1x64x1xf32> to vector<64x1xf32>
    %swap3A_2890 = vector.shape_cast %broadcast_in_dim3A_2867 : vector<64x1xf32> to vector<1x1x64x1xf32>
    tpu.vector_store %arg10[%swap3A_2884, %swap3A_2885, %swap3A_2886, %swap3A_2887], %swap3A_2890 {strides = array<i32>} : memref<1x32x64x128xf32, #tpu.memory_space<vmem>>, vector<1x1x64x1xf32>,
    %concatenate3A_2891 = tpu.concatenate %mul3A_496, %mul3A_478 in 0 : vector<64x64xf32>, vector<64x64xf32> -> vector<128x64xf32>
    %concatenate3A_2892 = tpu.concatenate %slice3A_486, %slice3A_468 in 0 : vector<64x64xf32>, vector<64x64xf32> -> vector<128x64xf32>
    %dot_general3A_2893 = arith.constant dense<0.000000e+00> : vector<64x128xf32>
    %dot_general3A_2894 = tpu.matmul %slice3A_485, %concatenate3A_2891, %dot_general3A_2893 {dimension_numbers = #tpu.dot_dimension_numbers<[1], [1], [0], [0], [0, 0, 1, 0], [], []>, transpose_lhs_hint = false} : vector<64x64xf32>, vector<128x64xf32>, vector<64x128xf32> -> vector<64x128xf32>
    %mul3A_2895 = arith.constant 1.250000e-01 : f32
    %mul3A_2896 = vector.broadcast %mul3A_2895 : f32 to vector<64x128xf32>
    %mul3A_2897 = arith.mulf %dot_general3A_2894, %mul3A_2896 : vector<64x128xf32>
    %get3A_2898 = arith.constant 0 : index
    %get3A_2899 = arith.constant 26 : index
    %get3A_2900 = arith.constant 0 : index
    %get3A_2901 = arith.constant 0 : index
    %get3A_2902 = vector.load %arg4[%get3A_2898, %get3A_2899, %get3A_2900, %get3A_2901] : memref<1x32x64x1xi32, #tpu.memory_space<vmem>>, vector<1x1x64x1xi32>
    %get3A_2903 = vector.shape_cast %get3A_2902 : vector<1x1x64x1xi32> to vector<64x1xi32>
    %get3A_2904 = arith.constant 0 : index
    %get3A_2905 = arith.constant 26 : index
    %get3A_2906 = arith.constant 0 : index
    %get3A_2907 = arith.constant 0 : index
    %get3A_2908 = vector.load %arg7[%get3A_2904, %get3A_2905, %get3A_2906, %get3A_2907] : memref<1x32x64x1xi32, #tpu.memory_space<vmem>>, vector<1x1x64x1xi32>
    %get3A_2909 = vector.shape_cast %get3A_2908 : vector<1x1x64x1xi32> to vector<64x1xi32>
    %get3A_2910 = arith.constant 0 : index
    %get3A_2911 = arith.constant 25 : index
    %get3A_2912 = arith.constant 0 : index
    %get3A_2913 = arith.constant 0 : index
    %get3A_2914 = vector.load %arg5[%get3A_2910, %get3A_2911, %get3A_2912, %get3A_2913] : memref<1x32x1x64xi32, #tpu.memory_space<vmem>>, vector<1x1x1x64xi32>
    %get3A_2915 = vector.shape_cast %get3A_2914 : vector<1x1x1x64xi32> to vector<1x64xi32>
    %get3A_2916 = arith.constant 0 : index
    %get3A_2917 = arith.constant 25 : index
    %get3A_2918 = arith.constant 0 : index
    %get3A_2919 = arith.constant 0 : index
    %get3A_2920 = vector.load %arg8[%get3A_2916, %get3A_2917, %get3A_2918, %get3A_2919] : memref<1x32x1x64xi32, #tpu.memory_space<vmem>>, vector<1x1x1x64xi32>
    %get3A_2921 = vector.shape_cast %get3A_2920 : vector<1x1x1x64xi32> to vector<1x64xi32>
    %get3A_2922 = arith.constant 0 : index
    %get3A_2923 = arith.constant 26 : index
    %get3A_2924 = arith.constant 0 : index
    %get3A_2925 = arith.constant 0 : index
    %get3A_2926 = vector.load %arg5[%get3A_2922, %get3A_2923, %get3A_2924, %get3A_2925] : memref<1x32x1x64xi32, #tpu.memory_space<vmem>>, vector<1x1x1x64xi32>
    %get3A_2927 = vector.shape_cast %get3A_2926 : vector<1x1x1x64xi32> to vector<1x64xi32>
    %concatenate3A_2928 = tpu.concatenate %get3A_2927, %get3A_2915 in 1 : vector<1x64xi32>, vector<1x64xi32> -> vector<1x128xi32>
    %get3A_2929 = arith.constant 0 : index
    %get3A_2930 = arith.constant 26 : index
    %get3A_2931 = arith.constant 0 : index
    %get3A_2932 = arith.constant 0 : index
    %get3A_2933 = vector.load %arg8[%get3A_2929, %get3A_2930, %get3A_2931, %get3A_2932] : memref<1x32x1x64xi32, #tpu.memory_space<vmem>>, vector<1x1x1x64xi32>
    %get3A_2934 = vector.shape_cast %get3A_2933 : vector<1x1x1x64xi32> to vector<1x64xi32>
    %concatenate3A_2935 = tpu.concatenate %get3A_2934, %get3A_2921 in 1 : vector<1x64xi32>, vector<1x64xi32> -> vector<1x128xi32>
    %ne3A_2936 = vector.broadcast %get3A_2909 : vector<64x1xi32> to vector<64x128xi32>
    %ne3A_2937 = vector.broadcast %concatenate3A_2935 : vector<1x128xi32> to vector<64x128xi32>
    %ne3A_2938 = arith.cmpi ne, %ne3A_2936, %ne3A_2937 : vector<64x128xi32>
    %eq3A_2939 = vector.broadcast %get3A_2903 : vector<64x1xi32> to vector<64x128xi32>
    %eq3A_2940 = vector.broadcast %concatenate3A_2928 : vector<1x128xi32> to vector<64x128xi32>
    %eq3A_2941 = arith.cmpi eq, %eq3A_2939, %eq3A_2940 : vector<64x128xi32>
    %jit3A_2942 = arith.constant -5.000000e+04 : f32
    %broadcast_in_dim3A_2943 = vector.broadcast %jit3A_2942 : f32 to vector<64x128xf32>
    %select_n3A_2944 = arith.select %eq3A_2941, %broadcast_in_dim3A_2943, %mul3A_2897 : vector<64x128xi1>, vector<64x128xf32>
    %jit3A_2945 = arith.constant -3.40282347E+38 : f32
    %broadcast_in_dim3A_2946 = vector.broadcast %jit3A_2945 : f32 to vector<64x128xf32>
    %select_n3A_2947 = arith.select %ne3A_2938, %broadcast_in_dim3A_2946, %select_n3A_2944 : vector<64x128xi1>, vector<64x128xf32>
    %reduce_max3A_2948 = arith.constant dense<0xFF800000> : vector<64xf32>
    %reduce_max3A_2949 = vector.multi_reduction <maximumf>, %select_n3A_2947, %reduce_max3A_2948 [1] : vector<64x128xf32> to vector<64xf32>
    %broadcast_in_dim3A_2950 = vector.shape_cast %reduce_max3A_2949 : vector<64xf32> to vector<64x1xf32>
    %sub3A_2951 = vector.broadcast %broadcast_in_dim3A_2950 : vector<64x1xf32> to vector<64x128xf32>
    %sub3A_2952 = arith.subf %select_n3A_2947, %sub3A_2951 : vector<64x128xf32>
    %exp3A_2953 = math.exp %sub3A_2952 : vector<64x128xf32>
    %reduce_sum3A_2954 = arith.constant dense<0.000000e+00> : vector<64xf32>
    %reduce_sum3A_2955 = vector.multi_reduction <add>, %exp3A_2953, %reduce_sum3A_2954 [1] : vector<64x128xf32> to vector<64xf32>
    %broadcast_in_dim3A_2956 = vector.shape_cast %reduce_sum3A_2955 : vector<64xf32> to vector<64x1xf32>
    %dot_general3A_2957 = arith.constant dense<0.000000e+00> : vector<64x64xf32>
    %dot_general3A_2958 = tpu.matmul %exp3A_2953, %concatenate3A_2892, %dot_general3A_2957 {dimension_numbers = #tpu.dot_dimension_numbers<[1], [0], [0], [1], [0, 0, 1, 1], [], []>, transpose_lhs_hint = false} : vector<64x128xf32>, vector<128x64xf32>, vector<64x64xf32> -> vector<64x64xf32>
    %swap3A_2959 = arith.constant 0 : index
    %swap3A_2960 = arith.constant 26 : index
    %swap3A_2961 = arith.constant 0 : index
    %swap3A_2962 = arith.constant 0 : index
    %swap3A_2963 = vector.load %arg10[%swap3A_2959, %swap3A_2960, %swap3A_2961, %swap3A_2962] : memref<1x32x64x128xf32, #tpu.memory_space<vmem>>, vector<1x1x64x64xf32>
    %swap3A_2964 = vector.shape_cast %swap3A_2963 : vector<1x1x64x64xf32> to vector<64x64xf32>
    %swap3A_2965 = vector.shape_cast %dot_general3A_2958 : vector<64x64xf32> to vector<1x1x64x64xf32>
    tpu.vector_store %arg10[%swap3A_2959, %swap3A_2960, %swap3A_2961, %swap3A_2962], %swap3A_2965 {strides = array<i32>} : memref<1x32x64x128xf32, #tpu.memory_space<vmem>>, vector<1x1x64x64xf32>,
    %swap3A_2966 = arith.constant 0 : index
    %swap3A_2967 = arith.constant 26 : index
    %swap3A_2968 = arith.constant 0 : index
    %swap3A_2969 = arith.constant 64 : index
    %swap3A_2970 = vector.load %arg10[%swap3A_2966, %swap3A_2967, %swap3A_2968, %swap3A_2969] : memref<1x32x64x128xf32, #tpu.memory_space<vmem>>, vector<1x1x64x1xf32>
    %swap3A_2971 = vector.shape_cast %swap3A_2970 : vector<1x1x64x1xf32> to vector<64x1xf32>
    %swap3A_2972 = vector.shape_cast %broadcast_in_dim3A_2950 : vector<64x1xf32> to vector<1x1x64x1xf32>
    tpu.vector_store %arg10[%swap3A_2966, %swap3A_2967, %swap3A_2968, %swap3A_2969], %swap3A_2972 {strides = array<i32>} : memref<1x32x64x128xf32, #tpu.memory_space<vmem>>, vector<1x1x64x1xf32>,
    %swap3A_2973 = arith.constant 0 : index
    %swap3A_2974 = arith.constant 26 : index
    %swap3A_2975 = arith.constant 0 : index
    %swap3A_2976 = arith.constant 65 : index
    %swap3A_2977 = vector.load %arg10[%swap3A_2973, %swap3A_2974, %swap3A_2975, %swap3A_2976] : memref<1x32x64x128xf32, #tpu.memory_space<vmem>>, vector<1x1x64x1xf32>
    %swap3A_2978 = vector.shape_cast %swap3A_2977 : vector<1x1x64x1xf32> to vector<64x1xf32>
    %swap3A_2979 = vector.shape_cast %broadcast_in_dim3A_2956 : vector<64x1xf32> to vector<1x1x64x1xf32>
    tpu.vector_store %arg10[%swap3A_2973, %swap3A_2974, %swap3A_2975, %swap3A_2976], %swap3A_2979 {strides = array<i32>} : memref<1x32x64x128xf32, #tpu.memory_space<vmem>>, vector<1x1x64x1xf32>,
    %concatenate3A_2980 = tpu.concatenate %mul3A_514, %mul3A_496 in 0 : vector<64x64xf32>, vector<64x64xf32> -> vector<128x64xf32>
    %concatenate3A_2981 = tpu.concatenate %slice3A_504, %slice3A_486 in 0 : vector<64x64xf32>, vector<64x64xf32> -> vector<128x64xf32>
    %dot_general3A_2982 = arith.constant dense<0.000000e+00> : vector<64x128xf32>
    %dot_general3A_2983 = tpu.matmul %slice3A_503, %concatenate3A_2980, %dot_general3A_2982 {dimension_numbers = #tpu.dot_dimension_numbers<[1], [1], [0], [0], [0, 0, 1, 0], [], []>, transpose_lhs_hint = false} : vector<64x64xf32>, vector<128x64xf32>, vector<64x128xf32> -> vector<64x128xf32>
    %mul3A_2984 = arith.constant 1.250000e-01 : f32
    %mul3A_2985 = vector.broadcast %mul3A_2984 : f32 to vector<64x128xf32>
    %mul3A_2986 = arith.mulf %dot_general3A_2983, %mul3A_2985 : vector<64x128xf32>
    %get3A_2987 = arith.constant 0 : index
    %get3A_2988 = arith.constant 27 : index
    %get3A_2989 = arith.constant 0 : index
    %get3A_2990 = arith.constant 0 : index
    %get3A_2991 = vector.load %arg4[%get3A_2987, %get3A_2988, %get3A_2989, %get3A_2990] : memref<1x32x64x1xi32, #tpu.memory_space<vmem>>, vector<1x1x64x1xi32>
    %get3A_2992 = vector.shape_cast %get3A_2991 : vector<1x1x64x1xi32> to vector<64x1xi32>
    %get3A_2993 = arith.constant 0 : index
    %get3A_2994 = arith.constant 27 : index
    %get3A_2995 = arith.constant 0 : index
    %get3A_2996 = arith.constant 0 : index
    %get3A_2997 = vector.load %arg7[%get3A_2993, %get3A_2994, %get3A_2995, %get3A_2996] : memref<1x32x64x1xi32, #tpu.memory_space<vmem>>, vector<1x1x64x1xi32>
    %get3A_2998 = vector.shape_cast %get3A_2997 : vector<1x1x64x1xi32> to vector<64x1xi32>
    %get3A_2999 = arith.constant 0 : index
    %get3A_3000 = arith.constant 26 : index
    %get3A_3001 = arith.constant 0 : index
    %get3A_3002 = arith.constant 0 : index
    %get3A_3003 = vector.load %arg5[%get3A_2999, %get3A_3000, %get3A_3001, %get3A_3002] : memref<1x32x1x64xi32, #tpu.memory_space<vmem>>, vector<1x1x1x64xi32>
    %get3A_3004 = vector.shape_cast %get3A_3003 : vector<1x1x1x64xi32> to vector<1x64xi32>
    %get3A_3005 = arith.constant 0 : index
    %get3A_3006 = arith.constant 26 : index
    %get3A_3007 = arith.constant 0 : index
    %get3A_3008 = arith.constant 0 : index
    %get3A_3009 = vector.load %arg8[%get3A_3005, %get3A_3006, %get3A_3007, %get3A_3008] : memref<1x32x1x64xi32, #tpu.memory_space<vmem>>, vector<1x1x1x64xi32>
    %get3A_3010 = vector.shape_cast %get3A_3009 : vector<1x1x1x64xi32> to vector<1x64xi32>
    %get3A_3011 = arith.constant 0 : index
    %get3A_3012 = arith.constant 27 : index
    %get3A_3013 = arith.constant 0 : index
    %get3A_3014 = arith.constant 0 : index
    %get3A_3015 = vector.load %arg5[%get3A_3011, %get3A_3012, %get3A_3013, %get3A_3014] : memref<1x32x1x64xi32, #tpu.memory_space<vmem>>, vector<1x1x1x64xi32>
    %get3A_3016 = vector.shape_cast %get3A_3015 : vector<1x1x1x64xi32> to vector<1x64xi32>
    %concatenate3A_3017 = tpu.concatenate %get3A_3016, %get3A_3004 in 1 : vector<1x64xi32>, vector<1x64xi32> -> vector<1x128xi32>
    %get3A_3018 = arith.constant 0 : index
    %get3A_3019 = arith.constant 27 : index
    %get3A_3020 = arith.constant 0 : index
    %get3A_3021 = arith.constant 0 : index
    %get3A_3022 = vector.load %arg8[%get3A_3018, %get3A_3019, %get3A_3020, %get3A_3021] : memref<1x32x1x64xi32, #tpu.memory_space<vmem>>, vector<1x1x1x64xi32>
    %get3A_3023 = vector.shape_cast %get3A_3022 : vector<1x1x1x64xi32> to vector<1x64xi32>
    %concatenate3A_3024 = tpu.concatenate %get3A_3023, %get3A_3010 in 1 : vector<1x64xi32>, vector<1x64xi32> -> vector<1x128xi32>
    %ne3A_3025 = vector.broadcast %get3A_2998 : vector<64x1xi32> to vector<64x128xi32>
    %ne3A_3026 = vector.broadcast %concatenate3A_3024 : vector<1x128xi32> to vector<64x128xi32>
    %ne3A_3027 = arith.cmpi ne, %ne3A_3025, %ne3A_3026 : vector<64x128xi32>
    %eq3A_3028 = vector.broadcast %get3A_2992 : vector<64x1xi32> to vector<64x128xi32>
    %eq3A_3029 = vector.broadcast %concatenate3A_3017 : vector<1x128xi32> to vector<64x128xi32>
    %eq3A_3030 = arith.cmpi eq, %eq3A_3028, %eq3A_3029 : vector<64x128xi32>
    %jit3A_3031 = arith.constant -5.000000e+04 : f32
    %broadcast_in_dim3A_3032 = vector.broadcast %jit3A_3031 : f32 to vector<64x128xf32>
    %select_n3A_3033 = arith.select %eq3A_3030, %broadcast_in_dim3A_3032, %mul3A_2986 : vector<64x128xi1>, vector<64x128xf32>
    %jit3A_3034 = arith.constant -3.40282347E+38 : f32
    %broadcast_in_dim3A_3035 = vector.broadcast %jit3A_3034 : f32 to vector<64x128xf32>
    %select_n3A_3036 = arith.select %ne3A_3027, %broadcast_in_dim3A_3035, %select_n3A_3033 : vector<64x128xi1>, vector<64x128xf32>
    %reduce_max3A_3037 = arith.constant dense<0xFF800000> : vector<64xf32>
    %reduce_max3A_3038 = vector.multi_reduction <maximumf>, %select_n3A_3036, %reduce_max3A_3037 [1] : vector<64x128xf32> to vector<64xf32>
    %broadcast_in_dim3A_3039 = vector.shape_cast %reduce_max3A_3038 : vector<64xf32> to vector<64x1xf32>
    %sub3A_3040 = vector.broadcast %broadcast_in_dim3A_3039 : vector<64x1xf32> to vector<64x128xf32>
    %sub3A_3041 = arith.subf %select_n3A_3036, %sub3A_3040 : vector<64x128xf32>
    %exp3A_3042 = math.exp %sub3A_3041 : vector<64x128xf32>
    %reduce_sum3A_3043 = arith.constant dense<0.000000e+00> : vector<64xf32>
    %reduce_sum3A_3044 = vector.multi_reduction <add>, %exp3A_3042, %reduce_sum3A_3043 [1] : vector<64x128xf32> to vector<64xf32>
    %broadcast_in_dim3A_3045 = vector.shape_cast %reduce_sum3A_3044 : vector<64xf32> to vector<64x1xf32>
    %dot_general3A_3046 = arith.constant dense<0.000000e+00> : vector<64x64xf32>
    %dot_general3A_3047 = tpu.matmul %exp3A_3042, %concatenate3A_2981, %dot_general3A_3046 {dimension_numbers = #tpu.dot_dimension_numbers<[1], [0], [0], [1], [0, 0, 1, 1], [], []>, transpose_lhs_hint = false} : vector<64x128xf32>, vector<128x64xf32>, vector<64x64xf32> -> vector<64x64xf32>
    %swap3A_3048 = arith.constant 0 : index
    %swap3A_3049 = arith.constant 27 : index
    %swap3A_3050 = arith.constant 0 : index
    %swap3A_3051 = arith.constant 0 : index
    %swap3A_3052 = vector.load %arg10[%swap3A_3048, %swap3A_3049, %swap3A_3050, %swap3A_3051] : memref<1x32x64x128xf32, #tpu.memory_space<vmem>>, vector<1x1x64x64xf32>
    %swap3A_3053 = vector.shape_cast %swap3A_3052 : vector<1x1x64x64xf32> to vector<64x64xf32>
    %swap3A_3054 = vector.shape_cast %dot_general3A_3047 : vector<64x64xf32> to vector<1x1x64x64xf32>
    tpu.vector_store %arg10[%swap3A_3048, %swap3A_3049, %swap3A_3050, %swap3A_3051], %swap3A_3054 {strides = array<i32>} : memref<1x32x64x128xf32, #tpu.memory_space<vmem>>, vector<1x1x64x64xf32>,
    %swap3A_3055 = arith.constant 0 : index
    %swap3A_3056 = arith.constant 27 : index
    %swap3A_3057 = arith.constant 0 : index
    %swap3A_3058 = arith.constant 64 : index
    %swap3A_3059 = vector.load %arg10[%swap3A_3055, %swap3A_3056, %swap3A_3057, %swap3A_3058] : memref<1x32x64x128xf32, #tpu.memory_space<vmem>>, vector<1x1x64x1xf32>
    %swap3A_3060 = vector.shape_cast %swap3A_3059 : vector<1x1x64x1xf32> to vector<64x1xf32>
    %swap3A_3061 = vector.shape_cast %broadcast_in_dim3A_3039 : vector<64x1xf32> to vector<1x1x64x1xf32>
    tpu.vector_store %arg10[%swap3A_3055, %swap3A_3056, %swap3A_3057, %swap3A_3058], %swap3A_3061 {strides = array<i32>} : memref<1x32x64x128xf32, #tpu.memory_space<vmem>>, vector<1x1x64x1xf32>,
    %swap3A_3062 = arith.constant 0 : index
    %swap3A_3063 = arith.constant 27 : index
    %swap3A_3064 = arith.constant 0 : index
    %swap3A_3065 = arith.constant 65 : index
    %swap3A_3066 = vector.load %arg10[%swap3A_3062, %swap3A_3063, %swap3A_3064, %swap3A_3065] : memref<1x32x64x128xf32, #tpu.memory_space<vmem>>, vector<1x1x64x1xf32>
    %swap3A_3067 = vector.shape_cast %swap3A_3066 : vector<1x1x64x1xf32> to vector<64x1xf32>
    %swap3A_3068 = vector.shape_cast %broadcast_in_dim3A_3045 : vector<64x1xf32> to vector<1x1x64x1xf32>
    tpu.vector_store %arg10[%swap3A_3062, %swap3A_3063, %swap3A_3064, %swap3A_3065], %swap3A_3068 {strides = array<i32>} : memref<1x32x64x128xf32, #tpu.memory_space<vmem>>, vector<1x1x64x1xf32>,
    %concatenate3A_3069 = tpu.concatenate %mul3A_532, %mul3A_514 in 0 : vector<64x64xf32>, vector<64x64xf32> -> vector<128x64xf32>
    %concatenate3A_3070 = tpu.concatenate %slice3A_522, %slice3A_504 in 0 : vector<64x64xf32>, vector<64x64xf32> -> vector<128x64xf32>
    %dot_general3A_3071 = arith.constant dense<0.000000e+00> : vector<64x128xf32>
    %dot_general3A_3072 = tpu.matmul %slice3A_521, %concatenate3A_3069, %dot_general3A_3071 {dimension_numbers = #tpu.dot_dimension_numbers<[1], [1], [0], [0], [0, 0, 1, 0], [], []>, transpose_lhs_hint = false} : vector<64x64xf32>, vector<128x64xf32>, vector<64x128xf32> -> vector<64x128xf32>
    %mul3A_3073 = arith.constant 1.250000e-01 : f32
    %mul3A_3074 = vector.broadcast %mul3A_3073 : f32 to vector<64x128xf32>
    %mul3A_3075 = arith.mulf %dot_general3A_3072, %mul3A_3074 : vector<64x128xf32>
    %get3A_3076 = arith.constant 0 : index
    %get3A_3077 = arith.constant 28 : index
    %get3A_3078 = arith.constant 0 : index
    %get3A_3079 = arith.constant 0 : index
    %get3A_3080 = vector.load %arg4[%get3A_3076, %get3A_3077, %get3A_3078, %get3A_3079] : memref<1x32x64x1xi32, #tpu.memory_space<vmem>>, vector<1x1x64x1xi32>
    %get3A_3081 = vector.shape_cast %get3A_3080 : vector<1x1x64x1xi32> to vector<64x1xi32>
    %get3A_3082 = arith.constant 0 : index
    %get3A_3083 = arith.constant 28 : index
    %get3A_3084 = arith.constant 0 : index
    %get3A_3085 = arith.constant 0 : index
    %get3A_3086 = vector.load %arg7[%get3A_3082, %get3A_3083, %get3A_3084, %get3A_3085] : memref<1x32x64x1xi32, #tpu.memory_space<vmem>>, vector<1x1x64x1xi32>
    %get3A_3087 = vector.shape_cast %get3A_3086 : vector<1x1x64x1xi32> to vector<64x1xi32>
    %get3A_3088 = arith.constant 0 : index
    %get3A_3089 = arith.constant 27 : index
    %get3A_3090 = arith.constant 0 : index
    %get3A_3091 = arith.constant 0 : index
    %get3A_3092 = vector.load %arg5[%get3A_3088, %get3A_3089, %get3A_3090, %get3A_3091] : memref<1x32x1x64xi32, #tpu.memory_space<vmem>>, vector<1x1x1x64xi32>
    %get3A_3093 = vector.shape_cast %get3A_3092 : vector<1x1x1x64xi32> to vector<1x64xi32>
    %get3A_3094 = arith.constant 0 : index
    %get3A_3095 = arith.constant 27 : index
    %get3A_3096 = arith.constant 0 : index
    %get3A_3097 = arith.constant 0 : index
    %get3A_3098 = vector.load %arg8[%get3A_3094, %get3A_3095, %get3A_3096, %get3A_3097] : memref<1x32x1x64xi32, #tpu.memory_space<vmem>>, vector<1x1x1x64xi32>
    %get3A_3099 = vector.shape_cast %get3A_3098 : vector<1x1x1x64xi32> to vector<1x64xi32>
    %get3A_3100 = arith.constant 0 : index
    %get3A_3101 = arith.constant 28 : index
    %get3A_3102 = arith.constant 0 : index
    %get3A_3103 = arith.constant 0 : index
    %get3A_3104 = vector.load %arg5[%get3A_3100, %get3A_3101, %get3A_3102, %get3A_3103] : memref<1x32x1x64xi32, #tpu.memory_space<vmem>>, vector<1x1x1x64xi32>
    %get3A_3105 = vector.shape_cast %get3A_3104 : vector<1x1x1x64xi32> to vector<1x64xi32>
    %concatenate3A_3106 = tpu.concatenate %get3A_3105, %get3A_3093 in 1 : vector<1x64xi32>, vector<1x64xi32> -> vector<1x128xi32>
    %get3A_3107 = arith.constant 0 : index
    %get3A_3108 = arith.constant 28 : index
    %get3A_3109 = arith.constant 0 : index
    %get3A_3110 = arith.constant 0 : index
    %get3A_3111 = vector.load %arg8[%get3A_3107, %get3A_3108, %get3A_3109, %get3A_3110] : memref<1x32x1x64xi32, #tpu.memory_space<vmem>>, vector<1x1x1x64xi32>
    %get3A_3112 = vector.shape_cast %get3A_3111 : vector<1x1x1x64xi32> to vector<1x64xi32>
    %concatenate3A_3113 = tpu.concatenate %get3A_3112, %get3A_3099 in 1 : vector<1x64xi32>, vector<1x64xi32> -> vector<1x128xi32>
    %ne3A_3114 = vector.broadcast %get3A_3087 : vector<64x1xi32> to vector<64x128xi32>
    %ne3A_3115 = vector.broadcast %concatenate3A_3113 : vector<1x128xi32> to vector<64x128xi32>
    %ne3A_3116 = arith.cmpi ne, %ne3A_3114, %ne3A_3115 : vector<64x128xi32>
    %eq3A_3117 = vector.broadcast %get3A_3081 : vector<64x1xi32> to vector<64x128xi32>
    %eq3A_3118 = vector.broadcast %concatenate3A_3106 : vector<1x128xi32> to vector<64x128xi32>
    %eq3A_3119 = arith.cmpi eq, %eq3A_3117, %eq3A_3118 : vector<64x128xi32>
    %jit3A_3120 = arith.constant -5.000000e+04 : f32
    %broadcast_in_dim3A_3121 = vector.broadcast %jit3A_3120 : f32 to vector<64x128xf32>
    %select_n3A_3122 = arith.select %eq3A_3119, %broadcast_in_dim3A_3121, %mul3A_3075 : vector<64x128xi1>, vector<64x128xf32>
    %jit3A_3123 = arith.constant -3.40282347E+38 : f32
    %broadcast_in_dim3A_3124 = vector.broadcast %jit3A_3123 : f32 to vector<64x128xf32>
    %select_n3A_3125 = arith.select %ne3A_3116, %broadcast_in_dim3A_3124, %select_n3A_3122 : vector<64x128xi1>, vector<64x128xf32>
    %reduce_max3A_3126 = arith.constant dense<0xFF800000> : vector<64xf32>
    %reduce_max3A_3127 = vector.multi_reduction <maximumf>, %select_n3A_3125, %reduce_max3A_3126 [1] : vector<64x128xf32> to vector<64xf32>
    %broadcast_in_dim3A_3128 = vector.shape_cast %reduce_max3A_3127 : vector<64xf32> to vector<64x1xf32>
    %sub3A_3129 = vector.broadcast %broadcast_in_dim3A_3128 : vector<64x1xf32> to vector<64x128xf32>
    %sub3A_3130 = arith.subf %select_n3A_3125, %sub3A_3129 : vector<64x128xf32>
    %exp3A_3131 = math.exp %sub3A_3130 : vector<64x128xf32>
    %reduce_sum3A_3132 = arith.constant dense<0.000000e+00> : vector<64xf32>
    %reduce_sum3A_3133 = vector.multi_reduction <add>, %exp3A_3131, %reduce_sum3A_3132 [1] : vector<64x128xf32> to vector<64xf32>
    %broadcast_in_dim3A_3134 = vector.shape_cast %reduce_sum3A_3133 : vector<64xf32> to vector<64x1xf32>
    %dot_general3A_3135 = arith.constant dense<0.000000e+00> : vector<64x64xf32>
    %dot_general3A_3136 = tpu.matmul %exp3A_3131, %concatenate3A_3070, %dot_general3A_3135 {dimension_numbers = #tpu.dot_dimension_numbers<[1], [0], [0], [1], [0, 0, 1, 1], [], []>, transpose_lhs_hint = false} : vector<64x128xf32>, vector<128x64xf32>, vector<64x64xf32> -> vector<64x64xf32>
    %swap3A_3137 = arith.constant 0 : index
    %swap3A_3138 = arith.constant 28 : index
    %swap3A_3139 = arith.constant 0 : index
    %swap3A_3140 = arith.constant 0 : index
    %swap3A_3141 = vector.load %arg10[%swap3A_3137, %swap3A_3138, %swap3A_3139, %swap3A_3140] : memref<1x32x64x128xf32, #tpu.memory_space<vmem>>, vector<1x1x64x64xf32>
    %swap3A_3142 = vector.shape_cast %swap3A_3141 : vector<1x1x64x64xf32> to vector<64x64xf32>
    %swap3A_3143 = vector.shape_cast %dot_general3A_3136 : vector<64x64xf32> to vector<1x1x64x64xf32>
    tpu.vector_store %arg10[%swap3A_3137, %swap3A_3138, %swap3A_3139, %swap3A_3140], %swap3A_3143 {strides = array<i32>} : memref<1x32x64x128xf32, #tpu.memory_space<vmem>>, vector<1x1x64x64xf32>,
    %swap3A_3144 = arith.constant 0 : index
    %swap3A_3145 = arith.constant 28 : index
    %swap3A_3146 = arith.constant 0 : index
    %swap3A_3147 = arith.constant 64 : index
    %swap3A_3148 = vector.load %arg10[%swap3A_3144, %swap3A_3145, %swap3A_3146, %swap3A_3147] : memref<1x32x64x128xf32, #tpu.memory_space<vmem>>, vector<1x1x64x1xf32>
    %swap3A_3149 = vector.shape_cast %swap3A_3148 : vector<1x1x64x1xf32> to vector<64x1xf32>
    %swap3A_3150 = vector.shape_cast %broadcast_in_dim3A_3128 : vector<64x1xf32> to vector<1x1x64x1xf32>
    tpu.vector_store %arg10[%swap3A_3144, %swap3A_3145, %swap3A_3146, %swap3A_3147], %swap3A_3150 {strides = array<i32>} : memref<1x32x64x128xf32, #tpu.memory_space<vmem>>, vector<1x1x64x1xf32>,
    %swap3A_3151 = arith.constant 0 : index
    %swap3A_3152 = arith.constant 28 : index
    %swap3A_3153 = arith.constant 0 : index
    %swap3A_3154 = arith.constant 65 : index
    %swap3A_3155 = vector.load %arg10[%swap3A_3151, %swap3A_3152, %swap3A_3153, %swap3A_3154] : memref<1x32x64x128xf32, #tpu.memory_space<vmem>>, vector<1x1x64x1xf32>
    %swap3A_3156 = vector.shape_cast %swap3A_3155 : vector<1x1x64x1xf32> to vector<64x1xf32>
    %swap3A_3157 = vector.shape_cast %broadcast_in_dim3A_3134 : vector<64x1xf32> to vector<1x1x64x1xf32>
    tpu.vector_store %arg10[%swap3A_3151, %swap3A_3152, %swap3A_3153, %swap3A_3154], %swap3A_3157 {strides = array<i32>} : memref<1x32x64x128xf32, #tpu.memory_space<vmem>>, vector<1x1x64x1xf32>,
    %concatenate3A_3158 = tpu.concatenate %mul3A_550, %mul3A_532 in 0 : vector<64x64xf32>, vector<64x64xf32> -> vector<128x64xf32>
    %concatenate3A_3159 = tpu.concatenate %slice3A_540, %slice3A_522 in 0 : vector<64x64xf32>, vector<64x64xf32> -> vector<128x64xf32>
    %dot_general3A_3160 = arith.constant dense<0.000000e+00> : vector<64x128xf32>
    %dot_general3A_3161 = tpu.matmul %slice3A_539, %concatenate3A_3158, %dot_general3A_3160 {dimension_numbers = #tpu.dot_dimension_numbers<[1], [1], [0], [0], [0, 0, 1, 0], [], []>, transpose_lhs_hint = false} : vector<64x64xf32>, vector<128x64xf32>, vector<64x128xf32> -> vector<64x128xf32>
    %mul3A_3162 = arith.constant 1.250000e-01 : f32
    %mul3A_3163 = vector.broadcast %mul3A_3162 : f32 to vector<64x128xf32>
    %mul3A_3164 = arith.mulf %dot_general3A_3161, %mul3A_3163 : vector<64x128xf32>
    %get3A_3165 = arith.constant 0 : index
    %get3A_3166 = arith.constant 29 : index
    %get3A_3167 = arith.constant 0 : index
    %get3A_3168 = arith.constant 0 : index
    %get3A_3169 = vector.load %arg4[%get3A_3165, %get3A_3166, %get3A_3167, %get3A_3168] : memref<1x32x64x1xi32, #tpu.memory_space<vmem>>, vector<1x1x64x1xi32>
    %get3A_3170 = vector.shape_cast %get3A_3169 : vector<1x1x64x1xi32> to vector<64x1xi32>
    %get3A_3171 = arith.constant 0 : index
    %get3A_3172 = arith.constant 29 : index
    %get3A_3173 = arith.constant 0 : index
    %get3A_3174 = arith.constant 0 : index
    %get3A_3175 = vector.load %arg7[%get3A_3171, %get3A_3172, %get3A_3173, %get3A_3174] : memref<1x32x64x1xi32, #tpu.memory_space<vmem>>, vector<1x1x64x1xi32>
    %get3A_3176 = vector.shape_cast %get3A_3175 : vector<1x1x64x1xi32> to vector<64x1xi32>
    %get3A_3177 = arith.constant 0 : index
    %get3A_3178 = arith.constant 28 : index
    %get3A_3179 = arith.constant 0 : index
    %get3A_3180 = arith.constant 0 : index
    %get3A_3181 = vector.load %arg5[%get3A_3177, %get3A_3178, %get3A_3179, %get3A_3180] : memref<1x32x1x64xi32, #tpu.memory_space<vmem>>, vector<1x1x1x64xi32>
    %get3A_3182 = vector.shape_cast %get3A_3181 : vector<1x1x1x64xi32> to vector<1x64xi32>
    %get3A_3183 = arith.constant 0 : index
    %get3A_3184 = arith.constant 28 : index
    %get3A_3185 = arith.constant 0 : index
    %get3A_3186 = arith.constant 0 : index
    %get3A_3187 = vector.load %arg8[%get3A_3183, %get3A_3184, %get3A_3185, %get3A_3186] : memref<1x32x1x64xi32, #tpu.memory_space<vmem>>, vector<1x1x1x64xi32>
    %get3A_3188 = vector.shape_cast %get3A_3187 : vector<1x1x1x64xi32> to vector<1x64xi32>
    %get3A_3189 = arith.constant 0 : index
    %get3A_3190 = arith.constant 29 : index
    %get3A_3191 = arith.constant 0 : index
    %get3A_3192 = arith.constant 0 : index
    %get3A_3193 = vector.load %arg5[%get3A_3189, %get3A_3190, %get3A_3191, %get3A_3192] : memref<1x32x1x64xi32, #tpu.memory_space<vmem>>, vector<1x1x1x64xi32>
    %get3A_3194 = vector.shape_cast %get3A_3193 : vector<1x1x1x64xi32> to vector<1x64xi32>
    %concatenate3A_3195 = tpu.concatenate %get3A_3194, %get3A_3182 in 1 : vector<1x64xi32>, vector<1x64xi32> -> vector<1x128xi32>
    %get3A_3196 = arith.constant 0 : index
    %get3A_3197 = arith.constant 29 : index
    %get3A_3198 = arith.constant 0 : index
    %get3A_3199 = arith.constant 0 : index
    %get3A_3200 = vector.load %arg8[%get3A_3196, %get3A_3197, %get3A_3198, %get3A_3199] : memref<1x32x1x64xi32, #tpu.memory_space<vmem>>, vector<1x1x1x64xi32>
    %get3A_3201 = vector.shape_cast %get3A_3200 : vector<1x1x1x64xi32> to vector<1x64xi32>
    %concatenate3A_3202 = tpu.concatenate %get3A_3201, %get3A_3188 in 1 : vector<1x64xi32>, vector<1x64xi32> -> vector<1x128xi32>
    %ne3A_3203 = vector.broadcast %get3A_3176 : vector<64x1xi32> to vector<64x128xi32>
    %ne3A_3204 = vector.broadcast %concatenate3A_3202 : vector<1x128xi32> to vector<64x128xi32>
    %ne3A_3205 = arith.cmpi ne, %ne3A_3203, %ne3A_3204 : vector<64x128xi32>
    %eq3A_3206 = vector.broadcast %get3A_3170 : vector<64x1xi32> to vector<64x128xi32>
    %eq3A_3207 = vector.broadcast %concatenate3A_3195 : vector<1x128xi32> to vector<64x128xi32>
    %eq3A_3208 = arith.cmpi eq, %eq3A_3206, %eq3A_3207 : vector<64x128xi32>
    %jit3A_3209 = arith.constant -5.000000e+04 : f32
    %broadcast_in_dim3A_3210 = vector.broadcast %jit3A_3209 : f32 to vector<64x128xf32>
    %select_n3A_3211 = arith.select %eq3A_3208, %broadcast_in_dim3A_3210, %mul3A_3164 : vector<64x128xi1>, vector<64x128xf32>
    %jit3A_3212 = arith.constant -3.40282347E+38 : f32
    %broadcast_in_dim3A_3213 = vector.broadcast %jit3A_3212 : f32 to vector<64x128xf32>
    %select_n3A_3214 = arith.select %ne3A_3205, %broadcast_in_dim3A_3213, %select_n3A_3211 : vector<64x128xi1>, vector<64x128xf32>
    %reduce_max3A_3215 = arith.constant dense<0xFF800000> : vector<64xf32>
    %reduce_max3A_3216 = vector.multi_reduction <maximumf>, %select_n3A_3214, %reduce_max3A_3215 [1] : vector<64x128xf32> to vector<64xf32>
    %broadcast_in_dim3A_3217 = vector.shape_cast %reduce_max3A_3216 : vector<64xf32> to vector<64x1xf32>
    %sub3A_3218 = vector.broadcast %broadcast_in_dim3A_3217 : vector<64x1xf32> to vector<64x128xf32>
    %sub3A_3219 = arith.subf %select_n3A_3214, %sub3A_3218 : vector<64x128xf32>
    %exp3A_3220 = math.exp %sub3A_3219 : vector<64x128xf32>
    %reduce_sum3A_3221 = arith.constant dense<0.000000e+00> : vector<64xf32>
    %reduce_sum3A_3222 = vector.multi_reduction <add>, %exp3A_3220, %reduce_sum3A_3221 [1] : vector<64x128xf32> to vector<64xf32>
    %broadcast_in_dim3A_3223 = vector.shape_cast %reduce_sum3A_3222 : vector<64xf32> to vector<64x1xf32>
    %dot_general3A_3224 = arith.constant dense<0.000000e+00> : vector<64x64xf32>
    %dot_general3A_3225 = tpu.matmul %exp3A_3220, %concatenate3A_3159, %dot_general3A_3224 {dimension_numbers = #tpu.dot_dimension_numbers<[1], [0], [0], [1], [0, 0, 1, 1], [], []>, transpose_lhs_hint = false} : vector<64x128xf32>, vector<128x64xf32>, vector<64x64xf32> -> vector<64x64xf32>
    %swap3A_3226 = arith.constant 0 : index
    %swap3A_3227 = arith.constant 29 : index
    %swap3A_3228 = arith.constant 0 : index
    %swap3A_3229 = arith.constant 0 : index
    %swap3A_3230 = vector.load %arg10[%swap3A_3226, %swap3A_3227, %swap3A_3228, %swap3A_3229] : memref<1x32x64x128xf32, #tpu.memory_space<vmem>>, vector<1x1x64x64xf32>
    %swap3A_3231 = vector.shape_cast %swap3A_3230 : vector<1x1x64x64xf32> to vector<64x64xf32>
    %swap3A_3232 = vector.shape_cast %dot_general3A_3225 : vector<64x64xf32> to vector<1x1x64x64xf32>
    tpu.vector_store %arg10[%swap3A_3226, %swap3A_3227, %swap3A_3228, %swap3A_3229], %swap3A_3232 {strides = array<i32>} : memref<1x32x64x128xf32, #tpu.memory_space<vmem>>, vector<1x1x64x64xf32>,
    %swap3A_3233 = arith.constant 0 : index
    %swap3A_3234 = arith.constant 29 : index
    %swap3A_3235 = arith.constant 0 : index
    %swap3A_3236 = arith.constant 64 : index
    %swap3A_3237 = vector.load %arg10[%swap3A_3233, %swap3A_3234, %swap3A_3235, %swap3A_3236] : memref<1x32x64x128xf32, #tpu.memory_space<vmem>>, vector<1x1x64x1xf32>
    %swap3A_3238 = vector.shape_cast %swap3A_3237 : vector<1x1x64x1xf32> to vector<64x1xf32>
    %swap3A_3239 = vector.shape_cast %broadcast_in_dim3A_3217 : vector<64x1xf32> to vector<1x1x64x1xf32>
    tpu.vector_store %arg10[%swap3A_3233, %swap3A_3234, %swap3A_3235, %swap3A_3236], %swap3A_3239 {strides = array<i32>} : memref<1x32x64x128xf32, #tpu.memory_space<vmem>>, vector<1x1x64x1xf32>,
    %swap3A_3240 = arith.constant 0 : index
    %swap3A_3241 = arith.constant 29 : index
    %swap3A_3242 = arith.constant 0 : index
    %swap3A_3243 = arith.constant 65 : index
    %swap3A_3244 = vector.load %arg10[%swap3A_3240, %swap3A_3241, %swap3A_3242, %swap3A_3243] : memref<1x32x64x128xf32, #tpu.memory_space<vmem>>, vector<1x1x64x1xf32>
    %swap3A_3245 = vector.shape_cast %swap3A_3244 : vector<1x1x64x1xf32> to vector<64x1xf32>
    %swap3A_3246 = vector.shape_cast %broadcast_in_dim3A_3223 : vector<64x1xf32> to vector<1x1x64x1xf32>
    tpu.vector_store %arg10[%swap3A_3240, %swap3A_3241, %swap3A_3242, %swap3A_3243], %swap3A_3246 {strides = array<i32>} : memref<1x32x64x128xf32, #tpu.memory_space<vmem>>, vector<1x1x64x1xf32>,
    %concatenate3A_3247 = tpu.concatenate %mul3A_568, %mul3A_550 in 0 : vector<64x64xf32>, vector<64x64xf32> -> vector<128x64xf32>
    %concatenate3A_3248 = tpu.concatenate %slice3A_558, %slice3A_540 in 0 : vector<64x64xf32>, vector<64x64xf32> -> vector<128x64xf32>
    %dot_general3A_3249 = arith.constant dense<0.000000e+00> : vector<64x128xf32>
    %dot_general3A_3250 = tpu.matmul %slice3A_557, %concatenate3A_3247, %dot_general3A_3249 {dimension_numbers = #tpu.dot_dimension_numbers<[1], [1], [0], [0], [0, 0, 1, 0], [], []>, transpose_lhs_hint = false} : vector<64x64xf32>, vector<128x64xf32>, vector<64x128xf32> -> vector<64x128xf32>
    %mul3A_3251 = arith.constant 1.250000e-01 : f32
    %mul3A_3252 = vector.broadcast %mul3A_3251 : f32 to vector<64x128xf32>
    %mul3A_3253 = arith.mulf %dot_general3A_3250, %mul3A_3252 : vector<64x128xf32>
    %get3A_3254 = arith.constant 0 : index
    %get3A_3255 = arith.constant 30 : index
    %get3A_3256 = arith.constant 0 : index
    %get3A_3257 = arith.constant 0 : index
    %get3A_3258 = vector.load %arg4[%get3A_3254, %get3A_3255, %get3A_3256, %get3A_3257] : memref<1x32x64x1xi32, #tpu.memory_space<vmem>>, vector<1x1x64x1xi32>
    %get3A_3259 = vector.shape_cast %get3A_3258 : vector<1x1x64x1xi32> to vector<64x1xi32>
    %get3A_3260 = arith.constant 0 : index
    %get3A_3261 = arith.constant 30 : index
    %get3A_3262 = arith.constant 0 : index
    %get3A_3263 = arith.constant 0 : index
    %get3A_3264 = vector.load %arg7[%get3A_3260, %get3A_3261, %get3A_3262, %get3A_3263] : memref<1x32x64x1xi32, #tpu.memory_space<vmem>>, vector<1x1x64x1xi32>
    %get3A_3265 = vector.shape_cast %get3A_3264 : vector<1x1x64x1xi32> to vector<64x1xi32>
    %get3A_3266 = arith.constant 0 : index
    %get3A_3267 = arith.constant 29 : index
    %get3A_3268 = arith.constant 0 : index
    %get3A_3269 = arith.constant 0 : index
    %get3A_3270 = vector.load %arg5[%get3A_3266, %get3A_3267, %get3A_3268, %get3A_3269] : memref<1x32x1x64xi32, #tpu.memory_space<vmem>>, vector<1x1x1x64xi32>
    %get3A_3271 = vector.shape_cast %get3A_3270 : vector<1x1x1x64xi32> to vector<1x64xi32>
    %get3A_3272 = arith.constant 0 : index
    %get3A_3273 = arith.constant 29 : index
    %get3A_3274 = arith.constant 0 : index
    %get3A_3275 = arith.constant 0 : index
    %get3A_3276 = vector.load %arg8[%get3A_3272, %get3A_3273, %get3A_3274, %get3A_3275] : memref<1x32x1x64xi32, #tpu.memory_space<vmem>>, vector<1x1x1x64xi32>
    %get3A_3277 = vector.shape_cast %get3A_3276 : vector<1x1x1x64xi32> to vector<1x64xi32>
    %get3A_3278 = arith.constant 0 : index
    %get3A_3279 = arith.constant 30 : index
    %get3A_3280 = arith.constant 0 : index
    %get3A_3281 = arith.constant 0 : index
    %get3A_3282 = vector.load %arg5[%get3A_3278, %get3A_3279, %get3A_3280, %get3A_3281] : memref<1x32x1x64xi32, #tpu.memory_space<vmem>>, vector<1x1x1x64xi32>
    %get3A_3283 = vector.shape_cast %get3A_3282 : vector<1x1x1x64xi32> to vector<1x64xi32>
    %concatenate3A_3284 = tpu.concatenate %get3A_3283, %get3A_3271 in 1 : vector<1x64xi32>, vector<1x64xi32> -> vector<1x128xi32>
    %get3A_3285 = arith.constant 0 : index
    %get3A_3286 = arith.constant 30 : index
    %get3A_3287 = arith.constant 0 : index
    %get3A_3288 = arith.constant 0 : index
    %get3A_3289 = vector.load %arg8[%get3A_3285, %get3A_3286, %get3A_3287, %get3A_3288] : memref<1x32x1x64xi32, #tpu.memory_space<vmem>>, vector<1x1x1x64xi32>
    %get3A_3290 = vector.shape_cast %get3A_3289 : vector<1x1x1x64xi32> to vector<1x64xi32>
    %concatenate3A_3291 = tpu.concatenate %get3A_3290, %get3A_3277 in 1 : vector<1x64xi32>, vector<1x64xi32> -> vector<1x128xi32>
    %ne3A_3292 = vector.broadcast %get3A_3265 : vector<64x1xi32> to vector<64x128xi32>
    %ne3A_3293 = vector.broadcast %concatenate3A_3291 : vector<1x128xi32> to vector<64x128xi32>
    %ne3A_3294 = arith.cmpi ne, %ne3A_3292, %ne3A_3293 : vector<64x128xi32>
    %eq3A_3295 = vector.broadcast %get3A_3259 : vector<64x1xi32> to vector<64x128xi32>
    %eq3A_3296 = vector.broadcast %concatenate3A_3284 : vector<1x128xi32> to vector<64x128xi32>
    %eq3A_3297 = arith.cmpi eq, %eq3A_3295, %eq3A_3296 : vector<64x128xi32>
    %jit3A_3298 = arith.constant -5.000000e+04 : f32
    %broadcast_in_dim3A_3299 = vector.broadcast %jit3A_3298 : f32 to vector<64x128xf32>
    %select_n3A_3300 = arith.select %eq3A_3297, %broadcast_in_dim3A_3299, %mul3A_3253 : vector<64x128xi1>, vector<64x128xf32>
    %jit3A_3301 = arith.constant -3.40282347E+38 : f32
    %broadcast_in_dim3A_3302 = vector.broadcast %jit3A_3301 : f32 to vector<64x128xf32>
    %select_n3A_3303 = arith.select %ne3A_3294, %broadcast_in_dim3A_3302, %select_n3A_3300 : vector<64x128xi1>, vector<64x128xf32>
    %reduce_max3A_3304 = arith.constant dense<0xFF800000> : vector<64xf32>
    %reduce_max3A_3305 = vector.multi_reduction <maximumf>, %select_n3A_3303, %reduce_max3A_3304 [1] : vector<64x128xf32> to vector<64xf32>
    %broadcast_in_dim3A_3306 = vector.shape_cast %reduce_max3A_3305 : vector<64xf32> to vector<64x1xf32>
    %sub3A_3307 = vector.broadcast %broadcast_in_dim3A_3306 : vector<64x1xf32> to vector<64x128xf32>
    %sub3A_3308 = arith.subf %select_n3A_3303, %sub3A_3307 : vector<64x128xf32>
    %exp3A_3309 = math.exp %sub3A_3308 : vector<64x128xf32>
    %reduce_sum3A_3310 = arith.constant dense<0.000000e+00> : vector<64xf32>
    %reduce_sum3A_3311 = vector.multi_reduction <add>, %exp3A_3309, %reduce_sum3A_3310 [1] : vector<64x128xf32> to vector<64xf32>
    %broadcast_in_dim3A_3312 = vector.shape_cast %reduce_sum3A_3311 : vector<64xf32> to vector<64x1xf32>
    %dot_general3A_3313 = arith.constant dense<0.000000e+00> : vector<64x64xf32>
    %dot_general3A_3314 = tpu.matmul %exp3A_3309, %concatenate3A_3248, %dot_general3A_3313 {dimension_numbers = #tpu.dot_dimension_numbers<[1], [0], [0], [1], [0, 0, 1, 1], [], []>, transpose_lhs_hint = false} : vector<64x128xf32>, vector<128x64xf32>, vector<64x64xf32> -> vector<64x64xf32>
    %swap3A_3315 = arith.constant 0 : index
    %swap3A_3316 = arith.constant 30 : index
    %swap3A_3317 = arith.constant 0 : index
    %swap3A_3318 = arith.constant 0 : index
    %swap3A_3319 = vector.load %arg10[%swap3A_3315, %swap3A_3316, %swap3A_3317, %swap3A_3318] : memref<1x32x64x128xf32, #tpu.memory_space<vmem>>, vector<1x1x64x64xf32>
    %swap3A_3320 = vector.shape_cast %swap3A_3319 : vector<1x1x64x64xf32> to vector<64x64xf32>
    %swap3A_3321 = vector.shape_cast %dot_general3A_3314 : vector<64x64xf32> to vector<1x1x64x64xf32>
    tpu.vector_store %arg10[%swap3A_3315, %swap3A_3316, %swap3A_3317, %swap3A_3318], %swap3A_3321 {strides = array<i32>} : memref<1x32x64x128xf32, #tpu.memory_space<vmem>>, vector<1x1x64x64xf32>,
    %swap3A_3322 = arith.constant 0 : index
    %swap3A_3323 = arith.constant 30 : index
    %swap3A_3324 = arith.constant 0 : index
    %swap3A_3325 = arith.constant 64 : index
    %swap3A_3326 = vector.load %arg10[%swap3A_3322, %swap3A_3323, %swap3A_3324, %swap3A_3325] : memref<1x32x64x128xf32, #tpu.memory_space<vmem>>, vector<1x1x64x1xf32>
    %swap3A_3327 = vector.shape_cast %swap3A_3326 : vector<1x1x64x1xf32> to vector<64x1xf32>
    %swap3A_3328 = vector.shape_cast %broadcast_in_dim3A_3306 : vector<64x1xf32> to vector<1x1x64x1xf32>
    tpu.vector_store %arg10[%swap3A_3322, %swap3A_3323, %swap3A_3324, %swap3A_3325], %swap3A_3328 {strides = array<i32>} : memref<1x32x64x128xf32, #tpu.memory_space<vmem>>, vector<1x1x64x1xf32>,
    %swap3A_3329 = arith.constant 0 : index
    %swap3A_3330 = arith.constant 30 : index
    %swap3A_3331 = arith.constant 0 : index
    %swap3A_3332 = arith.constant 65 : index
    %swap3A_3333 = vector.load %arg10[%swap3A_3329, %swap3A_3330, %swap3A_3331, %swap3A_3332] : memref<1x32x64x128xf32, #tpu.memory_space<vmem>>, vector<1x1x64x1xf32>
    %swap3A_3334 = vector.shape_cast %swap3A_3333 : vector<1x1x64x1xf32> to vector<64x1xf32>
    %swap3A_3335 = vector.shape_cast %broadcast_in_dim3A_3312 : vector<64x1xf32> to vector<1x1x64x1xf32>
    tpu.vector_store %arg10[%swap3A_3329, %swap3A_3330, %swap3A_3331, %swap3A_3332], %swap3A_3335 {strides = array<i32>} : memref<1x32x64x128xf32, #tpu.memory_space<vmem>>, vector<1x1x64x1xf32>,
    %concatenate3A_3336 = tpu.concatenate %mul3A_586, %mul3A_568 in 0 : vector<64x64xf32>, vector<64x64xf32> -> vector<128x64xf32>
    %concatenate3A_3337 = tpu.concatenate %slice3A_576, %slice3A_558 in 0 : vector<64x64xf32>, vector<64x64xf32> -> vector<128x64xf32>
    %dot_general3A_3338 = arith.constant dense<0.000000e+00> : vector<64x128xf32>
    %dot_general3A_3339 = tpu.matmul %slice3A_575, %concatenate3A_3336, %dot_general3A_3338 {dimension_numbers = #tpu.dot_dimension_numbers<[1], [1], [0], [0], [0, 0, 1, 0], [], []>, transpose_lhs_hint = false} : vector<64x64xf32>, vector<128x64xf32>, vector<64x128xf32> -> vector<64x128xf32>
    %mul3A_3340 = arith.constant 1.250000e-01 : f32
    %mul3A_3341 = vector.broadcast %mul3A_3340 : f32 to vector<64x128xf32>
    %mul3A_3342 = arith.mulf %dot_general3A_3339, %mul3A_3341 : vector<64x128xf32>
    %get3A_3343 = arith.constant 0 : index
    %get3A_3344 = arith.constant 31 : index
    %get3A_3345 = arith.constant 0 : index
    %get3A_3346 = arith.constant 0 : index
    %get3A_3347 = vector.load %arg4[%get3A_3343, %get3A_3344, %get3A_3345, %get3A_3346] : memref<1x32x64x1xi32, #tpu.memory_space<vmem>>, vector<1x1x64x1xi32>
    %get3A_3348 = vector.shape_cast %get3A_3347 : vector<1x1x64x1xi32> to vector<64x1xi32>
    %get3A_3349 = arith.constant 0 : index
    %get3A_3350 = arith.constant 31 : index
    %get3A_3351 = arith.constant 0 : index
    %get3A_3352 = arith.constant 0 : index
    %get3A_3353 = vector.load %arg7[%get3A_3349, %get3A_3350, %get3A_3351, %get3A_3352] : memref<1x32x64x1xi32, #tpu.memory_space<vmem>>, vector<1x1x64x1xi32>
    %get3A_3354 = vector.shape_cast %get3A_3353 : vector<1x1x64x1xi32> to vector<64x1xi32>
    %get3A_3355 = arith.constant 0 : index
    %get3A_3356 = arith.constant 30 : index
    %get3A_3357 = arith.constant 0 : index
    %get3A_3358 = arith.constant 0 : index
    %get3A_3359 = vector.load %arg5[%get3A_3355, %get3A_3356, %get3A_3357, %get3A_3358] : memref<1x32x1x64xi32, #tpu.memory_space<vmem>>, vector<1x1x1x64xi32>
    %get3A_3360 = vector.shape_cast %get3A_3359 : vector<1x1x1x64xi32> to vector<1x64xi32>
    %get3A_3361 = arith.constant 0 : index
    %get3A_3362 = arith.constant 30 : index
    %get3A_3363 = arith.constant 0 : index
    %get3A_3364 = arith.constant 0 : index
    %get3A_3365 = vector.load %arg8[%get3A_3361, %get3A_3362, %get3A_3363, %get3A_3364] : memref<1x32x1x64xi32, #tpu.memory_space<vmem>>, vector<1x1x1x64xi32>
    %get3A_3366 = vector.shape_cast %get3A_3365 : vector<1x1x1x64xi32> to vector<1x64xi32>
    %get3A_3367 = arith.constant 0 : index
    %get3A_3368 = arith.constant 31 : index
    %get3A_3369 = arith.constant 0 : index
    %get3A_3370 = arith.constant 0 : index
    %get3A_3371 = vector.load %arg5[%get3A_3367, %get3A_3368, %get3A_3369, %get3A_3370] : memref<1x32x1x64xi32, #tpu.memory_space<vmem>>, vector<1x1x1x64xi32>
    %get3A_3372 = vector.shape_cast %get3A_3371 : vector<1x1x1x64xi32> to vector<1x64xi32>
    %concatenate3A_3373 = tpu.concatenate %get3A_3372, %get3A_3360 in 1 : vector<1x64xi32>, vector<1x64xi32> -> vector<1x128xi32>
    %get3A_3374 = arith.constant 0 : index
    %get3A_3375 = arith.constant 31 : index
    %get3A_3376 = arith.constant 0 : index
    %get3A_3377 = arith.constant 0 : index
    %get3A_3378 = vector.load %arg8[%get3A_3374, %get3A_3375, %get3A_3376, %get3A_3377] : memref<1x32x1x64xi32, #tpu.memory_space<vmem>>, vector<1x1x1x64xi32>
    %get3A_3379 = vector.shape_cast %get3A_3378 : vector<1x1x1x64xi32> to vector<1x64xi32>
    %concatenate3A_3380 = tpu.concatenate %get3A_3379, %get3A_3366 in 1 : vector<1x64xi32>, vector<1x64xi32> -> vector<1x128xi32>
    %ne3A_3381 = vector.broadcast %get3A_3354 : vector<64x1xi32> to vector<64x128xi32>
    %ne3A_3382 = vector.broadcast %concatenate3A_3380 : vector<1x128xi32> to vector<64x128xi32>
    %ne3A_3383 = arith.cmpi ne, %ne3A_3381, %ne3A_3382 : vector<64x128xi32>
    %eq3A_3384 = vector.broadcast %get3A_3348 : vector<64x1xi32> to vector<64x128xi32>
    %eq3A_3385 = vector.broadcast %concatenate3A_3373 : vector<1x128xi32> to vector<64x128xi32>
    %eq3A_3386 = arith.cmpi eq, %eq3A_3384, %eq3A_3385 : vector<64x128xi32>
    %jit3A_3387 = arith.constant -5.000000e+04 : f32
    %broadcast_in_dim3A_3388 = vector.broadcast %jit3A_3387 : f32 to vector<64x128xf32>
    %select_n3A_3389 = arith.select %eq3A_3386, %broadcast_in_dim3A_3388, %mul3A_3342 : vector<64x128xi1>, vector<64x128xf32>
    %jit3A_3390 = arith.constant -3.40282347E+38 : f32
    %broadcast_in_dim3A_3391 = vector.broadcast %jit3A_3390 : f32 to vector<64x128xf32>
    %select_n3A_3392 = arith.select %ne3A_3383, %broadcast_in_dim3A_3391, %select_n3A_3389 : vector<64x128xi1>, vector<64x128xf32>
    %reduce_max3A_3393 = arith.constant dense<0xFF800000> : vector<64xf32>
    %reduce_max3A_3394 = vector.multi_reduction <maximumf>, %select_n3A_3392, %reduce_max3A_3393 [1] : vector<64x128xf32> to vector<64xf32>
    %broadcast_in_dim3A_3395 = vector.shape_cast %reduce_max3A_3394 : vector<64xf32> to vector<64x1xf32>
    %sub3A_3396 = vector.broadcast %broadcast_in_dim3A_3395 : vector<64x1xf32> to vector<64x128xf32>
    %sub3A_3397 = arith.subf %select_n3A_3392, %sub3A_3396 : vector<64x128xf32>
    %exp3A_3398 = math.exp %sub3A_3397 : vector<64x128xf32>
    %reduce_sum3A_3399 = arith.constant dense<0.000000e+00> : vector<64xf32>
    %reduce_sum3A_3400 = vector.multi_reduction <add>, %exp3A_3398, %reduce_sum3A_3399 [1] : vector<64x128xf32> to vector<64xf32>
    %broadcast_in_dim3A_3401 = vector.shape_cast %reduce_sum3A_3400 : vector<64xf32> to vector<64x1xf32>
    %dot_general3A_3402 = arith.constant dense<0.000000e+00> : vector<64x64xf32>
    %dot_general3A_3403 = tpu.matmul %exp3A_3398, %concatenate3A_3337, %dot_general3A_3402 {dimension_numbers = #tpu.dot_dimension_numbers<[1], [0], [0], [1], [0, 0, 1, 1], [], []>, transpose_lhs_hint = false} : vector<64x128xf32>, vector<128x64xf32>, vector<64x64xf32> -> vector<64x64xf32>
    %swap3A_3404 = arith.constant 0 : index
    %swap3A_3405 = arith.constant 31 : index
    %swap3A_3406 = arith.constant 0 : index
    %swap3A_3407 = arith.constant 0 : index
    %swap3A_3408 = vector.load %arg10[%swap3A_3404, %swap3A_3405, %swap3A_3406, %swap3A_3407] : memref<1x32x64x128xf32, #tpu.memory_space<vmem>>, vector<1x1x64x64xf32>
    %swap3A_3409 = vector.shape_cast %swap3A_3408 : vector<1x1x64x64xf32> to vector<64x64xf32>
    %swap3A_3410 = vector.shape_cast %dot_general3A_3403 : vector<64x64xf32> to vector<1x1x64x64xf32>
    tpu.vector_store %arg10[%swap3A_3404, %swap3A_3405, %swap3A_3406, %swap3A_3407], %swap3A_3410 {strides = array<i32>} : memref<1x32x64x128xf32, #tpu.memory_space<vmem>>, vector<1x1x64x64xf32>,
    %swap3A_3411 = arith.constant 0 : index
    %swap3A_3412 = arith.constant 31 : index
    %swap3A_3413 = arith.constant 0 : index
    %swap3A_3414 = arith.constant 64 : index
    %swap3A_3415 = vector.load %arg10[%swap3A_3411, %swap3A_3412, %swap3A_3413, %swap3A_3414] : memref<1x32x64x128xf32, #tpu.memory_space<vmem>>, vector<1x1x64x1xf32>
    %swap3A_3416 = vector.shape_cast %swap3A_3415 : vector<1x1x64x1xf32> to vector<64x1xf32>
    %swap3A_3417 = vector.shape_cast %broadcast_in_dim3A_3395 : vector<64x1xf32> to vector<1x1x64x1xf32>
    tpu.vector_store %arg10[%swap3A_3411, %swap3A_3412, %swap3A_3413, %swap3A_3414], %swap3A_3417 {strides = array<i32>} : memref<1x32x64x128xf32, #tpu.memory_space<vmem>>, vector<1x1x64x1xf32>,
    %swap3A_3418 = arith.constant 0 : index
    %swap3A_3419 = arith.constant 31 : index
    %swap3A_3420 = arith.constant 0 : index
    %swap3A_3421 = arith.constant 65 : index
    %swap3A_3422 = vector.load %arg10[%swap3A_3418, %swap3A_3419, %swap3A_3420, %swap3A_3421] : memref<1x32x64x128xf32, #tpu.memory_space<vmem>>, vector<1x1x64x1xf32>
    %swap3A_3423 = vector.shape_cast %swap3A_3422 : vector<1x1x64x1xf32> to vector<64x1xf32>
    %swap3A_3424 = vector.shape_cast %broadcast_in_dim3A_3401 : vector<64x1xf32> to vector<1x1x64x1xf32>
    tpu.vector_store %arg10[%swap3A_3418, %swap3A_3419, %swap3A_3420, %swap3A_3421], %swap3A_3424 {strides = array<i32>} : memref<1x32x64x128xf32, #tpu.memory_space<vmem>>, vector<1x1x64x1xf32>,
    return
  }
  func.func @transform_0(%arg0: i32, %arg1: i32) -> (i32, i32, i32, i32) {
    %c0_i32 = arith.constant 0 : i32
    %c0_i32_0 = arith.constant 0 : i32
    %c0_i32_1 = arith.constant 0 : i32
    return %arg0, %arg1, %c0_i32, %c0_i32_0 : i32, i32, i32, i32
  }
  func.func @transform_1(%arg0: i32, %arg1: i32) -> (i32, i32, i32, i32) {
    %mul3A = arith.constant 32 : i32
    %mul3A_0 = arith.muli %arg1, %mul3A : i32
    %sub3A = arith.constant 1 : i32
    %sub3A_1 = arith.subi %mul3A_0, %sub3A : i32
    %jit3A = arith.constant 256 : i32
    %eq3A = arith.constant 0 : i32
    %eq3A_2 = arith.cmpi eq, %jit3A, %eq3A : i32
    %jit3A_3 = arith.constant 1 : i32
    %select_n3A = arith.select %eq3A_2, %jit3A_3, %jit3A : i32
    %rem3A = arith.remsi %sub3A_1, %select_n3A : i32
    %ne3A = arith.constant 0 : i32
    %ne3A_4 = arith.cmpi ne, %rem3A, %ne3A : i32
    %lt3A = arith.constant 0 : i32
    %lt3A_5 = arith.cmpi slt, %rem3A, %lt3A : i32
    %lt3A_6 = arith.constant 0 : i32
    %lt3A_7 = arith.cmpi slt, %select_n3A, %lt3A_6 : i32
    %ne3A_8 = arith.xori %lt3A_5, %lt3A_7 : i1
    %and3A = arith.andi %ne3A_8, %ne3A_4 : i1
    %add3A = arith.addi %rem3A, %select_n3A : i32
    %select_n3A_9 = arith.select %and3A, %add3A, %rem3A : i32
    %c0_i32 = arith.constant 0 : i32
    %c0_i32_10 = arith.constant 0 : i32
    %c0_i32_11 = arith.constant 0 : i32
    return %arg0, %select_n3A_9, %c0_i32, %c0_i32_10 : i32, i32, i32, i32
  }
  func.func @transform_2(%arg0: i32, %arg1: i32) -> (i32, i32, i32, i32) {
    %c0_i32 = arith.constant 0 : i32
    %c0_i32_0 = arith.constant 0 : i32
    %c0_i32_1 = arith.constant 0 : i32
    return %arg0, %arg1, %c0_i32, %c0_i32_0 : i32, i32, i32, i32
  }
  func.func @transform_3(%arg0: i32, %arg1: i32) -> (i32, i32, i32, i32) {
    %c0_i32 = arith.constant 0 : i32
    %c0_i32_0 = arith.constant 0 : i32
    %c0_i32_1 = arith.constant 0 : i32
    return %arg0, %arg1, %c0_i32, %c0_i32_0 : i32, i32, i32, i32
  }
  func.func @transform_4(%arg0: i32, %arg1: i32) -> (i32, i32, i32, i32) {
    %mul3A = arith.constant 32 : i32
    %mul3A_0 = arith.muli %arg1, %mul3A : i32
    %sub3A = arith.constant 1 : i32
    %sub3A_1 = arith.subi %mul3A_0, %sub3A : i32
    %jit3A = arith.constant 256 : i32
    %eq3A = arith.constant 0 : i32
    %eq3A_2 = arith.cmpi eq, %jit3A, %eq3A : i32
    %jit3A_3 = arith.constant 1 : i32
    %select_n3A = arith.select %eq3A_2, %jit3A_3, %jit3A : i32
    %rem3A = arith.remsi %sub3A_1, %select_n3A : i32
    %ne3A = arith.constant 0 : i32
    %ne3A_4 = arith.cmpi ne, %rem3A, %ne3A : i32
    %lt3A = arith.constant 0 : i32
    %lt3A_5 = arith.cmpi slt, %rem3A, %lt3A : i32
    %lt3A_6 = arith.constant 0 : i32
    %lt3A_7 = arith.cmpi slt, %select_n3A, %lt3A_6 : i32
    %ne3A_8 = arith.xori %lt3A_5, %lt3A_7 : i1
    %and3A = arith.andi %ne3A_8, %ne3A_4 : i1
    %add3A = arith.addi %rem3A, %select_n3A : i32
    %select_n3A_9 = arith.select %and3A, %add3A, %rem3A : i32
    %c0_i32 = arith.constant 0 : i32
    %c0_i32_10 = arith.constant 0 : i32
    %c0_i32_11 = arith.constant 0 : i32
    return %arg0, %select_n3A_9, %c0_i32, %c0_i32_10 : i32, i32, i32, i32
  }
  func.func @transform_5(%arg0: i32, %arg1: i32) -> (i32, i32, i32, i32) {
    %c0_i32 = arith.constant 0 : i32
    %c0_i32_0 = arith.constant 0 : i32
    %c0_i32_1 = arith.constant 0 : i32
    return %arg0, %arg1, %c0_i32, %c0_i32_0 : i32, i32, i32, i32
  }
  func.func @transform_6(%arg0: i32, %arg1: i32) -> (i32, i32, i32, i32) {
    %c0_i32 = arith.constant 0 : i32
    %c0_i32_0 = arith.constant 0 : i32
    %c0_i32_1 = arith.constant 0 : i32
    return %arg0, %arg1, %c0_i32, %c0_i32_0 : i32, i32, i32, i32
  }
  func.func @transform_7(%arg0: i32, %arg1: i32) -> (i32, i32, i32, i32) {
    %mul3A = arith.constant 32 : i32
    %mul3A_0 = arith.muli %arg1, %mul3A : i32
    %sub3A = arith.constant 1 : i32
    %sub3A_1 = arith.subi %mul3A_0, %sub3A : i32
    %jit3A = arith.constant 256 : i32
    %eq3A = arith.constant 0 : i32
    %eq3A_2 = arith.cmpi eq, %jit3A, %eq3A : i32
    %jit3A_3 = arith.constant 1 : i32
    %select_n3A = arith.select %eq3A_2, %jit3A_3, %jit3A : i32
    %rem3A = arith.remsi %sub3A_1, %select_n3A : i32
    %ne3A = arith.constant 0 : i32
    %ne3A_4 = arith.cmpi ne, %rem3A, %ne3A : i32
    %lt3A = arith.constant 0 : i32
    %lt3A_5 = arith.cmpi slt, %rem3A, %lt3A : i32
    %lt3A_6 = arith.constant 0 : i32
    %lt3A_7 = arith.cmpi slt, %select_n3A, %lt3A_6 : i32
    %ne3A_8 = arith.xori %lt3A_5, %lt3A_7 : i1
    %and3A = arith.andi %ne3A_8, %ne3A_4 : i1
    %add3A = arith.addi %rem3A, %select_n3A : i32
    %select_n3A_9 = arith.select %and3A, %add3A, %rem3A : i32
    %c0_i32 = arith.constant 0 : i32
    %c0_i32_10 = arith.constant 0 : i32
    %c0_i32_11 = arith.constant 0 : i32
    return %arg0, %select_n3A_9, %c0_i32, %c0_i32_10 : i32, i32, i32, i32
  }
  func.func @transform_8(%arg0: i32, %arg1: i32) -> (i32, i32, i32, i32) {
    %c0_i32 = arith.constant 0 : i32
    %c0_i32_0 = arith.constant 0 : i32
    %c0_i32_1 = arith.constant 0 : i32
    return %arg0, %arg1, %c0_i32, %c0_i32_0 : i32, i32, i32, i32
  }
}

module attributes {stable_mosaic.version = 14 : i64} {
  func.func @_combine_body(%arg0: i32, %arg1: i32, %arg2: memref<1x4x512x128xf32, #tpu.memory_space<vmem>>, %arg3: memref<1x512x64xf32, #tpu.memory_space<vmem>>) attributes {dimension_semantics = [#tpu.dimension_semantics<arbitrary>, #tpu.dimension_semantics<arbitrary>], iteration_bounds = array<i64: 16, 8>, scalar_prefetch = 0 : i64, scratch_operands = 0 : i64, tpu.core_type = #tpu.core_type<tc>, window_params = [{transform_indices = @transform_0, window_bounds = array<i64: 1, 4, 512, 128>}, {transform_indices = @transform_1, window_bounds = array<i64: 1, 512, 64>}]} {
    %get3A = arith.constant 0 : index
    %get3A_0 = arith.constant 0 : index
    %get3A_1 = arith.constant 0 : index
    %get3A_2 = arith.constant 0 : index
    %get3A_3 = vector.load %arg2[%get3A, %get3A_0, %get3A_1, %get3A_2] : memref<1x4x512x128xf32, #tpu.memory_space<vmem>>, vector<1x1x512x128xf32>
    %get3A_4 = vector.shape_cast %get3A_3 : vector<1x1x512x128xf32> to vector<512x128xf32>
    %get3A_5 = arith.constant 0 : index
    %get3A_6 = arith.constant 1 : index
    %get3A_7 = arith.constant 0 : index
    %get3A_8 = arith.constant 0 : index
    %get3A_9 = vector.load %arg2[%get3A_5, %get3A_6, %get3A_7, %get3A_8] : memref<1x4x512x128xf32, #tpu.memory_space<vmem>>, vector<1x1x512x128xf32>
    %get3A_10 = vector.shape_cast %get3A_9 : vector<1x1x512x128xf32> to vector<512x128xf32>
    %get3A_11 = arith.constant 0 : index
    %get3A_12 = arith.constant 2 : index
    %get3A_13 = arith.constant 0 : index
    %get3A_14 = arith.constant 0 : index
    %get3A_15 = vector.load %arg2[%get3A_11, %get3A_12, %get3A_13, %get3A_14] : memref<1x4x512x128xf32, #tpu.memory_space<vmem>>, vector<1x1x512x128xf32>
    %get3A_16 = vector.shape_cast %get3A_15 : vector<1x1x512x128xf32> to vector<512x128xf32>
    %get3A_17 = arith.constant 0 : index
    %get3A_18 = arith.constant 3 : index
    %get3A_19 = arith.constant 0 : index
    %get3A_20 = arith.constant 0 : index
    %get3A_21 = vector.load %arg2[%get3A_17, %get3A_18, %get3A_19, %get3A_20] : memref<1x4x512x128xf32, #tpu.memory_space<vmem>>, vector<1x1x512x128xf32>
    %get3A_22 = vector.shape_cast %get3A_21 : vector<1x1x512x128xf32> to vector<512x128xf32>
    %slice3A = vector.extract_strided_slice %get3A_4 {offsets = [0, 64], sizes = [512, 1], strides = [1, 1]} : vector<512x128xf32> to vector<512x1xf32>
    %slice3A_23 = vector.extract_strided_slice %get3A_10 {offsets = [0, 64], sizes = [512, 1], strides = [1, 1]} : vector<512x128xf32> to vector<512x1xf32>
    %slice3A_24 = vector.extract_strided_slice %get3A_16 {offsets = [0, 64], sizes = [512, 1], strides = [1, 1]} : vector<512x128xf32> to vector<512x1xf32>
    %slice3A_25 = vector.extract_strided_slice %get3A_22 {offsets = [0, 64], sizes = [512, 1], strides = [1, 1]} : vector<512x128xf32> to vector<512x1xf32>
    %slice3A_26 = vector.extract_strided_slice %get3A_4 {offsets = [0, 65], sizes = [512, 1], strides = [1, 1]} : vector<512x128xf32> to vector<512x1xf32>
    %slice3A_27 = vector.extract_strided_slice %get3A_10 {offsets = [0, 65], sizes = [512, 1], strides = [1, 1]} : vector<512x128xf32> to vector<512x1xf32>
    %slice3A_28 = vector.extract_strided_slice %get3A_16 {offsets = [0, 65], sizes = [512, 1], strides = [1, 1]} : vector<512x128xf32> to vector<512x1xf32>
    %slice3A_29 = vector.extract_strided_slice %get3A_22 {offsets = [0, 65], sizes = [512, 1], strides = [1, 1]} : vector<512x128xf32> to vector<512x1xf32>
    %max3A = arith.maximumf %slice3A, %slice3A_23 : vector<512x1xf32>
    %max3A_30 = arith.maximumf %max3A, %slice3A_24 : vector<512x1xf32>
    %max3A_31 = arith.maximumf %max3A_30, %slice3A_25 : vector<512x1xf32>
    %sub3A = arith.subf %slice3A, %max3A_31 : vector<512x1xf32>
    %exp3A = math.exp %sub3A : vector<512x1xf32>
    %sub3A_32 = arith.subf %slice3A_23, %max3A_31 : vector<512x1xf32>
    %exp3A_33 = math.exp %sub3A_32 : vector<512x1xf32>
    %sub3A_34 = arith.subf %slice3A_24, %max3A_31 : vector<512x1xf32>
    %exp3A_35 = math.exp %sub3A_34 : vector<512x1xf32>
    %sub3A_36 = arith.subf %slice3A_25, %max3A_31 : vector<512x1xf32>
    %exp3A_37 = math.exp %sub3A_36 : vector<512x1xf32>
    %mul3A = arith.mulf %exp3A, %slice3A_26 : vector<512x1xf32>
    %mul3A_38 = arith.mulf %exp3A_33, %slice3A_27 : vector<512x1xf32>
    %add3A = arith.addf %mul3A, %mul3A_38 : vector<512x1xf32>
    %mul3A_39 = arith.mulf %exp3A_35, %slice3A_28 : vector<512x1xf32>
    %add3A_40 = arith.addf %add3A, %mul3A_39 : vector<512x1xf32>
    %mul3A_41 = arith.mulf %exp3A_37, %slice3A_29 : vector<512x1xf32>
    %add3A_42 = arith.addf %add3A_40, %mul3A_41 : vector<512x1xf32>
    %slice3A_43 = vector.extract_strided_slice %get3A_4 {offsets = [0, 0], sizes = [512, 64], strides = [1, 1]} : vector<512x128xf32> to vector<512x64xf32>
    %mul3A_44 = vector.broadcast %exp3A : vector<512x1xf32> to vector<512x64xf32>
    %mul3A_45 = arith.mulf %mul3A_44, %slice3A_43 : vector<512x64xf32>
    %slice3A_46 = vector.extract_strided_slice %get3A_10 {offsets = [0, 0], sizes = [512, 64], strides = [1, 1]} : vector<512x128xf32> to vector<512x64xf32>
    %mul3A_47 = vector.broadcast %exp3A_33 : vector<512x1xf32> to vector<512x64xf32>
    %mul3A_48 = arith.mulf %mul3A_47, %slice3A_46 : vector<512x64xf32>
    %add3A_49 = arith.addf %mul3A_45, %mul3A_48 : vector<512x64xf32>
    %slice3A_50 = vector.extract_strided_slice %get3A_16 {offsets = [0, 0], sizes = [512, 64], strides = [1, 1]} : vector<512x128xf32> to vector<512x64xf32>
    %mul3A_51 = vector.broadcast %exp3A_35 : vector<512x1xf32> to vector<512x64xf32>
    %mul3A_52 = arith.mulf %mul3A_51, %slice3A_50 : vector<512x64xf32>
    %add3A_53 = arith.addf %add3A_49, %mul3A_52 : vector<512x64xf32>
    %slice3A_54 = vector.extract_strided_slice %get3A_22 {offsets = [0, 0], sizes = [512, 64], strides = [1, 1]} : vector<512x128xf32> to vector<512x64xf32>
    %mul3A_55 = vector.broadcast %exp3A_37 : vector<512x1xf32> to vector<512x64xf32>
    %mul3A_56 = arith.mulf %mul3A_55, %slice3A_54 : vector<512x64xf32>
    %add3A_57 = arith.addf %add3A_53, %mul3A_56 : vector<512x64xf32>
    %div3A = vector.broadcast %add3A_42 : vector<512x1xf32> to vector<512x64xf32>
    %div3A_58 = arith.divf %add3A_57, %div3A : vector<512x64xf32>
    %swap3A = arith.constant 0 : index
    %swap3A_59 = arith.constant 0 : index
    %swap3A_60 = arith.constant 0 : index
    %swap3A_61 = vector.load %arg3[%swap3A, %swap3A_59, %swap3A_60] : memref<1x512x64xf32, #tpu.memory_space<vmem>>, vector<1x512x64xf32>
    %swap3A_62 = vector.shape_cast %swap3A_61 : vector<1x512x64xf32> to vector<512x64xf32>
    %swap3A_63 = vector.shape_cast %div3A_58 : vector<512x64xf32> to vector<1x512x64xf32>
    tpu.vector_store %arg3[%swap3A, %swap3A_59, %swap3A_60], %swap3A_63 {strides = array<i32>} : memref<1x512x64xf32, #tpu.memory_space<vmem>>, vector<1x512x64xf32>,
    return
  }
  func.func @transform_0(%arg0: i32, %arg1: i32) -> (i32, i32, i32, i32) {
    %c0_i32 = arith.constant 0 : i32
    %c0_i32_0 = arith.constant 0 : i32
    %c0_i32_1 = arith.constant 0 : i32
    return %arg0, %c0_i32, %arg1, %c0_i32_0 : i32, i32, i32, i32
  }
  func.func @transform_1(%arg0: i32, %arg1: i32) -> (i32, i32, i32) {
    %c0_i32 = arith.constant 0 : i32
    %c0_i32_0 = arith.constant 0 : i32
    return %arg0, %arg1, %c0_i32 : i32, i32, i32
  }
}

</mosaic_0001>

<sc_bundles>
// kernel: gather_offload_async_start
scs
__scs_entry_jumppad:
0x0: {  	(pc) =	sbr.rel $0x88, $3  }
0x1: {  	(tag) =	ssettag $0x0;
	lr =	simm.s32 $0x1  }
0x2: {  	[smem:$0x3F9E] =	sst lr;
	_ =	strace $0xD0000000  }
0x3: {  	_ = 	snop  }
0x4: {  	_ = 	snop  }
0x5: {  	_ = 	snop  }
0x6: {  	_ = 	snop  }
0x7: {  	_ = 	snop  }
__scs_overlays_trampoline_lowered:
0x8: {  	[smem:$0x3FAD] =	sst s0  }
0x9: {  	[smem:$0x3FAE] =	sst s1  }
0xa: {  	[smem:$0x3FAF] =	sst s2  }
0xb: {  	[smem:$0x3FB0] =	sst s3  }
0xc: {  	[smem:$0x3FB1] =	sst s4  }
0xd: {  	[smem:$0x3FB2] =	sst s5  }
0xe: {  	[smem:$0x3FB3] =	sst s6  }
0xf: {  	[smem:$0x3FB4] =	sst s7  }
0x10: {  	[smem:$0x3FB5] =	sst s8  }
0x11: {  	[smem:$0x3FB6] =	sst s9;
	s0 =	simm.s32 @!p0 $0x0  }
0x12: {  	s1 =	sld [smem:$0x3F9C];
	s0 =	simm.s32 @p0 $0x1  }
0x13: {  	[smem:$0x3FB7] =	sst s0;
	s0 =	simm.s32 @!p1 $0x0  }
0x14: {  	s2 =	sld [smem:$0x3F9B];
	s0 =	simm.s32 @p1 $0x1  }
0x15: {  	[smem:$0x3FB8] =	sst s0;
	s0 =	simm.s32 @!p2 $0x0  }
0x16: {  	s3 =	sld [smem:$0x3FDB];
	s0 =	simm.s32 @p2 $0x1  }
0x17: {  	s4 =	simm.s32 $0x1BF5;
	[smem:$0x3FBA] =	sst s0  }
0x18: {  	s0 =	sld [smem:$0x3F9D];
	_ =	swait.ge [sflag:s4], $0x0  }
0x19: {  	s7 =	sld [smem:$0x3F9E]  }
0x1a: {  	s8 =	sadd.s32 $0xFFFFE003, lr  }
0x1b: {  	s9 =	sadd.s32 $0xFFFFFEF7, lr;
	s5 =	simm.s32 $0xFFFFFFFF;
	p2 =	slt.u32 s8, $0xFFFFF086  }
0x1c: {  	p1 =	slt.u32 s9, $0xF7A;
	s5 =	simm.s32 @!p2 $0x0  }
0x1d: {  	s5 =	simm.s32 @p1 $0x1;
	p0 =	seq.s32 s7, s2  }
0x1e: {  	s7 =	smul.u32 @!p0 $0xF7A, s2;
	p2 =	seq.s32 @!p0 s5, $0x0  }
0x1f: {  	s9 =	smul.u32 $0xF7A, s1;
	s8 =	simm.s32 @!p0 $0x1BF5;
	p2 =	por !p2, p0  }
0x20: {  	[sflag:s8] =	ssyncset.s32 @!p0 $0xFFFFF086;
	s6 =	sadd.s32 @!p0 s3, s7;
	s7 =	simm.s32 @!p0 $0x108  }
0x21: {  	s3 =	sadd.s32 s3, s9;
	s6 =	sadd.s32 @!p0 $0x88, s6;
	s7 =	simm.s32 @p2 $0x1082  }
0x22: {  	[simem:s7], [sflag:s8] =	dma.local @!p0 [hbm:s6], $0xF7A  }
0x23: {  	s9 =	sor.u32 $0xD0000000, s2;
	s6 =	simm.s32 $0x108;
	_ =	swait.ge @!p0 [sflag:s8], $0x0  }
0x24: {  	s3 =	sadd.s32 $0x88, s3;
	s6 =	simm.s32 @!p1 $0x1082;
	[sflag:s4] =	ssyncset.s32 $0xFFFFF086  }
0x25: {  	[simem:s6], [sflag:s4] =	dma.local [hbm:s3], $0xF7A  }
0x26: {  	[smem:$0x3F9E] =	sst s1;
	(tag) =	ssettag s2;
	_ =	strace s9  }
0x27: {  	s1 =	sld [smem:$0x3FAE]  }
0x28: {  	s2 =	sld [smem:$0x3FAF]  }
0x29: {  	s4 =	sld [smem:$0x3FB1]  }
0x2a: {  	p0 =	seq.s32 s5, $0x0;
	s5 =	sld [smem:$0x3FB2]  }
0x2b: {  	s6 =	sld [smem:$0x3FB3]  }
0x2c: {  	s7 =	sld [smem:$0x3FB4]  }
0x2d: {  	s3 =	simm.s32 $0x108;
	s8 =	sld [smem:$0x3FB5]  }
0x2e: {  	s3 =	simm.s32 @!p0 $0x1082;
	s9 =	sld [smem:$0x3FB6]  }
0x2f: {  	lr =	sadd.s32 s0, s3;
	s0 =	sld [smem:$0x3FAD]  }
0x30: {  	s3 =	sld [smem:$0x3FB0]  }
0x31: {  	[smem:$0x3FB9] =	sst s10  }
0x32: {  	s10 =	sld [smem:$0x3FB7];
	_ =	sdelay $0x3  }
0x33: {  	p0 =	seq.s32 s10, $0x1;
	s10 =	sld [smem:$0x3FB9];
	_ =	sdelay $0x3  }
0x34: {  	[smem:$0x3FB9] =	sst s10  }
0x35: {  	s10 =	sld [smem:$0x3FB8];
	_ =	sdelay $0x3  }
0x36: {  	p1 =	seq.s32 s10, $0x1;
	s10 =	sld [smem:$0x3FB9];
	_ =	sdelay $0x3  }
0x37: {  	[smem:$0x3FB9] =	sst s10  }
0x38: {  	s10 =	sld [smem:$0x3FBA]  }
0x39: {  	_ = 	snop;
	(pc) =	sbr.ind lr, $3  }
0x3a: {  	_ = 	snop  }
0x3b: {  	_ = 	snop  }
0x3c: {  	p2 =	seq.s32 s10, $0x1;
	s10 =	sld [smem:$0x3FB9]  }
0x3d: {  	_ =	shalt  }
0x3e: {  	_ =	shalt  }
0x3f: {  	_ =	shalt  }
0x40: {  	_ =	shalt  }
0x41: {  	_ =	shalt  }
0x42: {  	_ =	shalt  }
0x43: {  	_ =	shalt  }
0x44: {  	_ =	shalt  }
0x45: {  	_ =	shalt  }
0x46: {  	_ =	shalt  }
0x47: {  	_ =	shalt  }
0x48: {  	_ =	shalt  }
0x49: {  	_ =	shalt  }
0x4a: {  	_ =	shalt  }
0x4b: {  	_ =	shalt  }
0x4c: {  	_ =	shalt  }
0x4d: {  	_ =	shalt  }
0x4e: {  	_ =	shalt  }
0x4f: {  	_ =	shalt  }
0x50: {  	_ =	shalt  }
0x51: {  	_ =	shalt  }
0x52: {  	_ =	shalt  }
0x53: {  	_ =	shalt  }
0x54: {  	_ =	shalt  }
0x55: {  	_ =	shalt  }
0x56: {  	_ =	shalt  }
0x57: {  	_ =	shalt  }
0x58: {  	_ =	shalt  }
0x59: {  	_ =	shalt  }
0x5a: {  	_ =	shalt  }
0x5b: {  	_ =	shalt  }
0x5c: {  	_ =	shalt  }
0x5d: {  	_ =	shalt  }
0x5e: {  	_ =	shalt  }
0x5f: {  	_ =	shalt  }
0x60: {  	_ =	shalt  }
0x61: {  	_ =	shalt  }
0x62: {  	_ =	shalt  }
0x63: {  	_ =	shalt  }
0x64: {  	_ =	shalt  }
0x65: {  	_ =	shalt  }
0x66: {  	_ =	shalt  }
0x67: {  	_ =	shalt  }
0x68: {  	_ =	shalt  }
0x69: {  	_ =	shalt  }
0x6a: {  	_ =	shalt  }
0x6b: {  	_ =	shalt  }
0x6c: {  	_ =	shalt  }
0x6d: {  	_ =	shalt  }
0x6e: {  	_ =	shalt  }
0x6f: {  	_ =	shalt  }
0x70: {  	_ =	shalt  }
0x71: {  	_ =	shalt  }
0x72: {  	_ =	shalt  }
0x73: {  	_ =	shalt  }
0x74: {  	_ =	shalt  }
0x75: {  	_ =	shalt  }
0x76: {  	_ =	shalt  }
0x77: {  	_ =	shalt  }
0x78: {  	_ =	shalt  }
0x79: {  	_ =	shalt  }
0x7a: {  	_ =	shalt  }
0x7b: {  	_ =	shalt  }
0x7c: {  	_ =	shalt  }
0x7d: {  	_ =	shalt  }
0x7e: {  	_ =	shalt  }
0x7f: {  	_ =	shalt  }
0x80: {  	_ =	shalt  }
0x81: {  	_ =	shalt  }
0x82: {  	_ =	shalt  }
0x83: {  	_ =	shalt  }
0x84: {  	_ =	shalt  }
0x85: {  	_ =	shalt  }
0x86: {  	_ =	shalt  }
0x87: {  	_ =	shalt  }
.Lfunc_end0:
.L_simem_size_0:
called_computation.1_lowered:
.L_overlay_start_0:
0x88: {  	s2 =	sld [smem:$0x3FD9]  }
0x89: {  	s3 =	sld [smem:$0x3FFE];
	_ =	sdelay $0x1  }
0x8a: {  	s1 =	srdreg.scid  }
0x8b: {  	s0 =	sand.u32 $0x1, s1  }
0x8c: {  	s17 =	sshll.u32 s0, $0xA;
	s2 =	sadd.s32 s3, s2  }
0x8d: {  	s2 =	sadd.s32 s2, s17  }
0x8e: {  	[smem:$0x3FC5] =	sst s2  }
0x8f: {  	_ = 	snop  }
0x90: {  	s2 =	sld [smem:$0x3FD0];
	(tm) =	ssettm $0x1  }
0x91: {  	s18 =	sld [smem:$0x3FFB];
	_ =	sdelay $0x3  }
0x92: {  	_ =	strace s18  }
0x93: {  	s3 =	sld [smem:$0x3FFC];
	_ =	sdelay $0x3  }
0x94: {  	_ =	strace s3  }
0x95: {  	s3 =	sld [smem:$0x3FFD];
	_ =	sdelay $0x3  }
0x96: {  	_ =	strace s3  }
0x97: {  	_ =	strace $0x8FFFFFFF  }
0x98: {  	s19 =	sld [smem:$0x3FDB];
	_ =	sdelay $0x1  }
0x99: {  	s4 =	simm.s32 $_scs_section_size  }
0x9a: {  	s5 =	simm.s32 $_size__tile_overlayer_lowered;
	s6 =	simm.s32 $_tile_overlayer_lowered  }
0x9b: {  	s22 =	simm.s32 $0x1BFF;
	s21 =	sshll.u32 s6, $0x1;
	s3 =	sadd.s32 s4, s19  }
0x9c: {  	s7 =	simm.s32 $0x0;
	s20 =	sshll.u32 s5, $0x1;
	s5 =	sadd.s32 s21, s3  }
0x9d: {  	[timem:s7], [sflag:s22] =	dma.local [hbm:s5], s20  }
0x9e: {  	_ =	swait.ge [sflag:s22], s20  }
0x9f: {  	s4 =	ssub.s32 $0x0, s20;
	[sflag:s22] =	ssyncset.done $0x0  }
0xa0: {  	[sflag:s22] =	ssyncadd.s32 s4;
	_ =	sdelay $0x1  }
0xa1: {  	s23 =	simm.s32 $0x1B8B  }
0xa2: {  	_ =	swait.ge [sflag:s23], $0x1  }
0xa3: {  	[sflag:s23] =	ssyncset.done $0x0  }
0xa4: {  	s25 =	simm.s32 $0x1B8E;
	s24 =	sld [smem:$0x3FFE];
	[sflag:s23] =	ssyncadd.s32 $0xFFFFFFFF  }
0xa5: {  	s26 =	simm.s32 $execute0_lowered;
	[smem:$0x3FD2] =	sst s25  }
0xa6: {  	s5 =	sshll.u32 s26, $0x1;
	_ =	strace $0x80000046;
	[dreg:$0x1] =	wrdreg $0xFFFFFFFF  }
0xa7: {  	s28 =	simm.s32 $_size_execute0_lowered;
	s3 =	sadd.s32 s3, s5;
	[dreg:$0x0] =	wrdreg $0x0  }
0xa8: {  	s5 =	sshll.u32 s28, $0x1;
	[dreg:$0x2] =	wrdreg s3  }
0xa9: {  	[dreg:$0x3] =	wrdreg s5  }
0xaa: {  	[dreg:$0x4] =	wrdreg $0xC0  }
0xab: {  	_ =	task [dreg:s7], $0x5FFFF  }
0xac: {  	[dreg:$0x1] =	wrdreg $0xFFFFFFFF  }
0xad: {  	[dreg:$0x0] =	wrdreg $0x60  }
0xae: {  	[dreg:$0x2] =	wrdreg s2  }
0xaf: {  	[dreg:$0x3] =	wrdreg s24  }
0xb0: {  	[dreg:$0x4] =	wrdreg $0xA  }
0xb1: {  	_ =	task.clear_ibuf [dreg:s7], $0x5FFFF;
	_ =	strace $0x90000046  }
0xb2: {  	s29 =	simm.s32 $0xA;
	_ =	strace $0x80000048  }
0xb3: {  	_ =	swait.ge [sflag:s29], $0x1  }
0xb4: {  	[sflag:s29] =	ssyncadd.s32 $0xFFFFFFFF  }
0xb5: {  	_ =	strace $0x90000048  }
0xb6: {  	_ =	sfence  }
0xb7: {  	s30 =	sld [smem:$0x0];
	_ =	sdelay $0x2  }
0xb8: {  	s31 =	sshll.u32 s1, $0xD;
	s1 =	sshrl.u32 s1, $0x2  }
0xb9: {  	s3 =	sand.u32 $0x4000, s31;
	s1 =	sadd.s32 s1, s30  }
0xba: {  	s0 =	sor.u32 s3, s0;
	s1 =	sshll.u32 s1, $0x11  }
0xbb: {  	s0 =	sor.u32 s1, s0  }
0xbc: {  	s0 =	sadd.s32 $0x8F2B, s0  }
0xbd: {  	[sflag:s0] =	ssyncadd.remote.s32 $0x1  }
0xbe: {  	_ =	sfence.sel $0xFFFF  }
0xbf: {  	[dreg:$0x0] =	wrdreg $0xFFFFFFFF;
	(pc) =	sbr.abs _section_cstart, $3  }
0xc0: {  	[dreg:$0x1] =	wrdreg $0xFFFFFFFF  }
0xc1: {  	_ =	task.clear_ibuf [dreg:s7], $0x2FFFF;
	_ =	strace $0x9FFFFFFF  }
0xc2: {  	(tm) =	ssettm $0x7FFFFFFF  }
0xc3: {  	_ =	shalt  }
tec
execute0_lowered:
.L_overlay_start_1:
0x0: {  	(tag) =	ssettag $0x1  }
0x1: {  	s1 =	srdreg.scid;
	s2 =	rddreg [dreg:$0x0]  }
0x2: {  	s0 =	stileid.u32;
	s5 =	rddreg [dreg:$0x1];
	s6 =	simm.s32 $0x1  }
0x3: {  	s9 =	simm.s32 $0x1;
	s10 =	simm.s32 $0x3;
	s1 =	sshll.u32 s1, $0xC  }
0x4: {  	s13 =	simm.s32 $0x0;
	s3 =	sshll.u32 s0, $0xD;
	s4 =	sand.u32 $0x1000, s1  }
0x5: {  	s12 =	simm.s32 $0x0;
	s1 =	rddreg [dreg:$0x2];
	s3 =	sor.u32 s3, s4  }
0x6: {  	_ =	strace $0x80000047;
	s4 =	sadd.s32 $0x8000, s5;
	s8 =	ssub.s32 $0x40000, s3  }
.Ltmp0:
0x7: {  	s5 =	sadd.s32 $0x10000, s5;
	s7 =	sand.u32 $0x1F000, s8;
	(pc) =	sbr.rel .LBB2_1-.Ltmp0, $4  }
0x8: {  	[sflag:s6] =	ssyncpa.u1 $0x0;
	s11 =	smov.u32 s3;
	p0 =	sne.s32 s7, $0x0  }
0x9: {  	s8 =	sshrl.u32 s8, $0x11;
	s7 =	simm.s32 $0x2;
	s9 =	simm.s32 @!p0 $0x0  }
0xa: {  	[sflag:s7] =	ssyncpa.u1 $0x0;
	p0 =	por $0x0, $0x0;
	s8 =	sadd.s32 s9, s8  }
0xb: {  	vm0 =	vmmov $0xffff;
	[sflag:s10] =	ssyncpa.u1 $0x0;
	s10 =	simm.s32 $0x0;
	s9 =	sadd.s32 $0x1, s8  }
.LBB2_4:
0xc: {  	vm1 =	veq.s32 v0, $0x80000000;
	v63 =	vand.u32 $0xF, v0;
	v2 =	vand.u32 $0x3FFF, v2  }
0xd: {  	v0 =	vsel vm1, $0xFFFFFFFF, v63;
	v2 =	vsel vm1, $0xFFFFFFFF, v2  }
0xe: {  	v3 =	vshll.u32 v0, $0xE;
	v4 =	vshll.u32 v2, $0x3  }
0xf: {  	v0 =	vshll.u32 v0, $0x7;
	v3 =	vand.u32 $0xFFFE0000, v3;
	v4 =	vand.u32 $0xFFFFFC00, v4  }
0x10: {  	v0 =	vand.u32 $0x380, v0;
	v3 =	vadd.s32 v3, v4  }
0x11: {  	v2 =	vand.u32 $0x7F, v2;
	v0 =	vor.u32 v0, v3  }
0x12: {  	v0 =	vor.u32 v2, v0;
	_ =	sdelay $0x1  }
0x13: {  	(ifvalue) =	ssetifvalue $0x7FFFFFFF;
	s14 =	sadd.s32 $0x10, s14  }
0x14: {  	[tilespmem:s14], [sflag:$0x1] =	stream.indirect_vreg.gather [hbm4b:s2+s10], $0x1, v1, vm0, $0x4038;
	[tilespmem:$0x4000] =	vst v63  }
0x15: {  	(ifvalue) =	ssetifvalue $0x7FFFFFFF;
	s14 =	sadd.s32 $0x10, s14  }
0x16: {  	[tilespmem:s14], [sflag:$0x1] =	stream.indirect_vreg.gather [hbm4b:s2+s10], $0x1, v0, vm0, $0x4038;
	[tilespmem:$0x4000] =	vst v63  }
0x17: {  	_ =	swait.ge [sflag:s6], $0x1000  }
0x18: {  	s30 =	sshrl.u32 s13, $0x3;
	[sflag:s6] =	ssyncset.done $0x0  }
0x19: {  	s31 =	sand.u32 $0x7, s13;
	s14 =	sadd.s32 s5, s30;
	[sflag:s6] =	ssyncadd.s32 $0xFFFFF000  }
0x1a: {  	[hbm4b:s14+s31] =	stream.linear.scatter [tilespmem:s15], [sflag:$0x3], $0x1000, $0x38;
	[tilespmem:$0x4000] =	vst v63  }
.LBB2_5:
0x1b: {  	s15 =	sadd.s32 $0x20000, s11  }
0x1c: {  	p2 =	sgt.s32 s15, $0x3FFFF  }
0x1d: {  	s15 =	smov.u32 @p2 s3;
	p2 =	sne.s32 s12, s9  }
.Ltmp1:
0x1e: {  	p1 =	slt.u32 s12, $0x2;
	(pc) =	sbr.rel @!p2 .LBB2_6-.Ltmp1, $4  }
0x1f: {  	s14 =	simm.s32 @!p1 $0x3  }
0x20: {  	s16 =	sadd.s32 $0x1, s12;
	_ =	swait.ge @!p1 [sflag:s14], $0x1000  }
0x21: {  	s13 =	smov.u32 s11;
	p0 =	por !p0, !p0;
	[sflag:s14] =	ssyncset.done @!p1 $0x0  }
0x22: {  	s12 =	smov.u32 s16;
	s11 =	smov.u32 s15;
	[sflag:s14] =	ssyncadd.s32 @!p1 $0xFFFFF000  }
.LBB2_1:
0x23: {  	p1 =	sge.u32 s12, s8  }
0x24: {  	s14 =	sxor.u32 @!p1 $0xFFFFFFFF, s12  }
0x25: {  	s31 =	sadd.s32 $0xFFFFFFFF, s12;
	s15 =	sshrl.u32 @!p1 s11, $0x3;
	s14 =	sshll.u32 @!p1 s14, $0xC  }
0x26: {  	s16 =	sand.u32 @!p1 $0x7, s11;
	s15 =	sadd.s32 @!p1 s4, s15;
	s14 =	sand.u32 @!p1 $0x1000, s14  }
0x27: {  	[tilespmem:s14], [sflag:$0x2] =	stream.linear.gather @!p1 [hbm4b:s15+s16], $0x1000, $0x38;
	[tilespmem:$0x4000] =	vst v63  }
0x28: {  	p1 =	sge.u32 s31, s8  }
.Ltmp2:
0x29: {  	_ = 	snop;
	(pc) =	sbr.rel @p1 .LBB2_5-.Ltmp2, $1  }
0x2a: {  	_ =	sdelay $0x3  }
0x2b: {  	s14 =	simm.s32 $0x1  }
0x2c: {  	_ =	swait.ge [sflag:s7], $0x1000;
	s14 =	simm.s32 @!p0 $0x0  }
0x2d: {  	[sflag:s7] =	ssyncset.done $0x0;
	s14 =	sshll.u32 s14, $0xC  }
0x2e: {  	[sflag:s7] =	ssyncadd.s32 $0xFFFFF000;
	(ifvalue) =	ssetifvalue $0x7FFFFFFF;
	v0 =	vld.msk [tilespmem:s14+$0x0 ss:$0x1], $0xffff;
	_ =	sdelay $0x3  }
0x2f: {  	s15 =	sadd.s32 $0x10, s14  }
0x30: {  	v2 =	vld.msk [tilespmem:s15+$0x0 ss:$0x1], $0xffff;
	v1 =	vshrl.u32 v0, $0x4  }
0x31: {  	vm1 =	veq.s32 v0, $0x80000000;
	v0 =	vand.u32 $0xF, v0;
	v1 =	vand.u32 $0x3FFF, v1  }
0x32: {  	v0 =	vsel vm1, $0xFFFFFFFF, v0;
	v1 =	vsel vm1, $0xFFFFFFFF, v1  }
0x33: {  	v3 =	vshll.u32 v0, $0xE;
	v4 =	vshll.u32 v1, $0x3  }
0x34: {  	v0 =	vshll.u32 v0, $0x7;
	v3 =	vand.u32 $0xFFFE0000, v3;
	v4 =	vand.u32 $0xFFFFFC00, v4  }
0x35: {  	vm1 =	veq.s32 v2, $0x80000000;
	v0 =	vand.u32 $0x380, v0;
	v3 =	vadd.s32 v3, v4  }
0x36: {  	v1 =	vand.u32 $0x7F, v1;
	v0 =	vor.u32 v0, v3;
	v3 =	vshrl.u32 v2, $0x4  }
0x37: {  	s17 =	sadd.s32 $0x10, s15;
	v2 =	vand.u32 $0xF, v2;
	v1 =	vor.u32 v1, v0;
	v3 =	vand.u32 $0x3FFF, v3  }
0x38: {  	v0 =	vld.msk [tilespmem:s17+$0x0 ss:$0x1], $0xffff;
	v2 =	vsel vm1, $0xFFFFFFFF, v2;
	v3 =	vsel vm1, $0xFFFFFFFF, v3  }
0x39: {  	v63 =	vshll.u32 v2, $0xE;
	v5 =	vshll.u32 v3, $0x3  }
0x3a: {  	s31 =	sshll.u32 s12, $0xC;
	v2 =	vshll.u32 v2, $0x7;
	v4 =	vand.u32 $0xFFFE0000, v63;
	v5 =	vand.u32 $0xFFFFFC00, v5  }
0x3b: {  	s14 =	sor.u32 $0x2000, s14;
	s15 =	sand.u32 $0x1000, s31;
	(ifvalue) =	ssetifvalue $0x7FFFFFFF;
	v2 =	vand.u32 $0x380, v2;
	v4 =	vadd.s32 v4, v5  }
0x3c: {  	[tilespmem:s14], [sflag:$0x1] =	stream.indirect_vreg.gather [hbm4b:s2+s10], $0x1, v1, vm0, $0x4038;
	v1 =	vand.u32 $0x7F, v3;
	v3 =	vor.u32 v2, v4;
	[tilespmem:$0x4000] =	vst v63  }
0x3d: {  	s16 =	simm.s32 $0x20;
	s15 =	sor.u32 $0x2000, s15;
	s17 =	sadd.s32 $0x10, s17;
	v2 =	vshrl.u32 v0, $0x4;
	v1 =	vor.u32 v1, v3  }
.LBB2_3:
0x3e: {  	s16 =	sadd.s32 $0x10, s16;
	vm1 =	veq.s32 v0, $0x80000000;
	v3 =	vand.u32 $0xF, v0;
	v0 =	vld.msk [tilespmem:s17+$0x0 ss:$0x1], $0xffff;
	v2 =	vand.u32 $0x3FFF, v2  }
0x3f: {  	p1 =	slt.u32 s16, $0xFF0;
	v3 =	vsel vm1, $0xFFFFFFFF, v3;
	v2 =	vsel vm1, $0xFFFFFFFF, v2  }
.Ltmp3:
0x40: {  	v4 =	vshll.u32 v3, $0xE;
	v5 =	vshll.u32 v2, $0x3;
	(pc) =	sbr.rel @p1 .LBB2_3-.Ltmp3, $4  }
0x41: {  	s14 =	sadd.s32 $0x10, s14;
	v3 =	vshll.u32 v3, $0x7;
	v4 =	vand.u32 $0xFFFE0000, v4;
	v5 =	vand.u32 $0xFFFFFC00, v5;
	(ifvalue) =	ssetifvalue $0x7FFFFFFF  }
0x42: {  	v3 =	vand.u32 $0x380, v3;
	v4 =	vadd.s32 v4, v5;
	[tilespmem:s14], [sflag:$0x1] =	stream.indirect_vreg.gather [hbm4b:s2+s10], $0x1, v1, vm0, $0x4038;
	[tilespmem:$0x4000] =	vst v63  }
0x43: {  	v1 =	vand.u32 $0x7F, v2;
	v3 =	vor.u32 v3, v4  }
0x44: {  	s17 =	sadd.s32 $0x10, s17;
	v2 =	vshrl.u32 v0, $0x4;
	v1 =	vor.u32 v1, v3  }
.Ltmp4:
0x45: {  	_ = 	snop;
	(pc) =	sbr.rel .LBB2_4-.Ltmp4, $1  }
0x46: {  	_ =	sdelay $0x3  }
.LBB2_6:
0x47: {  	_ =	sfence.sel $0x180000  }
0x48: {  	s2 =	simm.s32 $0x2;
	[bflag:$0x0] =	sbarrier.arrive $0xFFFF  }
0x49: {  	s30 =	simm.s32 $0x3;
	[sflag:s2] =	ssyncpa.u1 $0x1  }
0x4a: {  	s31 =	simm.s32 $0x1;
	[sflag:s30] =	ssyncpa.u1 $0x1  }
0x4b: {  	[sflag:s31] =	ssyncpa.u1 $0x1  }
0x4c: {  	p0 =	sne.s32 s0, $0x0;
	_ =	strace $0x90000047  }
0x4d: {  	s0 =	sadd.s32 @!p0 $0x100000, s1;
	[bflag:$0x2] =	sbarrier.arrive $0xFFFF  }
0x4e: {  	[sflag:s0] =	ssyncadd.tile.s32 @!p0 $0x1;
	_ =	shalt  }
.Lfunc_end2:
_tile_overlayer_lowered:
.L_overlay_start_2:
0x4f: {  	(tag) =	ssettag $0x2  }
0x50: {  	s0 =	rddreg [dreg:$0x0];
	s2 =	stileid.u32  }
0x51: {  	s1 =	rddreg [dreg:$0x1];
	p0 =	sne.s32 s2, $0x0  }
0x52: {  	s3 =	rddreg [dreg:$0x2];
	[bflag:$0x3] =	sbarrier.arrive $0xFFFF;
	s2 =	simm.s32 @!p0 $0x1C01  }
0x53: {  	[timem:s3], [sflag:s2] =	dma.local @!p0 [hbm:s0], s1  }
0x54: {  	s0 =	simm.s32 @!p0 $0x1  }
0x55: {  	_ =	swait.ge @!p0 [sflag:s0], s1  }
0x56: {  	s1 =	ssub.s32 @!p0 $0x0, s1;
	[sflag:s0] =	ssyncset.done @!p0 $0x0  }
0x57: {  	[sflag:s0] =	ssyncadd.s32 @!p0 s1  }
0x58: {  	[bflag:$0x3] =	sbarrier.arrive $0xFFFF  }
0x59: {  	_ =	shalt  }

// kernel: kernel.6.cloned.1.call-start
scs
__scs_entry_jumppad:
0x0: {  	(pc) =	sbr.rel $0x88, $3  }
0x1: {  	(tag) =	ssettag $0x0;
	lr =	simm.s32 $0x1  }
0x2: {  	[smem:$0x3F9E] =	sst lr;
	_ =	strace $0xD0000000  }
0x3: {  	_ = 	snop  }
0x4: {  	_ = 	snop  }
0x5: {  	_ = 	snop  }
0x6: {  	_ = 	snop  }
0x7: {  	_ = 	snop  }
__scs_overlays_trampoline_lowered:
0x8: {  	[smem:$0x3FAD] =	sst s0  }
0x9: {  	[smem:$0x3FAE] =	sst s1  }
0xa: {  	[smem:$0x3FAF] =	sst s2  }
0xb: {  	[smem:$0x3FB0] =	sst s3  }
0xc: {  	[smem:$0x3FB1] =	sst s4  }
0xd: {  	[smem:$0x3FB2] =	sst s5  }
0xe: {  	[smem:$0x3FB3] =	sst s6  }
0xf: {  	[smem:$0x3FB4] =	sst s7  }
0x10: {  	[smem:$0x3FB5] =	sst s8  }
0x11: {  	[smem:$0x3FB6] =	sst s9;
	s0 =	simm.s32 @!p0 $0x0  }
0x12: {  	s1 =	sld [smem:$0x3F9C];
	s0 =	simm.s32 @p0 $0x1  }
0x13: {  	[smem:$0x3FB7] =	sst s0;
	s0 =	simm.s32 @!p1 $0x0  }
0x14: {  	s2 =	sld [smem:$0x3F9B];
	s0 =	simm.s32 @p1 $0x1  }
0x15: {  	[smem:$0x3FB8] =	sst s0;
	s0 =	simm.s32 @!p2 $0x0  }
0x16: {  	s3 =	sld [smem:$0x3FDB];
	s0 =	simm.s32 @p2 $0x1  }
0x17: {  	s4 =	simm.s32 $0x1BF5;
	[smem:$0x3FBA] =	sst s0  }
0x18: {  	s0 =	sld [smem:$0x3F9D];
	_ =	swait.ge [sflag:s4], $0x0  }
0x19: {  	s7 =	sld [smem:$0x3F9E]  }
0x1a: {  	s8 =	sadd.s32 $0xFFFFE003, lr  }
0x1b: {  	s9 =	sadd.s32 $0xFFFFFEF7, lr;
	s5 =	simm.s32 $0xFFFFFFFF;
	p2 =	slt.u32 s8, $0xFFFFF086  }
0x1c: {  	p1 =	slt.u32 s9, $0xF7A;
	s5 =	simm.s32 @!p2 $0x0  }
0x1d: {  	s5 =	simm.s32 @p1 $0x1;
	p0 =	seq.s32 s7, s2  }
0x1e: {  	s7 =	smul.u32 @!p0 $0xF7A, s2;
	p2 =	seq.s32 @!p0 s5, $0x0  }
0x1f: {  	s9 =	smul.u32 $0xF7A, s1;
	s8 =	simm.s32 @!p0 $0x1BF5;
	p2 =	por !p2, p0  }
0x20: {  	[sflag:s8] =	ssyncset.s32 @!p0 $0xFFFFF086;
	s6 =	sadd.s32 @!p0 s3, s7;
	s7 =	simm.s32 @!p0 $0x108  }
0x21: {  	s3 =	sadd.s32 s3, s9;
	s6 =	sadd.s32 @!p0 $0x88, s6;
	s7 =	simm.s32 @p2 $0x1082  }
0x22: {  	[simem:s7], [sflag:s8] =	dma.local @!p0 [hbm:s6], $0xF7A  }
0x23: {  	s9 =	sor.u32 $0xD0000000, s2;
	s6 =	simm.s32 $0x108;
	_ =	swait.ge @!p0 [sflag:s8], $0x0  }
0x24: {  	s3 =	sadd.s32 $0x88, s3;
	s6 =	simm.s32 @!p1 $0x1082;
	[sflag:s4] =	ssyncset.s32 $0xFFFFF086  }
0x25: {  	[simem:s6], [sflag:s4] =	dma.local [hbm:s3], $0xF7A  }
0x26: {  	[smem:$0x3F9E] =	sst s1;
	(tag) =	ssettag s2;
	_ =	strace s9  }
0x27: {  	s1 =	sld [smem:$0x3FAE]  }
0x28: {  	s2 =	sld [smem:$0x3FAF]  }
0x29: {  	s4 =	sld [smem:$0x3FB1]  }
0x2a: {  	p0 =	seq.s32 s5, $0x0;
	s5 =	sld [smem:$0x3FB2]  }
0x2b: {  	s6 =	sld [smem:$0x3FB3]  }
0x2c: {  	s7 =	sld [smem:$0x3FB4]  }
0x2d: {  	s3 =	simm.s32 $0x108;
	s8 =	sld [smem:$0x3FB5]  }
0x2e: {  	s3 =	simm.s32 @!p0 $0x1082;
	s9 =	sld [smem:$0x3FB6]  }
0x2f: {  	lr =	sadd.s32 s0, s3;
	s0 =	sld [smem:$0x3FAD]  }
0x30: {  	s3 =	sld [smem:$0x3FB0]  }
0x31: {  	[smem:$0x3FB9] =	sst s10  }
0x32: {  	s10 =	sld [smem:$0x3FB7];
	_ =	sdelay $0x3  }
0x33: {  	p0 =	seq.s32 s10, $0x1;
	s10 =	sld [smem:$0x3FB9];
	_ =	sdelay $0x3  }
0x34: {  	[smem:$0x3FB9] =	sst s10  }
0x35: {  	s10 =	sld [smem:$0x3FB8];
	_ =	sdelay $0x3  }
0x36: {  	p1 =	seq.s32 s10, $0x1;
	s10 =	sld [smem:$0x3FB9];
	_ =	sdelay $0x3  }
0x37: {  	[smem:$0x3FB9] =	sst s10  }
0x38: {  	s10 =	sld [smem:$0x3FBA]  }
0x39: {  	_ = 	snop;
	(pc) =	sbr.ind lr, $3  }
0x3a: {  	_ = 	snop  }
0x3b: {  	_ = 	snop  }
0x3c: {  	p2 =	seq.s32 s10, $0x1;
	s10 =	sld [smem:$0x3FB9]  }
0x3d: {  	_ =	shalt  }
0x3e: {  	_ =	shalt  }
0x3f: {  	_ =	shalt  }
0x40: {  	_ =	shalt  }
0x41: {  	_ =	shalt  }
0x42: {  	_ =	shalt  }
0x43: {  	_ =	shalt  }
0x44: {  	_ =	shalt  }
0x45: {  	_ =	shalt  }
0x46: {  	_ =	shalt  }
0x47: {  	_ =	shalt  }
0x48: {  	_ =	shalt  }
0x49: {  	_ =	shalt  }
0x4a: {  	_ =	shalt  }
0x4b: {  	_ =	shalt  }
0x4c: {  	_ =	shalt  }
0x4d: {  	_ =	shalt  }
0x4e: {  	_ =	shalt  }
0x4f: {  	_ =	shalt  }
0x50: {  	_ =	shalt  }
0x51: {  	_ =	shalt  }
0x52: {  	_ =	shalt  }
0x53: {  	_ =	shalt  }
0x54: {  	_ =	shalt  }
0x55: {  	_ =	shalt  }
0x56: {  	_ =	shalt  }
0x57: {  	_ =	shalt  }
0x58: {  	_ =	shalt  }
0x59: {  	_ =	shalt  }
0x5a: {  	_ =	shalt  }
0x5b: {  	_ =	shalt  }
0x5c: {  	_ =	shalt  }
0x5d: {  	_ =	shalt  }
0x5e: {  	_ =	shalt  }
0x5f: {  	_ =	shalt  }
0x60: {  	_ =	shalt  }
0x61: {  	_ =	shalt  }
0x62: {  	_ =	shalt  }
0x63: {  	_ =	shalt  }
0x64: {  	_ =	shalt  }
0x65: {  	_ =	shalt  }
0x66: {  	_ =	shalt  }
0x67: {  	_ =	shalt  }
0x68: {  	_ =	shalt  }
0x69: {  	_ =	shalt  }
0x6a: {  	_ =	shalt  }
0x6b: {  	_ =	shalt  }
0x6c: {  	_ =	shalt  }
0x6d: {  	_ =	shalt  }
0x6e: {  	_ =	shalt  }
0x6f: {  	_ =	shalt  }
0x70: {  	_ =	shalt  }
0x71: {  	_ =	shalt  }
0x72: {  	_ =	shalt  }
0x73: {  	_ =	shalt  }
0x74: {  	_ =	shalt  }
0x75: {  	_ =	shalt  }
0x76: {  	_ =	shalt  }
0x77: {  	_ =	shalt  }
0x78: {  	_ =	shalt  }
0x79: {  	_ =	shalt  }
0x7a: {  	_ =	shalt  }
0x7b: {  	_ =	shalt  }
0x7c: {  	_ =	shalt  }
0x7d: {  	_ =	shalt  }
0x7e: {  	_ =	shalt  }
0x7f: {  	_ =	shalt  }
0x80: {  	_ =	shalt  }
0x81: {  	_ =	shalt  }
0x82: {  	_ =	shalt  }
0x83: {  	_ =	shalt  }
0x84: {  	_ =	shalt  }
0x85: {  	_ =	shalt  }
0x86: {  	_ =	shalt  }
0x87: {  	_ =	shalt  }
.Lfunc_end0:
.L_simem_size_0:
called_computation.2_lowered:
.L_overlay_start_0:
0x88: {  	s2 =	sld [smem:$0x3FD9]  }
0x89: {  	s3 =	sld [smem:$0x3FFE];
	_ =	sdelay $0x1  }
0x8a: {  	s1 =	srdreg.scid  }
0x8b: {  	s0 =	sand.u32 $0x1, s1  }
0x8c: {  	s16 =	sshll.u32 s0, $0xA;
	s2 =	sadd.s32 s3, s2  }
0x8d: {  	s2 =	sadd.s32 s2, s16  }
0x8e: {  	[smem:$0x3FC5] =	sst s2  }
0x8f: {  	_ = 	snop  }
0x90: {  	(tm) =	ssettm $0x1  }
0x91: {  	s17 =	sld [smem:$0x3FFB];
	_ =	sdelay $0x3  }
0x92: {  	_ =	strace s17  }
0x93: {  	s2 =	sld [smem:$0x3FFC];
	_ =	sdelay $0x3  }
0x94: {  	_ =	strace s2  }
0x95: {  	s2 =	sld [smem:$0x3FFD];
	_ =	sdelay $0x3  }
0x96: {  	_ =	strace s2  }
0x97: {  	_ =	strace $0x8FFFFFFF  }
0x98: {  	s18 =	sld [smem:$0x3FDB];
	_ =	sdelay $0x1  }
0x99: {  	s19 =	simm.s32 $_scs_section_size  }
0x9a: {  	s4 =	simm.s32 $_size__tile_overlayer_lowered;
	s5 =	simm.s32 $_tile_overlayer_lowered  }
0x9b: {  	s22 =	simm.s32 $0x1BFF;
	s21 =	sshll.u32 s5, $0x1;
	s2 =	sadd.s32 s19, s18  }
0x9c: {  	s6 =	simm.s32 $0x0;
	s20 =	sshll.u32 s4, $0x1;
	s4 =	sadd.s32 s21, s2  }
0x9d: {  	[timem:s6], [sflag:s22] =	dma.local [hbm:s4], s20  }
0x9e: {  	_ =	swait.ge [sflag:s22], s20  }
0x9f: {  	s3 =	ssub.s32 $0x0, s20;
	[sflag:s22] =	ssyncset.done $0x0  }
0xa0: {  	[sflag:s22] =	ssyncadd.s32 s3;
	_ =	sdelay $0x1  }
0xa1: {  	s23 =	simm.s32 $0x1B8B  }
0xa2: {  	_ =	swait.ge [sflag:s23], $0x1  }
0xa3: {  	[sflag:s23] =	ssyncset.done $0x0  }
0xa4: {  	s25 =	simm.s32 $0x1B8E;
	s24 =	sld [smem:$0x3FFE];
	[sflag:s23] =	ssyncadd.s32 $0xFFFFFFFF  }
0xa5: {  	s26 =	simm.s32 $execute0_lowered;
	[smem:$0x3FD2] =	sst s25  }
0xa6: {  	s4 =	sshll.u32 s26, $0x1;
	_ =	strace $0x8000004C;
	[dreg:$0x1] =	wrdreg $0xFFFFFFFF  }
0xa7: {  	s28 =	simm.s32 $_size_execute0_lowered;
	s2 =	sadd.s32 s2, s4;
	[dreg:$0x0] =	wrdreg $0x0  }
0xa8: {  	s4 =	sshll.u32 s28, $0x1;
	[dreg:$0x2] =	wrdreg s2  }
0xa9: {  	[dreg:$0x3] =	wrdreg s4  }
0xaa: {  	[dreg:$0x4] =	wrdreg $0xC0  }
0xab: {  	_ =	task [dreg:s6], $0x5FFFF  }
0xac: {  	[dreg:$0x1] =	wrdreg $0xFFFFFFFF  }
0xad: {  	[dreg:$0x0] =	wrdreg $0x60  }
0xae: {  	[dreg:$0x2] =	wrdreg s24  }
0xaf: {  	[dreg:$0x3] =	wrdreg $0x9  }
0xb0: {  	_ =	task.clear_ibuf [dreg:s6], $0x4FFFF;
	_ =	strace $0x9000004C  }
0xb1: {  	s29 =	simm.s32 $0x9;
	_ =	strace $0x8000004E  }
0xb2: {  	_ =	swait.ge [sflag:s29], $0x1  }
0xb3: {  	[sflag:s29] =	ssyncadd.s32 $0xFFFFFFFF  }
0xb4: {  	_ =	strace $0x9000004E  }
0xb5: {  	_ =	sfence  }
0xb6: {  	s30 =	sld [smem:$0x0];
	_ =	sdelay $0x2  }
0xb7: {  	s31 =	sshll.u32 s1, $0xD;
	s1 =	sshrl.u32 s1, $0x2  }
0xb8: {  	s3 =	sand.u32 $0x4000, s31;
	s1 =	sadd.s32 s1, s30  }
0xb9: {  	s0 =	sor.u32 s3, s0;
	s1 =	sshll.u32 s1, $0x11  }
0xba: {  	s0 =	sor.u32 s1, s0  }
0xbb: {  	s0 =	sadd.s32 $0x8F2B, s0  }
0xbc: {  	[sflag:s0] =	ssyncadd.remote.s32 $0x1  }
0xbd: {  	_ =	sfence.sel $0xFFFF  }
0xbe: {  	[dreg:$0x0] =	wrdreg $0xFFFFFFFF;
	(pc) =	sbr.abs _section_cstart, $3  }
0xbf: {  	[dreg:$0x1] =	wrdreg $0xFFFFFFFF  }
0xc0: {  	_ =	task.clear_ibuf [dreg:s6], $0x2FFFF;
	_ =	strace $0x9FFFFFFF  }
0xc1: {  	(tm) =	ssettm $0x7FFFFFFF  }
tec
execute0_lowered:
.L_overlay_start_1:
0x0: {  	(tag) =	ssettag $0x1  }
0x1: {  	s4 =	rddreg [dreg:$0x0]  }
0x2: {  	s0 =	rddreg [dreg:$0x1];
	s2 =	simm.s32 $0x0;
	s3 =	srdreg.scid  }
0x3: {  	s1 =	stileid.u32;
	s10 =	simm.s32 $0x6000;
	s11 =	simm.s32 $0xA000  }
0x4: {  	s12 =	simm.s32 $0xE000;
	s13 =	simm.s32 $0x1;
	s14 =	simm.s32 $0x0  }
0x5: {  	[smem:$0x7FF] =	sst s2;
	s5 =	sand.u32 $0x1, s3;
	s6 =	sshll.u32 s1, $0xB  }
0x6: {  	s3 =	sadd.s32 $0x118000, s4;
	s8 =	sshll.u32 s1, $0x12;
	_ =	strace $0x8000004D  }
0x7: {  	s7 =	sshll.u32 s5, $0xA;
	s29 =	ssub.s32 $0x2, s5;
	s8 =	sadd.s32 s8, s4  }
0x8: {  	s30 =	sshll.u32 s5, $0x11;
	s6 =	sor.u32 s7, s6;
	s9 =	sshrl.u32 s29, $0x1  }
0x9: {  	s31 =	sadd.s32 s30, s8;
	s8 =	simm.s32 $0x80;
	s6 =	sadd.s32 s6, s4  }
0xa: {  	s7 =	ssub.s32 s29, s9;
	s9 =	simm.s32 $0x2000;
	s4 =	sadd.s32 $0x8000, s6  }
0xb: {  	s5 =	smax.u32 s7, $0x1;
	s6 =	sadd.s32 $0x218000, s31;
	s7 =	simm.s32 $0x2  }
.LBB2_1:
0xc: {  	[tilespmem:s2], [sflag:$0x2] =	stream.linear.gather [hbm4b:s4+s2], $0x2000, $0x38;
	[tilespmem:$0x12000] =	vst v63  }
0xd: {  	_ =	swait.ge [sflag:s7], $0x2000  }
0xe: {  	[sflag:s7] =	ssyncset.done $0x0  }
0xf: {  	s15 =	simm.s32 $0x0;
	[sflag:s7] =	ssyncadd.s32 $0xFFFFE000  }
0x10: {  	[tilespmem:s9], [sflag:$0x1] =	stream.indirect.gather [hbm4b:s3+s8], $0x80, s15, s8, $0xb8;
	[tilespmem:$0x12000] =	vst v63  }
0x11: {  	s28 =	simm.s32 $0x80  }
0x12: {  	[tilespmem:s10], [sflag:$0x1] =	stream.indirect.gather [hbm4b:s3+s8], $0x80, s28, s8, $0xb8;
	[tilespmem:$0x12000] =	vst v63  }
0x13: {  	s29 =	simm.s32 $0x100  }
0x14: {  	[tilespmem:s11], [sflag:$0x1] =	stream.indirect.gather [hbm4b:s3+s8], $0x80, s29, s8, $0xb8;
	[tilespmem:$0x12000] =	vst v63  }
0x15: {  	s30 =	simm.s32 $0x180  }
0x16: {  	[tilespmem:s12], [sflag:$0x1] =	stream.indirect.gather [hbm4b:s3+s8], $0x80, s30, s8, $0xb8;
	[tilespmem:$0x12000] =	vst v63  }
0x17: {  	_ =	swait.ge [sflag:s13], $0x4000  }
0x18: {  	[sflag:s13] =	ssyncset.done $0x0  }
0x19: {  	[sflag:s13] =	ssyncadd.s32 $0xFFFFC000  }
0x1a: {  	_ =	swait.ge [sflag:s13], $0x4000  }
0x1b: {  	[sflag:s13] =	ssyncset.done $0x0  }
0x1c: {  	[sflag:s13] =	ssyncadd.s32 $0xFFFFC000  }
0x1d: {  	_ =	swait.ge [sflag:s13], $0x4000  }
0x1e: {  	[sflag:s13] =	ssyncset.done $0x0  }
0x1f: {  	[sflag:s13] =	ssyncadd.s32 $0xFFFFC000  }
0x20: {  	_ =	swait.ge [sflag:s13], $0x4000  }
0x21: {  	[sflag:s13] =	ssyncset.done $0x0  }
0x22: {  	s31 =	sadd.s32 $0x0, s6;
	[sflag:s13] =	ssyncadd.s32 $0xFFFFC000  }
0x23: {  	[hbm4b:s31+s2] =	stream.linear.scatter [tilespmem:s9], [sflag:$0x2], $0x10000, $0x38;
	[tilespmem:$0x12000] =	vst v63  }
0x24: {  	s17 =	simm.s32 $0x4000;
	_ =	swait.ge [sflag:s7], $0x10000  }
0x25: {  	s16 =	simm.s32 $0x380;
	s15 =	simm.s32 $0x2000;
	[sflag:s7] =	ssyncset.done $0x0  }
.LBB2_2:
0x26: {  	p0 =	sne.s32 s17, $0x1E000;
	s18 =	sadd.s32 $0xFFFFFE80, s16;
	[sflag:s7] =	ssyncadd.s32 $0xFFFF0000  }
0x27: {  	[tilespmem:s9], [sflag:$0x1] =	stream.indirect.gather [hbm4b:s3+s8], $0x80, s18, s8, $0xb8;
	[tilespmem:$0x12000] =	vst v63  }
0x28: {  	s19 =	smov.u32 s17;
	s17 =	sadd.s32 $0x2000, s17;
	s18 =	sadd.s32 $0xFFFFFF00, s16  }
0x29: {  	[tilespmem:s10], [sflag:$0x1] =	stream.indirect.gather [hbm4b:s3+s8], $0x80, s18, s8, $0xb8;
	[tilespmem:$0x12000] =	vst v63  }
0x2a: {  	s18 =	sadd.s32 $0xFFFFFF80, s16  }
0x2b: {  	[tilespmem:s11], [sflag:$0x1] =	stream.indirect.gather [hbm4b:s3+s8], $0x80, s18, s8, $0xb8;
	[tilespmem:$0x12000] =	vst v63  }
0x2c: {  	_ = 	snop  }
0x2d: {  	[tilespmem:s12], [sflag:$0x1] =	stream.indirect.gather [hbm4b:s3+s8], $0x80, s16, s8, $0xb8;
	[tilespmem:$0x12000] =	vst v63  }
0x2e: {  	_ =	swait.ge [sflag:s13], $0x4000  }
0x2f: {  	[sflag:s13] =	ssyncset.done $0x0  }
0x30: {  	[sflag:s13] =	ssyncadd.s32 $0xFFFFC000  }
0x31: {  	_ =	swait.ge [sflag:s13], $0x4000  }
0x32: {  	[sflag:s13] =	ssyncset.done $0x0  }
0x33: {  	[sflag:s13] =	ssyncadd.s32 $0xFFFFC000  }
0x34: {  	_ =	swait.ge [sflag:s13], $0x4000  }
0x35: {  	[sflag:s13] =	ssyncset.done $0x0  }
0x36: {  	[sflag:s13] =	ssyncadd.s32 $0xFFFFC000  }
0x37: {  	_ =	swait.ge [sflag:s13], $0x4000  }
.Ltmp0:
0x38: {  	[sflag:s13] =	ssyncset.done $0x0;
	(pc) =	sbr.rel @p0 .LBB2_2-.Ltmp0, $4  }
0x39: {  	s18 =	sadd.s32 s15, s6;
	s15 =	smov.u32 s19;
	[sflag:s13] =	ssyncadd.s32 $0xFFFFC000  }
0x3a: {  	[hbm4b:s18+s2] =	stream.linear.scatter [tilespmem:s9], [sflag:$0x2], $0x10000, $0x38;
	[tilespmem:$0x12000] =	vst v63  }
0x3b: {  	_ =	swait.ge [sflag:s7], $0x10000  }
0x3c: {  	s16 =	sadd.s32 $0x200, s16;
	[sflag:s7] =	ssyncset.done $0x0  }
0x3d: {  	s17 =	sadd.s32 $0xFFFFFE80, s16;
	[sflag:s7] =	ssyncadd.s32 $0xFFFF0000  }
0x3e: {  	[tilespmem:s9], [sflag:$0x1] =	stream.indirect.gather [hbm4b:s3+s8], $0x80, s17, s8, $0xb8;
	[tilespmem:$0x12000] =	vst v63  }
0x3f: {  	s30 =	sadd.s32 $0xFFFFFF00, s16  }
0x40: {  	[tilespmem:s10], [sflag:$0x1] =	stream.indirect.gather [hbm4b:s3+s8], $0x80, s30, s8, $0xb8;
	[tilespmem:$0x12000] =	vst v63  }
0x41: {  	s31 =	sadd.s32 $0xFFFFFF80, s16  }
0x42: {  	[tilespmem:s11], [sflag:$0x1] =	stream.indirect.gather [hbm4b:s3+s8], $0x80, s31, s8, $0xb8;
	[tilespmem:$0x12000] =	vst v63  }
0x43: {  	_ = 	snop  }
0x44: {  	[tilespmem:s12], [sflag:$0x1] =	stream.indirect.gather [hbm4b:s3+s8], $0x80, s16, s8, $0xb8;
	[tilespmem:$0x12000] =	vst v63  }
0x45: {  	_ =	swait.ge [sflag:s13], $0x4000  }
0x46: {  	[sflag:s13] =	ssyncset.done $0x0  }
0x47: {  	[sflag:s13] =	ssyncadd.s32 $0xFFFFC000  }
0x48: {  	_ =	swait.ge [sflag:s13], $0x4000  }
0x49: {  	[sflag:s13] =	ssyncset.done $0x0  }
0x4a: {  	[sflag:s13] =	ssyncadd.s32 $0xFFFFC000  }
0x4b: {  	_ =	swait.ge [sflag:s13], $0x4000  }
0x4c: {  	[sflag:s13] =	ssyncset.done $0x0  }
0x4d: {  	[sflag:s13] =	ssyncadd.s32 $0xFFFFC000  }
0x4e: {  	s14 =	sadd.s32 $0x1, s14;
	_ =	swait.ge [sflag:s13], $0x4000  }
0x4f: {  	p0 =	sne.s32 s14, s5;
	[sflag:s13] =	ssyncset.done $0x0  }
.Ltmp1:
0x50: {  	s15 =	sadd.s32 s15, s6;
	[sflag:s13] =	ssyncadd.s32 $0xFFFFC000;
	(pc) =	sbr.rel @p0 .LBB2_1-.Ltmp1, $4  }
0x51: {  	[hbm4b:s15+s2] =	stream.linear.scatter [tilespmem:s9], [sflag:$0x2], $0x10000, $0x38;
	[tilespmem:$0x12000] =	vst v63  }
0x52: {  	_ =	swait.ge [sflag:s7], $0x10000  }
0x53: {  	[sflag:s7] =	ssyncset.done $0x0  }
0x54: {  	[sflag:s7] =	ssyncadd.s32 $0xFFFF0000  }
0x55: {  	_ =	sfence.sel $0x180000  }
0x56: {  	[bflag:$0x0] =	sbarrier.arrive $0xFFFF  }
0x57: {  	p0 =	sne.s32 s1, $0x0;
	_ =	strace $0x9000004D  }
0x58: {  	s0 =	sadd.s32 @!p0 $0x100000, s0;
	[bflag:$0x2] =	sbarrier.arrive $0xFFFF  }
0x59: {  	[sflag:s0] =	ssyncadd.tile.s32 @!p0 $0x1;
	_ =	shalt  }
.Lfunc_end2:
_tile_overlayer_lowered:
.L_overlay_start_2:
0x5a: {  	(tag) =	ssettag $0x2  }
0x5b: {  	s0 =	rddreg [dreg:$0x0];
	s2 =	stileid.u32  }
0x5c: {  	s1 =	rddreg [dreg:$0x1];
	p0 =	sne.s32 s2, $0x0  }
0x5d: {  	s3 =	rddreg [dreg:$0x2];
	[bflag:$0x3] =	sbarrier.arrive $0xFFFF;
	s2 =	simm.s32 @!p0 $0x1C02  }
0x5e: {  	[timem:s3], [sflag:s2] =	dma.local @!p0 [hbm:s0], s1  }
0x5f: {  	s0 =	simm.s32 @!p0 $0x2  }
0x60: {  	_ =	swait.ge @!p0 [sflag:s0], s1  }
0x61: {  	s1 =	ssub.s32 @!p0 $0x0, s1;
	[sflag:s0] =	ssyncset.done @!p0 $0x0  }
0x62: {  	[sflag:s0] =	ssyncadd.s32 @!p0 s1  }
0x63: {  	[bflag:$0x3] =	sbarrier.arrive $0xFFFF  }
0x64: {  	_ =	shalt  }

// kernel: kernel.9.cloned.1.call-start
scs
__scs_entry_jumppad:
0x0: {  	(pc) =	sbr.rel $0x88, $3  }
0x1: {  	(tag) =	ssettag $0x0;
	lr =	simm.s32 $0x1  }
0x2: {  	[smem:$0x3F9E] =	sst lr;
	_ =	strace $0xD0000000  }
0x3: {  	_ = 	snop  }
0x4: {  	_ = 	snop  }
0x5: {  	_ = 	snop  }
0x6: {  	_ = 	snop  }
0x7: {  	_ = 	snop  }
__scs_overlays_trampoline_lowered:
0x8: {  	[smem:$0x3FAD] =	sst s0  }
0x9: {  	[smem:$0x3FAE] =	sst s1  }
0xa: {  	[smem:$0x3FAF] =	sst s2  }
0xb: {  	[smem:$0x3FB0] =	sst s3  }
0xc: {  	[smem:$0x3FB1] =	sst s4  }
0xd: {  	[smem:$0x3FB2] =	sst s5  }
0xe: {  	[smem:$0x3FB3] =	sst s6  }
0xf: {  	[smem:$0x3FB4] =	sst s7  }
0x10: {  	[smem:$0x3FB5] =	sst s8  }
0x11: {  	[smem:$0x3FB6] =	sst s9;
	s0 =	simm.s32 @!p0 $0x0  }
0x12: {  	s1 =	sld [smem:$0x3F9C];
	s0 =	simm.s32 @p0 $0x1  }
0x13: {  	[smem:$0x3FB7] =	sst s0;
	s0 =	simm.s32 @!p1 $0x0  }
0x14: {  	s2 =	sld [smem:$0x3F9B];
	s0 =	simm.s32 @p1 $0x1  }
0x15: {  	[smem:$0x3FB8] =	sst s0;
	s0 =	simm.s32 @!p2 $0x0  }
0x16: {  	s3 =	sld [smem:$0x3FDB];
	s0 =	simm.s32 @p2 $0x1  }
0x17: {  	s4 =	simm.s32 $0x1BF5;
	[smem:$0x3FBA] =	sst s0  }
0x18: {  	s0 =	sld [smem:$0x3F9D];
	_ =	swait.ge [sflag:s4], $0x0  }
0x19: {  	s7 =	sld [smem:$0x3F9E]  }
0x1a: {  	s8 =	sadd.s32 $0xFFFFE003, lr  }
0x1b: {  	s9 =	sadd.s32 $0xFFFFFEF7, lr;
	s5 =	simm.s32 $0xFFFFFFFF;
	p2 =	slt.u32 s8, $0xFFFFF086  }
0x1c: {  	p1 =	slt.u32 s9, $0xF7A;
	s5 =	simm.s32 @!p2 $0x0  }
0x1d: {  	s5 =	simm.s32 @p1 $0x1;
	p0 =	seq.s32 s7, s2  }
0x1e: {  	s7 =	smul.u32 @!p0 $0xF7A, s2;
	p2 =	seq.s32 @!p0 s5, $0x0  }
0x1f: {  	s9 =	smul.u32 $0xF7A, s1;
	s8 =	simm.s32 @!p0 $0x1BF5;
	p2 =	por !p2, p0  }
0x20: {  	[sflag:s8] =	ssyncset.s32 @!p0 $0xFFFFF086;
	s6 =	sadd.s32 @!p0 s3, s7;
	s7 =	simm.s32 @!p0 $0x108  }
0x21: {  	s3 =	sadd.s32 s3, s9;
	s6 =	sadd.s32 @!p0 $0x88, s6;
	s7 =	simm.s32 @p2 $0x1082  }
0x22: {  	[simem:s7], [sflag:s8] =	dma.local @!p0 [hbm:s6], $0xF7A  }
0x23: {  	s9 =	sor.u32 $0xD0000000, s2;
	s6 =	simm.s32 $0x108;
	_ =	swait.ge @!p0 [sflag:s8], $0x0  }
0x24: {  	s3 =	sadd.s32 $0x88, s3;
	s6 =	simm.s32 @!p1 $0x1082;
	[sflag:s4] =	ssyncset.s32 $0xFFFFF086  }
0x25: {  	[simem:s6], [sflag:s4] =	dma.local [hbm:s3], $0xF7A  }
0x26: {  	[smem:$0x3F9E] =	sst s1;
	(tag) =	ssettag s2;
	_ =	strace s9  }
0x27: {  	s1 =	sld [smem:$0x3FAE]  }
0x28: {  	s2 =	sld [smem:$0x3FAF]  }
0x29: {  	s4 =	sld [smem:$0x3FB1]  }
0x2a: {  	p0 =	seq.s32 s5, $0x0;
	s5 =	sld [smem:$0x3FB2]  }
0x2b: {  	s6 =	sld [smem:$0x3FB3]  }
0x2c: {  	s7 =	sld [smem:$0x3FB4]  }
0x2d: {  	s3 =	simm.s32 $0x108;
	s8 =	sld [smem:$0x3FB5]  }
0x2e: {  	s3 =	simm.s32 @!p0 $0x1082;
	s9 =	sld [smem:$0x3FB6]  }
0x2f: {  	lr =	sadd.s32 s0, s3;
	s0 =	sld [smem:$0x3FAD]  }
0x30: {  	s3 =	sld [smem:$0x3FB0]  }
0x31: {  	[smem:$0x3FB9] =	sst s10  }
0x32: {  	s10 =	sld [smem:$0x3FB7];
	_ =	sdelay $0x3  }
0x33: {  	p0 =	seq.s32 s10, $0x1;
	s10 =	sld [smem:$0x3FB9];
	_ =	sdelay $0x3  }
0x34: {  	[smem:$0x3FB9] =	sst s10  }
0x35: {  	s10 =	sld [smem:$0x3FB8];
	_ =	sdelay $0x3  }
0x36: {  	p1 =	seq.s32 s10, $0x1;
	s10 =	sld [smem:$0x3FB9];
	_ =	sdelay $0x3  }
0x37: {  	[smem:$0x3FB9] =	sst s10  }
0x38: {  	s10 =	sld [smem:$0x3FBA]  }
0x39: {  	_ = 	snop;
	(pc) =	sbr.ind lr, $3  }
0x3a: {  	_ = 	snop  }
0x3b: {  	_ = 	snop  }
0x3c: {  	p2 =	seq.s32 s10, $0x1;
	s10 =	sld [smem:$0x3FB9]  }
0x3d: {  	_ =	shalt  }
0x3e: {  	_ =	shalt  }
0x3f: {  	_ =	shalt  }
0x40: {  	_ =	shalt  }
0x41: {  	_ =	shalt  }
0x42: {  	_ =	shalt  }
0x43: {  	_ =	shalt  }
0x44: {  	_ =	shalt  }
0x45: {  	_ =	shalt  }
0x46: {  	_ =	shalt  }
0x47: {  	_ =	shalt  }
0x48: {  	_ =	shalt  }
0x49: {  	_ =	shalt  }
0x4a: {  	_ =	shalt  }
0x4b: {  	_ =	shalt  }
0x4c: {  	_ =	shalt  }
0x4d: {  	_ =	shalt  }
0x4e: {  	_ =	shalt  }
0x4f: {  	_ =	shalt  }
0x50: {  	_ =	shalt  }
0x51: {  	_ =	shalt  }
0x52: {  	_ =	shalt  }
0x53: {  	_ =	shalt  }
0x54: {  	_ =	shalt  }
0x55: {  	_ =	shalt  }
0x56: {  	_ =	shalt  }
0x57: {  	_ =	shalt  }
0x58: {  	_ =	shalt  }
0x59: {  	_ =	shalt  }
0x5a: {  	_ =	shalt  }
0x5b: {  	_ =	shalt  }
0x5c: {  	_ =	shalt  }
0x5d: {  	_ =	shalt  }
0x5e: {  	_ =	shalt  }
0x5f: {  	_ =	shalt  }
0x60: {  	_ =	shalt  }
0x61: {  	_ =	shalt  }
0x62: {  	_ =	shalt  }
0x63: {  	_ =	shalt  }
0x64: {  	_ =	shalt  }
0x65: {  	_ =	shalt  }
0x66: {  	_ =	shalt  }
0x67: {  	_ =	shalt  }
0x68: {  	_ =	shalt  }
0x69: {  	_ =	shalt  }
0x6a: {  	_ =	shalt  }
0x6b: {  	_ =	shalt  }
0x6c: {  	_ =	shalt  }
0x6d: {  	_ =	shalt  }
0x6e: {  	_ =	shalt  }
0x6f: {  	_ =	shalt  }
0x70: {  	_ =	shalt  }
0x71: {  	_ =	shalt  }
0x72: {  	_ =	shalt  }
0x73: {  	_ =	shalt  }
0x74: {  	_ =	shalt  }
0x75: {  	_ =	shalt  }
0x76: {  	_ =	shalt  }
0x77: {  	_ =	shalt  }
0x78: {  	_ =	shalt  }
0x79: {  	_ =	shalt  }
0x7a: {  	_ =	shalt  }
0x7b: {  	_ =	shalt  }
0x7c: {  	_ =	shalt  }
0x7d: {  	_ =	shalt  }
0x7e: {  	_ =	shalt  }
0x7f: {  	_ =	shalt  }
0x80: {  	_ =	shalt  }
0x81: {  	_ =	shalt  }
0x82: {  	_ =	shalt  }
0x83: {  	_ =	shalt  }
0x84: {  	_ =	shalt  }
0x85: {  	_ =	shalt  }
0x86: {  	_ =	shalt  }
0x87: {  	_ =	shalt  }
.Lfunc_end0:
.L_simem_size_0:
called_computation.3_lowered:
.L_overlay_start_0:
0x88: {  	s2 =	sld [smem:$0x3FD9]  }
0x89: {  	s3 =	sld [smem:$0x3FFE];
	_ =	sdelay $0x1  }
0x8a: {  	s1 =	srdreg.scid  }
0x8b: {  	s0 =	sand.u32 $0x1, s1  }
0x8c: {  	s17 =	sshll.u32 s0, $0xA;
	s2 =	sadd.s32 s3, s2  }
0x8d: {  	s2 =	sadd.s32 s2, s17  }
0x8e: {  	[smem:$0x3FC5] =	sst s2  }
0x8f: {  	_ = 	snop  }
0x90: {  	s2 =	sld [smem:$0x3FD0];
	(tm) =	ssettm $0x1  }
0x91: {  	s18 =	sld [smem:$0x3FFB];
	_ =	sdelay $0x3  }
0x92: {  	_ =	strace s18  }
0x93: {  	s3 =	sld [smem:$0x3FFC];
	_ =	sdelay $0x3  }
0x94: {  	_ =	strace s3  }
0x95: {  	s3 =	sld [smem:$0x3FFD];
	_ =	sdelay $0x3  }
0x96: {  	_ =	strace s3  }
0x97: {  	_ =	strace $0x8FFFFFFF  }
0x98: {  	s19 =	sld [smem:$0x3FDB];
	_ =	sdelay $0x1  }
0x99: {  	s4 =	simm.s32 $_scs_section_size  }
0x9a: {  	s5 =	simm.s32 $_size__tile_overlayer_lowered;
	s6 =	simm.s32 $_tile_overlayer_lowered  }
0x9b: {  	s22 =	simm.s32 $0x1BFF;
	s21 =	sshll.u32 s6, $0x1;
	s3 =	sadd.s32 s4, s19  }
0x9c: {  	s7 =	simm.s32 $0x0;
	s20 =	sshll.u32 s5, $0x1;
	s5 =	sadd.s32 s21, s3  }
0x9d: {  	[timem:s7], [sflag:s22] =	dma.local [hbm:s5], s20  }
0x9e: {  	_ =	swait.ge [sflag:s22], s20  }
0x9f: {  	s4 =	ssub.s32 $0x0, s20;
	[sflag:s22] =	ssyncset.done $0x0  }
0xa0: {  	[sflag:s22] =	ssyncadd.s32 s4;
	_ =	sdelay $0x1  }
0xa1: {  	s23 =	simm.s32 $0x1B8B  }
0xa2: {  	_ =	swait.ge [sflag:s23], $0x1  }
0xa3: {  	[sflag:s23] =	ssyncset.done $0x0  }
0xa4: {  	s25 =	simm.s32 $0x1B8E;
	s24 =	sld [smem:$0x3FFE];
	[sflag:s23] =	ssyncadd.s32 $0xFFFFFFFF  }
0xa5: {  	s26 =	simm.s32 $execute0_lowered;
	[smem:$0x3FD2] =	sst s25  }
0xa6: {  	s5 =	sshll.u32 s26, $0x1;
	_ =	strace $0x8000004F;
	[dreg:$0x1] =	wrdreg $0xFFFFFFFF  }
0xa7: {  	s28 =	simm.s32 $_size_execute0_lowered;
	s3 =	sadd.s32 s3, s5;
	[dreg:$0x0] =	wrdreg $0x0  }
0xa8: {  	s5 =	sshll.u32 s28, $0x1;
	[dreg:$0x2] =	wrdreg s3  }
0xa9: {  	[dreg:$0x3] =	wrdreg s5  }
0xaa: {  	[dreg:$0x4] =	wrdreg $0xC0  }
0xab: {  	_ =	task [dreg:s7], $0x5FFFF  }
0xac: {  	[dreg:$0x1] =	wrdreg $0xFFFFFFFF  }
0xad: {  	[dreg:$0x0] =	wrdreg $0x60  }
0xae: {  	[dreg:$0x2] =	wrdreg s24  }
0xaf: {  	[dreg:$0x3] =	wrdreg s2  }
0xb0: {  	[dreg:$0x4] =	wrdreg $0x9  }
0xb1: {  	_ =	task.clear_ibuf [dreg:s7], $0x5FFFF;
	_ =	strace $0x9000004F  }
0xb2: {  	s29 =	simm.s32 $0x9;
	_ =	strace $0x80000051  }
0xb3: {  	_ =	swait.ge [sflag:s29], $0x1  }
0xb4: {  	[sflag:s29] =	ssyncadd.s32 $0xFFFFFFFF  }
0xb5: {  	_ =	strace $0x90000051  }
0xb6: {  	_ =	sfence  }
0xb7: {  	s30 =	sld [smem:$0x0];
	_ =	sdelay $0x2  }
0xb8: {  	s31 =	sshll.u32 s1, $0xD;
	s1 =	sshrl.u32 s1, $0x2  }
0xb9: {  	s3 =	sand.u32 $0x4000, s31;
	s1 =	sadd.s32 s1, s30  }
0xba: {  	s0 =	sor.u32 s3, s0;
	s1 =	sshll.u32 s1, $0x11  }
0xbb: {  	s0 =	sor.u32 s1, s0  }
0xbc: {  	s0 =	sadd.s32 $0x8F2B, s0  }
0xbd: {  	[sflag:s0] =	ssyncadd.remote.s32 $0x1  }
0xbe: {  	_ =	sfence.sel $0xFFFF  }
0xbf: {  	[dreg:$0x0] =	wrdreg $0xFFFFFFFF;
	(pc) =	sbr.abs _section_cstart, $3  }
0xc0: {  	[dreg:$0x1] =	wrdreg $0xFFFFFFFF  }
0xc1: {  	_ =	task.clear_ibuf [dreg:s7], $0x2FFFF;
	_ =	strace $0x9FFFFFFF  }
0xc2: {  	(tm) =	ssettm $0x7FFFFFFF  }
0xc3: {  	_ =	shalt  }
tec
execute0_lowered:
.L_overlay_start_1:
0x0: {  	(tag) =	ssettag $0x1  }
0x1: {  	s2 =	rddreg [dreg:$0x0]  }
0x2: {  	s4 =	rddreg [dreg:$0x1]  }
0x3: {  	s0 =	rddreg [dreg:$0x2]  }
0x4: {  	s3 =	simm.s32 $0x0;
	s1 =	stileid.u32;
	s5 =	srdreg.scid  }
0x5: {  	s11 =	simm.s32 $0xA000;
	s12 =	simm.s32 $0xE000;
	s13 =	simm.s32 $0x1  }
0x6: {  	s14 =	simm.s32 $0x0;
	[smem:$0x7FF] =	sst s3;
	s6 =	sshll.u32 s1, $0x12  }
0x7: {  	s5 =	sand.u32 $0x1, s5;
	s9 =	sshll.u32 s1, $0xB;
	_ =	strace $0x80000050  }
0x8: {  	s6 =	sadd.s32 s6, s2;
	s7 =	ssub.s32 $0x2, s5;
	s10 =	sshll.u32 s5, $0xA  }
0x9: {  	s31 =	sshll.u32 s5, $0x11;
	s8 =	sshrl.u32 s7, $0x1;
	s30 =	sor.u32 s10, s9  }
0xa: {  	s6 =	sadd.s32 s31, s6;
	s9 =	simm.s32 $0x80;
	s10 =	simm.s32 $0x6000  }
0xb: {  	s7 =	ssub.s32 s7, s8;
	s4 =	sadd.s32 s4, s30;
	s6 =	sadd.s32 $0xE18000, s6  }
0xc: {  	s8 =	simm.s32 $0x2000;
	s5 =	smax.u32 s7, $0x1;
	s7 =	simm.s32 $0x2  }
.LBB2_1:
0xd: {  	[tilespmem:s3], [sflag:$0x2] =	stream.linear.gather [hbm4b:s4+s3], $0x2000, $0x38;
	[tilespmem:$0x12000] =	vst v63  }
0xe: {  	_ =	swait.ge [sflag:s7], $0x2000  }
0xf: {  	[sflag:s7] =	ssyncset.done $0x0  }
0x10: {  	s15 =	sadd.s32 $0x0, s6;
	[sflag:s7] =	ssyncadd.s32 $0xFFFFE000  }
0x11: {  	[tilespmem:s8], [sflag:$0x2] =	stream.linear.gather [hbm4b:s15+s3], $0x10000, $0x38;
	[tilespmem:$0x12000] =	vst v63  }
0x12: {  	_ =	swait.ge [sflag:s7], $0x10000  }
0x13: {  	[sflag:s7] =	ssyncset.done $0x0  }
0x14: {  	s28 =	simm.s32 $0x0;
	[sflag:s7] =	ssyncadd.s32 $0xFFFF0000  }
0x15: {  	[hbm4b:s2+s9] =	stream.indirect.scatter [tilespmem:s8], [sflag:$0x1], $0x80, s28, s9, $0xb8;
	[tilespmem:$0x12000] =	vst v63  }
0x16: {  	s29 =	simm.s32 $0x80  }
0x17: {  	[hbm4b:s2+s9] =	stream.indirect.scatter [tilespmem:s10], [sflag:$0x1], $0x80, s29, s9, $0xb8;
	[tilespmem:$0x12000] =	vst v63  }
0x18: {  	s30 =	simm.s32 $0x100  }
0x19: {  	[hbm4b:s2+s9] =	stream.indirect.scatter [tilespmem:s11], [sflag:$0x1], $0x80, s30, s9, $0xb8;
	[tilespmem:$0x12000] =	vst v63  }
0x1a: {  	s31 =	simm.s32 $0x180  }
0x1b: {  	[hbm4b:s2+s9] =	stream.indirect.scatter [tilespmem:s12], [sflag:$0x1], $0x80, s31, s9, $0xb8;
	[tilespmem:$0x12000] =	vst v63  }
0x1c: {  	_ =	swait.ge [sflag:s13], $0x4000  }
0x1d: {  	[sflag:s13] =	ssyncset.done $0x0  }
0x1e: {  	[sflag:s13] =	ssyncadd.s32 $0xFFFFC000  }
0x1f: {  	_ =	swait.ge [sflag:s13], $0x4000  }
0x20: {  	[sflag:s13] =	ssyncset.done $0x0  }
0x21: {  	[sflag:s13] =	ssyncadd.s32 $0xFFFFC000  }
0x22: {  	_ =	swait.ge [sflag:s13], $0x4000  }
0x23: {  	[sflag:s13] =	ssyncset.done $0x0  }
0x24: {  	[sflag:s13] =	ssyncadd.s32 $0xFFFFC000  }
0x25: {  	s16 =	simm.s32 $0x2000;
	_ =	swait.ge [sflag:s13], $0x4000  }
0x26: {  	s17 =	simm.s32 $0x4000;
	s15 =	simm.s32 $0x380;
	[sflag:s13] =	ssyncset.done $0x0  }
.LBB2_2:
0x27: {  	s18 =	sadd.s32 s16, s6  }
0x28: {  	[sflag:s13] =	ssyncadd.s32 $0xFFFFC000;
	s16 =	smov.u32 s17;
	s19 =	sadd.s32 $0x2000, s17  }
0x29: {  	[tilespmem:s8], [sflag:$0x2] =	stream.linear.gather [hbm4b:s18+s3], $0x10000, $0x38;
	[tilespmem:$0x12000] =	vst v63  }
0x2a: {  	p0 =	sne.s32 s17, $0x1E000;
	_ =	swait.ge [sflag:s7], $0x10000  }
0x2b: {  	[sflag:s7] =	ssyncset.done $0x0  }
0x2c: {  	s17 =	sadd.s32 $0xFFFFFE80, s15;
	[sflag:s7] =	ssyncadd.s32 $0xFFFF0000  }
0x2d: {  	[hbm4b:s2+s9] =	stream.indirect.scatter [tilespmem:s8], [sflag:$0x1], $0x80, s17, s9, $0xb8;
	[tilespmem:$0x12000] =	vst v63  }
0x2e: {  	s17 =	sadd.s32 $0xFFFFFF00, s15  }
0x2f: {  	[hbm4b:s2+s9] =	stream.indirect.scatter [tilespmem:s10], [sflag:$0x1], $0x80, s17, s9, $0xb8;
	[tilespmem:$0x12000] =	vst v63  }
0x30: {  	s17 =	sadd.s32 $0xFFFFFF80, s15  }
0x31: {  	[hbm4b:s2+s9] =	stream.indirect.scatter [tilespmem:s11], [sflag:$0x1], $0x80, s17, s9, $0xb8;
	[tilespmem:$0x12000] =	vst v63  }
0x32: {  	_ = 	snop  }
0x33: {  	[hbm4b:s2+s9] =	stream.indirect.scatter [tilespmem:s12], [sflag:$0x1], $0x80, s15, s9, $0xb8;
	[tilespmem:$0x12000] =	vst v63  }
0x34: {  	_ =	swait.ge [sflag:s13], $0x4000  }
0x35: {  	[sflag:s13] =	ssyncset.done $0x0  }
0x36: {  	[sflag:s13] =	ssyncadd.s32 $0xFFFFC000  }
0x37: {  	_ =	swait.ge [sflag:s13], $0x4000  }
0x38: {  	[sflag:s13] =	ssyncset.done $0x0  }
0x39: {  	[sflag:s13] =	ssyncadd.s32 $0xFFFFC000  }
.Ltmp0:
0x3a: {  	_ =	swait.ge [sflag:s13], $0x4000;
	(pc) =	sbr.rel @p0 .LBB2_2-.Ltmp0, $4  }
0x3b: {  	[sflag:s13] =	ssyncset.done $0x0  }
0x3c: {  	[sflag:s13] =	ssyncadd.s32 $0xFFFFC000  }
0x3d: {  	_ =	swait.ge [sflag:s13], $0x4000  }
0x3e: {  	s17 =	smov.u32 s19;
	s15 =	sadd.s32 $0x200, s15;
	[sflag:s13] =	ssyncset.done $0x0  }
0x3f: {  	s16 =	sadd.s32 s16, s6;
	[sflag:s13] =	ssyncadd.s32 $0xFFFFC000  }
0x40: {  	[tilespmem:s8], [sflag:$0x2] =	stream.linear.gather [hbm4b:s16+s3], $0x10000, $0x38;
	[tilespmem:$0x12000] =	vst v63  }
0x41: {  	_ =	swait.ge [sflag:s7], $0x10000  }
0x42: {  	[sflag:s7] =	ssyncset.done $0x0  }
0x43: {  	s29 =	sadd.s32 $0xFFFFFE80, s15;
	[sflag:s7] =	ssyncadd.s32 $0xFFFF0000  }
0x44: {  	[hbm4b:s2+s9] =	stream.indirect.scatter [tilespmem:s8], [sflag:$0x1], $0x80, s29, s9, $0xb8;
	[tilespmem:$0x12000] =	vst v63  }
0x45: {  	s30 =	sadd.s32 $0xFFFFFF00, s15  }
0x46: {  	[hbm4b:s2+s9] =	stream.indirect.scatter [tilespmem:s10], [sflag:$0x1], $0x80, s30, s9, $0xb8;
	[tilespmem:$0x12000] =	vst v63  }
0x47: {  	s31 =	sadd.s32 $0xFFFFFF80, s15  }
0x48: {  	[hbm4b:s2+s9] =	stream.indirect.scatter [tilespmem:s11], [sflag:$0x1], $0x80, s31, s9, $0xb8;
	[tilespmem:$0x12000] =	vst v63  }
0x49: {  	_ = 	snop  }
0x4a: {  	[hbm4b:s2+s9] =	stream.indirect.scatter [tilespmem:s12], [sflag:$0x1], $0x80, s15, s9, $0xb8;
	[tilespmem:$0x12000] =	vst v63  }
0x4b: {  	_ =	swait.ge [sflag:s13], $0x4000  }
0x4c: {  	[sflag:s13] =	ssyncset.done $0x0  }
0x4d: {  	[sflag:s13] =	ssyncadd.s32 $0xFFFFC000  }
0x4e: {  	_ =	swait.ge [sflag:s13], $0x4000  }
0x4f: {  	[sflag:s13] =	ssyncset.done $0x0  }
0x50: {  	s14 =	sadd.s32 $0x1, s14;
	[sflag:s13] =	ssyncadd.s32 $0xFFFFC000  }
0x51: {  	p0 =	sne.s32 s14, s5;
	_ =	swait.ge [sflag:s13], $0x4000  }
.Ltmp1:
0x52: {  	[sflag:s13] =	ssyncset.done $0x0;
	(pc) =	sbr.rel @p0 .LBB2_1-.Ltmp1, $4  }
0x53: {  	[sflag:s13] =	ssyncadd.s32 $0xFFFFC000  }
0x54: {  	_ =	swait.ge [sflag:s13], $0x4000  }
0x55: {  	[sflag:s13] =	ssyncset.done $0x0  }
0x56: {  	[sflag:s13] =	ssyncadd.s32 $0xFFFFC000  }
0x57: {  	_ =	sfence.sel $0x180000  }
0x58: {  	[bflag:$0x0] =	sbarrier.arrive $0xFFFF  }
0x59: {  	p0 =	sne.s32 s1, $0x0;
	_ =	strace $0x90000050  }
0x5a: {  	s0 =	sadd.s32 @!p0 $0x100000, s0;
	[bflag:$0x2] =	sbarrier.arrive $0xFFFF  }
0x5b: {  	[sflag:s0] =	ssyncadd.tile.s32 @!p0 $0x1;
	_ =	shalt  }
.Lfunc_end2:
_tile_overlayer_lowered:
.L_overlay_start_2:
0x5c: {  	(tag) =	ssettag $0x2  }
0x5d: {  	s0 =	rddreg [dreg:$0x0];
	s2 =	stileid.u32  }
0x5e: {  	s1 =	rddreg [dreg:$0x1];
	p0 =	sne.s32 s2, $0x0  }
0x5f: {  	s3 =	rddreg [dreg:$0x2];
	[bflag:$0x3] =	sbarrier.arrive $0xFFFF;
	s2 =	simm.s32 @!p0 $0x1C02  }
0x60: {  	[timem:s3], [sflag:s2] =	dma.local @!p0 [hbm:s0], s1  }
0x61: {  	s0 =	simm.s32 @!p0 $0x2  }
0x62: {  	_ =	swait.ge @!p0 [sflag:s0], s1  }
0x63: {  	s1 =	ssub.s32 @!p0 $0x0, s1;
	[sflag:s0] =	ssyncset.done @!p0 $0x0  }
0x64: {  	[sflag:s0] =	ssyncadd.s32 @!p0 s1  }
0x65: {  	[bflag:$0x3] =	sbarrier.arrive $0xFFFF  }
0x66: {  	_ =	shalt  }

// kernel: sparse-core-data-format-call.cloned.1.call-start
scs
called_computation_lowered:
.L_overlay_start_0:
0x0: {  	s2 =	sld [smem:$0x3FD9]  }
0x1: {  	s3 =	sld [smem:$0x3FFE];
	_ =	sdelay $0x1  }
0x2: {  	s1 =	srdreg.scid  }
0x3: {  	s0 =	sand.u32 $0x1, s1  }
0x4: {  	s18 =	sshll.u32 s0, $0xA;
	s2 =	sadd.s32 s3, s2  }
0x5: {  	s2 =	sadd.s32 s2, s18  }
0x6: {  	[smem:$0x3FC5] =	sst s2  }
0x7: {  	_ = 	snop  }
0x8: {  	(tm) =	ssettm $0x1  }
0x9: {  	s19 =	sld [smem:$0x3FFB];
	_ =	sdelay $0x3  }
0xa: {  	_ =	strace s19  }
0xb: {  	s2 =	sld [smem:$0x3FFC];
	_ =	sdelay $0x3  }
0xc: {  	_ =	strace s2  }
0xd: {  	s2 =	sld [smem:$0x3FFD];
	_ =	sdelay $0x3  }
0xe: {  	_ =	strace s2  }
0xf: {  	_ =	strace $0x8FFFFFFF  }
0x10: {  	s20 =	sld [smem:$0x3FDB];
	_ =	sdelay $0x1  }
0x11: {  	s21 =	simm.s32 $_scs_section_size  }
0x12: {  	s4 =	simm.s32 $_size__tile_overlayer_lowered;
	s5 =	simm.s32 $_tile_overlayer_lowered  }
0x13: {  	s6 =	simm.s32 $0x1BFF;
	s22 =	sshll.u32 s5, $0x1;
	s3 =	sadd.s32 s21, s20  }
0x14: {  	s23 =	simm.s32 $0x0;
	s4 =	sshll.u32 s4, $0x1;
	s5 =	sadd.s32 s22, s3  }
0x15: {  	[timem:s23], [sflag:s6] =	dma.local [hbm:s5], s4  }
0x16: {  	_ =	swait.ge [sflag:s6], s4  }
0x17: {  	s4 =	ssub.s32 $0x0, s4;
	[sflag:s6] =	ssyncset.done $0x0  }
0x18: {  	[sflag:s6] =	ssyncadd.s32 s4;
	_ =	sdelay $0x1  }
0x19: {  	s24 =	simm.s32 $0x1B8B  }
0x1a: {  	_ =	swait.ge [sflag:s24], $0x1  }
0x1b: {  	[sflag:s24] =	ssyncset.done $0x0  }
0x1c: {  	[sflag:s24] =	ssyncadd.s32 $0xFFFFFFFF  }
0x1d: {  	s4 =	sld [smem:$0x0]  }
0x1e: {  	s5 =	sand.u32 $0xFFFFFFFE, s1  }
0x1f: {  	p0 =	sne.s32 s1, s5  }
0x20: {  	s5 =	sshll.u32 @p0 s5, $0xE  }
0x21: {  	s5 =	sadd.s32 @p0 $0x11B8D, s5;
	s6 =	sshll.u32 @p0 s4, $0x11  }
0x22: {  	s5 =	sor.u32 @p0 s6, s5  }
0x23: {  	[sflag:s5] =	ssyncadd.remote.s32 @p0 $0x1;
	_ =	sdelay $0x1  }
0x24: {  	s5 =	simm.s32 @p0 $0x1B8D  }
0x25: {  	_ =	swait.eq @p0 [sflag:s5], $0x1  }
0x26: {  	[sflag:s5] =	ssyncadd.s32 @p0 $0xFFFFFFFF  }
0x27: {  	s6 =	sshll.u32 @!p0 s1, $0xE  }
0x28: {  	s6 =	sor.u32 @!p0 $0x4000, s6;
	s5 =	simm.s32 @!p0 $0x1B8D  }
0x29: {  	s4 =	sshll.u32 @!p0 s4, $0x11;
	s6 =	sadd.s32 @!p0 $0x11B8D, s6;
	_ =	swait.eq @!p0 [sflag:s5], $0x1  }
0x2a: {  	s4 =	sor.u32 @!p0 s4, s6;
	[sflag:s5] =	ssyncadd.s32 @!p0 $0xFFFFFFFF  }
0x2b: {  	s26 =	simm.s32 $0x1B8E;
	s25 =	sld [smem:$0x3FFE];
	[sflag:s4] =	ssyncadd.remote.s32 @!p0 $0x1  }
0x2c: {  	s27 =	simm.s32 $execute0_lowered;
	[smem:$0x3FD2] =	sst s26  }
0x2d: {  	s5 =	sshll.u32 s27, $0x1;
	_ =	strace $0x80000049;
	[dreg:$0x1] =	wrdreg $0xFFFFFFFF  }
0x2e: {  	s28 =	simm.s32 $_size_execute0_lowered;
	s3 =	sadd.s32 s3, s5;
	[dreg:$0x0] =	wrdreg $0x0  }
0x2f: {  	s5 =	sshll.u32 s28, $0x1;
	[dreg:$0x2] =	wrdreg s3  }
0x30: {  	[dreg:$0x3] =	wrdreg s5  }
0x31: {  	[dreg:$0x4] =	wrdreg $0xC0  }
0x32: {  	_ =	task [dreg:s23], $0x5FFFF  }
0x33: {  	[dreg:$0x1] =	wrdreg $0xFFFFFFFF  }
0x34: {  	[dreg:$0x0] =	wrdreg $0x60  }
0x35: {  	[dreg:$0x2] =	wrdreg s25  }
0x36: {  	[dreg:$0x3] =	wrdreg $0x9  }
0x37: {  	_ =	task.clear_ibuf [dreg:s23], $0x4FFFF;
	_ =	strace $0x90000049  }
0x38: {  	s29 =	simm.s32 $0x9;
	_ =	strace $0x8000004B  }
0x39: {  	_ =	swait.ge [sflag:s29], $0x1  }
0x3a: {  	[sflag:s29] =	ssyncadd.s32 $0xFFFFFFFF  }
0x3b: {  	_ =	strace $0x9000004B  }
0x3c: {  	_ =	sfence  }
0x3d: {  	s30 =	sld [smem:$0x0];
	_ =	sdelay $0x2  }
0x3e: {  	s31 =	sshll.u32 s1, $0xD;
	s1 =	sshrl.u32 s1, $0x2  }
0x3f: {  	s4 =	sand.u32 $0x4000, s31;
	s1 =	sadd.s32 s1, s30  }
0x40: {  	s0 =	sor.u32 s4, s0;
	s1 =	sshll.u32 s1, $0x11  }
0x41: {  	s0 =	sor.u32 s1, s0  }
0x42: {  	s0 =	sadd.s32 $0x8F2B, s0  }
0x43: {  	[sflag:s0] =	ssyncadd.remote.s32 $0x1  }
0x44: {  	_ =	sfence.sel $0xFFFF  }
0x45: {  	[dreg:$0x0] =	wrdreg $0xFFFFFFFF;
	(pc) =	sbr.abs _section_cstart, $3  }
0x46: {  	[dreg:$0x1] =	wrdreg $0xFFFFFFFF  }
0x47: {  	_ =	task.clear_ibuf [dreg:s23], $0x2FFFF;
	_ =	strace $0x9FFFFFFF  }
0x48: {  	(tm) =	ssettm $0x7FFFFFFF  }
0x49: {  	_ =	shalt  }
tec
execute0_lowered:
.L_overlay_start_1:
0x0: {  	(tag) =	ssettag $0x1  }
0x1: {  	s0 =	srdreg.scid  }
0x2: {  	s1 =	rddreg [dreg:$0x0];
	s5 =	simm.s32 $0x1;
	s8 =	simm.s32 $0x2  }
0x3: {  	s14 =	simm.s32 $0x0;
	p0 =	por $0x0, $0x0;
	s12 =	simm.s32 $0x0  }
0x4: {  	s13 =	simm.s32 $0x0;
	s9 =	simm.s32 $0x0;
	s2 =	sshll.u32 s0, $0x7  }
0x5: {  	s10 =	stileid.u32;
	s11 =	simm.s32 $0x0;
	s2 =	sand.u32 $0x80, s2  }
.Ltmp0:
0x6: {  	s0 =	rddreg [dreg:$0x1];
	s6 =	ssub.s32 $0x1000, s2;
	(pc) =	sbr.rel .LBB1_1-.Ltmp0, $4  }
0x7: {  	_ =	strace $0x8000004A;
	s3 =	sadd.s32 $0x18000, s1;
	s7 =	sshrl.u32 s6, $0x7  }
0x8: {  	s4 =	sadd.s32 $0x118000, s1;
	s6 =	sshrl.u32 s6, $0x8;
	s7 =	sand.u32 $0x1, s7  }
0x9: {  	s1 =	stileid.u32;
	[sflag:s5] =	ssyncpa.u1 $0x0;
	s6 =	sadd.s32 s6, s7  }
0xa: {  	[sflag:s8] =	ssyncpa.u1 $0x0;
	s8 =	smov.u32 s2;
	s7 =	sadd.s32 $0x1, s6  }
.LBB1_4:
0xb: {  	v5 =	vld [tilespmem:s18+$0xFFFFFFD0];
	[tilespmem:s17+$0x2040 ss:$0x81] =	vst.msk $0xffff, v1  }
0xc: {  	v58 =	vld [tilespmem:s18+$0xFFFFFFE0];
	[tilespmem:s17+$0x2850 ss:$0x81] =	vst.msk $0xffff, v2  }
0xd: {  	s19 =	sshra.s32 s19, $0x2;
	v59 =	vld [tilespmem:s18+$0xFFFFFFF0];
	[tilespmem:s17+$0x3060 ss:$0x81] =	vst.msk $0xffff, v3  }
0xe: {  	v60 =	vld [tilespmem:s18+$0x0];
	[tilespmem:s17+$0x0 ss:$0x81] =	vst.msk $0xffff, v0;
	s16 =	sadd.s32 s19, s16  }
0xf: {  	v61 =	vld [tilespmem:s18+$0x10];
	[tilespmem:s16+$0x3870 ss:$0x81] =	vst.msk $0xffff, v4  }
0x10: {  	v62 =	vld [tilespmem:s18+$0x20];
	s14 =	sshll.u32 s14, $0x7;
	s28 =	sshll.u32 s12, $0x3;
	[tilespmem:s16+$0x810 ss:$0x81] =	vst.msk $0xffff, v5  }
0x11: {  	v63 =	vld [tilespmem:s18+$0xFFFFFFC0];
	s29 =	sand.u32 $0x7FC00, s14;
	s17 =	sand.u32 $0x7FC00, s28;
	[tilespmem:s16+$0x1020 ss:$0x81] =	vst.msk $0xffff, v58  }
0x12: {  	s14 =	sand.u32 $0x380, s14;
	s17 =	sadd.s32 s17, s29;
	[tilespmem:s16+$0x1830 ss:$0x81] =	vst.msk $0xffff, v59  }
0x13: {  	s13 =	sshll.u32 s13, $0x10;
	s30 =	sshrl.u32 s12, $0x3;
	s14 =	sor.u32 s14, s17;
	[tilespmem:s16+$0x2040 ss:$0x81] =	vst.msk $0xffff, v60  }
0x14: {  	s13 =	sadd.s32 s4, s13;
	s17 =	sand.u32 $0xF, s30;
	s14 =	sshrl.u32 s14, $0x3;
	[tilespmem:s16+$0x2850 ss:$0x81] =	vst.msk $0xffff, v61  }
0x15: {  	s13 =	sadd.s32 s17, s13;
	[tilespmem:s16+$0x3060 ss:$0x81] =	vst.msk $0xffff, v62;
	s14 =	sand.u32 $0xFFF0, s14  }
0x16: {  	s31 =	sand.u32 $0x7, s12;
	[tilespmem:s16+$0x0 ss:$0x81] =	vst.msk $0xffff, v63;
	s13 =	sadd.s32 s14, s13  }
0x17: {  	[hbm4b:s13+s31] =	stream.linear.scatter [tilespmem:s15], [sflag:$0x2], $0x4000, $0x20;
	[tilespmem:$0x10100] =	vst v63  }
.LBB1_5:
0x18: {  	s15 =	sadd.s32 $0x100, s8  }
0x19: {  	s12 =	sadd.s32 $0x80, s9;
	s16 =	smov.u32 s9;
	p2 =	sgt.s32 s15, $0xFFF  }
0x1a: {  	s16 =	smov.u32 @p2 s12  }
0x1b: {  	s18 =	smov.u32 s10;
	s12 =	sadd.s32 $0x10, s10;
	p3 =	sgt.s32 s16, $0x7F  }
0x1c: {  	s18 =	smov.u32 @p3 s12  }
0x1d: {  	s15 =	smov.u32 @p2 s2;
	p2 =	sgt.s32 s18, $0xF  }
0x1e: {  	p1 =	slt.u32 s11, $0x2;
	s18 =	smov.u32 @p2 s1;
	p2 =	sne.s32 s11, s7  }
.Ltmp1:
0x1f: {  	s17 =	simm.s32 @!p1 $0x2;
	(pc) =	sbr.rel @!p2 .LBB1_6-.Ltmp1, $4  }
0x20: {  	s14 =	smov.u32 s8;
	s13 =	smov.u32 s10;
	_ =	swait.ge @!p1 [sflag:s17], $0x4000  }
0x21: {  	p0 =	por !p0, !p0;
	[sflag:s17] =	ssyncset.done @!p1 $0x0;
	s8 =	smov.u32 s15  }
0x22: {  	s16 =	simm.s32 @p3 $0x0;
	s12 =	smov.u32 s9;
	[sflag:s17] =	ssyncadd.s32 @!p1 $0xFFFFC000  }
0x23: {  	s9 =	smov.u32 s16;
	s11 =	sadd.s32 $0x1, s11;
	s10 =	smov.u32 s18  }
.LBB1_1:
0x24: {  	p1 =	sge.u32 s11, s6;
	s31 =	sadd.s32 $0xFFFFFFFF, s11  }
0x25: {  	s15 =	sxor.u32 @!p1 $0xFFFFFFFF, s11;
	s16 =	sand.u32 @!p1 $0x78, s8;
	s17 =	sshll.u32 @!p1 s9, $0xC  }
0x26: {  	s18 =	sshll.u32 @!p1 s9, $0x7;
	s19 =	sshll.u32 @!p1 s8, $0x3;
	s15 =	sshll.u32 @!p1 s15, $0xE  }
0x27: {  	s17 =	sand.u32 @!p1 $0x78000, s17;
	s18 =	sand.u32 @!p1 $0x380, s18;
	s15 =	sand.u32 @!p1 $0x4000, s15  }
0x28: {  	s17 =	sadd.s32 @!p1 s17, s19;
	s19 =	sand.u32 @!p1 $0xC00, s19;
	s16 =	sor.u32 @!p1 s18, s16  }
0x29: {  	s18 =	sshll.u32 @!p1 s10, $0x10;
	s16 =	sor.u32 @!p1 s19, s16;
	s17 =	sshrl.u32 @!p1 s17, $0x3  }
0x2a: {  	s18 =	sadd.s32 @!p1 s3, s18;
	s19 =	sand.u32 @!p1 $0x7, s8;
	s17 =	sand.u32 @!p1 $0xFE00, s17  }
0x2b: {  	s16 =	sshrl.u32 @!p1 s16, $0x3;
	s17 =	sadd.s32 @!p1 s17, s18;
	s18 =	sshll.u32 @!p1 s19, $0x12  }
0x2c: {  	s16 =	sadd.s32 @!p1 s16, s17;
	s17 =	sor.u32 @!p1 $0x400, s18;
	s18 =	simm.s32 @!p1 $0x8000  }
0x2d: {  	[tilespmem:s15], [sflag:$0x1] =	stream.strided.gather @!p1 [hbm4b:s16+s17], $0x4000, s18, s17, $0x38;
	[tilespmem:$0x10100] =	vst v63  }
0x2e: {  	p1 =	sge.u32 s31, s6  }
.Ltmp2:
0x2f: {  	_ = 	snop;
	(pc) =	sbr.rel @p1 .LBB1_5-.Ltmp2, $1  }
0x30: {  	_ =	sdelay $0x3  }
0x31: {  	s15 =	simm.s32 $0x1  }
0x32: {  	_ =	swait.ge [sflag:s5], $0x4000;
	s15 =	simm.s32 @!p0 $0x0  }
0x33: {  	[sflag:s5] =	ssyncset.done $0x0;
	s16 =	sshll.u32 s15, $0xE  }
0x34: {  	[sflag:s5] =	ssyncadd.s32 $0xFFFFC000;
	s18 =	sor.u32 $0x40, s16  }
0x35: {  	s15 =	smul.u32 $0x10200, s15;
	v0 =	vld [tilespmem:s18+$0x30]  }
0x36: {  	v3 =	vld [tilespmem:s18+$0xFFFFFFD0]  }
0x37: {  	s15 =	sshrl.u32 s15, $0x2;
	v4 =	vld [tilespmem:s18+$0xFFFFFFE0]  }
0x38: {  	v5 =	vld [tilespmem:s18+$0xFFFFFFF0];
	s16 =	sor.u32 $0x8000, s15  }
0x39: {  	s31 =	sand.u32 $0x1, s11;
	v1 =	vld [tilespmem:s18+$0x0];
	s17 =	sadd.s32 $0x0, s16  }
0x3a: {  	v2 =	vld [tilespmem:s18+$0x10];
	s15 =	smul.u32 $0x10200, s31;
	[tilespmem:s17+$0x3870 ss:$0x81] =	vst.msk $0xffff, v0  }
0x3b: {  	[tilespmem:s17+$0x810 ss:$0x81] =	vst.msk $0xffff, v3;
	v3 =	vld [tilespmem:s18+$0x20]  }
0x3c: {  	s15 =	sshrl.u32 s15, $0x2;
	v0 =	vld [tilespmem:s18+$0xFFFFFFC0];
	[tilespmem:s17+$0x1020 ss:$0x81] =	vst.msk $0xffff, v4;
	s18 =	sadd.s32 $0x80, s18  }
0x3d: {  	s19 =	simm.s32 $0x4;
	s20 =	simm.s32 $0x8;
	s15 =	sor.u32 $0x8000, s15;
	[tilespmem:s17+$0x1830 ss:$0x81] =	vst.msk $0xffff, v5;
	v4 =	vld [tilespmem:s18+$0x30]  }
.LBB1_3:
0x3e: {  	p1 =	sne.s32 s20, $0x1FC;
	v5 =	vld [tilespmem:s18+$0xFFFFFFD0];
	[tilespmem:s17+$0x2040 ss:$0x81] =	vst.msk $0xffff, v1  }
0x3f: {  	v6 =	vld [tilespmem:s18+$0xFFFFFFE0];
	[tilespmem:s17+$0x2850 ss:$0x81] =	vst.msk $0xffff, v2  }
0x40: {  	s21 =	sshra.s32 s19, $0x2;
	s19 =	smov.u32 s20;
	v7 =	vld [tilespmem:s18+$0xFFFFFFF0];
	[tilespmem:s17+$0x3060 ss:$0x81] =	vst.msk $0xffff, v3  }
.Ltmp3:
0x41: {  	v1 =	vld [tilespmem:s18+$0x0];
	[tilespmem:s17+$0x0 ss:$0x81] =	vst.msk $0xffff, v0;
	s17 =	sadd.s32 s21, s16;
	(pc) =	sbr.rel @p1 .LBB1_3-.Ltmp3, $4  }
0x42: {  	v2 =	vld [tilespmem:s18+$0x10];
	[tilespmem:s17+$0x3870 ss:$0x81] =	vst.msk $0xffff, v4  }
0x43: {  	[tilespmem:s17+$0x810 ss:$0x81] =	vst.msk $0xffff, v5;
	v3 =	vld [tilespmem:s18+$0x20]  }
0x44: {  	v0 =	vld [tilespmem:s18+$0xFFFFFFC0];
	[tilespmem:s17+$0x1020 ss:$0x81] =	vst.msk $0xffff, v6;
	s18 =	sadd.s32 $0x80, s18  }
0x45: {  	s20 =	sadd.s32 $0x4, s20;
	v4 =	vld [tilespmem:s18+$0x30];
	[tilespmem:s17+$0x1830 ss:$0x81] =	vst.msk $0xffff, v7  }
.Ltmp4:
0x46: {  	_ = 	snop;
	(pc) =	sbr.rel .LBB1_4-.Ltmp4, $1  }
0x47: {  	_ =	sdelay $0x3  }
.LBB1_6:
0x48: {  	_ =	sfence.sel $0x180000  }
0x49: {  	s2 =	simm.s32 $0x1;
	[bflag:$0x0] =	sbarrier.arrive $0xFFFF  }
0x4a: {  	s31 =	simm.s32 $0x2;
	[sflag:s2] =	ssyncpa.u1 $0x1  }
0x4b: {  	[sflag:s31] =	ssyncpa.u1 $0x1  }
0x4c: {  	p0 =	sne.s32 s1, $0x0;
	_ =	strace $0x9000004A  }
0x4d: {  	s0 =	sadd.s32 @!p0 $0x100000, s0;
	[bflag:$0x2] =	sbarrier.arrive $0xFFFF  }
0x4e: {  	[sflag:s0] =	ssyncadd.tile.s32 @!p0 $0x1;
	_ =	shalt  }
.Lfunc_end1:
_tile_overlayer_lowered:
.L_overlay_start_2:
0x4f: {  	(tag) =	ssettag $0x2  }
0x50: {  	s0 =	rddreg [dreg:$0x0];
	s2 =	stileid.u32  }
0x51: {  	s1 =	rddreg [dreg:$0x1];
	p0 =	sne.s32 s2, $0x0  }
0x52: {  	s3 =	rddreg [dreg:$0x2];
	[bflag:$0x3] =	sbarrier.arrive $0xFFFF;
	s2 =	simm.s32 @!p0 $0x1C01  }
0x53: {  	[timem:s3], [sflag:s2] =	dma.local @!p0 [hbm:s0], s1  }
0x54: {  	s0 =	simm.s32 @!p0 $0x1  }
0x55: {  	_ =	swait.ge @!p0 [sflag:s0], s1  }
0x56: {  	s1 =	ssub.s32 @!p0 $0x0, s1;
	[sflag:s0] =	ssyncset.done @!p0 $0x0  }
0x57: {  	[sflag:s0] =	ssyncadd.s32 @!p0 s1  }
0x58: {  	[bflag:$0x3] =	sbarrier.arrive $0xFFFF  }
0x59: {  	_ =	shalt  }

</sc_bundles>
